<compile_context>
chip_gen: v7x
topology: tpu7x:2x2x1
jax: 0.10.2.dev20260603
libtpu: 0.0.44.dev20260713+nightly
codegen_flags: <defaults>
</compile_context>

<pallas_src>
import functools

import jax
import jax.numpy as jnp
from jax import lax
from jax.experimental import pallas as pl
from jax.experimental.pallas import tpu as pltpu
from jax.experimental.pallas import tpu_sc as plsc

_N_SITES = 2048
_N_STATES = 21
_N_VARIANTS = 10
_BATCH = 1024
_ESCAPE_W, _MANU_W, _AUTO_W, _BREADTH_W = 1.0, 0.3, 0.5, 0.4
_GL_CENTER, _GL_WIDTH = 0.5, 0.15

_L = 16
_info = plsc.get_sparse_core_info()
_NC, _NS = _info.num_cores, _info.num_subcores
_NW = _NC * _NS
_ROWS_PER_W = _BATCH // _NW
_QUART = _ROWS_PER_W // 4
_PACK = 4
_WORDS = _N_SITES // _PACK
_PAIRS = 6
_CWORDS = _N_SITES // _PAIRS + 1
_CVREGS = 22
_CPAD = _CVREGS * _L
_TBL = 1024
_COSTS_PAD = 32

_TC_BLK = 256
_ACC_W = 128


def _sc_body(costs_hbm, packed_hbm, tc_hbm, out_hbm,
             costs_v, tbl_v, rows_v, tc_v, out_v,
             sem_a, sem_b, sem_c, sem_d, sem_e):
    wid = lax.axis_index("s") * _NC + lax.axis_index("c")
    base = wid * _ROWS_PER_W

    pltpu.sync_copy(costs_hbm, costs_v)
    tc_cp = pltpu.async_copy(tc_hbm.at[pl.ds(base, _ROWS_PER_W)],
                             tc_v, sem_e)
    sems = (sem_a, sem_b, sem_c, sem_d)
    copies = [
        pltpu.async_copy(packed_hbm.at[pl.ds(base + q * _QUART, _QUART)],
                         rows_v.at[q], sems[q])
        for q in range(4)
    ]

    lane_iota = lax.iota(jnp.int32, _L)
    mask10 = jnp.full((_L,), 0x3FF, jnp.int32)
    mask5 = jnp.full((_L,), 0x1F, jnp.int32)

    def tbl_body(i, carry):
        idx = lane_iota + i * _L
        ga = plsc.load_gather(costs_v, [idx & mask5])
        gb = plsc.load_gather(costs_v, [idx >> 5])
        tbl_v[pl.ds(i * _L, _L)] = ga + gb
        return carry

    lax.fori_loop(0, _TBL // _L, tbl_body, jnp.int32(0), unroll=4)
    tc_cp.wait()

    out_acc = jnp.zeros((_L,), jnp.float32)
    for q in range(4):
        copies[q].wait()

        def row_body(r, out_acc, q=q):
            cv = jnp.zeros((_L,), jnp.float32)
            for i in range(_CVREGS):
                w = rows_v[q, r, pl.ds(i * _L, _L)]
                cv = cv + plsc.load_gather(tbl_v, [w & mask10])
                cv = cv + plsc.load_gather(tbl_v, [(w >> 10) & mask10])
                cv = cv + plsc.load_gather(tbl_v, [w >> 20])
            total_r = jnp.float32(_MANU_W / _N_SITES) * jnp.sum(cv)
            return jnp.where(lane_iota == (q % 2) * _QUART + r,
                             jnp.full((_L,), total_r), out_acc)

        out_acc = lax.fori_loop(0, _QUART, row_body, out_acc)
        if q % 2 == 1:
            out_v[pl.ds((q // 2) * _L, _L)] = \
                out_acc + tc_v[pl.ds((q // 2) * _L, _L)]
            out_acc = jnp.zeros((_L,), jnp.float32)

    pltpu.sync_copy(out_v, out_hbm.at[pl.ds(base, _ROWS_PER_W)])


@functools.partial(
    pl.kernel,
    mesh=plsc.VectorSubcoreMesh(core_axis_name="c", subcore_axis_name="s"),
    out_type=jax.ShapeDtypeStruct((_BATCH,), jnp.float32),
    scratch_types=[
        pltpu.VMEM((_COSTS_PAD,), jnp.float32),
        pltpu.VMEM((_TBL,), jnp.float32),
        pltpu.VMEM((4, _QUART, _CPAD), jnp.int32),
        pltpu.VMEM((_ROWS_PER_W,), jnp.float32),
        pltpu.VMEM((_ROWS_PER_W,), jnp.float32),
        pltpu.SemaphoreType.DMA,
        pltpu.SemaphoreType.DMA,
        pltpu.SemaphoreType.DMA,
        pltpu.SemaphoreType.DMA,
        pltpu.SemaphoreType.DMA,
    ],
    compiler_params=pltpu.CompilerParams(needs_layout_passes=False),
)
def _sc_costs(*refs):
    _sc_body(*refs)


def _tc_body(seq_ref, var_ref, cons_ref, costs_ref, out_ref, packed_ref,
             costs_out_ref):
    costs_out_ref[...] = jnp.concatenate(
        [costs_ref[...], jnp.zeros((_COSTS_PAD - _N_STATES,), jnp.float32)])

    seq = seq_ref[...]
    p = seq[:, 0:_WORDS]
    for k in range(1, _PACK):
        p = p | (seq[:, k * _WORDS:(k + 1) * _WORDS] << (8 * k))

    pair = seq[:, 0:_N_SITES // 2] | (seq[:, _N_SITES // 2:] << 5)
    pair = jnp.concatenate(
        [pair, jnp.full((_TC_BLK, 3 * (_CWORDS) - _N_SITES // 2),
                        0x3FF, jnp.int32)], axis=1)
    cw = (pair[:, 0:_CWORDS]
          | (pair[:, _CWORDS:2 * _CWORDS] << 10)
          | (pair[:, 2 * _CWORDS:3 * _CWORDS] << 20))
    packed_ref[...] = jnp.concatenate(
        [cw, jnp.full((_TC_BLK, _CPAD - _CWORDS), 0x3FFFFFFF, jnp.int32)],
        axis=1)

    var = var_ref[...]
    pv = var[:, 0:_WORDS]
    for k in range(1, _PACK):
        pv = pv | (var[:, k * _WORDS:(k + 1) * _WORDS] << (8 * k))

    hi = jnp.int32(-2139062144)
    cov = jnp.zeros((_TC_BLK,), jnp.int32)
    covered = jnp.zeros((_TC_BLK,), jnp.int32)
    for v in range(_N_VARIANTS):
        acc = jnp.zeros((_TC_BLK, _ACC_W), jnp.int32)
        for wc in range(_WORDS // _ACC_W):
            x = p[:, wc * _ACC_W:(wc + 1) * _ACC_W] \
                ^ pv[v][None, wc * _ACC_W:(wc + 1) * _ACC_W]
            t = (hi - x) & hi
            acc = acc + lax.shift_right_logical(
                t, jnp.full(t.shape, 7, jnp.int32))
        t2 = acc + (acc >> 16)
        t3 = (t2 + (t2 >> 8)) & 0xFF
        cnt = jnp.sum(t3, axis=1)
        cov = cov + cnt
        covered = covered + (cnt > _N_SITES // 2).astype(jnp.int32)
    e_escape = jnp.float32(1.0) - cov.astype(jnp.float32) * \
        jnp.float32(1.0 / (_N_VARIANTS * _N_SITES))
    e_breadth = jnp.float32(1.0) - covered.astype(jnp.float32) * \
        jnp.float32(1.0 / _N_VARIANTS)

    cons_mean = jnp.sum(cons_ref[...]) * jnp.float32(1.0 / _N_SITES)
    z = (cons_mean * jnp.float32(1.0 / _N_STATES) - jnp.float32(_GL_CENTER)) \
        * jnp.float32(1.0 / _GL_WIDTH)
    e_auto = jnp.float32(1.0) - jnp.exp(jnp.float32(-0.5) * z * z)

    out_ref[...] = (jnp.float32(_ESCAPE_W) * e_escape
                    + jnp.float32(_BREADTH_W) * e_breadth
                    + jnp.float32(_AUTO_W) * e_auto)


_tc_matches = pl.pallas_call(
    _tc_body,
    grid=(_BATCH // _TC_BLK,),
    in_specs=[
        pl.BlockSpec((_TC_BLK, _N_SITES), lambda i: (i, 0)),
        pl.BlockSpec((_N_VARIANTS, _N_SITES), lambda i: (0, 0)),
        pl.BlockSpec((_N_SITES,), lambda i: (0,)),
        pl.BlockSpec((_N_STATES,), lambda i: (0,)),
    ],
    out_specs=[
        pl.BlockSpec((_TC_BLK,), lambda i: (i,)),
        pl.BlockSpec((_TC_BLK, _CPAD), lambda i: (i, 0)),
        pl.BlockSpec((_COSTS_PAD,), lambda i: (0,)),
    ],
    out_shape=[
        jax.ShapeDtypeStruct((_BATCH,), jnp.float32),
        jax.ShapeDtypeStruct((_BATCH, _CPAD), jnp.int32),
        jax.ShapeDtypeStruct((_COSTS_PAD,), jnp.float32),
    ],
    compiler_params=pltpu.CompilerParams(
        dimension_semantics=("parallel",)),
)


def kernel(manufacturing_costs, conservation, sequence, variant_profiles):
    tc_part, packed, costs_pad = _tc_matches(
        sequence, variant_profiles, conservation.astype(jnp.float32),
        manufacturing_costs.astype(jnp.float32))
    return _sc_costs(costs_pad, packed, tc_part)

# --- scband reference (transcript-rebuilt; emitter-appended) ---
"""Pipeline reference for scband-immunogenicity-landscape-90460601188784 (READ-ONLY COPY).

The authoritative reference and input builder live on the scoring server;
editing this copy changes nothing except your own understanding.
"""

import jax, jax.numpy as jnp
import numpy as np

N_SITES = 2048
N_STATES = 21
N_VARIANTS = 10
BATCH = 1024
ESCAPE_W, MANU_W, AUTO_W, BREADTH_W = 1.0, 0.3, 0.5, 0.4
GL_CENTER, GL_WIDTH = 0.5, 0.15


def compute_goldilocks_score(x, center, width):
    # Gaussian Goldilocks-zone score (assumed; helper not provided in source).
    return jnp.exp(-0.5 * ((x - center) / width) ** 2)


def setup_inputs(seed: int = 0) -> dict:
    key = jax.random.key(seed)
    k0, k1, k2, k3 = jax.random.split(key, 4)
    sequence = jax.random.randint(k0, (BATCH, N_SITES), 0, N_STATES, dtype=jnp.int32)
    variant_profiles = jax.random.randint(k1, (N_VARIANTS, N_SITES), 0, N_STATES, dtype=jnp.int32)
    manufacturing_costs = jax.random.uniform(k2, (N_STATES,), dtype=jnp.float32) * 0.5
    conservation = jax.random.uniform(k3, (N_SITES,), dtype=jnp.float32)
    return {
        "manufacturing_costs": manufacturing_costs,
        "conservation": conservation,
        "sequence": sequence,
        "variant_profiles": variant_profiles,
    }


def reference(manufacturing_costs, conservation, sequence, variant_profiles):
    B, S = sequence.shape
    one_hot = jax.nn.one_hot(sequence, N_STATES, dtype=jnp.float32)            # [B,S,21]
    var_one_hot = jax.nn.one_hot(variant_profiles, N_STATES, dtype=jnp.float32)  # [V,S,21]

    # Per-variant per-site one-hot match, averaged over sites (faithful to the
    # per-variant loop: (one_hot * variant_one_hot[v]).sum(-1).mean(-1)).
    per_variant = jnp.einsum('bsn,vsn->bv', one_hot, var_one_hot) / S          # [B,V]

    # Escape energy
    coverage = per_variant.mean(axis=-1)
    e_escape = 1.0 - coverage

    # Manufacturing energy (embedding lookup of per-state cost)
    costs = jnp.take(manufacturing_costs, sequence, axis=0)                    # [B,S]
    e_manufacturing = costs.mean(axis=-1)

    # Autoimmune energy (Goldilocks zone)
    self_similarity = (one_hot.mean(axis=-1) * conservation[None, :]).mean(axis=-1)
    gl = compute_goldilocks_score(self_similarity, GL_CENTER, GL_WIDTH)
    e_autoimmune = 1.0 - gl

    # Breadth energy
    covered = (per_variant > 0.5).astype(jnp.float32)                          # [B,V]
    breadth = covered.mean(axis=-1)
    e_breadth = 1.0 - breadth

    total = (ESCAPE_W * e_escape + MANU_W * e_manufacturing
             + AUTO_W * e_autoimmune + BREADTH_W * e_breadth)
    return total

if __name__ == "__main__":
    import jax
    _d = setup_inputs()
    print(jax.jit(kernel)(*tuple(_d.values())))

</pallas_src>

<mosaic_0001>
#map = affine_map<(d0, d1) -> (0)>
#map1 = affine_map<(d0, d1) -> (0, 0)>
module attributes {stable_mosaic.version = 14 : i64} {
  func.func @_sc_costs(%arg0: i32, %arg1: i32, %arg2: memref<32xf32, #tpu.memory_space<hbm>>, %arg3: memref<1024x352xi32, #tpu.memory_space<hbm>>, %arg4: memref<1024xf32, #tpu.memory_space<hbm>>, %arg5: memref<1024xf32, #tpu.memory_space<hbm>>, %arg6: memref<32xf32, #tpu.memory_space<vmem>>, %arg7: memref<1024xf32, #tpu.memory_space<vmem>>, %arg8: memref<4x8x352xi32, #tpu.memory_space<vmem>>, %arg9: memref<32xf32, #tpu.memory_space<vmem>>, %arg10: memref<32xf32, #tpu.memory_space<vmem>>, %arg11: memref<!tpu.dma_semaphore, #tpu.memory_space<semaphore_mem>>, %arg12: memref<!tpu.dma_semaphore, #tpu.memory_space<semaphore_mem>>, %arg13: memref<!tpu.dma_semaphore, #tpu.memory_space<semaphore_mem>>, %arg14: memref<!tpu.dma_semaphore, #tpu.memory_space<semaphore_mem>>, %arg15: memref<!tpu.dma_semaphore, #tpu.memory_space<semaphore_mem>>) attributes {dimension_semantics = [#tpu.dimension_semantics<core_parallel>, #tpu.dimension_semantics<subcore_parallel>], iteration_bounds = array<i64: 2, 16>, scalar_prefetch = 0 : i64, scratch_operands = 10 : i64, tpu.core_type = #tpu.core_type<sc_vector_subcore>, window_params = [{transform_indices = #map}, {transform_indices = #map1}, {transform_indices = #map}, {transform_indices = #map}]} {
    %mul3A = arith.constant 2 : i32
    %mul3A_0 = arith.muli %arg1, %mul3A : i32
    %add3A = arith.addi %mul3A_0, %arg0 : i32
    %mul3A_1 = arith.constant 32 : i32
    %mul3A_2 = arith.muli %add3A, %mul3A_1 : i32
    "tpu.region"() ({
      %run_scoped3A = tpu.sem_alloc : memref<!tpu.dma_semaphore, #tpu.memory_space<semaphore_mem>>
      tpu.enqueue_dma source(%arg2 : memref<32xf32, #tpu.memory_space<hbm>>) target(%arg6 : memref<32xf32, #tpu.memory_space<vmem>>) target_semaphore(%run_scoped3A : memref<!tpu.dma_semaphore, #tpu.memory_space<semaphore_mem>>)
      tpu.wait_dma2 semaphore(%run_scoped3A : memref<!tpu.dma_semaphore, #tpu.memory_space<semaphore_mem>>) src(%arg2 : memref<32xf32, #tpu.memory_space<hbm>>) dst(%arg6 : memref<32xf32, #tpu.memory_space<vmem>>)
      tpu.yield
    }) : () -> ()
    %dma_start3A = tpu.memref_slice %arg4[%mul3A_2] : memref<1024xf32, #tpu.memory_space<hbm>> -> memref<32xf32, #tpu.memory_space<hbm>>
    %dma_start3A_3 = tpu.memref_slice %arg4[%mul3A_2] : memref<1024xf32, #tpu.memory_space<hbm>> -> memref<32xf32, #tpu.memory_space<hbm>>
    tpu.enqueue_dma source(%dma_start3A_3 : memref<32xf32, #tpu.memory_space<hbm>>) target(%arg9 : memref<32xf32, #tpu.memory_space<vmem>>) target_semaphore(%arg15 : memref<!tpu.dma_semaphore, #tpu.memory_space<semaphore_mem>>)
    %add3A_4 = arith.constant 0 : i32
    %add3A_5 = arith.addi %mul3A_2, %add3A_4 : i32
    %dma_start3A_6 = arith.constant 0 : i32
    %dma_start3A_7 = arith.constant 0 : i32
    %dma_start3A_8 = arith.constant 0 : i32
    %dma_start3A_9 = tpu.memref_slice %arg8[%dma_start3A_6, %dma_start3A_7, %dma_start3A_8] : memref<4x8x352xi32, #tpu.memory_space<vmem>> -> memref<1x8x352xi32, #tpu.memory_space<vmem>>
    %dma_start3A_10 = tpu.memref_squeeze %dma_start3A_9 : memref<1x8x352xi32, #tpu.memory_space<vmem>> -> memref<8x352xi32, #tpu.memory_space<vmem>>
    %dma_start3A_11 = arith.constant 0 : i32
    %dma_start3A_12 = tpu.memref_slice %arg3[%add3A_5, %dma_start3A_11] : memref<1024x352xi32, #tpu.memory_space<hbm>> -> memref<8x352xi32, #tpu.memory_space<hbm>>
    %dma_start3A_13 = arith.constant 0 : i32
    %dma_start3A_14 = arith.constant 0 : i32
    %dma_start3A_15 = tpu.memref_slice %arg8[%dma_start3A_6, %dma_start3A_13, %dma_start3A_14] : memref<4x8x352xi32, #tpu.memory_space<vmem>> -> memref<1x8x352xi32, #tpu.memory_space<vmem>>
    %dma_start3A_16 = tpu.memref_squeeze %dma_start3A_15 : memref<1x8x352xi32, #tpu.memory_space<vmem>> -> memref<8x352xi32, #tpu.memory_space<vmem>>
    %dma_start3A_17 = arith.constant 0 : i32
    %dma_start3A_18 = tpu.memref_slice %arg3[%add3A_5, %dma_start3A_17] : memref<1024x352xi32, #tpu.memory_space<hbm>> -> memref<8x352xi32, #tpu.memory_space<hbm>>
    tpu.enqueue_dma source(%dma_start3A_18 : memref<8x352xi32, #tpu.memory_space<hbm>>) target(%dma_start3A_16 : memref<8x352xi32, #tpu.memory_space<vmem>>) target_semaphore(%arg11 : memref<!tpu.dma_semaphore, #tpu.memory_space<semaphore_mem>>)
    %add3A_19 = arith.constant 8 : i32
    %add3A_20 = arith.addi %mul3A_2, %add3A_19 : i32
    %dma_start3A_21 = arith.constant 1 : i32
    %dma_start3A_22 = arith.constant 0 : i32
    %dma_start3A_23 = arith.constant 0 : i32
    %dma_start3A_24 = tpu.memref_slice %arg8[%dma_start3A_21, %dma_start3A_22, %dma_start3A_23] : memref<4x8x352xi32, #tpu.memory_space<vmem>> -> memref<1x8x352xi32, #tpu.memory_space<vmem>>
    %dma_start3A_25 = tpu.memref_squeeze %dma_start3A_24 : memref<1x8x352xi32, #tpu.memory_space<vmem>> -> memref<8x352xi32, #tpu.memory_space<vmem>>
    %dma_start3A_26 = arith.constant 0 : i32
    %dma_start3A_27 = tpu.memref_slice %arg3[%add3A_20, %dma_start3A_26] : memref<1024x352xi32, #tpu.memory_space<hbm>> -> memref<8x352xi32, #tpu.memory_space<hbm>>
    %dma_start3A_28 = arith.constant 0 : i32
    %dma_start3A_29 = arith.constant 0 : i32
    %dma_start3A_30 = tpu.memref_slice %arg8[%dma_start3A_21, %dma_start3A_28, %dma_start3A_29] : memref<4x8x352xi32, #tpu.memory_space<vmem>> -> memref<1x8x352xi32, #tpu.memory_space<vmem>>
    %dma_start3A_31 = tpu.memref_squeeze %dma_start3A_30 : memref<1x8x352xi32, #tpu.memory_space<vmem>> -> memref<8x352xi32, #tpu.memory_space<vmem>>
    %dma_start3A_32 = arith.constant 0 : i32
    %dma_start3A_33 = tpu.memref_slice %arg3[%add3A_20, %dma_start3A_32] : memref<1024x352xi32, #tpu.memory_space<hbm>> -> memref<8x352xi32, #tpu.memory_space<hbm>>
    tpu.enqueue_dma source(%dma_start3A_33 : memref<8x352xi32, #tpu.memory_space<hbm>>) target(%dma_start3A_31 : memref<8x352xi32, #tpu.memory_space<vmem>>) target_semaphore(%arg12 : memref<!tpu.dma_semaphore, #tpu.memory_space<semaphore_mem>>)
    %add3A_34 = arith.constant 16 : i32
    %add3A_35 = arith.addi %mul3A_2, %add3A_34 : i32
    %dma_start3A_36 = arith.constant 2 : i32
    %dma_start3A_37 = arith.constant 0 : i32
    %dma_start3A_38 = arith.constant 0 : i32
    %dma_start3A_39 = tpu.memref_slice %arg8[%dma_start3A_36, %dma_start3A_37, %dma_start3A_38] : memref<4x8x352xi32, #tpu.memory_space<vmem>> -> memref<1x8x352xi32, #tpu.memory_space<vmem>>
    %dma_start3A_40 = tpu.memref_squeeze %dma_start3A_39 : memref<1x8x352xi32, #tpu.memory_space<vmem>> -> memref<8x352xi32, #tpu.memory_space<vmem>>
    %dma_start3A_41 = arith.constant 0 : i32
    %dma_start3A_42 = tpu.memref_slice %arg3[%add3A_35, %dma_start3A_41] : memref<1024x352xi32, #tpu.memory_space<hbm>> -> memref<8x352xi32, #tpu.memory_space<hbm>>
    %dma_start3A_43 = arith.constant 0 : i32
    %dma_start3A_44 = arith.constant 0 : i32
    %dma_start3A_45 = tpu.memref_slice %arg8[%dma_start3A_36, %dma_start3A_43, %dma_start3A_44] : memref<4x8x352xi32, #tpu.memory_space<vmem>> -> memref<1x8x352xi32, #tpu.memory_space<vmem>>
    %dma_start3A_46 = tpu.memref_squeeze %dma_start3A_45 : memref<1x8x352xi32, #tpu.memory_space<vmem>> -> memref<8x352xi32, #tpu.memory_space<vmem>>
    %dma_start3A_47 = arith.constant 0 : i32
    %dma_start3A_48 = tpu.memref_slice %arg3[%add3A_35, %dma_start3A_47] : memref<1024x352xi32, #tpu.memory_space<hbm>> -> memref<8x352xi32, #tpu.memory_space<hbm>>
    tpu.enqueue_dma source(%dma_start3A_48 : memref<8x352xi32, #tpu.memory_space<hbm>>) target(%dma_start3A_46 : memref<8x352xi32, #tpu.memory_space<vmem>>) target_semaphore(%arg13 : memref<!tpu.dma_semaphore, #tpu.memory_space<semaphore_mem>>)
    %add3A_49 = arith.constant 24 : i32
    %add3A_50 = arith.addi %mul3A_2, %add3A_49 : i32
    %dma_start3A_51 = arith.constant 3 : i32
    %dma_start3A_52 = arith.constant 0 : i32
    %dma_start3A_53 = arith.constant 0 : i32
    %dma_start3A_54 = tpu.memref_slice %arg8[%dma_start3A_51, %dma_start3A_52, %dma_start3A_53] : memref<4x8x352xi32, #tpu.memory_space<vmem>> -> memref<1x8x352xi32, #tpu.memory_space<vmem>>
    %dma_start3A_55 = tpu.memref_squeeze %dma_start3A_54 : memref<1x8x352xi32, #tpu.memory_space<vmem>> -> memref<8x352xi32, #tpu.memory_space<vmem>>
    %dma_start3A_56 = arith.constant 0 : i32
    %dma_start3A_57 = tpu.memref_slice %arg3[%add3A_50, %dma_start3A_56] : memref<1024x352xi32, #tpu.memory_space<hbm>> -> memref<8x352xi32, #tpu.memory_space<hbm>>
    %dma_start3A_58 = arith.constant 0 : i32
    %dma_start3A_59 = arith.constant 0 : i32
    %dma_start3A_60 = tpu.memref_slice %arg8[%dma_start3A_51, %dma_start3A_58, %dma_start3A_59] : memref<4x8x352xi32, #tpu.memory_space<vmem>> -> memref<1x8x352xi32, #tpu.memory_space<vmem>>
    %dma_start3A_61 = tpu.memref_squeeze %dma_start3A_60 : memref<1x8x352xi32, #tpu.memory_space<vmem>> -> memref<8x352xi32, #tpu.memory_space<vmem>>
    %dma_start3A_62 = arith.constant 0 : i32
    %dma_start3A_63 = tpu.memref_slice %arg3[%add3A_50, %dma_start3A_62] : memref<1024x352xi32, #tpu.memory_space<hbm>> -> memref<8x352xi32, #tpu.memory_space<hbm>>
    tpu.enqueue_dma source(%dma_start3A_63 : memref<8x352xi32, #tpu.memory_space<hbm>>) target(%dma_start3A_61 : memref<8x352xi32, #tpu.memory_space<vmem>>) target_semaphore(%arg14 : memref<!tpu.dma_semaphore, #tpu.memory_space<semaphore_mem>>)
    %iota3A = tpu.iota {dimensions = array<i32: 0>} : vector<16xi32>
    %broadcast_in_dim3A = arith.constant 1023 : i32
    %broadcast_in_dim3A_64 = vector.broadcast %broadcast_in_dim3A : i32 to vector<16xi32>
    %broadcast_in_dim3A_65 = arith.constant 31 : i32
    %broadcast_in_dim3A_66 = vector.broadcast %broadcast_in_dim3A_65 : i32 to vector<16xi32>
    %scan3A = arith.constant 0 : i32
    %scan3A_67 = arith.constant 0 : i32
    %scan3A_68 = arith.constant 64 : i32
    %scan3A_69 = arith.addi %scan3A_67, %scan3A_68 : i32
    %scan3A_70 = arith.constant 4 : i32
    scf.for %scan3A_163 = %scan3A_67 to %scan3A_69 step %scan3A_70  : i32 {
      %mul3A_164 = arith.constant 16 : i32
      %mul3A_165 = arith.muli %scan3A_163, %mul3A_164 : i32
      %add3A_166 = vector.broadcast %mul3A_165 : i32 to vector<16xi32>
      %add3A_167 = arith.addi %iota3A, %add3A_166 : vector<16xi32>
      %and3A = arith.andi %add3A_167, %broadcast_in_dim3A_66 : vector<16xi32>
      %gather3A = tpu.vector_load_idx %arg6[%and3A] : memref<32xf32, #tpu.memory_space<vmem>>[vector<16xi32>], vector<16xf32>,
      %shift_right_arithmetic3A = arith.constant 5 : i32
      %shift_right_arithmetic3A_168 = vector.broadcast %shift_right_arithmetic3A : i32 to vector<16xi32>
      %shift_right_arithmetic3A_169 = arith.shrsi %add3A_167, %shift_right_arithmetic3A_168 : vector<16xi32>
      %gather3A_170 = tpu.vector_load_idx %arg6[%shift_right_arithmetic3A_169] : memref<32xf32, #tpu.memory_space<vmem>>[vector<16xi32>], vector<16xf32>,
      %add3A_171 = arith.addf %gather3A, %gather3A_170 : vector<16xf32>
      %mul3A_172 = arith.constant 16 : i32
      %mul3A_173 = arith.muli %scan3A_163, %mul3A_172 : i32
      %swap3A_174 = arith.index_cast %mul3A_173 : i32 to index
      %swap3A_175 = tpu.vector_load %arg7[%swap3A_174] {strides = array<i32>} : memref<1024xf32, #tpu.memory_space<vmem>>, vector<16xf32>,
      tpu.vector_store %arg7[%swap3A_174], %add3A_171 {strides = array<i32>} : memref<1024xf32, #tpu.memory_space<vmem>>, vector<16xf32>,
      %scan3A_176 = arith.constant 1 : i32
      %scan3A_177 = arith.addi %scan3A_163, %scan3A_176 : i32
      %mul3A_178 = arith.constant 16 : i32
      %mul3A_179 = arith.muli %scan3A_177, %mul3A_178 : i32
      %add3A_180 = vector.broadcast %mul3A_179 : i32 to vector<16xi32>
      %add3A_181 = arith.addi %iota3A, %add3A_180 : vector<16xi32>
      %and3A_182 = arith.andi %add3A_181, %broadcast_in_dim3A_66 : vector<16xi32>
      %gather3A_183 = tpu.vector_load_idx %arg6[%and3A_182] : memref<32xf32, #tpu.memory_space<vmem>>[vector<16xi32>], vector<16xf32>,
      %shift_right_arithmetic3A_184 = arith.constant 5 : i32
      %shift_right_arithmetic3A_185 = vector.broadcast %shift_right_arithmetic3A_184 : i32 to vector<16xi32>
      %shift_right_arithmetic3A_186 = arith.shrsi %add3A_181, %shift_right_arithmetic3A_185 : vector<16xi32>
      %gather3A_187 = tpu.vector_load_idx %arg6[%shift_right_arithmetic3A_186] : memref<32xf32, #tpu.memory_space<vmem>>[vector<16xi32>], vector<16xf32>,
      %add3A_188 = arith.addf %gather3A_183, %gather3A_187 : vector<16xf32>
      %mul3A_189 = arith.constant 16 : i32
      %mul3A_190 = arith.muli %scan3A_177, %mul3A_189 : i32
      %swap3A_191 = arith.index_cast %mul3A_190 : i32 to index
      %swap3A_192 = tpu.vector_load %arg7[%swap3A_191] {strides = array<i32>} : memref<1024xf32, #tpu.memory_space<vmem>>, vector<16xf32>,
      tpu.vector_store %arg7[%swap3A_191], %add3A_188 {strides = array<i32>} : memref<1024xf32, #tpu.memory_space<vmem>>, vector<16xf32>,
      %scan3A_193 = arith.constant 2 : i32
      %scan3A_194 = arith.addi %scan3A_163, %scan3A_193 : i32
      %mul3A_195 = arith.constant 16 : i32
      %mul3A_196 = arith.muli %scan3A_194, %mul3A_195 : i32
      %add3A_197 = vector.broadcast %mul3A_196 : i32 to vector<16xi32>
      %add3A_198 = arith.addi %iota3A, %add3A_197 : vector<16xi32>
      %and3A_199 = arith.andi %add3A_198, %broadcast_in_dim3A_66 : vector<16xi32>
      %gather3A_200 = tpu.vector_load_idx %arg6[%and3A_199] : memref<32xf32, #tpu.memory_space<vmem>>[vector<16xi32>], vector<16xf32>,
      %shift_right_arithmetic3A_201 = arith.constant 5 : i32
      %shift_right_arithmetic3A_202 = vector.broadcast %shift_right_arithmetic3A_201 : i32 to vector<16xi32>
      %shift_right_arithmetic3A_203 = arith.shrsi %add3A_198, %shift_right_arithmetic3A_202 : vector<16xi32>
      %gather3A_204 = tpu.vector_load_idx %arg6[%shift_right_arithmetic3A_203] : memref<32xf32, #tpu.memory_space<vmem>>[vector<16xi32>], vector<16xf32>,
      %add3A_205 = arith.addf %gather3A_200, %gather3A_204 : vector<16xf32>
      %mul3A_206 = arith.constant 16 : i32
      %mul3A_207 = arith.muli %scan3A_194, %mul3A_206 : i32
      %swap3A_208 = arith.index_cast %mul3A_207 : i32 to index
      %swap3A_209 = tpu.vector_load %arg7[%swap3A_208] {strides = array<i32>} : memref<1024xf32, #tpu.memory_space<vmem>>, vector<16xf32>,
      tpu.vector_store %arg7[%swap3A_208], %add3A_205 {strides = array<i32>} : memref<1024xf32, #tpu.memory_space<vmem>>, vector<16xf32>,
      %scan3A_210 = arith.constant 3 : i32
      %scan3A_211 = arith.addi %scan3A_163, %scan3A_210 : i32
      %mul3A_212 = arith.constant 16 : i32
      %mul3A_213 = arith.muli %scan3A_211, %mul3A_212 : i32
      %add3A_214 = vector.broadcast %mul3A_213 : i32 to vector<16xi32>
      %add3A_215 = arith.addi %iota3A, %add3A_214 : vector<16xi32>
      %and3A_216 = arith.andi %add3A_215, %broadcast_in_dim3A_66 : vector<16xi32>
      %gather3A_217 = tpu.vector_load_idx %arg6[%and3A_216] : memref<32xf32, #tpu.memory_space<vmem>>[vector<16xi32>], vector<16xf32>,
      %shift_right_arithmetic3A_218 = arith.constant 5 : i32
      %shift_right_arithmetic3A_219 = vector.broadcast %shift_right_arithmetic3A_218 : i32 to vector<16xi32>
      %shift_right_arithmetic3A_220 = arith.shrsi %add3A_215, %shift_right_arithmetic3A_219 : vector<16xi32>
      %gather3A_221 = tpu.vector_load_idx %arg6[%shift_right_arithmetic3A_220] : memref<32xf32, #tpu.memory_space<vmem>>[vector<16xi32>], vector<16xf32>,
      %add3A_222 = arith.addf %gather3A_217, %gather3A_221 : vector<16xf32>
      %mul3A_223 = arith.constant 16 : i32
      %mul3A_224 = arith.muli %scan3A_211, %mul3A_223 : i32
      %swap3A_225 = arith.index_cast %mul3A_224 : i32 to index
      %swap3A_226 = tpu.vector_load %arg7[%swap3A_225] {strides = array<i32>} : memref<1024xf32, #tpu.memory_space<vmem>>, vector<16xf32>,
      tpu.vector_store %arg7[%swap3A_225], %add3A_222 {strides = array<i32>} : memref<1024xf32, #tpu.memory_space<vmem>>, vector<16xf32>,
    }
    %scan3A_71 = arith.constant 64 : i32
    %dma_wait3A = tpu.memref_slice %arg4[%mul3A_2] : memref<1024xf32, #tpu.memory_space<hbm>> -> memref<32xf32, #tpu.memory_space<hbm>>
    %dma_wait3A_72 = tpu.memref_slice %arg4[%mul3A_2] : memref<1024xf32, #tpu.memory_space<hbm>> -> memref<32xf32, #tpu.memory_space<hbm>>
    tpu.wait_dma2 semaphore(%arg15 : memref<!tpu.dma_semaphore, #tpu.memory_space<semaphore_mem>>) src(%dma_wait3A_72 : memref<32xf32, #tpu.memory_space<hbm>>) dst(%arg9 : memref<32xf32, #tpu.memory_space<vmem>>)
    %broadcast_in_dim3A_73 = arith.constant 0.000000e+00 : f32
    %broadcast_in_dim3A_74 = vector.broadcast %broadcast_in_dim3A_73 : f32 to vector<16xf32>
    %dma_wait3A_75 = arith.constant 0 : i32
    %dma_wait3A_76 = arith.constant 0 : i32
    %dma_wait3A_77 = arith.constant 0 : i32
    %dma_wait3A_78 = tpu.memref_slice %arg8[%dma_wait3A_75, %dma_wait3A_76, %dma_wait3A_77] : memref<4x8x352xi32, #tpu.memory_space<vmem>> -> memref<1x8x352xi32, #tpu.memory_space<vmem>>
    %dma_wait3A_79 = tpu.memref_squeeze %dma_wait3A_78 : memref<1x8x352xi32, #tpu.memory_space<vmem>> -> memref<8x352xi32, #tpu.memory_space<vmem>>
    %dma_wait3A_80 = arith.constant 0 : i32
    %dma_wait3A_81 = tpu.memref_slice %arg3[%add3A_5, %dma_wait3A_80] : memref<1024x352xi32, #tpu.memory_space<hbm>> -> memref<8x352xi32, #tpu.memory_space<hbm>>
    %dma_wait3A_82 = arith.constant 0 : i32
    %dma_wait3A_83 = arith.constant 0 : i32
    %dma_wait3A_84 = tpu.memref_slice %arg8[%dma_wait3A_75, %dma_wait3A_82, %dma_wait3A_83] : memref<4x8x352xi32, #tpu.memory_space<vmem>> -> memref<1x8x352xi32, #tpu.memory_space<vmem>>
    %dma_wait3A_85 = tpu.memref_squeeze %dma_wait3A_84 : memref<1x8x352xi32, #tpu.memory_space<vmem>> -> memref<8x352xi32, #tpu.memory_space<vmem>>
    %dma_wait3A_86 = arith.constant 0 : i32
    %dma_wait3A_87 = tpu.memref_slice %arg3[%add3A_5, %dma_wait3A_86] : memref<1024x352xi32, #tpu.memory_space<hbm>> -> memref<8x352xi32, #tpu.memory_space<hbm>>
    tpu.wait_dma2 semaphore(%arg11 : memref<!tpu.dma_semaphore, #tpu.memory_space<semaphore_mem>>) src(%dma_wait3A_87 : memref<8x352xi32, #tpu.memory_space<hbm>>) dst(%dma_wait3A_85 : memref<8x352xi32, #tpu.memory_space<vmem>>)
    %scan3A_88 = arith.constant 0 : i32
    %scan3A_89 = arith.constant 8 : i32
    %scan3A_90 = arith.addi %scan3A_88, %scan3A_89 : i32
    %scan3A_91 = arith.constant 1 : i32
    %scan3A_92 = scf.for %scan3A_163 = %scan3A_88 to %scan3A_90 step %scan3A_91 iter_args(%scan3A_164 = %broadcast_in_dim3A_74) -> (vector<16xf32>)  : i32 {
      %broadcast_in_dim3A_165 = arith.constant 0.000000e+00 : f32
      %broadcast_in_dim3A_166 = vector.broadcast %broadcast_in_dim3A_165 : f32 to vector<16xf32>
      %get3A_167 = arith.constant 0 : i32
      %get3A_168 = arith.index_cast %get3A_167 : i32 to index
      %get3A_169 = arith.index_cast %scan3A_163 : i32 to index
      %get3A_170 = arith.constant 0 : index
      %get3A_171 = tpu.vector_load %arg8[%get3A_168, %get3A_169, %get3A_170] {strides = array<i32>} : memref<4x8x352xi32, #tpu.memory_space<vmem>>, vector<16xi32>,
      %and3A = arith.andi %get3A_171, %broadcast_in_dim3A_64 : vector<16xi32>
      %gather3A = tpu.vector_load_idx %arg7[%and3A] : memref<1024xf32, #tpu.memory_space<vmem>>[vector<16xi32>], vector<16xf32>,
      %add3A_172 = arith.addf %broadcast_in_dim3A_166, %gather3A : vector<16xf32>
      %shift_right_arithmetic3A = arith.constant 10 : i32
      %shift_right_arithmetic3A_173 = vector.broadcast %shift_right_arithmetic3A : i32 to vector<16xi32>
      %shift_right_arithmetic3A_174 = arith.shrsi %get3A_171, %shift_right_arithmetic3A_173 : vector<16xi32>
      %and3A_175 = arith.andi %shift_right_arithmetic3A_174, %broadcast_in_dim3A_64 : vector<16xi32>
      %gather3A_176 = tpu.vector_load_idx %arg7[%and3A_175] : memref<1024xf32, #tpu.memory_space<vmem>>[vector<16xi32>], vector<16xf32>,
      %add3A_177 = arith.addf %add3A_172, %gather3A_176 : vector<16xf32>
      %shift_right_arithmetic3A_178 = arith.constant 20 : i32
      %shift_right_arithmetic3A_179 = vector.broadcast %shift_right_arithmetic3A_178 : i32 to vector<16xi32>
      %shift_right_arithmetic3A_180 = arith.shrsi %get3A_171, %shift_right_arithmetic3A_179 : vector<16xi32>
      %gather3A_181 = tpu.vector_load_idx %arg7[%shift_right_arithmetic3A_180] : memref<1024xf32, #tpu.memory_space<vmem>>[vector<16xi32>], vector<16xf32>,
      %add3A_182 = arith.addf %add3A_177, %gather3A_181 : vector<16xf32>
      %get3A_183 = arith.constant 0 : i32
      %get3A_184 = arith.index_cast %get3A_183 : i32 to index
      %get3A_185 = arith.index_cast %scan3A_163 : i32 to index
      %get3A_186 = arith.constant 16 : index
      %get3A_187 = tpu.vector_load %arg8[%get3A_184, %get3A_185, %get3A_186] {strides = array<i32>} : memref<4x8x352xi32, #tpu.memory_space<vmem>>, vector<16xi32>,
      %and3A_188 = arith.andi %get3A_187, %broadcast_in_dim3A_64 : vector<16xi32>
      %gather3A_189 = tpu.vector_load_idx %arg7[%and3A_188] : memref<1024xf32, #tpu.memory_space<vmem>>[vector<16xi32>], vector<16xf32>,
      %add3A_190 = arith.addf %add3A_182, %gather3A_189 : vector<16xf32>
      %shift_right_arithmetic3A_191 = arith.constant 10 : i32
      %shift_right_arithmetic3A_192 = vector.broadcast %shift_right_arithmetic3A_191 : i32 to vector<16xi32>
      %shift_right_arithmetic3A_193 = arith.shrsi %get3A_187, %shift_right_arithmetic3A_192 : vector<16xi32>
      %and3A_194 = arith.andi %shift_right_arithmetic3A_193, %broadcast_in_dim3A_64 : vector<16xi32>
      %gather3A_195 = tpu.vector_load_idx %arg7[%and3A_194] : memref<1024xf32, #tpu.memory_space<vmem>>[vector<16xi32>], vector<16xf32>,
      %add3A_196 = arith.addf %add3A_190, %gather3A_195 : vector<16xf32>
      %shift_right_arithmetic3A_197 = arith.constant 20 : i32
      %shift_right_arithmetic3A_198 = vector.broadcast %shift_right_arithmetic3A_197 : i32 to vector<16xi32>
      %shift_right_arithmetic3A_199 = arith.shrsi %get3A_187, %shift_right_arithmetic3A_198 : vector<16xi32>
      %gather3A_200 = tpu.vector_load_idx %arg7[%shift_right_arithmetic3A_199] : memref<1024xf32, #tpu.memory_space<vmem>>[vector<16xi32>], vector<16xf32>,
      %add3A_201 = arith.addf %add3A_196, %gather3A_200 : vector<16xf32>
      %get3A_202 = arith.constant 0 : i32
      %get3A_203 = arith.index_cast %get3A_202 : i32 to index
      %get3A_204 = arith.index_cast %scan3A_163 : i32 to index
      %get3A_205 = arith.constant 32 : index
      %get3A_206 = tpu.vector_load %arg8[%get3A_203, %get3A_204, %get3A_205] {strides = array<i32>} : memref<4x8x352xi32, #tpu.memory_space<vmem>>, vector<16xi32>,
      %and3A_207 = arith.andi %get3A_206, %broadcast_in_dim3A_64 : vector<16xi32>
      %gather3A_208 = tpu.vector_load_idx %arg7[%and3A_207] : memref<1024xf32, #tpu.memory_space<vmem>>[vector<16xi32>], vector<16xf32>,
      %add3A_209 = arith.addf %add3A_201, %gather3A_208 : vector<16xf32>
      %shift_right_arithmetic3A_210 = arith.constant 10 : i32
      %shift_right_arithmetic3A_211 = vector.broadcast %shift_right_arithmetic3A_210 : i32 to vector<16xi32>
      %shift_right_arithmetic3A_212 = arith.shrsi %get3A_206, %shift_right_arithmetic3A_211 : vector<16xi32>
      %and3A_213 = arith.andi %shift_right_arithmetic3A_212, %broadcast_in_dim3A_64 : vector<16xi32>
      %gather3A_214 = tpu.vector_load_idx %arg7[%and3A_213] : memref<1024xf32, #tpu.memory_space<vmem>>[vector<16xi32>], vector<16xf32>,
      %add3A_215 = arith.addf %add3A_209, %gather3A_214 : vector<16xf32>
      %shift_right_arithmetic3A_216 = arith.constant 20 : i32
      %shift_right_arithmetic3A_217 = vector.broadcast %shift_right_arithmetic3A_216 : i32 to vector<16xi32>
      %shift_right_arithmetic3A_218 = arith.shrsi %get3A_206, %shift_right_arithmetic3A_217 : vector<16xi32>
      %gather3A_219 = tpu.vector_load_idx %arg7[%shift_right_arithmetic3A_218] : memref<1024xf32, #tpu.memory_space<vmem>>[vector<16xi32>], vector<16xf32>,
      %add3A_220 = arith.addf %add3A_215, %gather3A_219 : vector<16xf32>
      %get3A_221 = arith.constant 0 : i32
      %get3A_222 = arith.index_cast %get3A_221 : i32 to index
      %get3A_223 = arith.index_cast %scan3A_163 : i32 to index
      %get3A_224 = arith.constant 48 : index
      %get3A_225 = tpu.vector_load %arg8[%get3A_222, %get3A_223, %get3A_224] {strides = array<i32>} : memref<4x8x352xi32, #tpu.memory_space<vmem>>, vector<16xi32>,
      %and3A_226 = arith.andi %get3A_225, %broadcast_in_dim3A_64 : vector<16xi32>
      %gather3A_227 = tpu.vector_load_idx %arg7[%and3A_226] : memref<1024xf32, #tpu.memory_space<vmem>>[vector<16xi32>], vector<16xf32>,
      %add3A_228 = arith.addf %add3A_220, %gather3A_227 : vector<16xf32>
      %shift_right_arithmetic3A_229 = arith.constant 10 : i32
      %shift_right_arithmetic3A_230 = vector.broadcast %shift_right_arithmetic3A_229 : i32 to vector<16xi32>
      %shift_right_arithmetic3A_231 = arith.shrsi %get3A_225, %shift_right_arithmetic3A_230 : vector<16xi32>
      %and3A_232 = arith.andi %shift_right_arithmetic3A_231, %broadcast_in_dim3A_64 : vector<16xi32>
      %gather3A_233 = tpu.vector_load_idx %arg7[%and3A_232] : memref<1024xf32, #tpu.memory_space<vmem>>[vector<16xi32>], vector<16xf32>,
      %add3A_234 = arith.addf %add3A_228, %gather3A_233 : vector<16xf32>
      %shift_right_arithmetic3A_235 = arith.constant 20 : i32
      %shift_right_arithmetic3A_236 = vector.broadcast %shift_right_arithmetic3A_235 : i32 to vector<16xi32>
      %shift_right_arithmetic3A_237 = arith.shrsi %get3A_225, %shift_right_arithmetic3A_236 : vector<16xi32>
      %gather3A_238 = tpu.vector_load_idx %arg7[%shift_right_arithmetic3A_237] : memref<1024xf32, #tpu.memory_space<vmem>>[vector<16xi32>], vector<16xf32>,
      %add3A_239 = arith.addf %add3A_234, %gather3A_238 : vector<16xf32>
      %get3A_240 = arith.constant 0 : i32
      %get3A_241 = arith.index_cast %get3A_240 : i32 to index
      %get3A_242 = arith.index_cast %scan3A_163 : i32 to index
      %get3A_243 = arith.constant 64 : index
      %get3A_244 = tpu.vector_load %arg8[%get3A_241, %get3A_242, %get3A_243] {strides = array<i32>} : memref<4x8x352xi32, #tpu.memory_space<vmem>>, vector<16xi32>,
      %and3A_245 = arith.andi %get3A_244, %broadcast_in_dim3A_64 : vector<16xi32>
      %gather3A_246 = tpu.vector_load_idx %arg7[%and3A_245] : memref<1024xf32, #tpu.memory_space<vmem>>[vector<16xi32>], vector<16xf32>,
      %add3A_247 = arith.addf %add3A_239, %gather3A_246 : vector<16xf32>
      %shift_right_arithmetic3A_248 = arith.constant 10 : i32
      %shift_right_arithmetic3A_249 = vector.broadcast %shift_right_arithmetic3A_248 : i32 to vector<16xi32>
      %shift_right_arithmetic3A_250 = arith.shrsi %get3A_244, %shift_right_arithmetic3A_249 : vector<16xi32>
      %and3A_251 = arith.andi %shift_right_arithmetic3A_250, %broadcast_in_dim3A_64 : vector<16xi32>
      %gather3A_252 = tpu.vector_load_idx %arg7[%and3A_251] : memref<1024xf32, #tpu.memory_space<vmem>>[vector<16xi32>], vector<16xf32>,
      %add3A_253 = arith.addf %add3A_247, %gather3A_252 : vector<16xf32>
      %shift_right_arithmetic3A_254 = arith.constant 20 : i32
      %shift_right_arithmetic3A_255 = vector.broadcast %shift_right_arithmetic3A_254 : i32 to vector<16xi32>
      %shift_right_arithmetic3A_256 = arith.shrsi %get3A_244, %shift_right_arithmetic3A_255 : vector<16xi32>
      %gather3A_257 = tpu.vector_load_idx %arg7[%shift_right_arithmetic3A_256] : memref<1024xf32, #tpu.memory_space<vmem>>[vector<16xi32>], vector<16xf32>,
      %add3A_258 = arith.addf %add3A_253, %gather3A_257 : vector<16xf32>
      %get3A_259 = arith.constant 0 : i32
      %get3A_260 = arith.index_cast %get3A_259 : i32 to index
      %get3A_261 = arith.index_cast %scan3A_163 : i32 to index
      %get3A_262 = arith.constant 80 : index
      %get3A_263 = tpu.vector_load %arg8[%get3A_260, %get3A_261, %get3A_262] {strides = array<i32>} : memref<4x8x352xi32, #tpu.memory_space<vmem>>, vector<16xi32>,
      %and3A_264 = arith.andi %get3A_263, %broadcast_in_dim3A_64 : vector<16xi32>
      %gather3A_265 = tpu.vector_load_idx %arg7[%and3A_264] : memref<1024xf32, #tpu.memory_space<vmem>>[vector<16xi32>], vector<16xf32>,
      %add3A_266 = arith.addf %add3A_258, %gather3A_265 : vector<16xf32>
      %shift_right_arithmetic3A_267 = arith.constant 10 : i32
      %shift_right_arithmetic3A_268 = vector.broadcast %shift_right_arithmetic3A_267 : i32 to vector<16xi32>
      %shift_right_arithmetic3A_269 = arith.shrsi %get3A_263, %shift_right_arithmetic3A_268 : vector<16xi32>
      %and3A_270 = arith.andi %shift_right_arithmetic3A_269, %broadcast_in_dim3A_64 : vector<16xi32>
      %gather3A_271 = tpu.vector_load_idx %arg7[%and3A_270] : memref<1024xf32, #tpu.memory_space<vmem>>[vector<16xi32>], vector<16xf32>,
      %add3A_272 = arith.addf %add3A_266, %gather3A_271 : vector<16xf32>
      %shift_right_arithmetic3A_273 = arith.constant 20 : i32
      %shift_right_arithmetic3A_274 = vector.broadcast %shift_right_arithmetic3A_273 : i32 to vector<16xi32>
      %shift_right_arithmetic3A_275 = arith.shrsi %get3A_263, %shift_right_arithmetic3A_274 : vector<16xi32>
      %gather3A_276 = tpu.vector_load_idx %arg7[%shift_right_arithmetic3A_275] : memref<1024xf32, #tpu.memory_space<vmem>>[vector<16xi32>], vector<16xf32>,
      %add3A_277 = arith.addf %add3A_272, %gather3A_276 : vector<16xf32>
      %get3A_278 = arith.constant 0 : i32
      %get3A_279 = arith.index_cast %get3A_278 : i32 to index
      %get3A_280 = arith.index_cast %scan3A_163 : i32 to index
      %get3A_281 = arith.constant 96 : index
      %get3A_282 = tpu.vector_load %arg8[%get3A_279, %get3A_280, %get3A_281] {strides = array<i32>} : memref<4x8x352xi32, #tpu.memory_space<vmem>>, vector<16xi32>,
      %and3A_283 = arith.andi %get3A_282, %broadcast_in_dim3A_64 : vector<16xi32>
      %gather3A_284 = tpu.vector_load_idx %arg7[%and3A_283] : memref<1024xf32, #tpu.memory_space<vmem>>[vector<16xi32>], vector<16xf32>,
      %add3A_285 = arith.addf %add3A_277, %gather3A_284 : vector<16xf32>
      %shift_right_arithmetic3A_286 = arith.constant 10 : i32
      %shift_right_arithmetic3A_287 = vector.broadcast %shift_right_arithmetic3A_286 : i32 to vector<16xi32>
      %shift_right_arithmetic3A_288 = arith.shrsi %get3A_282, %shift_right_arithmetic3A_287 : vector<16xi32>
      %and3A_289 = arith.andi %shift_right_arithmetic3A_288, %broadcast_in_dim3A_64 : vector<16xi32>
      %gather3A_290 = tpu.vector_load_idx %arg7[%and3A_289] : memref<1024xf32, #tpu.memory_space<vmem>>[vector<16xi32>], vector<16xf32>,
      %add3A_291 = arith.addf %add3A_285, %gather3A_290 : vector<16xf32>
      %shift_right_arithmetic3A_292 = arith.constant 20 : i32
      %shift_right_arithmetic3A_293 = vector.broadcast %shift_right_arithmetic3A_292 : i32 to vector<16xi32>
      %shift_right_arithmetic3A_294 = arith.shrsi %get3A_282, %shift_right_arithmetic3A_293 : vector<16xi32>
      %gather3A_295 = tpu.vector_load_idx %arg7[%shift_right_arithmetic3A_294] : memref<1024xf32, #tpu.memory_space<vmem>>[vector<16xi32>], vector<16xf32>,
      %add3A_296 = arith.addf %add3A_291, %gather3A_295 : vector<16xf32>
      %get3A_297 = arith.constant 0 : i32
      %get3A_298 = arith.index_cast %get3A_297 : i32 to index
      %get3A_299 = arith.index_cast %scan3A_163 : i32 to index
      %get3A_300 = arith.constant 112 : index
      %get3A_301 = tpu.vector_load %arg8[%get3A_298, %get3A_299, %get3A_300] {strides = array<i32>} : memref<4x8x352xi32, #tpu.memory_space<vmem>>, vector<16xi32>,
      %and3A_302 = arith.andi %get3A_301, %broadcast_in_dim3A_64 : vector<16xi32>
      %gather3A_303 = tpu.vector_load_idx %arg7[%and3A_302] : memref<1024xf32, #tpu.memory_space<vmem>>[vector<16xi32>], vector<16xf32>,
      %add3A_304 = arith.addf %add3A_296, %gather3A_303 : vector<16xf32>
      %shift_right_arithmetic3A_305 = arith.constant 10 : i32
      %shift_right_arithmetic3A_306 = vector.broadcast %shift_right_arithmetic3A_305 : i32 to vector<16xi32>
      %shift_right_arithmetic3A_307 = arith.shrsi %get3A_301, %shift_right_arithmetic3A_306 : vector<16xi32>
      %and3A_308 = arith.andi %shift_right_arithmetic3A_307, %broadcast_in_dim3A_64 : vector<16xi32>
      %gather3A_309 = tpu.vector_load_idx %arg7[%and3A_308] : memref<1024xf32, #tpu.memory_space<vmem>>[vector<16xi32>], vector<16xf32>,
      %add3A_310 = arith.addf %add3A_304, %gather3A_309 : vector<16xf32>
      %shift_right_arithmetic3A_311 = arith.constant 20 : i32
      %shift_right_arithmetic3A_312 = vector.broadcast %shift_right_arithmetic3A_311 : i32 to vector<16xi32>
      %shift_right_arithmetic3A_313 = arith.shrsi %get3A_301, %shift_right_arithmetic3A_312 : vector<16xi32>
      %gather3A_314 = tpu.vector_load_idx %arg7[%shift_right_arithmetic3A_313] : memref<1024xf32, #tpu.memory_space<vmem>>[vector<16xi32>], vector<16xf32>,
      %add3A_315 = arith.addf %add3A_310, %gather3A_314 : vector<16xf32>
      %get3A_316 = arith.constant 0 : i32
      %get3A_317 = arith.index_cast %get3A_316 : i32 to index
      %get3A_318 = arith.index_cast %scan3A_163 : i32 to index
      %get3A_319 = arith.constant 128 : index
      %get3A_320 = tpu.vector_load %arg8[%get3A_317, %get3A_318, %get3A_319] {strides = array<i32>} : memref<4x8x352xi32, #tpu.memory_space<vmem>>, vector<16xi32>,
      %and3A_321 = arith.andi %get3A_320, %broadcast_in_dim3A_64 : vector<16xi32>
      %gather3A_322 = tpu.vector_load_idx %arg7[%and3A_321] : memref<1024xf32, #tpu.memory_space<vmem>>[vector<16xi32>], vector<16xf32>,
      %add3A_323 = arith.addf %add3A_315, %gather3A_322 : vector<16xf32>
      %shift_right_arithmetic3A_324 = arith.constant 10 : i32
      %shift_right_arithmetic3A_325 = vector.broadcast %shift_right_arithmetic3A_324 : i32 to vector<16xi32>
      %shift_right_arithmetic3A_326 = arith.shrsi %get3A_320, %shift_right_arithmetic3A_325 : vector<16xi32>
      %and3A_327 = arith.andi %shift_right_arithmetic3A_326, %broadcast_in_dim3A_64 : vector<16xi32>
      %gather3A_328 = tpu.vector_load_idx %arg7[%and3A_327] : memref<1024xf32, #tpu.memory_space<vmem>>[vector<16xi32>], vector<16xf32>,
      %add3A_329 = arith.addf %add3A_323, %gather3A_328 : vector<16xf32>
      %shift_right_arithmetic3A_330 = arith.constant 20 : i32
      %shift_right_arithmetic3A_331 = vector.broadcast %shift_right_arithmetic3A_330 : i32 to vector<16xi32>
      %shift_right_arithmetic3A_332 = arith.shrsi %get3A_320, %shift_right_arithmetic3A_331 : vector<16xi32>
      %gather3A_333 = tpu.vector_load_idx %arg7[%shift_right_arithmetic3A_332] : memref<1024xf32, #tpu.memory_space<vmem>>[vector<16xi32>], vector<16xf32>,
      %add3A_334 = arith.addf %add3A_329, %gather3A_333 : vector<16xf32>
      %get3A_335 = arith.constant 0 : i32
      %get3A_336 = arith.index_cast %get3A_335 : i32 to index
      %get3A_337 = arith.index_cast %scan3A_163 : i32 to index
      %get3A_338 = arith.constant 144 : index
      %get3A_339 = tpu.vector_load %arg8[%get3A_336, %get3A_337, %get3A_338] {strides = array<i32>} : memref<4x8x352xi32, #tpu.memory_space<vmem>>, vector<16xi32>,
      %and3A_340 = arith.andi %get3A_339, %broadcast_in_dim3A_64 : vector<16xi32>
      %gather3A_341 = tpu.vector_load_idx %arg7[%and3A_340] : memref<1024xf32, #tpu.memory_space<vmem>>[vector<16xi32>], vector<16xf32>,
      %add3A_342 = arith.addf %add3A_334, %gather3A_341 : vector<16xf32>
      %shift_right_arithmetic3A_343 = arith.constant 10 : i32
      %shift_right_arithmetic3A_344 = vector.broadcast %shift_right_arithmetic3A_343 : i32 to vector<16xi32>
      %shift_right_arithmetic3A_345 = arith.shrsi %get3A_339, %shift_right_arithmetic3A_344 : vector<16xi32>
      %and3A_346 = arith.andi %shift_right_arithmetic3A_345, %broadcast_in_dim3A_64 : vector<16xi32>
      %gather3A_347 = tpu.vector_load_idx %arg7[%and3A_346] : memref<1024xf32, #tpu.memory_space<vmem>>[vector<16xi32>], vector<16xf32>,
      %add3A_348 = arith.addf %add3A_342, %gather3A_347 : vector<16xf32>
      %shift_right_arithmetic3A_349 = arith.constant 20 : i32
      %shift_right_arithmetic3A_350 = vector.broadcast %shift_right_arithmetic3A_349 : i32 to vector<16xi32>
      %shift_right_arithmetic3A_351 = arith.shrsi %get3A_339, %shift_right_arithmetic3A_350 : vector<16xi32>
      %gather3A_352 = tpu.vector_load_idx %arg7[%shift_right_arithmetic3A_351] : memref<1024xf32, #tpu.memory_space<vmem>>[vector<16xi32>], vector<16xf32>,
      %add3A_353 = arith.addf %add3A_348, %gather3A_352 : vector<16xf32>
      %get3A_354 = arith.constant 0 : i32
      %get3A_355 = arith.index_cast %get3A_354 : i32 to index
      %get3A_356 = arith.index_cast %scan3A_163 : i32 to index
      %get3A_357 = arith.constant 160 : index
      %get3A_358 = tpu.vector_load %arg8[%get3A_355, %get3A_356, %get3A_357] {strides = array<i32>} : memref<4x8x352xi32, #tpu.memory_space<vmem>>, vector<16xi32>,
      %and3A_359 = arith.andi %get3A_358, %broadcast_in_dim3A_64 : vector<16xi32>
      %gather3A_360 = tpu.vector_load_idx %arg7[%and3A_359] : memref<1024xf32, #tpu.memory_space<vmem>>[vector<16xi32>], vector<16xf32>,
      %add3A_361 = arith.addf %add3A_353, %gather3A_360 : vector<16xf32>
      %shift_right_arithmetic3A_362 = arith.constant 10 : i32
      %shift_right_arithmetic3A_363 = vector.broadcast %shift_right_arithmetic3A_362 : i32 to vector<16xi32>
      %shift_right_arithmetic3A_364 = arith.shrsi %get3A_358, %shift_right_arithmetic3A_363 : vector<16xi32>
      %and3A_365 = arith.andi %shift_right_arithmetic3A_364, %broadcast_in_dim3A_64 : vector<16xi32>
      %gather3A_366 = tpu.vector_load_idx %arg7[%and3A_365] : memref<1024xf32, #tpu.memory_space<vmem>>[vector<16xi32>], vector<16xf32>,
      %add3A_367 = arith.addf %add3A_361, %gather3A_366 : vector<16xf32>
      %shift_right_arithmetic3A_368 = arith.constant 20 : i32
      %shift_right_arithmetic3A_369 = vector.broadcast %shift_right_arithmetic3A_368 : i32 to vector<16xi32>
      %shift_right_arithmetic3A_370 = arith.shrsi %get3A_358, %shift_right_arithmetic3A_369 : vector<16xi32>
      %gather3A_371 = tpu.vector_load_idx %arg7[%shift_right_arithmetic3A_370] : memref<1024xf32, #tpu.memory_space<vmem>>[vector<16xi32>], vector<16xf32>,
      %add3A_372 = arith.addf %add3A_367, %gather3A_371 : vector<16xf32>
      %get3A_373 = arith.constant 0 : i32
      %get3A_374 = arith.index_cast %get3A_373 : i32 to index
      %get3A_375 = arith.index_cast %scan3A_163 : i32 to index
      %get3A_376 = arith.constant 176 : index
      %get3A_377 = tpu.vector_load %arg8[%get3A_374, %get3A_375, %get3A_376] {strides = array<i32>} : memref<4x8x352xi32, #tpu.memory_space<vmem>>, vector<16xi32>,
      %and3A_378 = arith.andi %get3A_377, %broadcast_in_dim3A_64 : vector<16xi32>
      %gather3A_379 = tpu.vector_load_idx %arg7[%and3A_378] : memref<1024xf32, #tpu.memory_space<vmem>>[vector<16xi32>], vector<16xf32>,
      %add3A_380 = arith.addf %add3A_372, %gather3A_379 : vector<16xf32>
      %shift_right_arithmetic3A_381 = arith.constant 10 : i32
      %shift_right_arithmetic3A_382 = vector.broadcast %shift_right_arithmetic3A_381 : i32 to vector<16xi32>
      %shift_right_arithmetic3A_383 = arith.shrsi %get3A_377, %shift_right_arithmetic3A_382 : vector<16xi32>
      %and3A_384 = arith.andi %shift_right_arithmetic3A_383, %broadcast_in_dim3A_64 : vector<16xi32>
      %gather3A_385 = tpu.vector_load_idx %arg7[%and3A_384] : memref<1024xf32, #tpu.memory_space<vmem>>[vector<16xi32>], vector<16xf32>,
      %add3A_386 = arith.addf %add3A_380, %gather3A_385 : vector<16xf32>
      %shift_right_arithmetic3A_387 = arith.constant 20 : i32
      %shift_right_arithmetic3A_388 = vector.broadcast %shift_right_arithmetic3A_387 : i32 to vector<16xi32>
      %shift_right_arithmetic3A_389 = arith.shrsi %get3A_377, %shift_right_arithmetic3A_388 : vector<16xi32>
      %gather3A_390 = tpu.vector_load_idx %arg7[%shift_right_arithmetic3A_389] : memref<1024xf32, #tpu.memory_space<vmem>>[vector<16xi32>], vector<16xf32>,
      %add3A_391 = arith.addf %add3A_386, %gather3A_390 : vector<16xf32>
      %get3A_392 = arith.constant 0 : i32
      %get3A_393 = arith.index_cast %get3A_392 : i32 to index
      %get3A_394 = arith.index_cast %scan3A_163 : i32 to index
      %get3A_395 = arith.constant 192 : index
      %get3A_396 = tpu.vector_load %arg8[%get3A_393, %get3A_394, %get3A_395] {strides = array<i32>} : memref<4x8x352xi32, #tpu.memory_space<vmem>>, vector<16xi32>,
      %and3A_397 = arith.andi %get3A_396, %broadcast_in_dim3A_64 : vector<16xi32>
      %gather3A_398 = tpu.vector_load_idx %arg7[%and3A_397] : memref<1024xf32, #tpu.memory_space<vmem>>[vector<16xi32>], vector<16xf32>,
      %add3A_399 = arith.addf %add3A_391, %gather3A_398 : vector<16xf32>
      %shift_right_arithmetic3A_400 = arith.constant 10 : i32
      %shift_right_arithmetic3A_401 = vector.broadcast %shift_right_arithmetic3A_400 : i32 to vector<16xi32>
      %shift_right_arithmetic3A_402 = arith.shrsi %get3A_396, %shift_right_arithmetic3A_401 : vector<16xi32>
      %and3A_403 = arith.andi %shift_right_arithmetic3A_402, %broadcast_in_dim3A_64 : vector<16xi32>
      %gather3A_404 = tpu.vector_load_idx %arg7[%and3A_403] : memref<1024xf32, #tpu.memory_space<vmem>>[vector<16xi32>], vector<16xf32>,
      %add3A_405 = arith.addf %add3A_399, %gather3A_404 : vector<16xf32>
      %shift_right_arithmetic3A_406 = arith.constant 20 : i32
      %shift_right_arithmetic3A_407 = vector.broadcast %shift_right_arithmetic3A_406 : i32 to vector<16xi32>
      %shift_right_arithmetic3A_408 = arith.shrsi %get3A_396, %shift_right_arithmetic3A_407 : vector<16xi32>
      %gather3A_409 = tpu.vector_load_idx %arg7[%shift_right_arithmetic3A_408] : memref<1024xf32, #tpu.memory_space<vmem>>[vector<16xi32>], vector<16xf32>,
      %add3A_410 = arith.addf %add3A_405, %gather3A_409 : vector<16xf32>
      %get3A_411 = arith.constant 0 : i32
      %get3A_412 = arith.index_cast %get3A_411 : i32 to index
      %get3A_413 = arith.index_cast %scan3A_163 : i32 to index
      %get3A_414 = arith.constant 208 : index
      %get3A_415 = tpu.vector_load %arg8[%get3A_412, %get3A_413, %get3A_414] {strides = array<i32>} : memref<4x8x352xi32, #tpu.memory_space<vmem>>, vector<16xi32>,
      %and3A_416 = arith.andi %get3A_415, %broadcast_in_dim3A_64 : vector<16xi32>
      %gather3A_417 = tpu.vector_load_idx %arg7[%and3A_416] : memref<1024xf32, #tpu.memory_space<vmem>>[vector<16xi32>], vector<16xf32>,
      %add3A_418 = arith.addf %add3A_410, %gather3A_417 : vector<16xf32>
      %shift_right_arithmetic3A_419 = arith.constant 10 : i32
      %shift_right_arithmetic3A_420 = vector.broadcast %shift_right_arithmetic3A_419 : i32 to vector<16xi32>
      %shift_right_arithmetic3A_421 = arith.shrsi %get3A_415, %shift_right_arithmetic3A_420 : vector<16xi32>
      %and3A_422 = arith.andi %shift_right_arithmetic3A_421, %broadcast_in_dim3A_64 : vector<16xi32>
      %gather3A_423 = tpu.vector_load_idx %arg7[%and3A_422] : memref<1024xf32, #tpu.memory_space<vmem>>[vector<16xi32>], vector<16xf32>,
      %add3A_424 = arith.addf %add3A_418, %gather3A_423 : vector<16xf32>
      %shift_right_arithmetic3A_425 = arith.constant 20 : i32
      %shift_right_arithmetic3A_426 = vector.broadcast %shift_right_arithmetic3A_425 : i32 to vector<16xi32>
      %shift_right_arithmetic3A_427 = arith.shrsi %get3A_415, %shift_right_arithmetic3A_426 : vector<16xi32>
      %gather3A_428 = tpu.vector_load_idx %arg7[%shift_right_arithmetic3A_427] : memref<1024xf32, #tpu.memory_space<vmem>>[vector<16xi32>], vector<16xf32>,
      %add3A_429 = arith.addf %add3A_424, %gather3A_428 : vector<16xf32>
      %get3A_430 = arith.constant 0 : i32
      %get3A_431 = arith.index_cast %get3A_430 : i32 to index
      %get3A_432 = arith.index_cast %scan3A_163 : i32 to index
      %get3A_433 = arith.constant 224 : index
      %get3A_434 = tpu.vector_load %arg8[%get3A_431, %get3A_432, %get3A_433] {strides = array<i32>} : memref<4x8x352xi32, #tpu.memory_space<vmem>>, vector<16xi32>,
      %and3A_435 = arith.andi %get3A_434, %broadcast_in_dim3A_64 : vector<16xi32>
      %gather3A_436 = tpu.vector_load_idx %arg7[%and3A_435] : memref<1024xf32, #tpu.memory_space<vmem>>[vector<16xi32>], vector<16xf32>,
      %add3A_437 = arith.addf %add3A_429, %gather3A_436 : vector<16xf32>
      %shift_right_arithmetic3A_438 = arith.constant 10 : i32
      %shift_right_arithmetic3A_439 = vector.broadcast %shift_right_arithmetic3A_438 : i32 to vector<16xi32>
      %shift_right_arithmetic3A_440 = arith.shrsi %get3A_434, %shift_right_arithmetic3A_439 : vector<16xi32>
      %and3A_441 = arith.andi %shift_right_arithmetic3A_440, %broadcast_in_dim3A_64 : vector<16xi32>
      %gather3A_442 = tpu.vector_load_idx %arg7[%and3A_441] : memref<1024xf32, #tpu.memory_space<vmem>>[vector<16xi32>], vector<16xf32>,
      %add3A_443 = arith.addf %add3A_437, %gather3A_442 : vector<16xf32>
      %shift_right_arithmetic3A_444 = arith.constant 20 : i32
      %shift_right_arithmetic3A_445 = vector.broadcast %shift_right_arithmetic3A_444 : i32 to vector<16xi32>
      %shift_right_arithmetic3A_446 = arith.shrsi %get3A_434, %shift_right_arithmetic3A_445 : vector<16xi32>
      %gather3A_447 = tpu.vector_load_idx %arg7[%shift_right_arithmetic3A_446] : memref<1024xf32, #tpu.memory_space<vmem>>[vector<16xi32>], vector<16xf32>,
      %add3A_448 = arith.addf %add3A_443, %gather3A_447 : vector<16xf32>
      %get3A_449 = arith.constant 0 : i32
      %get3A_450 = arith.index_cast %get3A_449 : i32 to index
      %get3A_451 = arith.index_cast %scan3A_163 : i32 to index
      %get3A_452 = arith.constant 240 : index
      %get3A_453 = tpu.vector_load %arg8[%get3A_450, %get3A_451, %get3A_452] {strides = array<i32>} : memref<4x8x352xi32, #tpu.memory_space<vmem>>, vector<16xi32>,
      %and3A_454 = arith.andi %get3A_453, %broadcast_in_dim3A_64 : vector<16xi32>
      %gather3A_455 = tpu.vector_load_idx %arg7[%and3A_454] : memref<1024xf32, #tpu.memory_space<vmem>>[vector<16xi32>], vector<16xf32>,
      %add3A_456 = arith.addf %add3A_448, %gather3A_455 : vector<16xf32>
      %shift_right_arithmetic3A_457 = arith.constant 10 : i32
      %shift_right_arithmetic3A_458 = vector.broadcast %shift_right_arithmetic3A_457 : i32 to vector<16xi32>
      %shift_right_arithmetic3A_459 = arith.shrsi %get3A_453, %shift_right_arithmetic3A_458 : vector<16xi32>
      %and3A_460 = arith.andi %shift_right_arithmetic3A_459, %broadcast_in_dim3A_64 : vector<16xi32>
      %gather3A_461 = tpu.vector_load_idx %arg7[%and3A_460] : memref<1024xf32, #tpu.memory_space<vmem>>[vector<16xi32>], vector<16xf32>,
      %add3A_462 = arith.addf %add3A_456, %gather3A_461 : vector<16xf32>
      %shift_right_arithmetic3A_463 = arith.constant 20 : i32
      %shift_right_arithmetic3A_464 = vector.broadcast %shift_right_arithmetic3A_463 : i32 to vector<16xi32>
      %shift_right_arithmetic3A_465 = arith.shrsi %get3A_453, %shift_right_arithmetic3A_464 : vector<16xi32>
      %gather3A_466 = tpu.vector_load_idx %arg7[%shift_right_arithmetic3A_465] : memref<1024xf32, #tpu.memory_space<vmem>>[vector<16xi32>], vector<16xf32>,
      %add3A_467 = arith.addf %add3A_462, %gather3A_466 : vector<16xf32>
      %get3A_468 = arith.constant 0 : i32
      %get3A_469 = arith.index_cast %get3A_468 : i32 to index
      %get3A_470 = arith.index_cast %scan3A_163 : i32 to index
      %get3A_471 = arith.constant 256 : index
      %get3A_472 = tpu.vector_load %arg8[%get3A_469, %get3A_470, %get3A_471] {strides = array<i32>} : memref<4x8x352xi32, #tpu.memory_space<vmem>>, vector<16xi32>,
      %and3A_473 = arith.andi %get3A_472, %broadcast_in_dim3A_64 : vector<16xi32>
      %gather3A_474 = tpu.vector_load_idx %arg7[%and3A_473] : memref<1024xf32, #tpu.memory_space<vmem>>[vector<16xi32>], vector<16xf32>,
      %add3A_475 = arith.addf %add3A_467, %gather3A_474 : vector<16xf32>
      %shift_right_arithmetic3A_476 = arith.constant 10 : i32
      %shift_right_arithmetic3A_477 = vector.broadcast %shift_right_arithmetic3A_476 : i32 to vector<16xi32>
      %shift_right_arithmetic3A_478 = arith.shrsi %get3A_472, %shift_right_arithmetic3A_477 : vector<16xi32>
      %and3A_479 = arith.andi %shift_right_arithmetic3A_478, %broadcast_in_dim3A_64 : vector<16xi32>
      %gather3A_480 = tpu.vector_load_idx %arg7[%and3A_479] : memref<1024xf32, #tpu.memory_space<vmem>>[vector<16xi32>], vector<16xf32>,
      %add3A_481 = arith.addf %add3A_475, %gather3A_480 : vector<16xf32>
      %shift_right_arithmetic3A_482 = arith.constant 20 : i32
      %shift_right_arithmetic3A_483 = vector.broadcast %shift_right_arithmetic3A_482 : i32 to vector<16xi32>
      %shift_right_arithmetic3A_484 = arith.shrsi %get3A_472, %shift_right_arithmetic3A_483 : vector<16xi32>
      %gather3A_485 = tpu.vector_load_idx %arg7[%shift_right_arithmetic3A_484] : memref<1024xf32, #tpu.memory_space<vmem>>[vector<16xi32>], vector<16xf32>,
      %add3A_486 = arith.addf %add3A_481, %gather3A_485 : vector<16xf32>
      %get3A_487 = arith.constant 0 : i32
      %get3A_488 = arith.index_cast %get3A_487 : i32 to index
      %get3A_489 = arith.index_cast %scan3A_163 : i32 to index
      %get3A_490 = arith.constant 272 : index
      %get3A_491 = tpu.vector_load %arg8[%get3A_488, %get3A_489, %get3A_490] {strides = array<i32>} : memref<4x8x352xi32, #tpu.memory_space<vmem>>, vector<16xi32>,
      %and3A_492 = arith.andi %get3A_491, %broadcast_in_dim3A_64 : vector<16xi32>
      %gather3A_493 = tpu.vector_load_idx %arg7[%and3A_492] : memref<1024xf32, #tpu.memory_space<vmem>>[vector<16xi32>], vector<16xf32>,
      %add3A_494 = arith.addf %add3A_486, %gather3A_493 : vector<16xf32>
      %shift_right_arithmetic3A_495 = arith.constant 10 : i32
      %shift_right_arithmetic3A_496 = vector.broadcast %shift_right_arithmetic3A_495 : i32 to vector<16xi32>
      %shift_right_arithmetic3A_497 = arith.shrsi %get3A_491, %shift_right_arithmetic3A_496 : vector<16xi32>
      %and3A_498 = arith.andi %shift_right_arithmetic3A_497, %broadcast_in_dim3A_64 : vector<16xi32>
      %gather3A_499 = tpu.vector_load_idx %arg7[%and3A_498] : memref<1024xf32, #tpu.memory_space<vmem>>[vector<16xi32>], vector<16xf32>,
      %add3A_500 = arith.addf %add3A_494, %gather3A_499 : vector<16xf32>
      %shift_right_arithmetic3A_501 = arith.constant 20 : i32
      %shift_right_arithmetic3A_502 = vector.broadcast %shift_right_arithmetic3A_501 : i32 to vector<16xi32>
      %shift_right_arithmetic3A_503 = arith.shrsi %get3A_491, %shift_right_arithmetic3A_502 : vector<16xi32>
      %gather3A_504 = tpu.vector_load_idx %arg7[%shift_right_arithmetic3A_503] : memref<1024xf32, #tpu.memory_space<vmem>>[vector<16xi32>], vector<16xf32>,
      %add3A_505 = arith.addf %add3A_500, %gather3A_504 : vector<16xf32>
      %get3A_506 = arith.constant 0 : i32
      %get3A_507 = arith.index_cast %get3A_506 : i32 to index
      %get3A_508 = arith.index_cast %scan3A_163 : i32 to index
      %get3A_509 = arith.constant 288 : index
      %get3A_510 = tpu.vector_load %arg8[%get3A_507, %get3A_508, %get3A_509] {strides = array<i32>} : memref<4x8x352xi32, #tpu.memory_space<vmem>>, vector<16xi32>,
      %and3A_511 = arith.andi %get3A_510, %broadcast_in_dim3A_64 : vector<16xi32>
      %gather3A_512 = tpu.vector_load_idx %arg7[%and3A_511] : memref<1024xf32, #tpu.memory_space<vmem>>[vector<16xi32>], vector<16xf32>,
      %add3A_513 = arith.addf %add3A_505, %gather3A_512 : vector<16xf32>
      %shift_right_arithmetic3A_514 = arith.constant 10 : i32
      %shift_right_arithmetic3A_515 = vector.broadcast %shift_right_arithmetic3A_514 : i32 to vector<16xi32>
      %shift_right_arithmetic3A_516 = arith.shrsi %get3A_510, %shift_right_arithmetic3A_515 : vector<16xi32>
      %and3A_517 = arith.andi %shift_right_arithmetic3A_516, %broadcast_in_dim3A_64 : vector<16xi32>
      %gather3A_518 = tpu.vector_load_idx %arg7[%and3A_517] : memref<1024xf32, #tpu.memory_space<vmem>>[vector<16xi32>], vector<16xf32>,
      %add3A_519 = arith.addf %add3A_513, %gather3A_518 : vector<16xf32>
      %shift_right_arithmetic3A_520 = arith.constant 20 : i32
      %shift_right_arithmetic3A_521 = vector.broadcast %shift_right_arithmetic3A_520 : i32 to vector<16xi32>
      %shift_right_arithmetic3A_522 = arith.shrsi %get3A_510, %shift_right_arithmetic3A_521 : vector<16xi32>
      %gather3A_523 = tpu.vector_load_idx %arg7[%shift_right_arithmetic3A_522] : memref<1024xf32, #tpu.memory_space<vmem>>[vector<16xi32>], vector<16xf32>,
      %add3A_524 = arith.addf %add3A_519, %gather3A_523 : vector<16xf32>
      %get3A_525 = arith.constant 0 : i32
      %get3A_526 = arith.index_cast %get3A_525 : i32 to index
      %get3A_527 = arith.index_cast %scan3A_163 : i32 to index
      %get3A_528 = arith.constant 304 : index
      %get3A_529 = tpu.vector_load %arg8[%get3A_526, %get3A_527, %get3A_528] {strides = array<i32>} : memref<4x8x352xi32, #tpu.memory_space<vmem>>, vector<16xi32>,
      %and3A_530 = arith.andi %get3A_529, %broadcast_in_dim3A_64 : vector<16xi32>
      %gather3A_531 = tpu.vector_load_idx %arg7[%and3A_530] : memref<1024xf32, #tpu.memory_space<vmem>>[vector<16xi32>], vector<16xf32>,
      %add3A_532 = arith.addf %add3A_524, %gather3A_531 : vector<16xf32>
      %shift_right_arithmetic3A_533 = arith.constant 10 : i32
      %shift_right_arithmetic3A_534 = vector.broadcast %shift_right_arithmetic3A_533 : i32 to vector<16xi32>
      %shift_right_arithmetic3A_535 = arith.shrsi %get3A_529, %shift_right_arithmetic3A_534 : vector<16xi32>
      %and3A_536 = arith.andi %shift_right_arithmetic3A_535, %broadcast_in_dim3A_64 : vector<16xi32>
      %gather3A_537 = tpu.vector_load_idx %arg7[%and3A_536] : memref<1024xf32, #tpu.memory_space<vmem>>[vector<16xi32>], vector<16xf32>,
      %add3A_538 = arith.addf %add3A_532, %gather3A_537 : vector<16xf32>
      %shift_right_arithmetic3A_539 = arith.constant 20 : i32
      %shift_right_arithmetic3A_540 = vector.broadcast %shift_right_arithmetic3A_539 : i32 to vector<16xi32>
      %shift_right_arithmetic3A_541 = arith.shrsi %get3A_529, %shift_right_arithmetic3A_540 : vector<16xi32>
      %gather3A_542 = tpu.vector_load_idx %arg7[%shift_right_arithmetic3A_541] : memref<1024xf32, #tpu.memory_space<vmem>>[vector<16xi32>], vector<16xf32>,
      %add3A_543 = arith.addf %add3A_538, %gather3A_542 : vector<16xf32>
      %get3A_544 = arith.constant 0 : i32
      %get3A_545 = arith.index_cast %get3A_544 : i32 to index
      %get3A_546 = arith.index_cast %scan3A_163 : i32 to index
      %get3A_547 = arith.constant 320 : index
      %get3A_548 = tpu.vector_load %arg8[%get3A_545, %get3A_546, %get3A_547] {strides = array<i32>} : memref<4x8x352xi32, #tpu.memory_space<vmem>>, vector<16xi32>,
      %and3A_549 = arith.andi %get3A_548, %broadcast_in_dim3A_64 : vector<16xi32>
      %gather3A_550 = tpu.vector_load_idx %arg7[%and3A_549] : memref<1024xf32, #tpu.memory_space<vmem>>[vector<16xi32>], vector<16xf32>,
      %add3A_551 = arith.addf %add3A_543, %gather3A_550 : vector<16xf32>
      %shift_right_arithmetic3A_552 = arith.constant 10 : i32
      %shift_right_arithmetic3A_553 = vector.broadcast %shift_right_arithmetic3A_552 : i32 to vector<16xi32>
      %shift_right_arithmetic3A_554 = arith.shrsi %get3A_548, %shift_right_arithmetic3A_553 : vector<16xi32>
      %and3A_555 = arith.andi %shift_right_arithmetic3A_554, %broadcast_in_dim3A_64 : vector<16xi32>
      %gather3A_556 = tpu.vector_load_idx %arg7[%and3A_555] : memref<1024xf32, #tpu.memory_space<vmem>>[vector<16xi32>], vector<16xf32>,
      %add3A_557 = arith.addf %add3A_551, %gather3A_556 : vector<16xf32>
      %shift_right_arithmetic3A_558 = arith.constant 20 : i32
      %shift_right_arithmetic3A_559 = vector.broadcast %shift_right_arithmetic3A_558 : i32 to vector<16xi32>
      %shift_right_arithmetic3A_560 = arith.shrsi %get3A_548, %shift_right_arithmetic3A_559 : vector<16xi32>
      %gather3A_561 = tpu.vector_load_idx %arg7[%shift_right_arithmetic3A_560] : memref<1024xf32, #tpu.memory_space<vmem>>[vector<16xi32>], vector<16xf32>,
      %add3A_562 = arith.addf %add3A_557, %gather3A_561 : vector<16xf32>
      %get3A_563 = arith.constant 0 : i32
      %get3A_564 = arith.index_cast %get3A_563 : i32 to index
      %get3A_565 = arith.index_cast %scan3A_163 : i32 to index
      %get3A_566 = arith.constant 336 : index
      %get3A_567 = tpu.vector_load %arg8[%get3A_564, %get3A_565, %get3A_566] {strides = array<i32>} : memref<4x8x352xi32, #tpu.memory_space<vmem>>, vector<16xi32>,
      %and3A_568 = arith.andi %get3A_567, %broadcast_in_dim3A_64 : vector<16xi32>
      %gather3A_569 = tpu.vector_load_idx %arg7[%and3A_568] : memref<1024xf32, #tpu.memory_space<vmem>>[vector<16xi32>], vector<16xf32>,
      %add3A_570 = arith.addf %add3A_562, %gather3A_569 : vector<16xf32>
      %shift_right_arithmetic3A_571 = arith.constant 10 : i32
      %shift_right_arithmetic3A_572 = vector.broadcast %shift_right_arithmetic3A_571 : i32 to vector<16xi32>
      %shift_right_arithmetic3A_573 = arith.shrsi %get3A_567, %shift_right_arithmetic3A_572 : vector<16xi32>
      %and3A_574 = arith.andi %shift_right_arithmetic3A_573, %broadcast_in_dim3A_64 : vector<16xi32>
      %gather3A_575 = tpu.vector_load_idx %arg7[%and3A_574] : memref<1024xf32, #tpu.memory_space<vmem>>[vector<16xi32>], vector<16xf32>,
      %add3A_576 = arith.addf %add3A_570, %gather3A_575 : vector<16xf32>
      %shift_right_arithmetic3A_577 = arith.constant 20 : i32
      %shift_right_arithmetic3A_578 = vector.broadcast %shift_right_arithmetic3A_577 : i32 to vector<16xi32>
      %shift_right_arithmetic3A_579 = arith.shrsi %get3A_567, %shift_right_arithmetic3A_578 : vector<16xi32>
      %gather3A_580 = tpu.vector_load_idx %arg7[%shift_right_arithmetic3A_579] : memref<1024xf32, #tpu.memory_space<vmem>>[vector<16xi32>], vector<16xf32>,
      %add3A_581 = arith.addf %add3A_576, %gather3A_580 : vector<16xf32>
      %reduce_sum3A = arith.constant true
      %reduce_sum3A_582 = vector.broadcast %reduce_sum3A : i1 to vector<16xi1>
      %reduce_sum3A_583 = tpu.scan <sum>, %add3A_581 masked %reduce_sum3A_582 : vector<16xf32>, vector<16xi1> -> vector<16xf32>
      %reduce_sum3A_584 = vector.extract %reduce_sum3A_583[15] : f32 from vector<16xf32>
      %mul3A_585 = arith.constant 1.46484381E-4 : f32
      %mul3A_586 = arith.mulf %mul3A_585, %reduce_sum3A_584 : f32
      %add3A_587 = arith.constant 0 : i32
      %add3A_588 = arith.addi %add3A_587, %scan3A_163 : i32
      %eq3A = vector.broadcast %add3A_588 : i32 to vector<16xi32>
      %eq3A_589 = arith.cmpi eq, %iota3A, %eq3A : vector<16xi32>
      %broadcast_in_dim3A_590 = vector.broadcast %mul3A_586 : f32 to vector<16xf32>
      %select_n3A = arith.select %eq3A_589, %broadcast_in_dim3A_590, %scan3A_164 : vector<16xi1>, vector<16xf32>
      scf.yield %select_n3A : vector<16xf32>
    }
    %scan3A_93 = arith.constant 8 : i32
    %dma_wait3A_94 = arith.constant 1 : i32
    %dma_wait3A_95 = arith.constant 0 : i32
    %dma_wait3A_96 = arith.constant 0 : i32
    %dma_wait3A_97 = tpu.memref_slice %arg8[%dma_wait3A_94, %dma_wait3A_95, %dma_wait3A_96] : memref<4x8x352xi32, #tpu.memory_space<vmem>> -> memref<1x8x352xi32, #tpu.memory_space<vmem>>
    %dma_wait3A_98 = tpu.memref_squeeze %dma_wait3A_97 : memref<1x8x352xi32, #tpu.memory_space<vmem>> -> memref<8x352xi32, #tpu.memory_space<vmem>>
    %dma_wait3A_99 = arith.constant 0 : i32
    %dma_wait3A_100 = tpu.memref_slice %arg3[%add3A_20, %dma_wait3A_99] : memref<1024x352xi32, #tpu.memory_space<hbm>> -> memref<8x352xi32, #tpu.memory_space<hbm>>
    %dma_wait3A_101 = arith.constant 0 : i32
    %dma_wait3A_102 = arith.constant 0 : i32
    %dma_wait3A_103 = tpu.memref_slice %arg8[%dma_wait3A_94, %dma_wait3A_101, %dma_wait3A_102] : memref<4x8x352xi32, #tpu.memory_space<vmem>> -> memref<1x8x352xi32, #tpu.memory_space<vmem>>
    %dma_wait3A_104 = tpu.memref_squeeze %dma_wait3A_103 : memref<1x8x352xi32, #tpu.memory_space<vmem>> -> memref<8x352xi32, #tpu.memory_space<vmem>>
    %dma_wait3A_105 = arith.constant 0 : i32
    %dma_wait3A_106 = tpu.memref_slice %arg3[%add3A_20, %dma_wait3A_105] : memref<1024x352xi32, #tpu.memory_space<hbm>> -> memref<8x352xi32, #tpu.memory_space<hbm>>
    tpu.wait_dma2 semaphore(%arg12 : memref<!tpu.dma_semaphore, #tpu.memory_space<semaphore_mem>>) src(%dma_wait3A_106 : memref<8x352xi32, #tpu.memory_space<hbm>>) dst(%dma_wait3A_104 : memref<8x352xi32, #tpu.memory_space<vmem>>)
    %scan3A_107 = arith.constant 0 : i32
    %scan3A_108 = arith.constant 8 : i32
    %scan3A_109 = arith.addi %scan3A_107, %scan3A_108 : i32
    %scan3A_110 = arith.constant 1 : i32
    %scan3A_111 = scf.for %scan3A_163 = %scan3A_107 to %scan3A_109 step %scan3A_110 iter_args(%scan3A_164 = %scan3A_92) -> (vector<16xf32>)  : i32 {
      %broadcast_in_dim3A_165 = arith.constant 0.000000e+00 : f32
      %broadcast_in_dim3A_166 = vector.broadcast %broadcast_in_dim3A_165 : f32 to vector<16xf32>
      %get3A_167 = arith.constant 1 : i32
      %get3A_168 = arith.index_cast %get3A_167 : i32 to index
      %get3A_169 = arith.index_cast %scan3A_163 : i32 to index
      %get3A_170 = arith.constant 0 : index
      %get3A_171 = tpu.vector_load %arg8[%get3A_168, %get3A_169, %get3A_170] {strides = array<i32>} : memref<4x8x352xi32, #tpu.memory_space<vmem>>, vector<16xi32>,
      %and3A = arith.andi %get3A_171, %broadcast_in_dim3A_64 : vector<16xi32>
      %gather3A = tpu.vector_load_idx %arg7[%and3A] : memref<1024xf32, #tpu.memory_space<vmem>>[vector<16xi32>], vector<16xf32>,
      %add3A_172 = arith.addf %broadcast_in_dim3A_166, %gather3A : vector<16xf32>
      %shift_right_arithmetic3A = arith.constant 10 : i32
      %shift_right_arithmetic3A_173 = vector.broadcast %shift_right_arithmetic3A : i32 to vector<16xi32>
      %shift_right_arithmetic3A_174 = arith.shrsi %get3A_171, %shift_right_arithmetic3A_173 : vector<16xi32>
      %and3A_175 = arith.andi %shift_right_arithmetic3A_174, %broadcast_in_dim3A_64 : vector<16xi32>
      %gather3A_176 = tpu.vector_load_idx %arg7[%and3A_175] : memref<1024xf32, #tpu.memory_space<vmem>>[vector<16xi32>], vector<16xf32>,
      %add3A_177 = arith.addf %add3A_172, %gather3A_176 : vector<16xf32>
      %shift_right_arithmetic3A_178 = arith.constant 20 : i32
      %shift_right_arithmetic3A_179 = vector.broadcast %shift_right_arithmetic3A_178 : i32 to vector<16xi32>
      %shift_right_arithmetic3A_180 = arith.shrsi %get3A_171, %shift_right_arithmetic3A_179 : vector<16xi32>
      %gather3A_181 = tpu.vector_load_idx %arg7[%shift_right_arithmetic3A_180] : memref<1024xf32, #tpu.memory_space<vmem>>[vector<16xi32>], vector<16xf32>,
      %add3A_182 = arith.addf %add3A_177, %gather3A_181 : vector<16xf32>
      %get3A_183 = arith.constant 1 : i32
      %get3A_184 = arith.index_cast %get3A_183 : i32 to index
      %get3A_185 = arith.index_cast %scan3A_163 : i32 to index
      %get3A_186 = arith.constant 16 : index
      %get3A_187 = tpu.vector_load %arg8[%get3A_184, %get3A_185, %get3A_186] {strides = array<i32>} : memref<4x8x352xi32, #tpu.memory_space<vmem>>, vector<16xi32>,
      %and3A_188 = arith.andi %get3A_187, %broadcast_in_dim3A_64 : vector<16xi32>
      %gather3A_189 = tpu.vector_load_idx %arg7[%and3A_188] : memref<1024xf32, #tpu.memory_space<vmem>>[vector<16xi32>], vector<16xf32>,
      %add3A_190 = arith.addf %add3A_182, %gather3A_189 : vector<16xf32>
      %shift_right_arithmetic3A_191 = arith.constant 10 : i32
      %shift_right_arithmetic3A_192 = vector.broadcast %shift_right_arithmetic3A_191 : i32 to vector<16xi32>
      %shift_right_arithmetic3A_193 = arith.shrsi %get3A_187, %shift_right_arithmetic3A_192 : vector<16xi32>
      %and3A_194 = arith.andi %shift_right_arithmetic3A_193, %broadcast_in_dim3A_64 : vector<16xi32>
      %gather3A_195 = tpu.vector_load_idx %arg7[%and3A_194] : memref<1024xf32, #tpu.memory_space<vmem>>[vector<16xi32>], vector<16xf32>,
      %add3A_196 = arith.addf %add3A_190, %gather3A_195 : vector<16xf32>
      %shift_right_arithmetic3A_197 = arith.constant 20 : i32
      %shift_right_arithmetic3A_198 = vector.broadcast %shift_right_arithmetic3A_197 : i32 to vector<16xi32>
      %shift_right_arithmetic3A_199 = arith.shrsi %get3A_187, %shift_right_arithmetic3A_198 : vector<16xi32>
      %gather3A_200 = tpu.vector_load_idx %arg7[%shift_right_arithmetic3A_199] : memref<1024xf32, #tpu.memory_space<vmem>>[vector<16xi32>], vector<16xf32>,
      %add3A_201 = arith.addf %add3A_196, %gather3A_200 : vector<16xf32>
      %get3A_202 = arith.constant 1 : i32
      %get3A_203 = arith.index_cast %get3A_202 : i32 to index
      %get3A_204 = arith.index_cast %scan3A_163 : i32 to index
      %get3A_205 = arith.constant 32 : index
      %get3A_206 = tpu.vector_load %arg8[%get3A_203, %get3A_204, %get3A_205] {strides = array<i32>} : memref<4x8x352xi32, #tpu.memory_space<vmem>>, vector<16xi32>,
      %and3A_207 = arith.andi %get3A_206, %broadcast_in_dim3A_64 : vector<16xi32>
      %gather3A_208 = tpu.vector_load_idx %arg7[%and3A_207] : memref<1024xf32, #tpu.memory_space<vmem>>[vector<16xi32>], vector<16xf32>,
      %add3A_209 = arith.addf %add3A_201, %gather3A_208 : vector<16xf32>
      %shift_right_arithmetic3A_210 = arith.constant 10 : i32
      %shift_right_arithmetic3A_211 = vector.broadcast %shift_right_arithmetic3A_210 : i32 to vector<16xi32>
      %shift_right_arithmetic3A_212 = arith.shrsi %get3A_206, %shift_right_arithmetic3A_211 : vector<16xi32>
      %and3A_213 = arith.andi %shift_right_arithmetic3A_212, %broadcast_in_dim3A_64 : vector<16xi32>
      %gather3A_214 = tpu.vector_load_idx %arg7[%and3A_213] : memref<1024xf32, #tpu.memory_space<vmem>>[vector<16xi32>], vector<16xf32>,
      %add3A_215 = arith.addf %add3A_209, %gather3A_214 : vector<16xf32>
      %shift_right_arithmetic3A_216 = arith.constant 20 : i32
      %shift_right_arithmetic3A_217 = vector.broadcast %shift_right_arithmetic3A_216 : i32 to vector<16xi32>
      %shift_right_arithmetic3A_218 = arith.shrsi %get3A_206, %shift_right_arithmetic3A_217 : vector<16xi32>
      %gather3A_219 = tpu.vector_load_idx %arg7[%shift_right_arithmetic3A_218] : memref<1024xf32, #tpu.memory_space<vmem>>[vector<16xi32>], vector<16xf32>,
      %add3A_220 = arith.addf %add3A_215, %gather3A_219 : vector<16xf32>
      %get3A_221 = arith.constant 1 : i32
      %get3A_222 = arith.index_cast %get3A_221 : i32 to index
      %get3A_223 = arith.index_cast %scan3A_163 : i32 to index
      %get3A_224 = arith.constant 48 : index
      %get3A_225 = tpu.vector_load %arg8[%get3A_222, %get3A_223, %get3A_224] {strides = array<i32>} : memref<4x8x352xi32, #tpu.memory_space<vmem>>, vector<16xi32>,
      %and3A_226 = arith.andi %get3A_225, %broadcast_in_dim3A_64 : vector<16xi32>
      %gather3A_227 = tpu.vector_load_idx %arg7[%and3A_226] : memref<1024xf32, #tpu.memory_space<vmem>>[vector<16xi32>], vector<16xf32>,
      %add3A_228 = arith.addf %add3A_220, %gather3A_227 : vector<16xf32>
      %shift_right_arithmetic3A_229 = arith.constant 10 : i32
      %shift_right_arithmetic3A_230 = vector.broadcast %shift_right_arithmetic3A_229 : i32 to vector<16xi32>
      %shift_right_arithmetic3A_231 = arith.shrsi %get3A_225, %shift_right_arithmetic3A_230 : vector<16xi32>
      %and3A_232 = arith.andi %shift_right_arithmetic3A_231, %broadcast_in_dim3A_64 : vector<16xi32>
      %gather3A_233 = tpu.vector_load_idx %arg7[%and3A_232] : memref<1024xf32, #tpu.memory_space<vmem>>[vector<16xi32>], vector<16xf32>,
      %add3A_234 = arith.addf %add3A_228, %gather3A_233 : vector<16xf32>
      %shift_right_arithmetic3A_235 = arith.constant 20 : i32
      %shift_right_arithmetic3A_236 = vector.broadcast %shift_right_arithmetic3A_235 : i32 to vector<16xi32>
      %shift_right_arithmetic3A_237 = arith.shrsi %get3A_225, %shift_right_arithmetic3A_236 : vector<16xi32>
      %gather3A_238 = tpu.vector_load_idx %arg7[%shift_right_arithmetic3A_237] : memref<1024xf32, #tpu.memory_space<vmem>>[vector<16xi32>], vector<16xf32>,
      %add3A_239 = arith.addf %add3A_234, %gather3A_238 : vector<16xf32>
      %get3A_240 = arith.constant 1 : i32
      %get3A_241 = arith.index_cast %get3A_240 : i32 to index
      %get3A_242 = arith.index_cast %scan3A_163 : i32 to index
      %get3A_243 = arith.constant 64 : index
      %get3A_244 = tpu.vector_load %arg8[%get3A_241, %get3A_242, %get3A_243] {strides = array<i32>} : memref<4x8x352xi32, #tpu.memory_space<vmem>>, vector<16xi32>,
      %and3A_245 = arith.andi %get3A_244, %broadcast_in_dim3A_64 : vector<16xi32>
      %gather3A_246 = tpu.vector_load_idx %arg7[%and3A_245] : memref<1024xf32, #tpu.memory_space<vmem>>[vector<16xi32>], vector<16xf32>,
      %add3A_247 = arith.addf %add3A_239, %gather3A_246 : vector<16xf32>
      %shift_right_arithmetic3A_248 = arith.constant 10 : i32
      %shift_right_arithmetic3A_249 = vector.broadcast %shift_right_arithmetic3A_248 : i32 to vector<16xi32>
      %shift_right_arithmetic3A_250 = arith.shrsi %get3A_244, %shift_right_arithmetic3A_249 : vector<16xi32>
      %and3A_251 = arith.andi %shift_right_arithmetic3A_250, %broadcast_in_dim3A_64 : vector<16xi32>
      %gather3A_252 = tpu.vector_load_idx %arg7[%and3A_251] : memref<1024xf32, #tpu.memory_space<vmem>>[vector<16xi32>], vector<16xf32>,
      %add3A_253 = arith.addf %add3A_247, %gather3A_252 : vector<16xf32>
      %shift_right_arithmetic3A_254 = arith.constant 20 : i32
      %shift_right_arithmetic3A_255 = vector.broadcast %shift_right_arithmetic3A_254 : i32 to vector<16xi32>
      %shift_right_arithmetic3A_256 = arith.shrsi %get3A_244, %shift_right_arithmetic3A_255 : vector<16xi32>
      %gather3A_257 = tpu.vector_load_idx %arg7[%shift_right_arithmetic3A_256] : memref<1024xf32, #tpu.memory_space<vmem>>[vector<16xi32>], vector<16xf32>,
      %add3A_258 = arith.addf %add3A_253, %gather3A_257 : vector<16xf32>
      %get3A_259 = arith.constant 1 : i32
      %get3A_260 = arith.index_cast %get3A_259 : i32 to index
      %get3A_261 = arith.index_cast %scan3A_163 : i32 to index
      %get3A_262 = arith.constant 80 : index
      %get3A_263 = tpu.vector_load %arg8[%get3A_260, %get3A_261, %get3A_262] {strides = array<i32>} : memref<4x8x352xi32, #tpu.memory_space<vmem>>, vector<16xi32>,
      %and3A_264 = arith.andi %get3A_263, %broadcast_in_dim3A_64 : vector<16xi32>
      %gather3A_265 = tpu.vector_load_idx %arg7[%and3A_264] : memref<1024xf32, #tpu.memory_space<vmem>>[vector<16xi32>], vector<16xf32>,
      %add3A_266 = arith.addf %add3A_258, %gather3A_265 : vector<16xf32>
      %shift_right_arithmetic3A_267 = arith.constant 10 : i32
      %shift_right_arithmetic3A_268 = vector.broadcast %shift_right_arithmetic3A_267 : i32 to vector<16xi32>
      %shift_right_arithmetic3A_269 = arith.shrsi %get3A_263, %shift_right_arithmetic3A_268 : vector<16xi32>
      %and3A_270 = arith.andi %shift_right_arithmetic3A_269, %broadcast_in_dim3A_64 : vector<16xi32>
      %gather3A_271 = tpu.vector_load_idx %arg7[%and3A_270] : memref<1024xf32, #tpu.memory_space<vmem>>[vector<16xi32>], vector<16xf32>,
      %add3A_272 = arith.addf %add3A_266, %gather3A_271 : vector<16xf32>
      %shift_right_arithmetic3A_273 = arith.constant 20 : i32
      %shift_right_arithmetic3A_274 = vector.broadcast %shift_right_arithmetic3A_273 : i32 to vector<16xi32>
      %shift_right_arithmetic3A_275 = arith.shrsi %get3A_263, %shift_right_arithmetic3A_274 : vector<16xi32>
      %gather3A_276 = tpu.vector_load_idx %arg7[%shift_right_arithmetic3A_275] : memref<1024xf32, #tpu.memory_space<vmem>>[vector<16xi32>], vector<16xf32>,
      %add3A_277 = arith.addf %add3A_272, %gather3A_276 : vector<16xf32>
      %get3A_278 = arith.constant 1 : i32
      %get3A_279 = arith.index_cast %get3A_278 : i32 to index
      %get3A_280 = arith.index_cast %scan3A_163 : i32 to index
      %get3A_281 = arith.constant 96 : index
      %get3A_282 = tpu.vector_load %arg8[%get3A_279, %get3A_280, %get3A_281] {strides = array<i32>} : memref<4x8x352xi32, #tpu.memory_space<vmem>>, vector<16xi32>,
      %and3A_283 = arith.andi %get3A_282, %broadcast_in_dim3A_64 : vector<16xi32>
      %gather3A_284 = tpu.vector_load_idx %arg7[%and3A_283] : memref<1024xf32, #tpu.memory_space<vmem>>[vector<16xi32>], vector<16xf32>,
      %add3A_285 = arith.addf %add3A_277, %gather3A_284 : vector<16xf32>
      %shift_right_arithmetic3A_286 = arith.constant 10 : i32
      %shift_right_arithmetic3A_287 = vector.broadcast %shift_right_arithmetic3A_286 : i32 to vector<16xi32>
      %shift_right_arithmetic3A_288 = arith.shrsi %get3A_282, %shift_right_arithmetic3A_287 : vector<16xi32>
      %and3A_289 = arith.andi %shift_right_arithmetic3A_288, %broadcast_in_dim3A_64 : vector<16xi32>
      %gather3A_290 = tpu.vector_load_idx %arg7[%and3A_289] : memref<1024xf32, #tpu.memory_space<vmem>>[vector<16xi32>], vector<16xf32>,
      %add3A_291 = arith.addf %add3A_285, %gather3A_290 : vector<16xf32>
      %shift_right_arithmetic3A_292 = arith.constant 20 : i32
      %shift_right_arithmetic3A_293 = vector.broadcast %shift_right_arithmetic3A_292 : i32 to vector<16xi32>
      %shift_right_arithmetic3A_294 = arith.shrsi %get3A_282, %shift_right_arithmetic3A_293 : vector<16xi32>
      %gather3A_295 = tpu.vector_load_idx %arg7[%shift_right_arithmetic3A_294] : memref<1024xf32, #tpu.memory_space<vmem>>[vector<16xi32>], vector<16xf32>,
      %add3A_296 = arith.addf %add3A_291, %gather3A_295 : vector<16xf32>
      %get3A_297 = arith.constant 1 : i32
      %get3A_298 = arith.index_cast %get3A_297 : i32 to index
      %get3A_299 = arith.index_cast %scan3A_163 : i32 to index
      %get3A_300 = arith.constant 112 : index
      %get3A_301 = tpu.vector_load %arg8[%get3A_298, %get3A_299, %get3A_300] {strides = array<i32>} : memref<4x8x352xi32, #tpu.memory_space<vmem>>, vector<16xi32>,
      %and3A_302 = arith.andi %get3A_301, %broadcast_in_dim3A_64 : vector<16xi32>
      %gather3A_303 = tpu.vector_load_idx %arg7[%and3A_302] : memref<1024xf32, #tpu.memory_space<vmem>>[vector<16xi32>], vector<16xf32>,
      %add3A_304 = arith.addf %add3A_296, %gather3A_303 : vector<16xf32>
      %shift_right_arithmetic3A_305 = arith.constant 10 : i32
      %shift_right_arithmetic3A_306 = vector.broadcast %shift_right_arithmetic3A_305 : i32 to vector<16xi32>
      %shift_right_arithmetic3A_307 = arith.shrsi %get3A_301, %shift_right_arithmetic3A_306 : vector<16xi32>
      %and3A_308 = arith.andi %shift_right_arithmetic3A_307, %broadcast_in_dim3A_64 : vector<16xi32>
      %gather3A_309 = tpu.vector_load_idx %arg7[%and3A_308] : memref<1024xf32, #tpu.memory_space<vmem>>[vector<16xi32>], vector<16xf32>,
      %add3A_310 = arith.addf %add3A_304, %gather3A_309 : vector<16xf32>
      %shift_right_arithmetic3A_311 = arith.constant 20 : i32
      %shift_right_arithmetic3A_312 = vector.broadcast %shift_right_arithmetic3A_311 : i32 to vector<16xi32>
      %shift_right_arithmetic3A_313 = arith.shrsi %get3A_301, %shift_right_arithmetic3A_312 : vector<16xi32>
      %gather3A_314 = tpu.vector_load_idx %arg7[%shift_right_arithmetic3A_313] : memref<1024xf32, #tpu.memory_space<vmem>>[vector<16xi32>], vector<16xf32>,
      %add3A_315 = arith.addf %add3A_310, %gather3A_314 : vector<16xf32>
      %get3A_316 = arith.constant 1 : i32
      %get3A_317 = arith.index_cast %get3A_316 : i32 to index
      %get3A_318 = arith.index_cast %scan3A_163 : i32 to index
      %get3A_319 = arith.constant 128 : index
      %get3A_320 = tpu.vector_load %arg8[%get3A_317, %get3A_318, %get3A_319] {strides = array<i32>} : memref<4x8x352xi32, #tpu.memory_space<vmem>>, vector<16xi32>,
      %and3A_321 = arith.andi %get3A_320, %broadcast_in_dim3A_64 : vector<16xi32>
      %gather3A_322 = tpu.vector_load_idx %arg7[%and3A_321] : memref<1024xf32, #tpu.memory_space<vmem>>[vector<16xi32>], vector<16xf32>,
      %add3A_323 = arith.addf %add3A_315, %gather3A_322 : vector<16xf32>
      %shift_right_arithmetic3A_324 = arith.constant 10 : i32
      %shift_right_arithmetic3A_325 = vector.broadcast %shift_right_arithmetic3A_324 : i32 to vector<16xi32>
      %shift_right_arithmetic3A_326 = arith.shrsi %get3A_320, %shift_right_arithmetic3A_325 : vector<16xi32>
      %and3A_327 = arith.andi %shift_right_arithmetic3A_326, %broadcast_in_dim3A_64 : vector<16xi32>
      %gather3A_328 = tpu.vector_load_idx %arg7[%and3A_327] : memref<1024xf32, #tpu.memory_space<vmem>>[vector<16xi32>], vector<16xf32>,
      %add3A_329 = arith.addf %add3A_323, %gather3A_328 : vector<16xf32>
      %shift_right_arithmetic3A_330 = arith.constant 20 : i32
      %shift_right_arithmetic3A_331 = vector.broadcast %shift_right_arithmetic3A_330 : i32 to vector<16xi32>
      %shift_right_arithmetic3A_332 = arith.shrsi %get3A_320, %shift_right_arithmetic3A_331 : vector<16xi32>
      %gather3A_333 = tpu.vector_load_idx %arg7[%shift_right_arithmetic3A_332] : memref<1024xf32, #tpu.memory_space<vmem>>[vector<16xi32>], vector<16xf32>,
      %add3A_334 = arith.addf %add3A_329, %gather3A_333 : vector<16xf32>
      %get3A_335 = arith.constant 1 : i32
      %get3A_336 = arith.index_cast %get3A_335 : i32 to index
      %get3A_337 = arith.index_cast %scan3A_163 : i32 to index
      %get3A_338 = arith.constant 144 : index
      %get3A_339 = tpu.vector_load %arg8[%get3A_336, %get3A_337, %get3A_338] {strides = array<i32>} : memref<4x8x352xi32, #tpu.memory_space<vmem>>, vector<16xi32>,
      %and3A_340 = arith.andi %get3A_339, %broadcast_in_dim3A_64 : vector<16xi32>
      %gather3A_341 = tpu.vector_load_idx %arg7[%and3A_340] : memref<1024xf32, #tpu.memory_space<vmem>>[vector<16xi32>], vector<16xf32>,
      %add3A_342 = arith.addf %add3A_334, %gather3A_341 : vector<16xf32>
      %shift_right_arithmetic3A_343 = arith.constant 10 : i32
      %shift_right_arithmetic3A_344 = vector.broadcast %shift_right_arithmetic3A_343 : i32 to vector<16xi32>
      %shift_right_arithmetic3A_345 = arith.shrsi %get3A_339, %shift_right_arithmetic3A_344 : vector<16xi32>
      %and3A_346 = arith.andi %shift_right_arithmetic3A_345, %broadcast_in_dim3A_64 : vector<16xi32>
      %gather3A_347 = tpu.vector_load_idx %arg7[%and3A_346] : memref<1024xf32, #tpu.memory_space<vmem>>[vector<16xi32>], vector<16xf32>,
      %add3A_348 = arith.addf %add3A_342, %gather3A_347 : vector<16xf32>
      %shift_right_arithmetic3A_349 = arith.constant 20 : i32
      %shift_right_arithmetic3A_350 = vector.broadcast %shift_right_arithmetic3A_349 : i32 to vector<16xi32>
      %shift_right_arithmetic3A_351 = arith.shrsi %get3A_339, %shift_right_arithmetic3A_350 : vector<16xi32>
      %gather3A_352 = tpu.vector_load_idx %arg7[%shift_right_arithmetic3A_351] : memref<1024xf32, #tpu.memory_space<vmem>>[vector<16xi32>], vector<16xf32>,
      %add3A_353 = arith.addf %add3A_348, %gather3A_352 : vector<16xf32>
      %get3A_354 = arith.constant 1 : i32
      %get3A_355 = arith.index_cast %get3A_354 : i32 to index
      %get3A_356 = arith.index_cast %scan3A_163 : i32 to index
      %get3A_357 = arith.constant 160 : index
      %get3A_358 = tpu.vector_load %arg8[%get3A_355, %get3A_356, %get3A_357] {strides = array<i32>} : memref<4x8x352xi32, #tpu.memory_space<vmem>>, vector<16xi32>,
      %and3A_359 = arith.andi %get3A_358, %broadcast_in_dim3A_64 : vector<16xi32>
      %gather3A_360 = tpu.vector_load_idx %arg7[%and3A_359] : memref<1024xf32, #tpu.memory_space<vmem>>[vector<16xi32>], vector<16xf32>,
      %add3A_361 = arith.addf %add3A_353, %gather3A_360 : vector<16xf32>
      %shift_right_arithmetic3A_362 = arith.constant 10 : i32
      %shift_right_arithmetic3A_363 = vector.broadcast %shift_right_arithmetic3A_362 : i32 to vector<16xi32>
      %shift_right_arithmetic3A_364 = arith.shrsi %get3A_358, %shift_right_arithmetic3A_363 : vector<16xi32>
      %and3A_365 = arith.andi %shift_right_arithmetic3A_364, %broadcast_in_dim3A_64 : vector<16xi32>
      %gather3A_366 = tpu.vector_load_idx %arg7[%and3A_365] : memref<1024xf32, #tpu.memory_space<vmem>>[vector<16xi32>], vector<16xf32>,
      %add3A_367 = arith.addf %add3A_361, %gather3A_366 : vector<16xf32>
      %shift_right_arithmetic3A_368 = arith.constant 20 : i32
      %shift_right_arithmetic3A_369 = vector.broadcast %shift_right_arithmetic3A_368 : i32 to vector<16xi32>
      %shift_right_arithmetic3A_370 = arith.shrsi %get3A_358, %shift_right_arithmetic3A_369 : vector<16xi32>
      %gather3A_371 = tpu.vector_load_idx %arg7[%shift_right_arithmetic3A_370] : memref<1024xf32, #tpu.memory_space<vmem>>[vector<16xi32>], vector<16xf32>,
      %add3A_372 = arith.addf %add3A_367, %gather3A_371 : vector<16xf32>
      %get3A_373 = arith.constant 1 : i32
      %get3A_374 = arith.index_cast %get3A_373 : i32 to index
      %get3A_375 = arith.index_cast %scan3A_163 : i32 to index
      %get3A_376 = arith.constant 176 : index
      %get3A_377 = tpu.vector_load %arg8[%get3A_374, %get3A_375, %get3A_376] {strides = array<i32>} : memref<4x8x352xi32, #tpu.memory_space<vmem>>, vector<16xi32>,
      %and3A_378 = arith.andi %get3A_377, %broadcast_in_dim3A_64 : vector<16xi32>
      %gather3A_379 = tpu.vector_load_idx %arg7[%and3A_378] : memref<1024xf32, #tpu.memory_space<vmem>>[vector<16xi32>], vector<16xf32>,
      %add3A_380 = arith.addf %add3A_372, %gather3A_379 : vector<16xf32>
      %shift_right_arithmetic3A_381 = arith.constant 10 : i32
      %shift_right_arithmetic3A_382 = vector.broadcast %shift_right_arithmetic3A_381 : i32 to vector<16xi32>
      %shift_right_arithmetic3A_383 = arith.shrsi %get3A_377, %shift_right_arithmetic3A_382 : vector<16xi32>
      %and3A_384 = arith.andi %shift_right_arithmetic3A_383, %broadcast_in_dim3A_64 : vector<16xi32>
      %gather3A_385 = tpu.vector_load_idx %arg7[%and3A_384] : memref<1024xf32, #tpu.memory_space<vmem>>[vector<16xi32>], vector<16xf32>,
      %add3A_386 = arith.addf %add3A_380, %gather3A_385 : vector<16xf32>
      %shift_right_arithmetic3A_387 = arith.constant 20 : i32
      %shift_right_arithmetic3A_388 = vector.broadcast %shift_right_arithmetic3A_387 : i32 to vector<16xi32>
      %shift_right_arithmetic3A_389 = arith.shrsi %get3A_377, %shift_right_arithmetic3A_388 : vector<16xi32>
      %gather3A_390 = tpu.vector_load_idx %arg7[%shift_right_arithmetic3A_389] : memref<1024xf32, #tpu.memory_space<vmem>>[vector<16xi32>], vector<16xf32>,
      %add3A_391 = arith.addf %add3A_386, %gather3A_390 : vector<16xf32>
      %get3A_392 = arith.constant 1 : i32
      %get3A_393 = arith.index_cast %get3A_392 : i32 to index
      %get3A_394 = arith.index_cast %scan3A_163 : i32 to index
      %get3A_395 = arith.constant 192 : index
      %get3A_396 = tpu.vector_load %arg8[%get3A_393, %get3A_394, %get3A_395] {strides = array<i32>} : memref<4x8x352xi32, #tpu.memory_space<vmem>>, vector<16xi32>,
      %and3A_397 = arith.andi %get3A_396, %broadcast_in_dim3A_64 : vector<16xi32>
      %gather3A_398 = tpu.vector_load_idx %arg7[%and3A_397] : memref<1024xf32, #tpu.memory_space<vmem>>[vector<16xi32>], vector<16xf32>,
      %add3A_399 = arith.addf %add3A_391, %gather3A_398 : vector<16xf32>
      %shift_right_arithmetic3A_400 = arith.constant 10 : i32
      %shift_right_arithmetic3A_401 = vector.broadcast %shift_right_arithmetic3A_400 : i32 to vector<16xi32>
      %shift_right_arithmetic3A_402 = arith.shrsi %get3A_396, %shift_right_arithmetic3A_401 : vector<16xi32>
      %and3A_403 = arith.andi %shift_right_arithmetic3A_402, %broadcast_in_dim3A_64 : vector<16xi32>
      %gather3A_404 = tpu.vector_load_idx %arg7[%and3A_403] : memref<1024xf32, #tpu.memory_space<vmem>>[vector<16xi32>], vector<16xf32>,
      %add3A_405 = arith.addf %add3A_399, %gather3A_404 : vector<16xf32>
      %shift_right_arithmetic3A_406 = arith.constant 20 : i32
      %shift_right_arithmetic3A_407 = vector.broadcast %shift_right_arithmetic3A_406 : i32 to vector<16xi32>
      %shift_right_arithmetic3A_408 = arith.shrsi %get3A_396, %shift_right_arithmetic3A_407 : vector<16xi32>
      %gather3A_409 = tpu.vector_load_idx %arg7[%shift_right_arithmetic3A_408] : memref<1024xf32, #tpu.memory_space<vmem>>[vector<16xi32>], vector<16xf32>,
      %add3A_410 = arith.addf %add3A_405, %gather3A_409 : vector<16xf32>
      %get3A_411 = arith.constant 1 : i32
      %get3A_412 = arith.index_cast %get3A_411 : i32 to index
      %get3A_413 = arith.index_cast %scan3A_163 : i32 to index
      %get3A_414 = arith.constant 208 : index
      %get3A_415 = tpu.vector_load %arg8[%get3A_412, %get3A_413, %get3A_414] {strides = array<i32>} : memref<4x8x352xi32, #tpu.memory_space<vmem>>, vector<16xi32>,
      %and3A_416 = arith.andi %get3A_415, %broadcast_in_dim3A_64 : vector<16xi32>
      %gather3A_417 = tpu.vector_load_idx %arg7[%and3A_416] : memref<1024xf32, #tpu.memory_space<vmem>>[vector<16xi32>], vector<16xf32>,
      %add3A_418 = arith.addf %add3A_410, %gather3A_417 : vector<16xf32>
      %shift_right_arithmetic3A_419 = arith.constant 10 : i32
      %shift_right_arithmetic3A_420 = vector.broadcast %shift_right_arithmetic3A_419 : i32 to vector<16xi32>
      %shift_right_arithmetic3A_421 = arith.shrsi %get3A_415, %shift_right_arithmetic3A_420 : vector<16xi32>
      %and3A_422 = arith.andi %shift_right_arithmetic3A_421, %broadcast_in_dim3A_64 : vector<16xi32>
      %gather3A_423 = tpu.vector_load_idx %arg7[%and3A_422] : memref<1024xf32, #tpu.memory_space<vmem>>[vector<16xi32>], vector<16xf32>,
      %add3A_424 = arith.addf %add3A_418, %gather3A_423 : vector<16xf32>
      %shift_right_arithmetic3A_425 = arith.constant 20 : i32
      %shift_right_arithmetic3A_426 = vector.broadcast %shift_right_arithmetic3A_425 : i32 to vector<16xi32>
      %shift_right_arithmetic3A_427 = arith.shrsi %get3A_415, %shift_right_arithmetic3A_426 : vector<16xi32>
      %gather3A_428 = tpu.vector_load_idx %arg7[%shift_right_arithmetic3A_427] : memref<1024xf32, #tpu.memory_space<vmem>>[vector<16xi32>], vector<16xf32>,
      %add3A_429 = arith.addf %add3A_424, %gather3A_428 : vector<16xf32>
      %get3A_430 = arith.constant 1 : i32
      %get3A_431 = arith.index_cast %get3A_430 : i32 to index
      %get3A_432 = arith.index_cast %scan3A_163 : i32 to index
      %get3A_433 = arith.constant 224 : index
      %get3A_434 = tpu.vector_load %arg8[%get3A_431, %get3A_432, %get3A_433] {strides = array<i32>} : memref<4x8x352xi32, #tpu.memory_space<vmem>>, vector<16xi32>,
      %and3A_435 = arith.andi %get3A_434, %broadcast_in_dim3A_64 : vector<16xi32>
      %gather3A_436 = tpu.vector_load_idx %arg7[%and3A_435] : memref<1024xf32, #tpu.memory_space<vmem>>[vector<16xi32>], vector<16xf32>,
      %add3A_437 = arith.addf %add3A_429, %gather3A_436 : vector<16xf32>
      %shift_right_arithmetic3A_438 = arith.constant 10 : i32
      %shift_right_arithmetic3A_439 = vector.broadcast %shift_right_arithmetic3A_438 : i32 to vector<16xi32>
      %shift_right_arithmetic3A_440 = arith.shrsi %get3A_434, %shift_right_arithmetic3A_439 : vector<16xi32>
      %and3A_441 = arith.andi %shift_right_arithmetic3A_440, %broadcast_in_dim3A_64 : vector<16xi32>
      %gather3A_442 = tpu.vector_load_idx %arg7[%and3A_441] : memref<1024xf32, #tpu.memory_space<vmem>>[vector<16xi32>], vector<16xf32>,
      %add3A_443 = arith.addf %add3A_437, %gather3A_442 : vector<16xf32>
      %shift_right_arithmetic3A_444 = arith.constant 20 : i32
      %shift_right_arithmetic3A_445 = vector.broadcast %shift_right_arithmetic3A_444 : i32 to vector<16xi32>
      %shift_right_arithmetic3A_446 = arith.shrsi %get3A_434, %shift_right_arithmetic3A_445 : vector<16xi32>
      %gather3A_447 = tpu.vector_load_idx %arg7[%shift_right_arithmetic3A_446] : memref<1024xf32, #tpu.memory_space<vmem>>[vector<16xi32>], vector<16xf32>,
      %add3A_448 = arith.addf %add3A_443, %gather3A_447 : vector<16xf32>
      %get3A_449 = arith.constant 1 : i32
      %get3A_450 = arith.index_cast %get3A_449 : i32 to index
      %get3A_451 = arith.index_cast %scan3A_163 : i32 to index
      %get3A_452 = arith.constant 240 : index
      %get3A_453 = tpu.vector_load %arg8[%get3A_450, %get3A_451, %get3A_452] {strides = array<i32>} : memref<4x8x352xi32, #tpu.memory_space<vmem>>, vector<16xi32>,
      %and3A_454 = arith.andi %get3A_453, %broadcast_in_dim3A_64 : vector<16xi32>
      %gather3A_455 = tpu.vector_load_idx %arg7[%and3A_454] : memref<1024xf32, #tpu.memory_space<vmem>>[vector<16xi32>], vector<16xf32>,
      %add3A_456 = arith.addf %add3A_448, %gather3A_455 : vector<16xf32>
      %shift_right_arithmetic3A_457 = arith.constant 10 : i32
      %shift_right_arithmetic3A_458 = vector.broadcast %shift_right_arithmetic3A_457 : i32 to vector<16xi32>
      %shift_right_arithmetic3A_459 = arith.shrsi %get3A_453, %shift_right_arithmetic3A_458 : vector<16xi32>
      %and3A_460 = arith.andi %shift_right_arithmetic3A_459, %broadcast_in_dim3A_64 : vector<16xi32>
      %gather3A_461 = tpu.vector_load_idx %arg7[%and3A_460] : memref<1024xf32, #tpu.memory_space<vmem>>[vector<16xi32>], vector<16xf32>,
      %add3A_462 = arith.addf %add3A_456, %gather3A_461 : vector<16xf32>
      %shift_right_arithmetic3A_463 = arith.constant 20 : i32
      %shift_right_arithmetic3A_464 = vector.broadcast %shift_right_arithmetic3A_463 : i32 to vector<16xi32>
      %shift_right_arithmetic3A_465 = arith.shrsi %get3A_453, %shift_right_arithmetic3A_464 : vector<16xi32>
      %gather3A_466 = tpu.vector_load_idx %arg7[%shift_right_arithmetic3A_465] : memref<1024xf32, #tpu.memory_space<vmem>>[vector<16xi32>], vector<16xf32>,
      %add3A_467 = arith.addf %add3A_462, %gather3A_466 : vector<16xf32>
      %get3A_468 = arith.constant 1 : i32
      %get3A_469 = arith.index_cast %get3A_468 : i32 to index
      %get3A_470 = arith.index_cast %scan3A_163 : i32 to index
      %get3A_471 = arith.constant 256 : index
      %get3A_472 = tpu.vector_load %arg8[%get3A_469, %get3A_470, %get3A_471] {strides = array<i32>} : memref<4x8x352xi32, #tpu.memory_space<vmem>>, vector<16xi32>,
      %and3A_473 = arith.andi %get3A_472, %broadcast_in_dim3A_64 : vector<16xi32>
      %gather3A_474 = tpu.vector_load_idx %arg7[%and3A_473] : memref<1024xf32, #tpu.memory_space<vmem>>[vector<16xi32>], vector<16xf32>,
      %add3A_475 = arith.addf %add3A_467, %gather3A_474 : vector<16xf32>
      %shift_right_arithmetic3A_476 = arith.constant 10 : i32
      %shift_right_arithmetic3A_477 = vector.broadcast %shift_right_arithmetic3A_476 : i32 to vector<16xi32>
      %shift_right_arithmetic3A_478 = arith.shrsi %get3A_472, %shift_right_arithmetic3A_477 : vector<16xi32>
      %and3A_479 = arith.andi %shift_right_arithmetic3A_478, %broadcast_in_dim3A_64 : vector<16xi32>
      %gather3A_480 = tpu.vector_load_idx %arg7[%and3A_479] : memref<1024xf32, #tpu.memory_space<vmem>>[vector<16xi32>], vector<16xf32>,
      %add3A_481 = arith.addf %add3A_475, %gather3A_480 : vector<16xf32>
      %shift_right_arithmetic3A_482 = arith.constant 20 : i32
      %shift_right_arithmetic3A_483 = vector.broadcast %shift_right_arithmetic3A_482 : i32 to vector<16xi32>
      %shift_right_arithmetic3A_484 = arith.shrsi %get3A_472, %shift_right_arithmetic3A_483 : vector<16xi32>
      %gather3A_485 = tpu.vector_load_idx %arg7[%shift_right_arithmetic3A_484] : memref<1024xf32, #tpu.memory_space<vmem>>[vector<16xi32>], vector<16xf32>,
      %add3A_486 = arith.addf %add3A_481, %gather3A_485 : vector<16xf32>
      %get3A_487 = arith.constant 1 : i32
      %get3A_488 = arith.index_cast %get3A_487 : i32 to index
      %get3A_489 = arith.index_cast %scan3A_163 : i32 to index
      %get3A_490 = arith.constant 272 : index
      %get3A_491 = tpu.vector_load %arg8[%get3A_488, %get3A_489, %get3A_490] {strides = array<i32>} : memref<4x8x352xi32, #tpu.memory_space<vmem>>, vector<16xi32>,
      %and3A_492 = arith.andi %get3A_491, %broadcast_in_dim3A_64 : vector<16xi32>
      %gather3A_493 = tpu.vector_load_idx %arg7[%and3A_492] : memref<1024xf32, #tpu.memory_space<vmem>>[vector<16xi32>], vector<16xf32>,
      %add3A_494 = arith.addf %add3A_486, %gather3A_493 : vector<16xf32>
      %shift_right_arithmetic3A_495 = arith.constant 10 : i32
      %shift_right_arithmetic3A_496 = vector.broadcast %shift_right_arithmetic3A_495 : i32 to vector<16xi32>
      %shift_right_arithmetic3A_497 = arith.shrsi %get3A_491, %shift_right_arithmetic3A_496 : vector<16xi32>
      %and3A_498 = arith.andi %shift_right_arithmetic3A_497, %broadcast_in_dim3A_64 : vector<16xi32>
      %gather3A_499 = tpu.vector_load_idx %arg7[%and3A_498] : memref<1024xf32, #tpu.memory_space<vmem>>[vector<16xi32>], vector<16xf32>,
      %add3A_500 = arith.addf %add3A_494, %gather3A_499 : vector<16xf32>
      %shift_right_arithmetic3A_501 = arith.constant 20 : i32
      %shift_right_arithmetic3A_502 = vector.broadcast %shift_right_arithmetic3A_501 : i32 to vector<16xi32>
      %shift_right_arithmetic3A_503 = arith.shrsi %get3A_491, %shift_right_arithmetic3A_502 : vector<16xi32>
      %gather3A_504 = tpu.vector_load_idx %arg7[%shift_right_arithmetic3A_503] : memref<1024xf32, #tpu.memory_space<vmem>>[vector<16xi32>], vector<16xf32>,
      %add3A_505 = arith.addf %add3A_500, %gather3A_504 : vector<16xf32>
      %get3A_506 = arith.constant 1 : i32
      %get3A_507 = arith.index_cast %get3A_506 : i32 to index
      %get3A_508 = arith.index_cast %scan3A_163 : i32 to index
      %get3A_509 = arith.constant 288 : index
      %get3A_510 = tpu.vector_load %arg8[%get3A_507, %get3A_508, %get3A_509] {strides = array<i32>} : memref<4x8x352xi32, #tpu.memory_space<vmem>>, vector<16xi32>,
      %and3A_511 = arith.andi %get3A_510, %broadcast_in_dim3A_64 : vector<16xi32>
      %gather3A_512 = tpu.vector_load_idx %arg7[%and3A_511] : memref<1024xf32, #tpu.memory_space<vmem>>[vector<16xi32>], vector<16xf32>,
      %add3A_513 = arith.addf %add3A_505, %gather3A_512 : vector<16xf32>
      %shift_right_arithmetic3A_514 = arith.constant 10 : i32
      %shift_right_arithmetic3A_515 = vector.broadcast %shift_right_arithmetic3A_514 : i32 to vector<16xi32>
      %shift_right_arithmetic3A_516 = arith.shrsi %get3A_510, %shift_right_arithmetic3A_515 : vector<16xi32>
      %and3A_517 = arith.andi %shift_right_arithmetic3A_516, %broadcast_in_dim3A_64 : vector<16xi32>
      %gather3A_518 = tpu.vector_load_idx %arg7[%and3A_517] : memref<1024xf32, #tpu.memory_space<vmem>>[vector<16xi32>], vector<16xf32>,
      %add3A_519 = arith.addf %add3A_513, %gather3A_518 : vector<16xf32>
      %shift_right_arithmetic3A_520 = arith.constant 20 : i32
      %shift_right_arithmetic3A_521 = vector.broadcast %shift_right_arithmetic3A_520 : i32 to vector<16xi32>
      %shift_right_arithmetic3A_522 = arith.shrsi %get3A_510, %shift_right_arithmetic3A_521 : vector<16xi32>
      %gather3A_523 = tpu.vector_load_idx %arg7[%shift_right_arithmetic3A_522] : memref<1024xf32, #tpu.memory_space<vmem>>[vector<16xi32>], vector<16xf32>,
      %add3A_524 = arith.addf %add3A_519, %gather3A_523 : vector<16xf32>
      %get3A_525 = arith.constant 1 : i32
      %get3A_526 = arith.index_cast %get3A_525 : i32 to index
      %get3A_527 = arith.index_cast %scan3A_163 : i32 to index
      %get3A_528 = arith.constant 304 : index
      %get3A_529 = tpu.vector_load %arg8[%get3A_526, %get3A_527, %get3A_528] {strides = array<i32>} : memref<4x8x352xi32, #tpu.memory_space<vmem>>, vector<16xi32>,
      %and3A_530 = arith.andi %get3A_529, %broadcast_in_dim3A_64 : vector<16xi32>
      %gather3A_531 = tpu.vector_load_idx %arg7[%and3A_530] : memref<1024xf32, #tpu.memory_space<vmem>>[vector<16xi32>], vector<16xf32>,
      %add3A_532 = arith.addf %add3A_524, %gather3A_531 : vector<16xf32>
      %shift_right_arithmetic3A_533 = arith.constant 10 : i32
      %shift_right_arithmetic3A_534 = vector.broadcast %shift_right_arithmetic3A_533 : i32 to vector<16xi32>
      %shift_right_arithmetic3A_535 = arith.shrsi %get3A_529, %shift_right_arithmetic3A_534 : vector<16xi32>
      %and3A_536 = arith.andi %shift_right_arithmetic3A_535, %broadcast_in_dim3A_64 : vector<16xi32>
      %gather3A_537 = tpu.vector_load_idx %arg7[%and3A_536] : memref<1024xf32, #tpu.memory_space<vmem>>[vector<16xi32>], vector<16xf32>,
      %add3A_538 = arith.addf %add3A_532, %gather3A_537 : vector<16xf32>
      %shift_right_arithmetic3A_539 = arith.constant 20 : i32
      %shift_right_arithmetic3A_540 = vector.broadcast %shift_right_arithmetic3A_539 : i32 to vector<16xi32>
      %shift_right_arithmetic3A_541 = arith.shrsi %get3A_529, %shift_right_arithmetic3A_540 : vector<16xi32>
      %gather3A_542 = tpu.vector_load_idx %arg7[%shift_right_arithmetic3A_541] : memref<1024xf32, #tpu.memory_space<vmem>>[vector<16xi32>], vector<16xf32>,
      %add3A_543 = arith.addf %add3A_538, %gather3A_542 : vector<16xf32>
      %get3A_544 = arith.constant 1 : i32
      %get3A_545 = arith.index_cast %get3A_544 : i32 to index
      %get3A_546 = arith.index_cast %scan3A_163 : i32 to index
      %get3A_547 = arith.constant 320 : index
      %get3A_548 = tpu.vector_load %arg8[%get3A_545, %get3A_546, %get3A_547] {strides = array<i32>} : memref<4x8x352xi32, #tpu.memory_space<vmem>>, vector<16xi32>,
      %and3A_549 = arith.andi %get3A_548, %broadcast_in_dim3A_64 : vector<16xi32>
      %gather3A_550 = tpu.vector_load_idx %arg7[%and3A_549] : memref<1024xf32, #tpu.memory_space<vmem>>[vector<16xi32>], vector<16xf32>,
      %add3A_551 = arith.addf %add3A_543, %gather3A_550 : vector<16xf32>
      %shift_right_arithmetic3A_552 = arith.constant 10 : i32
      %shift_right_arithmetic3A_553 = vector.broadcast %shift_right_arithmetic3A_552 : i32 to vector<16xi32>
      %shift_right_arithmetic3A_554 = arith.shrsi %get3A_548, %shift_right_arithmetic3A_553 : vector<16xi32>
      %and3A_555 = arith.andi %shift_right_arithmetic3A_554, %broadcast_in_dim3A_64 : vector<16xi32>
      %gather3A_556 = tpu.vector_load_idx %arg7[%and3A_555] : memref<1024xf32, #tpu.memory_space<vmem>>[vector<16xi32>], vector<16xf32>,
      %add3A_557 = arith.addf %add3A_551, %gather3A_556 : vector<16xf32>
      %shift_right_arithmetic3A_558 = arith.constant 20 : i32
      %shift_right_arithmetic3A_559 = vector.broadcast %shift_right_arithmetic3A_558 : i32 to vector<16xi32>
      %shift_right_arithmetic3A_560 = arith.shrsi %get3A_548, %shift_right_arithmetic3A_559 : vector<16xi32>
      %gather3A_561 = tpu.vector_load_idx %arg7[%shift_right_arithmetic3A_560] : memref<1024xf32, #tpu.memory_space<vmem>>[vector<16xi32>], vector<16xf32>,
      %add3A_562 = arith.addf %add3A_557, %gather3A_561 : vector<16xf32>
      %get3A_563 = arith.constant 1 : i32
      %get3A_564 = arith.index_cast %get3A_563 : i32 to index
      %get3A_565 = arith.index_cast %scan3A_163 : i32 to index
      %get3A_566 = arith.constant 336 : index
      %get3A_567 = tpu.vector_load %arg8[%get3A_564, %get3A_565, %get3A_566] {strides = array<i32>} : memref<4x8x352xi32, #tpu.memory_space<vmem>>, vector<16xi32>,
      %and3A_568 = arith.andi %get3A_567, %broadcast_in_dim3A_64 : vector<16xi32>
      %gather3A_569 = tpu.vector_load_idx %arg7[%and3A_568] : memref<1024xf32, #tpu.memory_space<vmem>>[vector<16xi32>], vector<16xf32>,
      %add3A_570 = arith.addf %add3A_562, %gather3A_569 : vector<16xf32>
      %shift_right_arithmetic3A_571 = arith.constant 10 : i32
      %shift_right_arithmetic3A_572 = vector.broadcast %shift_right_arithmetic3A_571 : i32 to vector<16xi32>
      %shift_right_arithmetic3A_573 = arith.shrsi %get3A_567, %shift_right_arithmetic3A_572 : vector<16xi32>
      %and3A_574 = arith.andi %shift_right_arithmetic3A_573, %broadcast_in_dim3A_64 : vector<16xi32>
      %gather3A_575 = tpu.vector_load_idx %arg7[%and3A_574] : memref<1024xf32, #tpu.memory_space<vmem>>[vector<16xi32>], vector<16xf32>,
      %add3A_576 = arith.addf %add3A_570, %gather3A_575 : vector<16xf32>
      %shift_right_arithmetic3A_577 = arith.constant 20 : i32
      %shift_right_arithmetic3A_578 = vector.broadcast %shift_right_arithmetic3A_577 : i32 to vector<16xi32>
      %shift_right_arithmetic3A_579 = arith.shrsi %get3A_567, %shift_right_arithmetic3A_578 : vector<16xi32>
      %gather3A_580 = tpu.vector_load_idx %arg7[%shift_right_arithmetic3A_579] : memref<1024xf32, #tpu.memory_space<vmem>>[vector<16xi32>], vector<16xf32>,
      %add3A_581 = arith.addf %add3A_576, %gather3A_580 : vector<16xf32>
      %reduce_sum3A = arith.constant true
      %reduce_sum3A_582 = vector.broadcast %reduce_sum3A : i1 to vector<16xi1>
      %reduce_sum3A_583 = tpu.scan <sum>, %add3A_581 masked %reduce_sum3A_582 : vector<16xf32>, vector<16xi1> -> vector<16xf32>
      %reduce_sum3A_584 = vector.extract %reduce_sum3A_583[15] : f32 from vector<16xf32>
      %mul3A_585 = arith.constant 1.46484381E-4 : f32
      %mul3A_586 = arith.mulf %mul3A_585, %reduce_sum3A_584 : f32
      %add3A_587 = arith.constant 8 : i32
      %add3A_588 = arith.addi %add3A_587, %scan3A_163 : i32
      %eq3A = vector.broadcast %add3A_588 : i32 to vector<16xi32>
      %eq3A_589 = arith.cmpi eq, %iota3A, %eq3A : vector<16xi32>
      %broadcast_in_dim3A_590 = vector.broadcast %mul3A_586 : f32 to vector<16xf32>
      %select_n3A = arith.select %eq3A_589, %broadcast_in_dim3A_590, %scan3A_164 : vector<16xi1>, vector<16xf32>
      scf.yield %select_n3A : vector<16xf32>
    }
    %scan3A_112 = arith.constant 8 : i32
    %get3A = arith.constant 0 : index
    %get3A_113 = tpu.vector_load %arg9[%get3A] {strides = array<i32>} : memref<32xf32, #tpu.memory_space<vmem>>, vector<16xf32>,
    %add3A_114 = arith.addf %scan3A_111, %get3A_113 : vector<16xf32>
    %swap3A = arith.constant 0 : index
    %swap3A_115 = tpu.vector_load %arg10[%swap3A] {strides = array<i32>} : memref<32xf32, #tpu.memory_space<vmem>>, vector<16xf32>,
    tpu.vector_store %arg10[%swap3A], %add3A_114 {strides = array<i32>} : memref<32xf32, #tpu.memory_space<vmem>>, vector<16xf32>,
    %broadcast_in_dim3A_116 = arith.constant 0.000000e+00 : f32
    %broadcast_in_dim3A_117 = vector.broadcast %broadcast_in_dim3A_116 : f32 to vector<16xf32>
    %dma_wait3A_118 = arith.constant 2 : i32
    %dma_wait3A_119 = arith.constant 0 : i32
    %dma_wait3A_120 = arith.constant 0 : i32
    %dma_wait3A_121 = tpu.memref_slice %arg8[%dma_wait3A_118, %dma_wait3A_119, %dma_wait3A_120] : memref<4x8x352xi32, #tpu.memory_space<vmem>> -> memref<1x8x352xi32, #tpu.memory_space<vmem>>
    %dma_wait3A_122 = tpu.memref_squeeze %dma_wait3A_121 : memref<1x8x352xi32, #tpu.memory_space<vmem>> -> memref<8x352xi32, #tpu.memory_space<vmem>>
    %dma_wait3A_123 = arith.constant 0 : i32
    %dma_wait3A_124 = tpu.memref_slice %arg3[%add3A_35, %dma_wait3A_123] : memref<1024x352xi32, #tpu.memory_space<hbm>> -> memref<8x352xi32, #tpu.memory_space<hbm>>
    %dma_wait3A_125 = arith.constant 0 : i32
    %dma_wait3A_126 = arith.constant 0 : i32
    %dma_wait3A_127 = tpu.memref_slice %arg8[%dma_wait3A_118, %dma_wait3A_125, %dma_wait3A_126] : memref<4x8x352xi32, #tpu.memory_space<vmem>> -> memref<1x8x352xi32, #tpu.memory_space<vmem>>
    %dma_wait3A_128 = tpu.memref_squeeze %dma_wait3A_127 : memref<1x8x352xi32, #tpu.memory_space<vmem>> -> memref<8x352xi32, #tpu.memory_space<vmem>>
    %dma_wait3A_129 = arith.constant 0 : i32
    %dma_wait3A_130 = tpu.memref_slice %arg3[%add3A_35, %dma_wait3A_129] : memref<1024x352xi32, #tpu.memory_space<hbm>> -> memref<8x352xi32, #tpu.memory_space<hbm>>
    tpu.wait_dma2 semaphore(%arg13 : memref<!tpu.dma_semaphore, #tpu.memory_space<semaphore_mem>>) src(%dma_wait3A_130 : memref<8x352xi32, #tpu.memory_space<hbm>>) dst(%dma_wait3A_128 : memref<8x352xi32, #tpu.memory_space<vmem>>)
    %scan3A_131 = arith.constant 0 : i32
    %scan3A_132 = arith.constant 8 : i32
    %scan3A_133 = arith.addi %scan3A_131, %scan3A_132 : i32
    %scan3A_134 = arith.constant 1 : i32
    %scan3A_135 = scf.for %scan3A_163 = %scan3A_131 to %scan3A_133 step %scan3A_134 iter_args(%scan3A_164 = %broadcast_in_dim3A_117) -> (vector<16xf32>)  : i32 {
      %broadcast_in_dim3A_165 = arith.constant 0.000000e+00 : f32
      %broadcast_in_dim3A_166 = vector.broadcast %broadcast_in_dim3A_165 : f32 to vector<16xf32>
      %get3A_167 = arith.constant 2 : i32
      %get3A_168 = arith.index_cast %get3A_167 : i32 to index
      %get3A_169 = arith.index_cast %scan3A_163 : i32 to index
      %get3A_170 = arith.constant 0 : index
      %get3A_171 = tpu.vector_load %arg8[%get3A_168, %get3A_169, %get3A_170] {strides = array<i32>} : memref<4x8x352xi32, #tpu.memory_space<vmem>>, vector<16xi32>,
      %and3A = arith.andi %get3A_171, %broadcast_in_dim3A_64 : vector<16xi32>
      %gather3A = tpu.vector_load_idx %arg7[%and3A] : memref<1024xf32, #tpu.memory_space<vmem>>[vector<16xi32>], vector<16xf32>,
      %add3A_172 = arith.addf %broadcast_in_dim3A_166, %gather3A : vector<16xf32>
      %shift_right_arithmetic3A = arith.constant 10 : i32
      %shift_right_arithmetic3A_173 = vector.broadcast %shift_right_arithmetic3A : i32 to vector<16xi32>
      %shift_right_arithmetic3A_174 = arith.shrsi %get3A_171, %shift_right_arithmetic3A_173 : vector<16xi32>
      %and3A_175 = arith.andi %shift_right_arithmetic3A_174, %broadcast_in_dim3A_64 : vector<16xi32>
      %gather3A_176 = tpu.vector_load_idx %arg7[%and3A_175] : memref<1024xf32, #tpu.memory_space<vmem>>[vector<16xi32>], vector<16xf32>,
      %add3A_177 = arith.addf %add3A_172, %gather3A_176 : vector<16xf32>
      %shift_right_arithmetic3A_178 = arith.constant 20 : i32
      %shift_right_arithmetic3A_179 = vector.broadcast %shift_right_arithmetic3A_178 : i32 to vector<16xi32>
      %shift_right_arithmetic3A_180 = arith.shrsi %get3A_171, %shift_right_arithmetic3A_179 : vector<16xi32>
      %gather3A_181 = tpu.vector_load_idx %arg7[%shift_right_arithmetic3A_180] : memref<1024xf32, #tpu.memory_space<vmem>>[vector<16xi32>], vector<16xf32>,
      %add3A_182 = arith.addf %add3A_177, %gather3A_181 : vector<16xf32>
      %get3A_183 = arith.constant 2 : i32
      %get3A_184 = arith.index_cast %get3A_183 : i32 to index
      %get3A_185 = arith.index_cast %scan3A_163 : i32 to index
      %get3A_186 = arith.constant 16 : index
      %get3A_187 = tpu.vector_load %arg8[%get3A_184, %get3A_185, %get3A_186] {strides = array<i32>} : memref<4x8x352xi32, #tpu.memory_space<vmem>>, vector<16xi32>,
      %and3A_188 = arith.andi %get3A_187, %broadcast_in_dim3A_64 : vector<16xi32>
      %gather3A_189 = tpu.vector_load_idx %arg7[%and3A_188] : memref<1024xf32, #tpu.memory_space<vmem>>[vector<16xi32>], vector<16xf32>,
      %add3A_190 = arith.addf %add3A_182, %gather3A_189 : vector<16xf32>
      %shift_right_arithmetic3A_191 = arith.constant 10 : i32
      %shift_right_arithmetic3A_192 = vector.broadcast %shift_right_arithmetic3A_191 : i32 to vector<16xi32>
      %shift_right_arithmetic3A_193 = arith.shrsi %get3A_187, %shift_right_arithmetic3A_192 : vector<16xi32>
      %and3A_194 = arith.andi %shift_right_arithmetic3A_193, %broadcast_in_dim3A_64 : vector<16xi32>
      %gather3A_195 = tpu.vector_load_idx %arg7[%and3A_194] : memref<1024xf32, #tpu.memory_space<vmem>>[vector<16xi32>], vector<16xf32>,
      %add3A_196 = arith.addf %add3A_190, %gather3A_195 : vector<16xf32>
      %shift_right_arithmetic3A_197 = arith.constant 20 : i32
      %shift_right_arithmetic3A_198 = vector.broadcast %shift_right_arithmetic3A_197 : i32 to vector<16xi32>
      %shift_right_arithmetic3A_199 = arith.shrsi %get3A_187, %shift_right_arithmetic3A_198 : vector<16xi32>
      %gather3A_200 = tpu.vector_load_idx %arg7[%shift_right_arithmetic3A_199] : memref<1024xf32, #tpu.memory_space<vmem>>[vector<16xi32>], vector<16xf32>,
      %add3A_201 = arith.addf %add3A_196, %gather3A_200 : vector<16xf32>
      %get3A_202 = arith.constant 2 : i32
      %get3A_203 = arith.index_cast %get3A_202 : i32 to index
      %get3A_204 = arith.index_cast %scan3A_163 : i32 to index
      %get3A_205 = arith.constant 32 : index
      %get3A_206 = tpu.vector_load %arg8[%get3A_203, %get3A_204, %get3A_205] {strides = array<i32>} : memref<4x8x352xi32, #tpu.memory_space<vmem>>, vector<16xi32>,
      %and3A_207 = arith.andi %get3A_206, %broadcast_in_dim3A_64 : vector<16xi32>
      %gather3A_208 = tpu.vector_load_idx %arg7[%and3A_207] : memref<1024xf32, #tpu.memory_space<vmem>>[vector<16xi32>], vector<16xf32>,
      %add3A_209 = arith.addf %add3A_201, %gather3A_208 : vector<16xf32>
      %shift_right_arithmetic3A_210 = arith.constant 10 : i32
      %shift_right_arithmetic3A_211 = vector.broadcast %shift_right_arithmetic3A_210 : i32 to vector<16xi32>
      %shift_right_arithmetic3A_212 = arith.shrsi %get3A_206, %shift_right_arithmetic3A_211 : vector<16xi32>
      %and3A_213 = arith.andi %shift_right_arithmetic3A_212, %broadcast_in_dim3A_64 : vector<16xi32>
      %gather3A_214 = tpu.vector_load_idx %arg7[%and3A_213] : memref<1024xf32, #tpu.memory_space<vmem>>[vector<16xi32>], vector<16xf32>,
      %add3A_215 = arith.addf %add3A_209, %gather3A_214 : vector<16xf32>
      %shift_right_arithmetic3A_216 = arith.constant 20 : i32
      %shift_right_arithmetic3A_217 = vector.broadcast %shift_right_arithmetic3A_216 : i32 to vector<16xi32>
      %shift_right_arithmetic3A_218 = arith.shrsi %get3A_206, %shift_right_arithmetic3A_217 : vector<16xi32>
      %gather3A_219 = tpu.vector_load_idx %arg7[%shift_right_arithmetic3A_218] : memref<1024xf32, #tpu.memory_space<vmem>>[vector<16xi32>], vector<16xf32>,
      %add3A_220 = arith.addf %add3A_215, %gather3A_219 : vector<16xf32>
      %get3A_221 = arith.constant 2 : i32
      %get3A_222 = arith.index_cast %get3A_221 : i32 to index
      %get3A_223 = arith.index_cast %scan3A_163 : i32 to index
      %get3A_224 = arith.constant 48 : index
      %get3A_225 = tpu.vector_load %arg8[%get3A_222, %get3A_223, %get3A_224] {strides = array<i32>} : memref<4x8x352xi32, #tpu.memory_space<vmem>>, vector<16xi32>,
      %and3A_226 = arith.andi %get3A_225, %broadcast_in_dim3A_64 : vector<16xi32>
      %gather3A_227 = tpu.vector_load_idx %arg7[%and3A_226] : memref<1024xf32, #tpu.memory_space<vmem>>[vector<16xi32>], vector<16xf32>,
      %add3A_228 = arith.addf %add3A_220, %gather3A_227 : vector<16xf32>
      %shift_right_arithmetic3A_229 = arith.constant 10 : i32
      %shift_right_arithmetic3A_230 = vector.broadcast %shift_right_arithmetic3A_229 : i32 to vector<16xi32>
      %shift_right_arithmetic3A_231 = arith.shrsi %get3A_225, %shift_right_arithmetic3A_230 : vector<16xi32>
      %and3A_232 = arith.andi %shift_right_arithmetic3A_231, %broadcast_in_dim3A_64 : vector<16xi32>
      %gather3A_233 = tpu.vector_load_idx %arg7[%and3A_232] : memref<1024xf32, #tpu.memory_space<vmem>>[vector<16xi32>], vector<16xf32>,
      %add3A_234 = arith.addf %add3A_228, %gather3A_233 : vector<16xf32>
      %shift_right_arithmetic3A_235 = arith.constant 20 : i32
      %shift_right_arithmetic3A_236 = vector.broadcast %shift_right_arithmetic3A_235 : i32 to vector<16xi32>
      %shift_right_arithmetic3A_237 = arith.shrsi %get3A_225, %shift_right_arithmetic3A_236 : vector<16xi32>
      %gather3A_238 = tpu.vector_load_idx %arg7[%shift_right_arithmetic3A_237] : memref<1024xf32, #tpu.memory_space<vmem>>[vector<16xi32>], vector<16xf32>,
      %add3A_239 = arith.addf %add3A_234, %gather3A_238 : vector<16xf32>
      %get3A_240 = arith.constant 2 : i32
      %get3A_241 = arith.index_cast %get3A_240 : i32 to index
      %get3A_242 = arith.index_cast %scan3A_163 : i32 to index
      %get3A_243 = arith.constant 64 : index
      %get3A_244 = tpu.vector_load %arg8[%get3A_241, %get3A_242, %get3A_243] {strides = array<i32>} : memref<4x8x352xi32, #tpu.memory_space<vmem>>, vector<16xi32>,
      %and3A_245 = arith.andi %get3A_244, %broadcast_in_dim3A_64 : vector<16xi32>
      %gather3A_246 = tpu.vector_load_idx %arg7[%and3A_245] : memref<1024xf32, #tpu.memory_space<vmem>>[vector<16xi32>], vector<16xf32>,
      %add3A_247 = arith.addf %add3A_239, %gather3A_246 : vector<16xf32>
      %shift_right_arithmetic3A_248 = arith.constant 10 : i32
      %shift_right_arithmetic3A_249 = vector.broadcast %shift_right_arithmetic3A_248 : i32 to vector<16xi32>
      %shift_right_arithmetic3A_250 = arith.shrsi %get3A_244, %shift_right_arithmetic3A_249 : vector<16xi32>
      %and3A_251 = arith.andi %shift_right_arithmetic3A_250, %broadcast_in_dim3A_64 : vector<16xi32>
      %gather3A_252 = tpu.vector_load_idx %arg7[%and3A_251] : memref<1024xf32, #tpu.memory_space<vmem>>[vector<16xi32>], vector<16xf32>,
      %add3A_253 = arith.addf %add3A_247, %gather3A_252 : vector<16xf32>
      %shift_right_arithmetic3A_254 = arith.constant 20 : i32
      %shift_right_arithmetic3A_255 = vector.broadcast %shift_right_arithmetic3A_254 : i32 to vector<16xi32>
      %shift_right_arithmetic3A_256 = arith.shrsi %get3A_244, %shift_right_arithmetic3A_255 : vector<16xi32>
      %gather3A_257 = tpu.vector_load_idx %arg7[%shift_right_arithmetic3A_256] : memref<1024xf32, #tpu.memory_space<vmem>>[vector<16xi32>], vector<16xf32>,
      %add3A_258 = arith.addf %add3A_253, %gather3A_257 : vector<16xf32>
      %get3A_259 = arith.constant 2 : i32
      %get3A_260 = arith.index_cast %get3A_259 : i32 to index
      %get3A_261 = arith.index_cast %scan3A_163 : i32 to index
      %get3A_262 = arith.constant 80 : index
      %get3A_263 = tpu.vector_load %arg8[%get3A_260, %get3A_261, %get3A_262] {strides = array<i32>} : memref<4x8x352xi32, #tpu.memory_space<vmem>>, vector<16xi32>,
      %and3A_264 = arith.andi %get3A_263, %broadcast_in_dim3A_64 : vector<16xi32>
      %gather3A_265 = tpu.vector_load_idx %arg7[%and3A_264] : memref<1024xf32, #tpu.memory_space<vmem>>[vector<16xi32>], vector<16xf32>,
      %add3A_266 = arith.addf %add3A_258, %gather3A_265 : vector<16xf32>
      %shift_right_arithmetic3A_267 = arith.constant 10 : i32
      %shift_right_arithmetic3A_268 = vector.broadcast %shift_right_arithmetic3A_267 : i32 to vector<16xi32>
      %shift_right_arithmetic3A_269 = arith.shrsi %get3A_263, %shift_right_arithmetic3A_268 : vector<16xi32>
      %and3A_270 = arith.andi %shift_right_arithmetic3A_269, %broadcast_in_dim3A_64 : vector<16xi32>
      %gather3A_271 = tpu.vector_load_idx %arg7[%and3A_270] : memref<1024xf32, #tpu.memory_space<vmem>>[vector<16xi32>], vector<16xf32>,
      %add3A_272 = arith.addf %add3A_266, %gather3A_271 : vector<16xf32>
      %shift_right_arithmetic3A_273 = arith.constant 20 : i32
      %shift_right_arithmetic3A_274 = vector.broadcast %shift_right_arithmetic3A_273 : i32 to vector<16xi32>
      %shift_right_arithmetic3A_275 = arith.shrsi %get3A_263, %shift_right_arithmetic3A_274 : vector<16xi32>
      %gather3A_276 = tpu.vector_load_idx %arg7[%shift_right_arithmetic3A_275] : memref<1024xf32, #tpu.memory_space<vmem>>[vector<16xi32>], vector<16xf32>,
      %add3A_277 = arith.addf %add3A_272, %gather3A_276 : vector<16xf32>
      %get3A_278 = arith.constant 2 : i32
      %get3A_279 = arith.index_cast %get3A_278 : i32 to index
      %get3A_280 = arith.index_cast %scan3A_163 : i32 to index
      %get3A_281 = arith.constant 96 : index
      %get3A_282 = tpu.vector_load %arg8[%get3A_279, %get3A_280, %get3A_281] {strides = array<i32>} : memref<4x8x352xi32, #tpu.memory_space<vmem>>, vector<16xi32>,
      %and3A_283 = arith.andi %get3A_282, %broadcast_in_dim3A_64 : vector<16xi32>
      %gather3A_284 = tpu.vector_load_idx %arg7[%and3A_283] : memref<1024xf32, #tpu.memory_space<vmem>>[vector<16xi32>], vector<16xf32>,
      %add3A_285 = arith.addf %add3A_277, %gather3A_284 : vector<16xf32>
      %shift_right_arithmetic3A_286 = arith.constant 10 : i32
      %shift_right_arithmetic3A_287 = vector.broadcast %shift_right_arithmetic3A_286 : i32 to vector<16xi32>
      %shift_right_arithmetic3A_288 = arith.shrsi %get3A_282, %shift_right_arithmetic3A_287 : vector<16xi32>
      %and3A_289 = arith.andi %shift_right_arithmetic3A_288, %broadcast_in_dim3A_64 : vector<16xi32>
      %gather3A_290 = tpu.vector_load_idx %arg7[%and3A_289] : memref<1024xf32, #tpu.memory_space<vmem>>[vector<16xi32>], vector<16xf32>,
      %add3A_291 = arith.addf %add3A_285, %gather3A_290 : vector<16xf32>
      %shift_right_arithmetic3A_292 = arith.constant 20 : i32
      %shift_right_arithmetic3A_293 = vector.broadcast %shift_right_arithmetic3A_292 : i32 to vector<16xi32>
      %shift_right_arithmetic3A_294 = arith.shrsi %get3A_282, %shift_right_arithmetic3A_293 : vector<16xi32>
      %gather3A_295 = tpu.vector_load_idx %arg7[%shift_right_arithmetic3A_294] : memref<1024xf32, #tpu.memory_space<vmem>>[vector<16xi32>], vector<16xf32>,
      %add3A_296 = arith.addf %add3A_291, %gather3A_295 : vector<16xf32>
      %get3A_297 = arith.constant 2 : i32
      %get3A_298 = arith.index_cast %get3A_297 : i32 to index
      %get3A_299 = arith.index_cast %scan3A_163 : i32 to index
      %get3A_300 = arith.constant 112 : index
      %get3A_301 = tpu.vector_load %arg8[%get3A_298, %get3A_299, %get3A_300] {strides = array<i32>} : memref<4x8x352xi32, #tpu.memory_space<vmem>>, vector<16xi32>,
      %and3A_302 = arith.andi %get3A_301, %broadcast_in_dim3A_64 : vector<16xi32>
      %gather3A_303 = tpu.vector_load_idx %arg7[%and3A_302] : memref<1024xf32, #tpu.memory_space<vmem>>[vector<16xi32>], vector<16xf32>,
      %add3A_304 = arith.addf %add3A_296, %gather3A_303 : vector<16xf32>
      %shift_right_arithmetic3A_305 = arith.constant 10 : i32
      %shift_right_arithmetic3A_306 = vector.broadcast %shift_right_arithmetic3A_305 : i32 to vector<16xi32>
      %shift_right_arithmetic3A_307 = arith.shrsi %get3A_301, %shift_right_arithmetic3A_306 : vector<16xi32>
      %and3A_308 = arith.andi %shift_right_arithmetic3A_307, %broadcast_in_dim3A_64 : vector<16xi32>
      %gather3A_309 = tpu.vector_load_idx %arg7[%and3A_308] : memref<1024xf32, #tpu.memory_space<vmem>>[vector<16xi32>], vector<16xf32>,
      %add3A_310 = arith.addf %add3A_304, %gather3A_309 : vector<16xf32>
      %shift_right_arithmetic3A_311 = arith.constant 20 : i32
      %shift_right_arithmetic3A_312 = vector.broadcast %shift_right_arithmetic3A_311 : i32 to vector<16xi32>
      %shift_right_arithmetic3A_313 = arith.shrsi %get3A_301, %shift_right_arithmetic3A_312 : vector<16xi32>
      %gather3A_314 = tpu.vector_load_idx %arg7[%shift_right_arithmetic3A_313] : memref<1024xf32, #tpu.memory_space<vmem>>[vector<16xi32>], vector<16xf32>,
      %add3A_315 = arith.addf %add3A_310, %gather3A_314 : vector<16xf32>
      %get3A_316 = arith.constant 2 : i32
      %get3A_317 = arith.index_cast %get3A_316 : i32 to index
      %get3A_318 = arith.index_cast %scan3A_163 : i32 to index
      %get3A_319 = arith.constant 128 : index
      %get3A_320 = tpu.vector_load %arg8[%get3A_317, %get3A_318, %get3A_319] {strides = array<i32>} : memref<4x8x352xi32, #tpu.memory_space<vmem>>, vector<16xi32>,
      %and3A_321 = arith.andi %get3A_320, %broadcast_in_dim3A_64 : vector<16xi32>
      %gather3A_322 = tpu.vector_load_idx %arg7[%and3A_321] : memref<1024xf32, #tpu.memory_space<vmem>>[vector<16xi32>], vector<16xf32>,
      %add3A_323 = arith.addf %add3A_315, %gather3A_322 : vector<16xf32>
      %shift_right_arithmetic3A_324 = arith.constant 10 : i32
      %shift_right_arithmetic3A_325 = vector.broadcast %shift_right_arithmetic3A_324 : i32 to vector<16xi32>
      %shift_right_arithmetic3A_326 = arith.shrsi %get3A_320, %shift_right_arithmetic3A_325 : vector<16xi32>
      %and3A_327 = arith.andi %shift_right_arithmetic3A_326, %broadcast_in_dim3A_64 : vector<16xi32>
      %gather3A_328 = tpu.vector_load_idx %arg7[%and3A_327] : memref<1024xf32, #tpu.memory_space<vmem>>[vector<16xi32>], vector<16xf32>,
      %add3A_329 = arith.addf %add3A_323, %gather3A_328 : vector<16xf32>
      %shift_right_arithmetic3A_330 = arith.constant 20 : i32
      %shift_right_arithmetic3A_331 = vector.broadcast %shift_right_arithmetic3A_330 : i32 to vector<16xi32>
      %shift_right_arithmetic3A_332 = arith.shrsi %get3A_320, %shift_right_arithmetic3A_331 : vector<16xi32>
      %gather3A_333 = tpu.vector_load_idx %arg7[%shift_right_arithmetic3A_332] : memref<1024xf32, #tpu.memory_space<vmem>>[vector<16xi32>], vector<16xf32>,
      %add3A_334 = arith.addf %add3A_329, %gather3A_333 : vector<16xf32>
      %get3A_335 = arith.constant 2 : i32
      %get3A_336 = arith.index_cast %get3A_335 : i32 to index
      %get3A_337 = arith.index_cast %scan3A_163 : i32 to index
      %get3A_338 = arith.constant 144 : index
      %get3A_339 = tpu.vector_load %arg8[%get3A_336, %get3A_337, %get3A_338] {strides = array<i32>} : memref<4x8x352xi32, #tpu.memory_space<vmem>>, vector<16xi32>,
      %and3A_340 = arith.andi %get3A_339, %broadcast_in_dim3A_64 : vector<16xi32>
      %gather3A_341 = tpu.vector_load_idx %arg7[%and3A_340] : memref<1024xf32, #tpu.memory_space<vmem>>[vector<16xi32>], vector<16xf32>,
      %add3A_342 = arith.addf %add3A_334, %gather3A_341 : vector<16xf32>
      %shift_right_arithmetic3A_343 = arith.constant 10 : i32
      %shift_right_arithmetic3A_344 = vector.broadcast %shift_right_arithmetic3A_343 : i32 to vector<16xi32>
      %shift_right_arithmetic3A_345 = arith.shrsi %get3A_339, %shift_right_arithmetic3A_344 : vector<16xi32>
      %and3A_346 = arith.andi %shift_right_arithmetic3A_345, %broadcast_in_dim3A_64 : vector<16xi32>
      %gather3A_347 = tpu.vector_load_idx %arg7[%and3A_346] : memref<1024xf32, #tpu.memory_space<vmem>>[vector<16xi32>], vector<16xf32>,
      %add3A_348 = arith.addf %add3A_342, %gather3A_347 : vector<16xf32>
      %shift_right_arithmetic3A_349 = arith.constant 20 : i32
      %shift_right_arithmetic3A_350 = vector.broadcast %shift_right_arithmetic3A_349 : i32 to vector<16xi32>
      %shift_right_arithmetic3A_351 = arith.shrsi %get3A_339, %shift_right_arithmetic3A_350 : vector<16xi32>
      %gather3A_352 = tpu.vector_load_idx %arg7[%shift_right_arithmetic3A_351] : memref<1024xf32, #tpu.memory_space<vmem>>[vector<16xi32>], vector<16xf32>,
      %add3A_353 = arith.addf %add3A_348, %gather3A_352 : vector<16xf32>
      %get3A_354 = arith.constant 2 : i32
      %get3A_355 = arith.index_cast %get3A_354 : i32 to index
      %get3A_356 = arith.index_cast %scan3A_163 : i32 to index
      %get3A_357 = arith.constant 160 : index
      %get3A_358 = tpu.vector_load %arg8[%get3A_355, %get3A_356, %get3A_357] {strides = array<i32>} : memref<4x8x352xi32, #tpu.memory_space<vmem>>, vector<16xi32>,
      %and3A_359 = arith.andi %get3A_358, %broadcast_in_dim3A_64 : vector<16xi32>
      %gather3A_360 = tpu.vector_load_idx %arg7[%and3A_359] : memref<1024xf32, #tpu.memory_space<vmem>>[vector<16xi32>], vector<16xf32>,
      %add3A_361 = arith.addf %add3A_353, %gather3A_360 : vector<16xf32>
      %shift_right_arithmetic3A_362 = arith.constant 10 : i32
      %shift_right_arithmetic3A_363 = vector.broadcast %shift_right_arithmetic3A_362 : i32 to vector<16xi32>
      %shift_right_arithmetic3A_364 = arith.shrsi %get3A_358, %shift_right_arithmetic3A_363 : vector<16xi32>
      %and3A_365 = arith.andi %shift_right_arithmetic3A_364, %broadcast_in_dim3A_64 : vector<16xi32>
      %gather3A_366 = tpu.vector_load_idx %arg7[%and3A_365] : memref<1024xf32, #tpu.memory_space<vmem>>[vector<16xi32>], vector<16xf32>,
      %add3A_367 = arith.addf %add3A_361, %gather3A_366 : vector<16xf32>
      %shift_right_arithmetic3A_368 = arith.constant 20 : i32
      %shift_right_arithmetic3A_369 = vector.broadcast %shift_right_arithmetic3A_368 : i32 to vector<16xi32>
      %shift_right_arithmetic3A_370 = arith.shrsi %get3A_358, %shift_right_arithmetic3A_369 : vector<16xi32>
      %gather3A_371 = tpu.vector_load_idx %arg7[%shift_right_arithmetic3A_370] : memref<1024xf32, #tpu.memory_space<vmem>>[vector<16xi32>], vector<16xf32>,
      %add3A_372 = arith.addf %add3A_367, %gather3A_371 : vector<16xf32>
      %get3A_373 = arith.constant 2 : i32
      %get3A_374 = arith.index_cast %get3A_373 : i32 to index
      %get3A_375 = arith.index_cast %scan3A_163 : i32 to index
      %get3A_376 = arith.constant 176 : index
      %get3A_377 = tpu.vector_load %arg8[%get3A_374, %get3A_375, %get3A_376] {strides = array<i32>} : memref<4x8x352xi32, #tpu.memory_space<vmem>>, vector<16xi32>,
      %and3A_378 = arith.andi %get3A_377, %broadcast_in_dim3A_64 : vector<16xi32>
      %gather3A_379 = tpu.vector_load_idx %arg7[%and3A_378] : memref<1024xf32, #tpu.memory_space<vmem>>[vector<16xi32>], vector<16xf32>,
      %add3A_380 = arith.addf %add3A_372, %gather3A_379 : vector<16xf32>
      %shift_right_arithmetic3A_381 = arith.constant 10 : i32
      %shift_right_arithmetic3A_382 = vector.broadcast %shift_right_arithmetic3A_381 : i32 to vector<16xi32>
      %shift_right_arithmetic3A_383 = arith.shrsi %get3A_377, %shift_right_arithmetic3A_382 : vector<16xi32>
      %and3A_384 = arith.andi %shift_right_arithmetic3A_383, %broadcast_in_dim3A_64 : vector<16xi32>
      %gather3A_385 = tpu.vector_load_idx %arg7[%and3A_384] : memref<1024xf32, #tpu.memory_space<vmem>>[vector<16xi32>], vector<16xf32>,
      %add3A_386 = arith.addf %add3A_380, %gather3A_385 : vector<16xf32>
      %shift_right_arithmetic3A_387 = arith.constant 20 : i32
      %shift_right_arithmetic3A_388 = vector.broadcast %shift_right_arithmetic3A_387 : i32 to vector<16xi32>
      %shift_right_arithmetic3A_389 = arith.shrsi %get3A_377, %shift_right_arithmetic3A_388 : vector<16xi32>
      %gather3A_390 = tpu.vector_load_idx %arg7[%shift_right_arithmetic3A_389] : memref<1024xf32, #tpu.memory_space<vmem>>[vector<16xi32>], vector<16xf32>,
      %add3A_391 = arith.addf %add3A_386, %gather3A_390 : vector<16xf32>
      %get3A_392 = arith.constant 2 : i32
      %get3A_393 = arith.index_cast %get3A_392 : i32 to index
      %get3A_394 = arith.index_cast %scan3A_163 : i32 to index
      %get3A_395 = arith.constant 192 : index
      %get3A_396 = tpu.vector_load %arg8[%get3A_393, %get3A_394, %get3A_395] {strides = array<i32>} : memref<4x8x352xi32, #tpu.memory_space<vmem>>, vector<16xi32>,
      %and3A_397 = arith.andi %get3A_396, %broadcast_in_dim3A_64 : vector<16xi32>
      %gather3A_398 = tpu.vector_load_idx %arg7[%and3A_397] : memref<1024xf32, #tpu.memory_space<vmem>>[vector<16xi32>], vector<16xf32>,
      %add3A_399 = arith.addf %add3A_391, %gather3A_398 : vector<16xf32>
      %shift_right_arithmetic3A_400 = arith.constant 10 : i32
      %shift_right_arithmetic3A_401 = vector.broadcast %shift_right_arithmetic3A_400 : i32 to vector<16xi32>
      %shift_right_arithmetic3A_402 = arith.shrsi %get3A_396, %shift_right_arithmetic3A_401 : vector<16xi32>
      %and3A_403 = arith.andi %shift_right_arithmetic3A_402, %broadcast_in_dim3A_64 : vector<16xi32>
      %gather3A_404 = tpu.vector_load_idx %arg7[%and3A_403] : memref<1024xf32, #tpu.memory_space<vmem>>[vector<16xi32>], vector<16xf32>,
      %add3A_405 = arith.addf %add3A_399, %gather3A_404 : vector<16xf32>
      %shift_right_arithmetic3A_406 = arith.constant 20 : i32
      %shift_right_arithmetic3A_407 = vector.broadcast %shift_right_arithmetic3A_406 : i32 to vector<16xi32>
      %shift_right_arithmetic3A_408 = arith.shrsi %get3A_396, %shift_right_arithmetic3A_407 : vector<16xi32>
      %gather3A_409 = tpu.vector_load_idx %arg7[%shift_right_arithmetic3A_408] : memref<1024xf32, #tpu.memory_space<vmem>>[vector<16xi32>], vector<16xf32>,
      %add3A_410 = arith.addf %add3A_405, %gather3A_409 : vector<16xf32>
      %get3A_411 = arith.constant 2 : i32
      %get3A_412 = arith.index_cast %get3A_411 : i32 to index
      %get3A_413 = arith.index_cast %scan3A_163 : i32 to index
      %get3A_414 = arith.constant 208 : index
      %get3A_415 = tpu.vector_load %arg8[%get3A_412, %get3A_413, %get3A_414] {strides = array<i32>} : memref<4x8x352xi32, #tpu.memory_space<vmem>>, vector<16xi32>,
      %and3A_416 = arith.andi %get3A_415, %broadcast_in_dim3A_64 : vector<16xi32>
      %gather3A_417 = tpu.vector_load_idx %arg7[%and3A_416] : memref<1024xf32, #tpu.memory_space<vmem>>[vector<16xi32>], vector<16xf32>,
      %add3A_418 = arith.addf %add3A_410, %gather3A_417 : vector<16xf32>
      %shift_right_arithmetic3A_419 = arith.constant 10 : i32
      %shift_right_arithmetic3A_420 = vector.broadcast %shift_right_arithmetic3A_419 : i32 to vector<16xi32>
      %shift_right_arithmetic3A_421 = arith.shrsi %get3A_415, %shift_right_arithmetic3A_420 : vector<16xi32>
      %and3A_422 = arith.andi %shift_right_arithmetic3A_421, %broadcast_in_dim3A_64 : vector<16xi32>
      %gather3A_423 = tpu.vector_load_idx %arg7[%and3A_422] : memref<1024xf32, #tpu.memory_space<vmem>>[vector<16xi32>], vector<16xf32>,
      %add3A_424 = arith.addf %add3A_418, %gather3A_423 : vector<16xf32>
      %shift_right_arithmetic3A_425 = arith.constant 20 : i32
      %shift_right_arithmetic3A_426 = vector.broadcast %shift_right_arithmetic3A_425 : i32 to vector<16xi32>
      %shift_right_arithmetic3A_427 = arith.shrsi %get3A_415, %shift_right_arithmetic3A_426 : vector<16xi32>
      %gather3A_428 = tpu.vector_load_idx %arg7[%shift_right_arithmetic3A_427] : memref<1024xf32, #tpu.memory_space<vmem>>[vector<16xi32>], vector<16xf32>,
      %add3A_429 = arith.addf %add3A_424, %gather3A_428 : vector<16xf32>
      %get3A_430 = arith.constant 2 : i32
      %get3A_431 = arith.index_cast %get3A_430 : i32 to index
      %get3A_432 = arith.index_cast %scan3A_163 : i32 to index
      %get3A_433 = arith.constant 224 : index
      %get3A_434 = tpu.vector_load %arg8[%get3A_431, %get3A_432, %get3A_433] {strides = array<i32>} : memref<4x8x352xi32, #tpu.memory_space<vmem>>, vector<16xi32>,
      %and3A_435 = arith.andi %get3A_434, %broadcast_in_dim3A_64 : vector<16xi32>
      %gather3A_436 = tpu.vector_load_idx %arg7[%and3A_435] : memref<1024xf32, #tpu.memory_space<vmem>>[vector<16xi32>], vector<16xf32>,
      %add3A_437 = arith.addf %add3A_429, %gather3A_436 : vector<16xf32>
      %shift_right_arithmetic3A_438 = arith.constant 10 : i32
      %shift_right_arithmetic3A_439 = vector.broadcast %shift_right_arithmetic3A_438 : i32 to vector<16xi32>
      %shift_right_arithmetic3A_440 = arith.shrsi %get3A_434, %shift_right_arithmetic3A_439 : vector<16xi32>
      %and3A_441 = arith.andi %shift_right_arithmetic3A_440, %broadcast_in_dim3A_64 : vector<16xi32>
      %gather3A_442 = tpu.vector_load_idx %arg7[%and3A_441] : memref<1024xf32, #tpu.memory_space<vmem>>[vector<16xi32>], vector<16xf32>,
      %add3A_443 = arith.addf %add3A_437, %gather3A_442 : vector<16xf32>
      %shift_right_arithmetic3A_444 = arith.constant 20 : i32
      %shift_right_arithmetic3A_445 = vector.broadcast %shift_right_arithmetic3A_444 : i32 to vector<16xi32>
      %shift_right_arithmetic3A_446 = arith.shrsi %get3A_434, %shift_right_arithmetic3A_445 : vector<16xi32>
      %gather3A_447 = tpu.vector_load_idx %arg7[%shift_right_arithmetic3A_446] : memref<1024xf32, #tpu.memory_space<vmem>>[vector<16xi32>], vector<16xf32>,
      %add3A_448 = arith.addf %add3A_443, %gather3A_447 : vector<16xf32>
      %get3A_449 = arith.constant 2 : i32
      %get3A_450 = arith.index_cast %get3A_449 : i32 to index
      %get3A_451 = arith.index_cast %scan3A_163 : i32 to index
      %get3A_452 = arith.constant 240 : index
      %get3A_453 = tpu.vector_load %arg8[%get3A_450, %get3A_451, %get3A_452] {strides = array<i32>} : memref<4x8x352xi32, #tpu.memory_space<vmem>>, vector<16xi32>,
      %and3A_454 = arith.andi %get3A_453, %broadcast_in_dim3A_64 : vector<16xi32>
      %gather3A_455 = tpu.vector_load_idx %arg7[%and3A_454] : memref<1024xf32, #tpu.memory_space<vmem>>[vector<16xi32>], vector<16xf32>,
      %add3A_456 = arith.addf %add3A_448, %gather3A_455 : vector<16xf32>
      %shift_right_arithmetic3A_457 = arith.constant 10 : i32
      %shift_right_arithmetic3A_458 = vector.broadcast %shift_right_arithmetic3A_457 : i32 to vector<16xi32>
      %shift_right_arithmetic3A_459 = arith.shrsi %get3A_453, %shift_right_arithmetic3A_458 : vector<16xi32>
      %and3A_460 = arith.andi %shift_right_arithmetic3A_459, %broadcast_in_dim3A_64 : vector<16xi32>
      %gather3A_461 = tpu.vector_load_idx %arg7[%and3A_460] : memref<1024xf32, #tpu.memory_space<vmem>>[vector<16xi32>], vector<16xf32>,
      %add3A_462 = arith.addf %add3A_456, %gather3A_461 : vector<16xf32>
      %shift_right_arithmetic3A_463 = arith.constant 20 : i32
      %shift_right_arithmetic3A_464 = vector.broadcast %shift_right_arithmetic3A_463 : i32 to vector<16xi32>
      %shift_right_arithmetic3A_465 = arith.shrsi %get3A_453, %shift_right_arithmetic3A_464 : vector<16xi32>
      %gather3A_466 = tpu.vector_load_idx %arg7[%shift_right_arithmetic3A_465] : memref<1024xf32, #tpu.memory_space<vmem>>[vector<16xi32>], vector<16xf32>,
      %add3A_467 = arith.addf %add3A_462, %gather3A_466 : vector<16xf32>
      %get3A_468 = arith.constant 2 : i32
      %get3A_469 = arith.index_cast %get3A_468 : i32 to index
      %get3A_470 = arith.index_cast %scan3A_163 : i32 to index
      %get3A_471 = arith.constant 256 : index
      %get3A_472 = tpu.vector_load %arg8[%get3A_469, %get3A_470, %get3A_471] {strides = array<i32>} : memref<4x8x352xi32, #tpu.memory_space<vmem>>, vector<16xi32>,
      %and3A_473 = arith.andi %get3A_472, %broadcast_in_dim3A_64 : vector<16xi32>
      %gather3A_474 = tpu.vector_load_idx %arg7[%and3A_473] : memref<1024xf32, #tpu.memory_space<vmem>>[vector<16xi32>], vector<16xf32>,
      %add3A_475 = arith.addf %add3A_467, %gather3A_474 : vector<16xf32>
      %shift_right_arithmetic3A_476 = arith.constant 10 : i32
      %shift_right_arithmetic3A_477 = vector.broadcast %shift_right_arithmetic3A_476 : i32 to vector<16xi32>
      %shift_right_arithmetic3A_478 = arith.shrsi %get3A_472, %shift_right_arithmetic3A_477 : vector<16xi32>
      %and3A_479 = arith.andi %shift_right_arithmetic3A_478, %broadcast_in_dim3A_64 : vector<16xi32>
      %gather3A_480 = tpu.vector_load_idx %arg7[%and3A_479] : memref<1024xf32, #tpu.memory_space<vmem>>[vector<16xi32>], vector<16xf32>,
      %add3A_481 = arith.addf %add3A_475, %gather3A_480 : vector<16xf32>
      %shift_right_arithmetic3A_482 = arith.constant 20 : i32
      %shift_right_arithmetic3A_483 = vector.broadcast %shift_right_arithmetic3A_482 : i32 to vector<16xi32>
      %shift_right_arithmetic3A_484 = arith.shrsi %get3A_472, %shift_right_arithmetic3A_483 : vector<16xi32>
      %gather3A_485 = tpu.vector_load_idx %arg7[%shift_right_arithmetic3A_484] : memref<1024xf32, #tpu.memory_space<vmem>>[vector<16xi32>], vector<16xf32>,
      %add3A_486 = arith.addf %add3A_481, %gather3A_485 : vector<16xf32>
      %get3A_487 = arith.constant 2 : i32
      %get3A_488 = arith.index_cast %get3A_487 : i32 to index
      %get3A_489 = arith.index_cast %scan3A_163 : i32 to index
      %get3A_490 = arith.constant 272 : index
      %get3A_491 = tpu.vector_load %arg8[%get3A_488, %get3A_489, %get3A_490] {strides = array<i32>} : memref<4x8x352xi32, #tpu.memory_space<vmem>>, vector<16xi32>,
      %and3A_492 = arith.andi %get3A_491, %broadcast_in_dim3A_64 : vector<16xi32>
      %gather3A_493 = tpu.vector_load_idx %arg7[%and3A_492] : memref<1024xf32, #tpu.memory_space<vmem>>[vector<16xi32>], vector<16xf32>,
      %add3A_494 = arith.addf %add3A_486, %gather3A_493 : vector<16xf32>
      %shift_right_arithmetic3A_495 = arith.constant 10 : i32
      %shift_right_arithmetic3A_496 = vector.broadcast %shift_right_arithmetic3A_495 : i32 to vector<16xi32>
      %shift_right_arithmetic3A_497 = arith.shrsi %get3A_491, %shift_right_arithmetic3A_496 : vector<16xi32>
      %and3A_498 = arith.andi %shift_right_arithmetic3A_497, %broadcast_in_dim3A_64 : vector<16xi32>
      %gather3A_499 = tpu.vector_load_idx %arg7[%and3A_498] : memref<1024xf32, #tpu.memory_space<vmem>>[vector<16xi32>], vector<16xf32>,
      %add3A_500 = arith.addf %add3A_494, %gather3A_499 : vector<16xf32>
      %shift_right_arithmetic3A_501 = arith.constant 20 : i32
      %shift_right_arithmetic3A_502 = vector.broadcast %shift_right_arithmetic3A_501 : i32 to vector<16xi32>
      %shift_right_arithmetic3A_503 = arith.shrsi %get3A_491, %shift_right_arithmetic3A_502 : vector<16xi32>
      %gather3A_504 = tpu.vector_load_idx %arg7[%shift_right_arithmetic3A_503] : memref<1024xf32, #tpu.memory_space<vmem>>[vector<16xi32>], vector<16xf32>,
      %add3A_505 = arith.addf %add3A_500, %gather3A_504 : vector<16xf32>
      %get3A_506 = arith.constant 2 : i32
      %get3A_507 = arith.index_cast %get3A_506 : i32 to index
      %get3A_508 = arith.index_cast %scan3A_163 : i32 to index
      %get3A_509 = arith.constant 288 : index
      %get3A_510 = tpu.vector_load %arg8[%get3A_507, %get3A_508, %get3A_509] {strides = array<i32>} : memref<4x8x352xi32, #tpu.memory_space<vmem>>, vector<16xi32>,
      %and3A_511 = arith.andi %get3A_510, %broadcast_in_dim3A_64 : vector<16xi32>
      %gather3A_512 = tpu.vector_load_idx %arg7[%and3A_511] : memref<1024xf32, #tpu.memory_space<vmem>>[vector<16xi32>], vector<16xf32>,
      %add3A_513 = arith.addf %add3A_505, %gather3A_512 : vector<16xf32>
      %shift_right_arithmetic3A_514 = arith.constant 10 : i32
      %shift_right_arithmetic3A_515 = vector.broadcast %shift_right_arithmetic3A_514 : i32 to vector<16xi32>
      %shift_right_arithmetic3A_516 = arith.shrsi %get3A_510, %shift_right_arithmetic3A_515 : vector<16xi32>
      %and3A_517 = arith.andi %shift_right_arithmetic3A_516, %broadcast_in_dim3A_64 : vector<16xi32>
      %gather3A_518 = tpu.vector_load_idx %arg7[%and3A_517] : memref<1024xf32, #tpu.memory_space<vmem>>[vector<16xi32>], vector<16xf32>,
      %add3A_519 = arith.addf %add3A_513, %gather3A_518 : vector<16xf32>
      %shift_right_arithmetic3A_520 = arith.constant 20 : i32
      %shift_right_arithmetic3A_521 = vector.broadcast %shift_right_arithmetic3A_520 : i32 to vector<16xi32>
      %shift_right_arithmetic3A_522 = arith.shrsi %get3A_510, %shift_right_arithmetic3A_521 : vector<16xi32>
      %gather3A_523 = tpu.vector_load_idx %arg7[%shift_right_arithmetic3A_522] : memref<1024xf32, #tpu.memory_space<vmem>>[vector<16xi32>], vector<16xf32>,
      %add3A_524 = arith.addf %add3A_519, %gather3A_523 : vector<16xf32>
      %get3A_525 = arith.constant 2 : i32
      %get3A_526 = arith.index_cast %get3A_525 : i32 to index
      %get3A_527 = arith.index_cast %scan3A_163 : i32 to index
      %get3A_528 = arith.constant 304 : index
      %get3A_529 = tpu.vector_load %arg8[%get3A_526, %get3A_527, %get3A_528] {strides = array<i32>} : memref<4x8x352xi32, #tpu.memory_space<vmem>>, vector<16xi32>,
      %and3A_530 = arith.andi %get3A_529, %broadcast_in_dim3A_64 : vector<16xi32>
      %gather3A_531 = tpu.vector_load_idx %arg7[%and3A_530] : memref<1024xf32, #tpu.memory_space<vmem>>[vector<16xi32>], vector<16xf32>,
      %add3A_532 = arith.addf %add3A_524, %gather3A_531 : vector<16xf32>
      %shift_right_arithmetic3A_533 = arith.constant 10 : i32
      %shift_right_arithmetic3A_534 = vector.broadcast %shift_right_arithmetic3A_533 : i32 to vector<16xi32>
      %shift_right_arithmetic3A_535 = arith.shrsi %get3A_529, %shift_right_arithmetic3A_534 : vector<16xi32>
      %and3A_536 = arith.andi %shift_right_arithmetic3A_535, %broadcast_in_dim3A_64 : vector<16xi32>
      %gather3A_537 = tpu.vector_load_idx %arg7[%and3A_536] : memref<1024xf32, #tpu.memory_space<vmem>>[vector<16xi32>], vector<16xf32>,
      %add3A_538 = arith.addf %add3A_532, %gather3A_537 : vector<16xf32>
      %shift_right_arithmetic3A_539 = arith.constant 20 : i32
      %shift_right_arithmetic3A_540 = vector.broadcast %shift_right_arithmetic3A_539 : i32 to vector<16xi32>
      %shift_right_arithmetic3A_541 = arith.shrsi %get3A_529, %shift_right_arithmetic3A_540 : vector<16xi32>
      %gather3A_542 = tpu.vector_load_idx %arg7[%shift_right_arithmetic3A_541] : memref<1024xf32, #tpu.memory_space<vmem>>[vector<16xi32>], vector<16xf32>,
      %add3A_543 = arith.addf %add3A_538, %gather3A_542 : vector<16xf32>
      %get3A_544 = arith.constant 2 : i32
      %get3A_545 = arith.index_cast %get3A_544 : i32 to index
      %get3A_546 = arith.index_cast %scan3A_163 : i32 to index
      %get3A_547 = arith.constant 320 : index
      %get3A_548 = tpu.vector_load %arg8[%get3A_545, %get3A_546, %get3A_547] {strides = array<i32>} : memref<4x8x352xi32, #tpu.memory_space<vmem>>, vector<16xi32>,
      %and3A_549 = arith.andi %get3A_548, %broadcast_in_dim3A_64 : vector<16xi32>
      %gather3A_550 = tpu.vector_load_idx %arg7[%and3A_549] : memref<1024xf32, #tpu.memory_space<vmem>>[vector<16xi32>], vector<16xf32>,
      %add3A_551 = arith.addf %add3A_543, %gather3A_550 : vector<16xf32>
      %shift_right_arithmetic3A_552 = arith.constant 10 : i32
      %shift_right_arithmetic3A_553 = vector.broadcast %shift_right_arithmetic3A_552 : i32 to vector<16xi32>
      %shift_right_arithmetic3A_554 = arith.shrsi %get3A_548, %shift_right_arithmetic3A_553 : vector<16xi32>
      %and3A_555 = arith.andi %shift_right_arithmetic3A_554, %broadcast_in_dim3A_64 : vector<16xi32>
      %gather3A_556 = tpu.vector_load_idx %arg7[%and3A_555] : memref<1024xf32, #tpu.memory_space<vmem>>[vector<16xi32>], vector<16xf32>,
      %add3A_557 = arith.addf %add3A_551, %gather3A_556 : vector<16xf32>
      %shift_right_arithmetic3A_558 = arith.constant 20 : i32
      %shift_right_arithmetic3A_559 = vector.broadcast %shift_right_arithmetic3A_558 : i32 to vector<16xi32>
      %shift_right_arithmetic3A_560 = arith.shrsi %get3A_548, %shift_right_arithmetic3A_559 : vector<16xi32>
      %gather3A_561 = tpu.vector_load_idx %arg7[%shift_right_arithmetic3A_560] : memref<1024xf32, #tpu.memory_space<vmem>>[vector<16xi32>], vector<16xf32>,
      %add3A_562 = arith.addf %add3A_557, %gather3A_561 : vector<16xf32>
      %get3A_563 = arith.constant 2 : i32
      %get3A_564 = arith.index_cast %get3A_563 : i32 to index
      %get3A_565 = arith.index_cast %scan3A_163 : i32 to index
      %get3A_566 = arith.constant 336 : index
      %get3A_567 = tpu.vector_load %arg8[%get3A_564, %get3A_565, %get3A_566] {strides = array<i32>} : memref<4x8x352xi32, #tpu.memory_space<vmem>>, vector<16xi32>,
      %and3A_568 = arith.andi %get3A_567, %broadcast_in_dim3A_64 : vector<16xi32>
      %gather3A_569 = tpu.vector_load_idx %arg7[%and3A_568] : memref<1024xf32, #tpu.memory_space<vmem>>[vector<16xi32>], vector<16xf32>,
      %add3A_570 = arith.addf %add3A_562, %gather3A_569 : vector<16xf32>
      %shift_right_arithmetic3A_571 = arith.constant 10 : i32
      %shift_right_arithmetic3A_572 = vector.broadcast %shift_right_arithmetic3A_571 : i32 to vector<16xi32>
      %shift_right_arithmetic3A_573 = arith.shrsi %get3A_567, %shift_right_arithmetic3A_572 : vector<16xi32>
      %and3A_574 = arith.andi %shift_right_arithmetic3A_573, %broadcast_in_dim3A_64 : vector<16xi32>
      %gather3A_575 = tpu.vector_load_idx %arg7[%and3A_574] : memref<1024xf32, #tpu.memory_space<vmem>>[vector<16xi32>], vector<16xf32>,
      %add3A_576 = arith.addf %add3A_570, %gather3A_575 : vector<16xf32>
      %shift_right_arithmetic3A_577 = arith.constant 20 : i32
      %shift_right_arithmetic3A_578 = vector.broadcast %shift_right_arithmetic3A_577 : i32 to vector<16xi32>
      %shift_right_arithmetic3A_579 = arith.shrsi %get3A_567, %shift_right_arithmetic3A_578 : vector<16xi32>
      %gather3A_580 = tpu.vector_load_idx %arg7[%shift_right_arithmetic3A_579] : memref<1024xf32, #tpu.memory_space<vmem>>[vector<16xi32>], vector<16xf32>,
      %add3A_581 = arith.addf %add3A_576, %gather3A_580 : vector<16xf32>
      %reduce_sum3A = arith.constant true
      %reduce_sum3A_582 = vector.broadcast %reduce_sum3A : i1 to vector<16xi1>
      %reduce_sum3A_583 = tpu.scan <sum>, %add3A_581 masked %reduce_sum3A_582 : vector<16xf32>, vector<16xi1> -> vector<16xf32>
      %reduce_sum3A_584 = vector.extract %reduce_sum3A_583[15] : f32 from vector<16xf32>
      %mul3A_585 = arith.constant 1.46484381E-4 : f32
      %mul3A_586 = arith.mulf %mul3A_585, %reduce_sum3A_584 : f32
      %add3A_587 = arith.constant 0 : i32
      %add3A_588 = arith.addi %add3A_587, %scan3A_163 : i32
      %eq3A = vector.broadcast %add3A_588 : i32 to vector<16xi32>
      %eq3A_589 = arith.cmpi eq, %iota3A, %eq3A : vector<16xi32>
      %broadcast_in_dim3A_590 = vector.broadcast %mul3A_586 : f32 to vector<16xf32>
      %select_n3A = arith.select %eq3A_589, %broadcast_in_dim3A_590, %scan3A_164 : vector<16xi1>, vector<16xf32>
      scf.yield %select_n3A : vector<16xf32>
    }
    %scan3A_136 = arith.constant 8 : i32
    %dma_wait3A_137 = arith.constant 3 : i32
    %dma_wait3A_138 = arith.constant 0 : i32
    %dma_wait3A_139 = arith.constant 0 : i32
    %dma_wait3A_140 = tpu.memref_slice %arg8[%dma_wait3A_137, %dma_wait3A_138, %dma_wait3A_139] : memref<4x8x352xi32, #tpu.memory_space<vmem>> -> memref<1x8x352xi32, #tpu.memory_space<vmem>>
    %dma_wait3A_141 = tpu.memref_squeeze %dma_wait3A_140 : memref<1x8x352xi32, #tpu.memory_space<vmem>> -> memref<8x352xi32, #tpu.memory_space<vmem>>
    %dma_wait3A_142 = arith.constant 0 : i32
    %dma_wait3A_143 = tpu.memref_slice %arg3[%add3A_50, %dma_wait3A_142] : memref<1024x352xi32, #tpu.memory_space<hbm>> -> memref<8x352xi32, #tpu.memory_space<hbm>>
    %dma_wait3A_144 = arith.constant 0 : i32
    %dma_wait3A_145 = arith.constant 0 : i32
    %dma_wait3A_146 = tpu.memref_slice %arg8[%dma_wait3A_137, %dma_wait3A_144, %dma_wait3A_145] : memref<4x8x352xi32, #tpu.memory_space<vmem>> -> memref<1x8x352xi32, #tpu.memory_space<vmem>>
    %dma_wait3A_147 = tpu.memref_squeeze %dma_wait3A_146 : memref<1x8x352xi32, #tpu.memory_space<vmem>> -> memref<8x352xi32, #tpu.memory_space<vmem>>
    %dma_wait3A_148 = arith.constant 0 : i32
    %dma_wait3A_149 = tpu.memref_slice %arg3[%add3A_50, %dma_wait3A_148] : memref<1024x352xi32, #tpu.memory_space<hbm>> -> memref<8x352xi32, #tpu.memory_space<hbm>>
    tpu.wait_dma2 semaphore(%arg14 : memref<!tpu.dma_semaphore, #tpu.memory_space<semaphore_mem>>) src(%dma_wait3A_149 : memref<8x352xi32, #tpu.memory_space<hbm>>) dst(%dma_wait3A_147 : memref<8x352xi32, #tpu.memory_space<vmem>>)
    %scan3A_150 = arith.constant 0 : i32
    %scan3A_151 = arith.constant 8 : i32
    %scan3A_152 = arith.addi %scan3A_150, %scan3A_151 : i32
    %scan3A_153 = arith.constant 1 : i32
    %scan3A_154 = scf.for %scan3A_163 = %scan3A_150 to %scan3A_152 step %scan3A_153 iter_args(%scan3A_164 = %scan3A_135) -> (vector<16xf32>)  : i32 {
      %broadcast_in_dim3A_165 = arith.constant 0.000000e+00 : f32
      %broadcast_in_dim3A_166 = vector.broadcast %broadcast_in_dim3A_165 : f32 to vector<16xf32>
      %get3A_167 = arith.constant 3 : i32
      %get3A_168 = arith.index_cast %get3A_167 : i32 to index
      %get3A_169 = arith.index_cast %scan3A_163 : i32 to index
      %get3A_170 = arith.constant 0 : index
      %get3A_171 = tpu.vector_load %arg8[%get3A_168, %get3A_169, %get3A_170] {strides = array<i32>} : memref<4x8x352xi32, #tpu.memory_space<vmem>>, vector<16xi32>,
      %and3A = arith.andi %get3A_171, %broadcast_in_dim3A_64 : vector<16xi32>
      %gather3A = tpu.vector_load_idx %arg7[%and3A] : memref<1024xf32, #tpu.memory_space<vmem>>[vector<16xi32>], vector<16xf32>,
      %add3A_172 = arith.addf %broadcast_in_dim3A_166, %gather3A : vector<16xf32>
      %shift_right_arithmetic3A = arith.constant 10 : i32
      %shift_right_arithmetic3A_173 = vector.broadcast %shift_right_arithmetic3A : i32 to vector<16xi32>
      %shift_right_arithmetic3A_174 = arith.shrsi %get3A_171, %shift_right_arithmetic3A_173 : vector<16xi32>
      %and3A_175 = arith.andi %shift_right_arithmetic3A_174, %broadcast_in_dim3A_64 : vector<16xi32>
      %gather3A_176 = tpu.vector_load_idx %arg7[%and3A_175] : memref<1024xf32, #tpu.memory_space<vmem>>[vector<16xi32>], vector<16xf32>,
      %add3A_177 = arith.addf %add3A_172, %gather3A_176 : vector<16xf32>
      %shift_right_arithmetic3A_178 = arith.constant 20 : i32
      %shift_right_arithmetic3A_179 = vector.broadcast %shift_right_arithmetic3A_178 : i32 to vector<16xi32>
      %shift_right_arithmetic3A_180 = arith.shrsi %get3A_171, %shift_right_arithmetic3A_179 : vector<16xi32>
      %gather3A_181 = tpu.vector_load_idx %arg7[%shift_right_arithmetic3A_180] : memref<1024xf32, #tpu.memory_space<vmem>>[vector<16xi32>], vector<16xf32>,
      %add3A_182 = arith.addf %add3A_177, %gather3A_181 : vector<16xf32>
      %get3A_183 = arith.constant 3 : i32
      %get3A_184 = arith.index_cast %get3A_183 : i32 to index
      %get3A_185 = arith.index_cast %scan3A_163 : i32 to index
      %get3A_186 = arith.constant 16 : index
      %get3A_187 = tpu.vector_load %arg8[%get3A_184, %get3A_185, %get3A_186] {strides = array<i32>} : memref<4x8x352xi32, #tpu.memory_space<vmem>>, vector<16xi32>,
      %and3A_188 = arith.andi %get3A_187, %broadcast_in_dim3A_64 : vector<16xi32>
      %gather3A_189 = tpu.vector_load_idx %arg7[%and3A_188] : memref<1024xf32, #tpu.memory_space<vmem>>[vector<16xi32>], vector<16xf32>,
      %add3A_190 = arith.addf %add3A_182, %gather3A_189 : vector<16xf32>
      %shift_right_arithmetic3A_191 = arith.constant 10 : i32
      %shift_right_arithmetic3A_192 = vector.broadcast %shift_right_arithmetic3A_191 : i32 to vector<16xi32>
      %shift_right_arithmetic3A_193 = arith.shrsi %get3A_187, %shift_right_arithmetic3A_192 : vector<16xi32>
      %and3A_194 = arith.andi %shift_right_arithmetic3A_193, %broadcast_in_dim3A_64 : vector<16xi32>
      %gather3A_195 = tpu.vector_load_idx %arg7[%and3A_194] : memref<1024xf32, #tpu.memory_space<vmem>>[vector<16xi32>], vector<16xf32>,
      %add3A_196 = arith.addf %add3A_190, %gather3A_195 : vector<16xf32>
      %shift_right_arithmetic3A_197 = arith.constant 20 : i32
      %shift_right_arithmetic3A_198 = vector.broadcast %shift_right_arithmetic3A_197 : i32 to vector<16xi32>
      %shift_right_arithmetic3A_199 = arith.shrsi %get3A_187, %shift_right_arithmetic3A_198 : vector<16xi32>
      %gather3A_200 = tpu.vector_load_idx %arg7[%shift_right_arithmetic3A_199] : memref<1024xf32, #tpu.memory_space<vmem>>[vector<16xi32>], vector<16xf32>,
      %add3A_201 = arith.addf %add3A_196, %gather3A_200 : vector<16xf32>
      %get3A_202 = arith.constant 3 : i32
      %get3A_203 = arith.index_cast %get3A_202 : i32 to index
      %get3A_204 = arith.index_cast %scan3A_163 : i32 to index
      %get3A_205 = arith.constant 32 : index
      %get3A_206 = tpu.vector_load %arg8[%get3A_203, %get3A_204, %get3A_205] {strides = array<i32>} : memref<4x8x352xi32, #tpu.memory_space<vmem>>, vector<16xi32>,
      %and3A_207 = arith.andi %get3A_206, %broadcast_in_dim3A_64 : vector<16xi32>
      %gather3A_208 = tpu.vector_load_idx %arg7[%and3A_207] : memref<1024xf32, #tpu.memory_space<vmem>>[vector<16xi32>], vector<16xf32>,
      %add3A_209 = arith.addf %add3A_201, %gather3A_208 : vector<16xf32>
      %shift_right_arithmetic3A_210 = arith.constant 10 : i32
      %shift_right_arithmetic3A_211 = vector.broadcast %shift_right_arithmetic3A_210 : i32 to vector<16xi32>
      %shift_right_arithmetic3A_212 = arith.shrsi %get3A_206, %shift_right_arithmetic3A_211 : vector<16xi32>
      %and3A_213 = arith.andi %shift_right_arithmetic3A_212, %broadcast_in_dim3A_64 : vector<16xi32>
      %gather3A_214 = tpu.vector_load_idx %arg7[%and3A_213] : memref<1024xf32, #tpu.memory_space<vmem>>[vector<16xi32>], vector<16xf32>,
      %add3A_215 = arith.addf %add3A_209, %gather3A_214 : vector<16xf32>
      %shift_right_arithmetic3A_216 = arith.constant 20 : i32
      %shift_right_arithmetic3A_217 = vector.broadcast %shift_right_arithmetic3A_216 : i32 to vector<16xi32>
      %shift_right_arithmetic3A_218 = arith.shrsi %get3A_206, %shift_right_arithmetic3A_217 : vector<16xi32>
      %gather3A_219 = tpu.vector_load_idx %arg7[%shift_right_arithmetic3A_218] : memref<1024xf32, #tpu.memory_space<vmem>>[vector<16xi32>], vector<16xf32>,
      %add3A_220 = arith.addf %add3A_215, %gather3A_219 : vector<16xf32>
      %get3A_221 = arith.constant 3 : i32
      %get3A_222 = arith.index_cast %get3A_221 : i32 to index
      %get3A_223 = arith.index_cast %scan3A_163 : i32 to index
      %get3A_224 = arith.constant 48 : index
      %get3A_225 = tpu.vector_load %arg8[%get3A_222, %get3A_223, %get3A_224] {strides = array<i32>} : memref<4x8x352xi32, #tpu.memory_space<vmem>>, vector<16xi32>,
      %and3A_226 = arith.andi %get3A_225, %broadcast_in_dim3A_64 : vector<16xi32>
      %gather3A_227 = tpu.vector_load_idx %arg7[%and3A_226] : memref<1024xf32, #tpu.memory_space<vmem>>[vector<16xi32>], vector<16xf32>,
      %add3A_228 = arith.addf %add3A_220, %gather3A_227 : vector<16xf32>
      %shift_right_arithmetic3A_229 = arith.constant 10 : i32
      %shift_right_arithmetic3A_230 = vector.broadcast %shift_right_arithmetic3A_229 : i32 to vector<16xi32>
      %shift_right_arithmetic3A_231 = arith.shrsi %get3A_225, %shift_right_arithmetic3A_230 : vector<16xi32>
      %and3A_232 = arith.andi %shift_right_arithmetic3A_231, %broadcast_in_dim3A_64 : vector<16xi32>
      %gather3A_233 = tpu.vector_load_idx %arg7[%and3A_232] : memref<1024xf32, #tpu.memory_space<vmem>>[vector<16xi32>], vector<16xf32>,
      %add3A_234 = arith.addf %add3A_228, %gather3A_233 : vector<16xf32>
      %shift_right_arithmetic3A_235 = arith.constant 20 : i32
      %shift_right_arithmetic3A_236 = vector.broadcast %shift_right_arithmetic3A_235 : i32 to vector<16xi32>
      %shift_right_arithmetic3A_237 = arith.shrsi %get3A_225, %shift_right_arithmetic3A_236 : vector<16xi32>
      %gather3A_238 = tpu.vector_load_idx %arg7[%shift_right_arithmetic3A_237] : memref<1024xf32, #tpu.memory_space<vmem>>[vector<16xi32>], vector<16xf32>,
      %add3A_239 = arith.addf %add3A_234, %gather3A_238 : vector<16xf32>
      %get3A_240 = arith.constant 3 : i32
      %get3A_241 = arith.index_cast %get3A_240 : i32 to index
      %get3A_242 = arith.index_cast %scan3A_163 : i32 to index
      %get3A_243 = arith.constant 64 : index
      %get3A_244 = tpu.vector_load %arg8[%get3A_241, %get3A_242, %get3A_243] {strides = array<i32>} : memref<4x8x352xi32, #tpu.memory_space<vmem>>, vector<16xi32>,
      %and3A_245 = arith.andi %get3A_244, %broadcast_in_dim3A_64 : vector<16xi32>
      %gather3A_246 = tpu.vector_load_idx %arg7[%and3A_245] : memref<1024xf32, #tpu.memory_space<vmem>>[vector<16xi32>], vector<16xf32>,
      %add3A_247 = arith.addf %add3A_239, %gather3A_246 : vector<16xf32>
      %shift_right_arithmetic3A_248 = arith.constant 10 : i32
      %shift_right_arithmetic3A_249 = vector.broadcast %shift_right_arithmetic3A_248 : i32 to vector<16xi32>
      %shift_right_arithmetic3A_250 = arith.shrsi %get3A_244, %shift_right_arithmetic3A_249 : vector<16xi32>
      %and3A_251 = arith.andi %shift_right_arithmetic3A_250, %broadcast_in_dim3A_64 : vector<16xi32>
      %gather3A_252 = tpu.vector_load_idx %arg7[%and3A_251] : memref<1024xf32, #tpu.memory_space<vmem>>[vector<16xi32>], vector<16xf32>,
      %add3A_253 = arith.addf %add3A_247, %gather3A_252 : vector<16xf32>
      %shift_right_arithmetic3A_254 = arith.constant 20 : i32
      %shift_right_arithmetic3A_255 = vector.broadcast %shift_right_arithmetic3A_254 : i32 to vector<16xi32>
      %shift_right_arithmetic3A_256 = arith.shrsi %get3A_244, %shift_right_arithmetic3A_255 : vector<16xi32>
      %gather3A_257 = tpu.vector_load_idx %arg7[%shift_right_arithmetic3A_256] : memref<1024xf32, #tpu.memory_space<vmem>>[vector<16xi32>], vector<16xf32>,
      %add3A_258 = arith.addf %add3A_253, %gather3A_257 : vector<16xf32>
      %get3A_259 = arith.constant 3 : i32
      %get3A_260 = arith.index_cast %get3A_259 : i32 to index
      %get3A_261 = arith.index_cast %scan3A_163 : i32 to index
      %get3A_262 = arith.constant 80 : index
      %get3A_263 = tpu.vector_load %arg8[%get3A_260, %get3A_261, %get3A_262] {strides = array<i32>} : memref<4x8x352xi32, #tpu.memory_space<vmem>>, vector<16xi32>,
      %and3A_264 = arith.andi %get3A_263, %broadcast_in_dim3A_64 : vector<16xi32>
      %gather3A_265 = tpu.vector_load_idx %arg7[%and3A_264] : memref<1024xf32, #tpu.memory_space<vmem>>[vector<16xi32>], vector<16xf32>,
      %add3A_266 = arith.addf %add3A_258, %gather3A_265 : vector<16xf32>
      %shift_right_arithmetic3A_267 = arith.constant 10 : i32
      %shift_right_arithmetic3A_268 = vector.broadcast %shift_right_arithmetic3A_267 : i32 to vector<16xi32>
      %shift_right_arithmetic3A_269 = arith.shrsi %get3A_263, %shift_right_arithmetic3A_268 : vector<16xi32>
      %and3A_270 = arith.andi %shift_right_arithmetic3A_269, %broadcast_in_dim3A_64 : vector<16xi32>
      %gather3A_271 = tpu.vector_load_idx %arg7[%and3A_270] : memref<1024xf32, #tpu.memory_space<vmem>>[vector<16xi32>], vector<16xf32>,
      %add3A_272 = arith.addf %add3A_266, %gather3A_271 : vector<16xf32>
      %shift_right_arithmetic3A_273 = arith.constant 20 : i32
      %shift_right_arithmetic3A_274 = vector.broadcast %shift_right_arithmetic3A_273 : i32 to vector<16xi32>
      %shift_right_arithmetic3A_275 = arith.shrsi %get3A_263, %shift_right_arithmetic3A_274 : vector<16xi32>
      %gather3A_276 = tpu.vector_load_idx %arg7[%shift_right_arithmetic3A_275] : memref<1024xf32, #tpu.memory_space<vmem>>[vector<16xi32>], vector<16xf32>,
      %add3A_277 = arith.addf %add3A_272, %gather3A_276 : vector<16xf32>
      %get3A_278 = arith.constant 3 : i32
      %get3A_279 = arith.index_cast %get3A_278 : i32 to index
      %get3A_280 = arith.index_cast %scan3A_163 : i32 to index
      %get3A_281 = arith.constant 96 : index
      %get3A_282 = tpu.vector_load %arg8[%get3A_279, %get3A_280, %get3A_281] {strides = array<i32>} : memref<4x8x352xi32, #tpu.memory_space<vmem>>, vector<16xi32>,
      %and3A_283 = arith.andi %get3A_282, %broadcast_in_dim3A_64 : vector<16xi32>
      %gather3A_284 = tpu.vector_load_idx %arg7[%and3A_283] : memref<1024xf32, #tpu.memory_space<vmem>>[vector<16xi32>], vector<16xf32>,
      %add3A_285 = arith.addf %add3A_277, %gather3A_284 : vector<16xf32>
      %shift_right_arithmetic3A_286 = arith.constant 10 : i32
      %shift_right_arithmetic3A_287 = vector.broadcast %shift_right_arithmetic3A_286 : i32 to vector<16xi32>
      %shift_right_arithmetic3A_288 = arith.shrsi %get3A_282, %shift_right_arithmetic3A_287 : vector<16xi32>
      %and3A_289 = arith.andi %shift_right_arithmetic3A_288, %broadcast_in_dim3A_64 : vector<16xi32>
      %gather3A_290 = tpu.vector_load_idx %arg7[%and3A_289] : memref<1024xf32, #tpu.memory_space<vmem>>[vector<16xi32>], vector<16xf32>,
      %add3A_291 = arith.addf %add3A_285, %gather3A_290 : vector<16xf32>
      %shift_right_arithmetic3A_292 = arith.constant 20 : i32
      %shift_right_arithmetic3A_293 = vector.broadcast %shift_right_arithmetic3A_292 : i32 to vector<16xi32>
      %shift_right_arithmetic3A_294 = arith.shrsi %get3A_282, %shift_right_arithmetic3A_293 : vector<16xi32>
      %gather3A_295 = tpu.vector_load_idx %arg7[%shift_right_arithmetic3A_294] : memref<1024xf32, #tpu.memory_space<vmem>>[vector<16xi32>], vector<16xf32>,
      %add3A_296 = arith.addf %add3A_291, %gather3A_295 : vector<16xf32>
      %get3A_297 = arith.constant 3 : i32
      %get3A_298 = arith.index_cast %get3A_297 : i32 to index
      %get3A_299 = arith.index_cast %scan3A_163 : i32 to index
      %get3A_300 = arith.constant 112 : index
      %get3A_301 = tpu.vector_load %arg8[%get3A_298, %get3A_299, %get3A_300] {strides = array<i32>} : memref<4x8x352xi32, #tpu.memory_space<vmem>>, vector<16xi32>,
      %and3A_302 = arith.andi %get3A_301, %broadcast_in_dim3A_64 : vector<16xi32>
      %gather3A_303 = tpu.vector_load_idx %arg7[%and3A_302] : memref<1024xf32, #tpu.memory_space<vmem>>[vector<16xi32>], vector<16xf32>,
      %add3A_304 = arith.addf %add3A_296, %gather3A_303 : vector<16xf32>
      %shift_right_arithmetic3A_305 = arith.constant 10 : i32
      %shift_right_arithmetic3A_306 = vector.broadcast %shift_right_arithmetic3A_305 : i32 to vector<16xi32>
      %shift_right_arithmetic3A_307 = arith.shrsi %get3A_301, %shift_right_arithmetic3A_306 : vector<16xi32>
      %and3A_308 = arith.andi %shift_right_arithmetic3A_307, %broadcast_in_dim3A_64 : vector<16xi32>
      %gather3A_309 = tpu.vector_load_idx %arg7[%and3A_308] : memref<1024xf32, #tpu.memory_space<vmem>>[vector<16xi32>], vector<16xf32>,
      %add3A_310 = arith.addf %add3A_304, %gather3A_309 : vector<16xf32>
      %shift_right_arithmetic3A_311 = arith.constant 20 : i32
      %shift_right_arithmetic3A_312 = vector.broadcast %shift_right_arithmetic3A_311 : i32 to vector<16xi32>
      %shift_right_arithmetic3A_313 = arith.shrsi %get3A_301, %shift_right_arithmetic3A_312 : vector<16xi32>
      %gather3A_314 = tpu.vector_load_idx %arg7[%shift_right_arithmetic3A_313] : memref<1024xf32, #tpu.memory_space<vmem>>[vector<16xi32>], vector<16xf32>,
      %add3A_315 = arith.addf %add3A_310, %gather3A_314 : vector<16xf32>
      %get3A_316 = arith.constant 3 : i32
      %get3A_317 = arith.index_cast %get3A_316 : i32 to index
      %get3A_318 = arith.index_cast %scan3A_163 : i32 to index
      %get3A_319 = arith.constant 128 : index
      %get3A_320 = tpu.vector_load %arg8[%get3A_317, %get3A_318, %get3A_319] {strides = array<i32>} : memref<4x8x352xi32, #tpu.memory_space<vmem>>, vector<16xi32>,
      %and3A_321 = arith.andi %get3A_320, %broadcast_in_dim3A_64 : vector<16xi32>
      %gather3A_322 = tpu.vector_load_idx %arg7[%and3A_321] : memref<1024xf32, #tpu.memory_space<vmem>>[vector<16xi32>], vector<16xf32>,
      %add3A_323 = arith.addf %add3A_315, %gather3A_322 : vector<16xf32>
      %shift_right_arithmetic3A_324 = arith.constant 10 : i32
      %shift_right_arithmetic3A_325 = vector.broadcast %shift_right_arithmetic3A_324 : i32 to vector<16xi32>
      %shift_right_arithmetic3A_326 = arith.shrsi %get3A_320, %shift_right_arithmetic3A_325 : vector<16xi32>
      %and3A_327 = arith.andi %shift_right_arithmetic3A_326, %broadcast_in_dim3A_64 : vector<16xi32>
      %gather3A_328 = tpu.vector_load_idx %arg7[%and3A_327] : memref<1024xf32, #tpu.memory_space<vmem>>[vector<16xi32>], vector<16xf32>,
      %add3A_329 = arith.addf %add3A_323, %gather3A_328 : vector<16xf32>
      %shift_right_arithmetic3A_330 = arith.constant 20 : i32
      %shift_right_arithmetic3A_331 = vector.broadcast %shift_right_arithmetic3A_330 : i32 to vector<16xi32>
      %shift_right_arithmetic3A_332 = arith.shrsi %get3A_320, %shift_right_arithmetic3A_331 : vector<16xi32>
      %gather3A_333 = tpu.vector_load_idx %arg7[%shift_right_arithmetic3A_332] : memref<1024xf32, #tpu.memory_space<vmem>>[vector<16xi32>], vector<16xf32>,
      %add3A_334 = arith.addf %add3A_329, %gather3A_333 : vector<16xf32>
      %get3A_335 = arith.constant 3 : i32
      %get3A_336 = arith.index_cast %get3A_335 : i32 to index
      %get3A_337 = arith.index_cast %scan3A_163 : i32 to index
      %get3A_338 = arith.constant 144 : index
      %get3A_339 = tpu.vector_load %arg8[%get3A_336, %get3A_337, %get3A_338] {strides = array<i32>} : memref<4x8x352xi32, #tpu.memory_space<vmem>>, vector<16xi32>,
      %and3A_340 = arith.andi %get3A_339, %broadcast_in_dim3A_64 : vector<16xi32>
      %gather3A_341 = tpu.vector_load_idx %arg7[%and3A_340] : memref<1024xf32, #tpu.memory_space<vmem>>[vector<16xi32>], vector<16xf32>,
      %add3A_342 = arith.addf %add3A_334, %gather3A_341 : vector<16xf32>
      %shift_right_arithmetic3A_343 = arith.constant 10 : i32
      %shift_right_arithmetic3A_344 = vector.broadcast %shift_right_arithmetic3A_343 : i32 to vector<16xi32>
      %shift_right_arithmetic3A_345 = arith.shrsi %get3A_339, %shift_right_arithmetic3A_344 : vector<16xi32>
      %and3A_346 = arith.andi %shift_right_arithmetic3A_345, %broadcast_in_dim3A_64 : vector<16xi32>
      %gather3A_347 = tpu.vector_load_idx %arg7[%and3A_346] : memref<1024xf32, #tpu.memory_space<vmem>>[vector<16xi32>], vector<16xf32>,
      %add3A_348 = arith.addf %add3A_342, %gather3A_347 : vector<16xf32>
      %shift_right_arithmetic3A_349 = arith.constant 20 : i32
      %shift_right_arithmetic3A_350 = vector.broadcast %shift_right_arithmetic3A_349 : i32 to vector<16xi32>
      %shift_right_arithmetic3A_351 = arith.shrsi %get3A_339, %shift_right_arithmetic3A_350 : vector<16xi32>
      %gather3A_352 = tpu.vector_load_idx %arg7[%shift_right_arithmetic3A_351] : memref<1024xf32, #tpu.memory_space<vmem>>[vector<16xi32>], vector<16xf32>,
      %add3A_353 = arith.addf %add3A_348, %gather3A_352 : vector<16xf32>
      %get3A_354 = arith.constant 3 : i32
      %get3A_355 = arith.index_cast %get3A_354 : i32 to index
      %get3A_356 = arith.index_cast %scan3A_163 : i32 to index
      %get3A_357 = arith.constant 160 : index
      %get3A_358 = tpu.vector_load %arg8[%get3A_355, %get3A_356, %get3A_357] {strides = array<i32>} : memref<4x8x352xi32, #tpu.memory_space<vmem>>, vector<16xi32>,
      %and3A_359 = arith.andi %get3A_358, %broadcast_in_dim3A_64 : vector<16xi32>
      %gather3A_360 = tpu.vector_load_idx %arg7[%and3A_359] : memref<1024xf32, #tpu.memory_space<vmem>>[vector<16xi32>], vector<16xf32>,
      %add3A_361 = arith.addf %add3A_353, %gather3A_360 : vector<16xf32>
      %shift_right_arithmetic3A_362 = arith.constant 10 : i32
      %shift_right_arithmetic3A_363 = vector.broadcast %shift_right_arithmetic3A_362 : i32 to vector<16xi32>
      %shift_right_arithmetic3A_364 = arith.shrsi %get3A_358, %shift_right_arithmetic3A_363 : vector<16xi32>
      %and3A_365 = arith.andi %shift_right_arithmetic3A_364, %broadcast_in_dim3A_64 : vector<16xi32>
      %gather3A_366 = tpu.vector_load_idx %arg7[%and3A_365] : memref<1024xf32, #tpu.memory_space<vmem>>[vector<16xi32>], vector<16xf32>,
      %add3A_367 = arith.addf %add3A_361, %gather3A_366 : vector<16xf32>
      %shift_right_arithmetic3A_368 = arith.constant 20 : i32
      %shift_right_arithmetic3A_369 = vector.broadcast %shift_right_arithmetic3A_368 : i32 to vector<16xi32>
      %shift_right_arithmetic3A_370 = arith.shrsi %get3A_358, %shift_right_arithmetic3A_369 : vector<16xi32>
      %gather3A_371 = tpu.vector_load_idx %arg7[%shift_right_arithmetic3A_370] : memref<1024xf32, #tpu.memory_space<vmem>>[vector<16xi32>], vector<16xf32>,
      %add3A_372 = arith.addf %add3A_367, %gather3A_371 : vector<16xf32>
      %get3A_373 = arith.constant 3 : i32
      %get3A_374 = arith.index_cast %get3A_373 : i32 to index
      %get3A_375 = arith.index_cast %scan3A_163 : i32 to index
      %get3A_376 = arith.constant 176 : index
      %get3A_377 = tpu.vector_load %arg8[%get3A_374, %get3A_375, %get3A_376] {strides = array<i32>} : memref<4x8x352xi32, #tpu.memory_space<vmem>>, vector<16xi32>,
      %and3A_378 = arith.andi %get3A_377, %broadcast_in_dim3A_64 : vector<16xi32>
      %gather3A_379 = tpu.vector_load_idx %arg7[%and3A_378] : memref<1024xf32, #tpu.memory_space<vmem>>[vector<16xi32>], vector<16xf32>,
      %add3A_380 = arith.addf %add3A_372, %gather3A_379 : vector<16xf32>
      %shift_right_arithmetic3A_381 = arith.constant 10 : i32
      %shift_right_arithmetic3A_382 = vector.broadcast %shift_right_arithmetic3A_381 : i32 to vector<16xi32>
      %shift_right_arithmetic3A_383 = arith.shrsi %get3A_377, %shift_right_arithmetic3A_382 : vector<16xi32>
      %and3A_384 = arith.andi %shift_right_arithmetic3A_383, %broadcast_in_dim3A_64 : vector<16xi32>
      %gather3A_385 = tpu.vector_load_idx %arg7[%and3A_384] : memref<1024xf32, #tpu.memory_space<vmem>>[vector<16xi32>], vector<16xf32>,
      %add3A_386 = arith.addf %add3A_380, %gather3A_385 : vector<16xf32>
      %shift_right_arithmetic3A_387 = arith.constant 20 : i32
      %shift_right_arithmetic3A_388 = vector.broadcast %shift_right_arithmetic3A_387 : i32 to vector<16xi32>
      %shift_right_arithmetic3A_389 = arith.shrsi %get3A_377, %shift_right_arithmetic3A_388 : vector<16xi32>
      %gather3A_390 = tpu.vector_load_idx %arg7[%shift_right_arithmetic3A_389] : memref<1024xf32, #tpu.memory_space<vmem>>[vector<16xi32>], vector<16xf32>,
      %add3A_391 = arith.addf %add3A_386, %gather3A_390 : vector<16xf32>
      %get3A_392 = arith.constant 3 : i32
      %get3A_393 = arith.index_cast %get3A_392 : i32 to index
      %get3A_394 = arith.index_cast %scan3A_163 : i32 to index
      %get3A_395 = arith.constant 192 : index
      %get3A_396 = tpu.vector_load %arg8[%get3A_393, %get3A_394, %get3A_395] {strides = array<i32>} : memref<4x8x352xi32, #tpu.memory_space<vmem>>, vector<16xi32>,
      %and3A_397 = arith.andi %get3A_396, %broadcast_in_dim3A_64 : vector<16xi32>
      %gather3A_398 = tpu.vector_load_idx %arg7[%and3A_397] : memref<1024xf32, #tpu.memory_space<vmem>>[vector<16xi32>], vector<16xf32>,
      %add3A_399 = arith.addf %add3A_391, %gather3A_398 : vector<16xf32>
      %shift_right_arithmetic3A_400 = arith.constant 10 : i32
      %shift_right_arithmetic3A_401 = vector.broadcast %shift_right_arithmetic3A_400 : i32 to vector<16xi32>
      %shift_right_arithmetic3A_402 = arith.shrsi %get3A_396, %shift_right_arithmetic3A_401 : vector<16xi32>
      %and3A_403 = arith.andi %shift_right_arithmetic3A_402, %broadcast_in_dim3A_64 : vector<16xi32>
      %gather3A_404 = tpu.vector_load_idx %arg7[%and3A_403] : memref<1024xf32, #tpu.memory_space<vmem>>[vector<16xi32>], vector<16xf32>,
      %add3A_405 = arith.addf %add3A_399, %gather3A_404 : vector<16xf32>
      %shift_right_arithmetic3A_406 = arith.constant 20 : i32
      %shift_right_arithmetic3A_407 = vector.broadcast %shift_right_arithmetic3A_406 : i32 to vector<16xi32>
      %shift_right_arithmetic3A_408 = arith.shrsi %get3A_396, %shift_right_arithmetic3A_407 : vector<16xi32>
      %gather3A_409 = tpu.vector_load_idx %arg7[%shift_right_arithmetic3A_408] : memref<1024xf32, #tpu.memory_space<vmem>>[vector<16xi32>], vector<16xf32>,
      %add3A_410 = arith.addf %add3A_405, %gather3A_409 : vector<16xf32>
      %get3A_411 = arith.constant 3 : i32
      %get3A_412 = arith.index_cast %get3A_411 : i32 to index
      %get3A_413 = arith.index_cast %scan3A_163 : i32 to index
      %get3A_414 = arith.constant 208 : index
      %get3A_415 = tpu.vector_load %arg8[%get3A_412, %get3A_413, %get3A_414] {strides = array<i32>} : memref<4x8x352xi32, #tpu.memory_space<vmem>>, vector<16xi32>,
      %and3A_416 = arith.andi %get3A_415, %broadcast_in_dim3A_64 : vector<16xi32>
      %gather3A_417 = tpu.vector_load_idx %arg7[%and3A_416] : memref<1024xf32, #tpu.memory_space<vmem>>[vector<16xi32>], vector<16xf32>,
      %add3A_418 = arith.addf %add3A_410, %gather3A_417 : vector<16xf32>
      %shift_right_arithmetic3A_419 = arith.constant 10 : i32
      %shift_right_arithmetic3A_420 = vector.broadcast %shift_right_arithmetic3A_419 : i32 to vector<16xi32>
      %shift_right_arithmetic3A_421 = arith.shrsi %get3A_415, %shift_right_arithmetic3A_420 : vector<16xi32>
      %and3A_422 = arith.andi %shift_right_arithmetic3A_421, %broadcast_in_dim3A_64 : vector<16xi32>
      %gather3A_423 = tpu.vector_load_idx %arg7[%and3A_422] : memref<1024xf32, #tpu.memory_space<vmem>>[vector<16xi32>], vector<16xf32>,
      %add3A_424 = arith.addf %add3A_418, %gather3A_423 : vector<16xf32>
      %shift_right_arithmetic3A_425 = arith.constant 20 : i32
      %shift_right_arithmetic3A_426 = vector.broadcast %shift_right_arithmetic3A_425 : i32 to vector<16xi32>
      %shift_right_arithmetic3A_427 = arith.shrsi %get3A_415, %shift_right_arithmetic3A_426 : vector<16xi32>
      %gather3A_428 = tpu.vector_load_idx %arg7[%shift_right_arithmetic3A_427] : memref<1024xf32, #tpu.memory_space<vmem>>[vector<16xi32>], vector<16xf32>,
      %add3A_429 = arith.addf %add3A_424, %gather3A_428 : vector<16xf32>
      %get3A_430 = arith.constant 3 : i32
      %get3A_431 = arith.index_cast %get3A_430 : i32 to index
      %get3A_432 = arith.index_cast %scan3A_163 : i32 to index
      %get3A_433 = arith.constant 224 : index
      %get3A_434 = tpu.vector_load %arg8[%get3A_431, %get3A_432, %get3A_433] {strides = array<i32>} : memref<4x8x352xi32, #tpu.memory_space<vmem>>, vector<16xi32>,
      %and3A_435 = arith.andi %get3A_434, %broadcast_in_dim3A_64 : vector<16xi32>
      %gather3A_436 = tpu.vector_load_idx %arg7[%and3A_435] : memref<1024xf32, #tpu.memory_space<vmem>>[vector<16xi32>], vector<16xf32>,
      %add3A_437 = arith.addf %add3A_429, %gather3A_436 : vector<16xf32>
      %shift_right_arithmetic3A_438 = arith.constant 10 : i32
      %shift_right_arithmetic3A_439 = vector.broadcast %shift_right_arithmetic3A_438 : i32 to vector<16xi32>
      %shift_right_arithmetic3A_440 = arith.shrsi %get3A_434, %shift_right_arithmetic3A_439 : vector<16xi32>
      %and3A_441 = arith.andi %shift_right_arithmetic3A_440, %broadcast_in_dim3A_64 : vector<16xi32>
      %gather3A_442 = tpu.vector_load_idx %arg7[%and3A_441] : memref<1024xf32, #tpu.memory_space<vmem>>[vector<16xi32>], vector<16xf32>,
      %add3A_443 = arith.addf %add3A_437, %gather3A_442 : vector<16xf32>
      %shift_right_arithmetic3A_444 = arith.constant 20 : i32
      %shift_right_arithmetic3A_445 = vector.broadcast %shift_right_arithmetic3A_444 : i32 to vector<16xi32>
      %shift_right_arithmetic3A_446 = arith.shrsi %get3A_434, %shift_right_arithmetic3A_445 : vector<16xi32>
      %gather3A_447 = tpu.vector_load_idx %arg7[%shift_right_arithmetic3A_446] : memref<1024xf32, #tpu.memory_space<vmem>>[vector<16xi32>], vector<16xf32>,
      %add3A_448 = arith.addf %add3A_443, %gather3A_447 : vector<16xf32>
      %get3A_449 = arith.constant 3 : i32
      %get3A_450 = arith.index_cast %get3A_449 : i32 to index
      %get3A_451 = arith.index_cast %scan3A_163 : i32 to index
      %get3A_452 = arith.constant 240 : index
      %get3A_453 = tpu.vector_load %arg8[%get3A_450, %get3A_451, %get3A_452] {strides = array<i32>} : memref<4x8x352xi32, #tpu.memory_space<vmem>>, vector<16xi32>,
      %and3A_454 = arith.andi %get3A_453, %broadcast_in_dim3A_64 : vector<16xi32>
      %gather3A_455 = tpu.vector_load_idx %arg7[%and3A_454] : memref<1024xf32, #tpu.memory_space<vmem>>[vector<16xi32>], vector<16xf32>,
      %add3A_456 = arith.addf %add3A_448, %gather3A_455 : vector<16xf32>
      %shift_right_arithmetic3A_457 = arith.constant 10 : i32
      %shift_right_arithmetic3A_458 = vector.broadcast %shift_right_arithmetic3A_457 : i32 to vector<16xi32>
      %shift_right_arithmetic3A_459 = arith.shrsi %get3A_453, %shift_right_arithmetic3A_458 : vector<16xi32>
      %and3A_460 = arith.andi %shift_right_arithmetic3A_459, %broadcast_in_dim3A_64 : vector<16xi32>
      %gather3A_461 = tpu.vector_load_idx %arg7[%and3A_460] : memref<1024xf32, #tpu.memory_space<vmem>>[vector<16xi32>], vector<16xf32>,
      %add3A_462 = arith.addf %add3A_456, %gather3A_461 : vector<16xf32>
      %shift_right_arithmetic3A_463 = arith.constant 20 : i32
      %shift_right_arithmetic3A_464 = vector.broadcast %shift_right_arithmetic3A_463 : i32 to vector<16xi32>
      %shift_right_arithmetic3A_465 = arith.shrsi %get3A_453, %shift_right_arithmetic3A_464 : vector<16xi32>
      %gather3A_466 = tpu.vector_load_idx %arg7[%shift_right_arithmetic3A_465] : memref<1024xf32, #tpu.memory_space<vmem>>[vector<16xi32>], vector<16xf32>,
      %add3A_467 = arith.addf %add3A_462, %gather3A_466 : vector<16xf32>
      %get3A_468 = arith.constant 3 : i32
      %get3A_469 = arith.index_cast %get3A_468 : i32 to index
      %get3A_470 = arith.index_cast %scan3A_163 : i32 to index
      %get3A_471 = arith.constant 256 : index
      %get3A_472 = tpu.vector_load %arg8[%get3A_469, %get3A_470, %get3A_471] {strides = array<i32>} : memref<4x8x352xi32, #tpu.memory_space<vmem>>, vector<16xi32>,
      %and3A_473 = arith.andi %get3A_472, %broadcast_in_dim3A_64 : vector<16xi32>
      %gather3A_474 = tpu.vector_load_idx %arg7[%and3A_473] : memref<1024xf32, #tpu.memory_space<vmem>>[vector<16xi32>], vector<16xf32>,
      %add3A_475 = arith.addf %add3A_467, %gather3A_474 : vector<16xf32>
      %shift_right_arithmetic3A_476 = arith.constant 10 : i32
      %shift_right_arithmetic3A_477 = vector.broadcast %shift_right_arithmetic3A_476 : i32 to vector<16xi32>
      %shift_right_arithmetic3A_478 = arith.shrsi %get3A_472, %shift_right_arithmetic3A_477 : vector<16xi32>
      %and3A_479 = arith.andi %shift_right_arithmetic3A_478, %broadcast_in_dim3A_64 : vector<16xi32>
      %gather3A_480 = tpu.vector_load_idx %arg7[%and3A_479] : memref<1024xf32, #tpu.memory_space<vmem>>[vector<16xi32>], vector<16xf32>,
      %add3A_481 = arith.addf %add3A_475, %gather3A_480 : vector<16xf32>
      %shift_right_arithmetic3A_482 = arith.constant 20 : i32
      %shift_right_arithmetic3A_483 = vector.broadcast %shift_right_arithmetic3A_482 : i32 to vector<16xi32>
      %shift_right_arithmetic3A_484 = arith.shrsi %get3A_472, %shift_right_arithmetic3A_483 : vector<16xi32>
      %gather3A_485 = tpu.vector_load_idx %arg7[%shift_right_arithmetic3A_484] : memref<1024xf32, #tpu.memory_space<vmem>>[vector<16xi32>], vector<16xf32>,
      %add3A_486 = arith.addf %add3A_481, %gather3A_485 : vector<16xf32>
      %get3A_487 = arith.constant 3 : i32
      %get3A_488 = arith.index_cast %get3A_487 : i32 to index
      %get3A_489 = arith.index_cast %scan3A_163 : i32 to index
      %get3A_490 = arith.constant 272 : index
      %get3A_491 = tpu.vector_load %arg8[%get3A_488, %get3A_489, %get3A_490] {strides = array<i32>} : memref<4x8x352xi32, #tpu.memory_space<vmem>>, vector<16xi32>,
      %and3A_492 = arith.andi %get3A_491, %broadcast_in_dim3A_64 : vector<16xi32>
      %gather3A_493 = tpu.vector_load_idx %arg7[%and3A_492] : memref<1024xf32, #tpu.memory_space<vmem>>[vector<16xi32>], vector<16xf32>,
      %add3A_494 = arith.addf %add3A_486, %gather3A_493 : vector<16xf32>
      %shift_right_arithmetic3A_495 = arith.constant 10 : i32
      %shift_right_arithmetic3A_496 = vector.broadcast %shift_right_arithmetic3A_495 : i32 to vector<16xi32>
      %shift_right_arithmetic3A_497 = arith.shrsi %get3A_491, %shift_right_arithmetic3A_496 : vector<16xi32>
      %and3A_498 = arith.andi %shift_right_arithmetic3A_497, %broadcast_in_dim3A_64 : vector<16xi32>
      %gather3A_499 = tpu.vector_load_idx %arg7[%and3A_498] : memref<1024xf32, #tpu.memory_space<vmem>>[vector<16xi32>], vector<16xf32>,
      %add3A_500 = arith.addf %add3A_494, %gather3A_499 : vector<16xf32>
      %shift_right_arithmetic3A_501 = arith.constant 20 : i32
      %shift_right_arithmetic3A_502 = vector.broadcast %shift_right_arithmetic3A_501 : i32 to vector<16xi32>
      %shift_right_arithmetic3A_503 = arith.shrsi %get3A_491, %shift_right_arithmetic3A_502 : vector<16xi32>
      %gather3A_504 = tpu.vector_load_idx %arg7[%shift_right_arithmetic3A_503] : memref<1024xf32, #tpu.memory_space<vmem>>[vector<16xi32>], vector<16xf32>,
      %add3A_505 = arith.addf %add3A_500, %gather3A_504 : vector<16xf32>
      %get3A_506 = arith.constant 3 : i32
      %get3A_507 = arith.index_cast %get3A_506 : i32 to index
      %get3A_508 = arith.index_cast %scan3A_163 : i32 to index
      %get3A_509 = arith.constant 288 : index
      %get3A_510 = tpu.vector_load %arg8[%get3A_507, %get3A_508, %get3A_509] {strides = array<i32>} : memref<4x8x352xi32, #tpu.memory_space<vmem>>, vector<16xi32>,
      %and3A_511 = arith.andi %get3A_510, %broadcast_in_dim3A_64 : vector<16xi32>
      %gather3A_512 = tpu.vector_load_idx %arg7[%and3A_511] : memref<1024xf32, #tpu.memory_space<vmem>>[vector<16xi32>], vector<16xf32>,
      %add3A_513 = arith.addf %add3A_505, %gather3A_512 : vector<16xf32>
      %shift_right_arithmetic3A_514 = arith.constant 10 : i32
      %shift_right_arithmetic3A_515 = vector.broadcast %shift_right_arithmetic3A_514 : i32 to vector<16xi32>
      %shift_right_arithmetic3A_516 = arith.shrsi %get3A_510, %shift_right_arithmetic3A_515 : vector<16xi32>
      %and3A_517 = arith.andi %shift_right_arithmetic3A_516, %broadcast_in_dim3A_64 : vector<16xi32>
      %gather3A_518 = tpu.vector_load_idx %arg7[%and3A_517] : memref<1024xf32, #tpu.memory_space<vmem>>[vector<16xi32>], vector<16xf32>,
      %add3A_519 = arith.addf %add3A_513, %gather3A_518 : vector<16xf32>
      %shift_right_arithmetic3A_520 = arith.constant 20 : i32
      %shift_right_arithmetic3A_521 = vector.broadcast %shift_right_arithmetic3A_520 : i32 to vector<16xi32>
      %shift_right_arithmetic3A_522 = arith.shrsi %get3A_510, %shift_right_arithmetic3A_521 : vector<16xi32>
      %gather3A_523 = tpu.vector_load_idx %arg7[%shift_right_arithmetic3A_522] : memref<1024xf32, #tpu.memory_space<vmem>>[vector<16xi32>], vector<16xf32>,
      %add3A_524 = arith.addf %add3A_519, %gather3A_523 : vector<16xf32>
      %get3A_525 = arith.constant 3 : i32
      %get3A_526 = arith.index_cast %get3A_525 : i32 to index
      %get3A_527 = arith.index_cast %scan3A_163 : i32 to index
      %get3A_528 = arith.constant 304 : index
      %get3A_529 = tpu.vector_load %arg8[%get3A_526, %get3A_527, %get3A_528] {strides = array<i32>} : memref<4x8x352xi32, #tpu.memory_space<vmem>>, vector<16xi32>,
      %and3A_530 = arith.andi %get3A_529, %broadcast_in_dim3A_64 : vector<16xi32>
      %gather3A_531 = tpu.vector_load_idx %arg7[%and3A_530] : memref<1024xf32, #tpu.memory_space<vmem>>[vector<16xi32>], vector<16xf32>,
      %add3A_532 = arith.addf %add3A_524, %gather3A_531 : vector<16xf32>
      %shift_right_arithmetic3A_533 = arith.constant 10 : i32
      %shift_right_arithmetic3A_534 = vector.broadcast %shift_right_arithmetic3A_533 : i32 to vector<16xi32>
      %shift_right_arithmetic3A_535 = arith.shrsi %get3A_529, %shift_right_arithmetic3A_534 : vector<16xi32>
      %and3A_536 = arith.andi %shift_right_arithmetic3A_535, %broadcast_in_dim3A_64 : vector<16xi32>
      %gather3A_537 = tpu.vector_load_idx %arg7[%and3A_536] : memref<1024xf32, #tpu.memory_space<vmem>>[vector<16xi32>], vector<16xf32>,
      %add3A_538 = arith.addf %add3A_532, %gather3A_537 : vector<16xf32>
      %shift_right_arithmetic3A_539 = arith.constant 20 : i32
      %shift_right_arithmetic3A_540 = vector.broadcast %shift_right_arithmetic3A_539 : i32 to vector<16xi32>
      %shift_right_arithmetic3A_541 = arith.shrsi %get3A_529, %shift_right_arithmetic3A_540 : vector<16xi32>
      %gather3A_542 = tpu.vector_load_idx %arg7[%shift_right_arithmetic3A_541] : memref<1024xf32, #tpu.memory_space<vmem>>[vector<16xi32>], vector<16xf32>,
      %add3A_543 = arith.addf %add3A_538, %gather3A_542 : vector<16xf32>
      %get3A_544 = arith.constant 3 : i32
      %get3A_545 = arith.index_cast %get3A_544 : i32 to index
      %get3A_546 = arith.index_cast %scan3A_163 : i32 to index
      %get3A_547 = arith.constant 320 : index
      %get3A_548 = tpu.vector_load %arg8[%get3A_545, %get3A_546, %get3A_547] {strides = array<i32>} : memref<4x8x352xi32, #tpu.memory_space<vmem>>, vector<16xi32>,
      %and3A_549 = arith.andi %get3A_548, %broadcast_in_dim3A_64 : vector<16xi32>
      %gather3A_550 = tpu.vector_load_idx %arg7[%and3A_549] : memref<1024xf32, #tpu.memory_space<vmem>>[vector<16xi32>], vector<16xf32>,
      %add3A_551 = arith.addf %add3A_543, %gather3A_550 : vector<16xf32>
      %shift_right_arithmetic3A_552 = arith.constant 10 : i32
      %shift_right_arithmetic3A_553 = vector.broadcast %shift_right_arithmetic3A_552 : i32 to vector<16xi32>
      %shift_right_arithmetic3A_554 = arith.shrsi %get3A_548, %shift_right_arithmetic3A_553 : vector<16xi32>
      %and3A_555 = arith.andi %shift_right_arithmetic3A_554, %broadcast_in_dim3A_64 : vector<16xi32>
      %gather3A_556 = tpu.vector_load_idx %arg7[%and3A_555] : memref<1024xf32, #tpu.memory_space<vmem>>[vector<16xi32>], vector<16xf32>,
      %add3A_557 = arith.addf %add3A_551, %gather3A_556 : vector<16xf32>
      %shift_right_arithmetic3A_558 = arith.constant 20 : i32
      %shift_right_arithmetic3A_559 = vector.broadcast %shift_right_arithmetic3A_558 : i32 to vector<16xi32>
      %shift_right_arithmetic3A_560 = arith.shrsi %get3A_548, %shift_right_arithmetic3A_559 : vector<16xi32>
      %gather3A_561 = tpu.vector_load_idx %arg7[%shift_right_arithmetic3A_560] : memref<1024xf32, #tpu.memory_space<vmem>>[vector<16xi32>], vector<16xf32>,
      %add3A_562 = arith.addf %add3A_557, %gather3A_561 : vector<16xf32>
      %get3A_563 = arith.constant 3 : i32
      %get3A_564 = arith.index_cast %get3A_563 : i32 to index
      %get3A_565 = arith.index_cast %scan3A_163 : i32 to index
      %get3A_566 = arith.constant 336 : index
      %get3A_567 = tpu.vector_load %arg8[%get3A_564, %get3A_565, %get3A_566] {strides = array<i32>} : memref<4x8x352xi32, #tpu.memory_space<vmem>>, vector<16xi32>,
      %and3A_568 = arith.andi %get3A_567, %broadcast_in_dim3A_64 : vector<16xi32>
      %gather3A_569 = tpu.vector_load_idx %arg7[%and3A_568] : memref<1024xf32, #tpu.memory_space<vmem>>[vector<16xi32>], vector<16xf32>,
      %add3A_570 = arith.addf %add3A_562, %gather3A_569 : vector<16xf32>
      %shift_right_arithmetic3A_571 = arith.constant 10 : i32
      %shift_right_arithmetic3A_572 = vector.broadcast %shift_right_arithmetic3A_571 : i32 to vector<16xi32>
      %shift_right_arithmetic3A_573 = arith.shrsi %get3A_567, %shift_right_arithmetic3A_572 : vector<16xi32>
      %and3A_574 = arith.andi %shift_right_arithmetic3A_573, %broadcast_in_dim3A_64 : vector<16xi32>
      %gather3A_575 = tpu.vector_load_idx %arg7[%and3A_574] : memref<1024xf32, #tpu.memory_space<vmem>>[vector<16xi32>], vector<16xf32>,
      %add3A_576 = arith.addf %add3A_570, %gather3A_575 : vector<16xf32>
      %shift_right_arithmetic3A_577 = arith.constant 20 : i32
      %shift_right_arithmetic3A_578 = vector.broadcast %shift_right_arithmetic3A_577 : i32 to vector<16xi32>
      %shift_right_arithmetic3A_579 = arith.shrsi %get3A_567, %shift_right_arithmetic3A_578 : vector<16xi32>
      %gather3A_580 = tpu.vector_load_idx %arg7[%shift_right_arithmetic3A_579] : memref<1024xf32, #tpu.memory_space<vmem>>[vector<16xi32>], vector<16xf32>,
      %add3A_581 = arith.addf %add3A_576, %gather3A_580 : vector<16xf32>
      %reduce_sum3A = arith.constant true
      %reduce_sum3A_582 = vector.broadcast %reduce_sum3A : i1 to vector<16xi1>
      %reduce_sum3A_583 = tpu.scan <sum>, %add3A_581 masked %reduce_sum3A_582 : vector<16xf32>, vector<16xi1> -> vector<16xf32>
      %reduce_sum3A_584 = vector.extract %reduce_sum3A_583[15] : f32 from vector<16xf32>
      %mul3A_585 = arith.constant 1.46484381E-4 : f32
      %mul3A_586 = arith.mulf %mul3A_585, %reduce_sum3A_584 : f32
      %add3A_587 = arith.constant 8 : i32
      %add3A_588 = arith.addi %add3A_587, %scan3A_163 : i32
      %eq3A = vector.broadcast %add3A_588 : i32 to vector<16xi32>
      %eq3A_589 = arith.cmpi eq, %iota3A, %eq3A : vector<16xi32>
      %broadcast_in_dim3A_590 = vector.broadcast %mul3A_586 : f32 to vector<16xf32>
      %select_n3A = arith.select %eq3A_589, %broadcast_in_dim3A_590, %scan3A_164 : vector<16xi1>, vector<16xf32>
      scf.yield %select_n3A : vector<16xf32>
    }
    %scan3A_155 = arith.constant 8 : i32
    %get3A_156 = arith.constant 16 : index
    %get3A_157 = tpu.vector_load %arg9[%get3A_156] {strides = array<i32>} : memref<32xf32, #tpu.memory_space<vmem>>, vector<16xf32>,
    %add3A_158 = arith.addf %scan3A_154, %get3A_157 : vector<16xf32>
    %swap3A_159 = arith.constant 16 : index
    %swap3A_160 = tpu.vector_load %arg10[%swap3A_159] {strides = array<i32>} : memref<32xf32, #tpu.memory_space<vmem>>, vector<16xf32>,
    tpu.vector_store %arg10[%swap3A_159], %add3A_158 {strides = array<i32>} : memref<32xf32, #tpu.memory_space<vmem>>, vector<16xf32>,
    %broadcast_in_dim3A_161 = arith.constant 0.000000e+00 : f32
    %broadcast_in_dim3A_162 = vector.broadcast %broadcast_in_dim3A_161 : f32 to vector<16xf32>
    "tpu.region"() ({
      %run_scoped3A = tpu.sem_alloc : memref<!tpu.dma_semaphore, #tpu.memory_space<semaphore_mem>>
      %dma_start3A_163 = tpu.memref_slice %arg5[%mul3A_2] : memref<1024xf32, #tpu.memory_space<hbm>> -> memref<32xf32, #tpu.memory_space<hbm>>
      %dma_start3A_164 = tpu.memref_slice %arg5[%mul3A_2] : memref<1024xf32, #tpu.memory_space<hbm>> -> memref<32xf32, #tpu.memory_space<hbm>>
      tpu.enqueue_dma source(%arg10 : memref<32xf32, #tpu.memory_space<vmem>>) target(%dma_start3A_164 : memref<32xf32, #tpu.memory_space<hbm>>) target_semaphore(%run_scoped3A : memref<!tpu.dma_semaphore, #tpu.memory_space<semaphore_mem>>)
      %dma_wait3A_165 = tpu.memref_slice %arg5[%mul3A_2] : memref<1024xf32, #tpu.memory_space<hbm>> -> memref<32xf32, #tpu.memory_space<hbm>>
      %dma_wait3A_166 = tpu.memref_slice %arg5[%mul3A_2] : memref<1024xf32, #tpu.memory_space<hbm>> -> memref<32xf32, #tpu.memory_space<hbm>>
      tpu.wait_dma2 semaphore(%run_scoped3A : memref<!tpu.dma_semaphore, #tpu.memory_space<semaphore_mem>>) src(%arg10 : memref<32xf32, #tpu.memory_space<vmem>>) dst(%dma_wait3A_166 : memref<32xf32, #tpu.memory_space<hbm>>)
      tpu.yield
    }) : () -> ()
    return
  }
}

module attributes {stable_mosaic.version = 14 : i64} {
  func.func @_tc_body(%arg0: i32, %arg1: memref<256x2048xi32, #tpu.memory_space<vmem>>, %arg2: memref<10x2048xi32, #tpu.memory_space<vmem>>, %arg3: memref<2048xf32, #tpu.memory_space<vmem>>, %arg4: memref<21xf32, #tpu.memory_space<vmem>>, %arg5: memref<256xf32, #tpu.memory_space<vmem>>, %arg6: memref<256x352xi32, #tpu.memory_space<vmem>>, %arg7: memref<32xf32, #tpu.memory_space<vmem>>) attributes {dimension_semantics = [#tpu.dimension_semantics<parallel>], iteration_bounds = array<i64: 4>, scalar_prefetch = 0 : i64, scratch_operands = 0 : i64, tpu.core_type = #tpu.core_type<tc>, window_params = [{transform_indices = @transform_0, window_bounds = array<i64: 256, 2048>}, {pipeline_mode = #tpu.pipeline_mode<synchronous>, transform_indices = @transform_1, window_bounds = array<i64: 10, 2048>}, {pipeline_mode = #tpu.pipeline_mode<synchronous>, transform_indices = @transform_2, window_bounds = array<i64: 2048>}, {pipeline_mode = #tpu.pipeline_mode<synchronous>, transform_indices = @transform_3, window_bounds = array<i64: 21>}, {transform_indices = @transform_4, window_bounds = array<i64: 256>}, {transform_indices = @transform_5, window_bounds = array<i64: 256, 352>}, {pipeline_mode = #tpu.pipeline_mode<synchronous>, transform_indices = @transform_6, window_bounds = array<i64: 32>}]} {
    %get3A = arith.constant 0 : index
    %get3A_0 = vector.load %arg4[%get3A] : memref<21xf32, #tpu.memory_space<vmem>>, vector<21xf32>
    %broadcast_in_dim3A = arith.constant 0.000000e+00 : f32
    %broadcast_in_dim3A_1 = vector.broadcast %broadcast_in_dim3A : f32 to vector<11xf32>
    %concatenate3A = tpu.concatenate %get3A_0, %broadcast_in_dim3A_1 in 0 : vector<21xf32>, vector<11xf32> -> vector<32xf32>
    %swap3A = arith.constant 0 : index
    %swap3A_2 = vector.load %arg7[%swap3A] : memref<32xf32, #tpu.memory_space<vmem>>, vector<32xf32>
    tpu.vector_store %arg7[%swap3A], %concatenate3A {strides = array<i32>} : memref<32xf32, #tpu.memory_space<vmem>>, vector<32xf32>,
    %get3A_3 = arith.constant 0 : index
    %get3A_4 = arith.constant 0 : index
    %get3A_5 = vector.load %arg1[%get3A_3, %get3A_4] : memref<256x2048xi32, #tpu.memory_space<vmem>>, vector<256x2048xi32>
    %slice3A = vector.extract_strided_slice %get3A_5 {offsets = [0, 0], sizes = [256, 512], strides = [1, 1]} : vector<256x2048xi32> to vector<256x512xi32>
    %slice3A_6 = vector.extract_strided_slice %get3A_5 {offsets = [0, 512], sizes = [256, 512], strides = [1, 1]} : vector<256x2048xi32> to vector<256x512xi32>
    %shift_left3A = arith.constant 8 : i32
    %shift_left3A_7 = vector.broadcast %shift_left3A : i32 to vector<256x512xi32>
    %shift_left3A_8 = arith.shli %slice3A_6, %shift_left3A_7 : vector<256x512xi32>
    %or3A = arith.ori %slice3A, %shift_left3A_8 : vector<256x512xi32>
    %slice3A_9 = vector.extract_strided_slice %get3A_5 {offsets = [0, 1024], sizes = [256, 512], strides = [1, 1]} : vector<256x2048xi32> to vector<256x512xi32>
    %shift_left3A_10 = arith.constant 16 : i32
    %shift_left3A_11 = vector.broadcast %shift_left3A_10 : i32 to vector<256x512xi32>
    %shift_left3A_12 = arith.shli %slice3A_9, %shift_left3A_11 : vector<256x512xi32>
    %or3A_13 = arith.ori %or3A, %shift_left3A_12 : vector<256x512xi32>
    %slice3A_14 = vector.extract_strided_slice %get3A_5 {offsets = [0, 1536], sizes = [256, 512], strides = [1, 1]} : vector<256x2048xi32> to vector<256x512xi32>
    %shift_left3A_15 = arith.constant 24 : i32
    %shift_left3A_16 = vector.broadcast %shift_left3A_15 : i32 to vector<256x512xi32>
    %shift_left3A_17 = arith.shli %slice3A_14, %shift_left3A_16 : vector<256x512xi32>
    %or3A_18 = arith.ori %or3A_13, %shift_left3A_17 : vector<256x512xi32>
    %slice3A_19 = vector.extract_strided_slice %get3A_5 {offsets = [0, 0], sizes = [256, 1024], strides = [1, 1]} : vector<256x2048xi32> to vector<256x1024xi32>
    %slice3A_20 = vector.extract_strided_slice %get3A_5 {offsets = [0, 1024], sizes = [256, 1024], strides = [1, 1]} : vector<256x2048xi32> to vector<256x1024xi32>
    %shift_left3A_21 = arith.constant 5 : i32
    %shift_left3A_22 = vector.broadcast %shift_left3A_21 : i32 to vector<256x1024xi32>
    %shift_left3A_23 = arith.shli %slice3A_20, %shift_left3A_22 : vector<256x1024xi32>
    %or3A_24 = arith.ori %slice3A_19, %shift_left3A_23 : vector<256x1024xi32>
    %broadcast_in_dim3A_25 = arith.constant 1023 : i32
    %broadcast_in_dim3A_26 = vector.broadcast %broadcast_in_dim3A_25 : i32 to vector<256x2xi32>
    %concatenate3A_27 = tpu.concatenate %or3A_24, %broadcast_in_dim3A_26 in 1 : vector<256x1024xi32>, vector<256x2xi32> -> vector<256x1026xi32>
    %slice3A_28 = vector.extract_strided_slice %concatenate3A_27 {offsets = [0, 0], sizes = [256, 342], strides = [1, 1]} : vector<256x1026xi32> to vector<256x342xi32>
    %slice3A_29 = vector.extract_strided_slice %concatenate3A_27 {offsets = [0, 342], sizes = [256, 342], strides = [1, 1]} : vector<256x1026xi32> to vector<256x342xi32>
    %shift_left3A_30 = arith.constant 10 : i32
    %shift_left3A_31 = vector.broadcast %shift_left3A_30 : i32 to vector<256x342xi32>
    %shift_left3A_32 = arith.shli %slice3A_29, %shift_left3A_31 : vector<256x342xi32>
    %or3A_33 = arith.ori %slice3A_28, %shift_left3A_32 : vector<256x342xi32>
    %slice3A_34 = vector.extract_strided_slice %concatenate3A_27 {offsets = [0, 684], sizes = [256, 342], strides = [1, 1]} : vector<256x1026xi32> to vector<256x342xi32>
    %shift_left3A_35 = arith.constant 20 : i32
    %shift_left3A_36 = vector.broadcast %shift_left3A_35 : i32 to vector<256x342xi32>
    %shift_left3A_37 = arith.shli %slice3A_34, %shift_left3A_36 : vector<256x342xi32>
    %or3A_38 = arith.ori %or3A_33, %shift_left3A_37 : vector<256x342xi32>
    %broadcast_in_dim3A_39 = arith.constant 1073741823 : i32
    %broadcast_in_dim3A_40 = vector.broadcast %broadcast_in_dim3A_39 : i32 to vector<256x10xi32>
    %concatenate3A_41 = tpu.concatenate %or3A_38, %broadcast_in_dim3A_40 in 1 : vector<256x342xi32>, vector<256x10xi32> -> vector<256x352xi32>
    %swap3A_42 = arith.constant 0 : index
    %swap3A_43 = arith.constant 0 : index
    %swap3A_44 = vector.load %arg6[%swap3A_42, %swap3A_43] : memref<256x352xi32, #tpu.memory_space<vmem>>, vector<256x352xi32>
    tpu.vector_store %arg6[%swap3A_42, %swap3A_43], %concatenate3A_41 {strides = array<i32>} : memref<256x352xi32, #tpu.memory_space<vmem>>, vector<256x352xi32>,
    %get3A_45 = arith.constant 0 : index
    %get3A_46 = arith.constant 0 : index
    %get3A_47 = vector.load %arg2[%get3A_45, %get3A_46] : memref<10x2048xi32, #tpu.memory_space<vmem>>, vector<10x2048xi32>
    %slice3A_48 = vector.extract_strided_slice %get3A_47 {offsets = [0, 0], sizes = [10, 512], strides = [1, 1]} : vector<10x2048xi32> to vector<10x512xi32>
    %slice3A_49 = vector.extract_strided_slice %get3A_47 {offsets = [0, 512], sizes = [10, 512], strides = [1, 1]} : vector<10x2048xi32> to vector<10x512xi32>
    %shift_left3A_50 = arith.constant 8 : i32
    %shift_left3A_51 = vector.broadcast %shift_left3A_50 : i32 to vector<10x512xi32>
    %shift_left3A_52 = arith.shli %slice3A_49, %shift_left3A_51 : vector<10x512xi32>
    %or3A_53 = arith.ori %slice3A_48, %shift_left3A_52 : vector<10x512xi32>
    %slice3A_54 = vector.extract_strided_slice %get3A_47 {offsets = [0, 1024], sizes = [10, 512], strides = [1, 1]} : vector<10x2048xi32> to vector<10x512xi32>
    %shift_left3A_55 = arith.constant 16 : i32
    %shift_left3A_56 = vector.broadcast %shift_left3A_55 : i32 to vector<10x512xi32>
    %shift_left3A_57 = arith.shli %slice3A_54, %shift_left3A_56 : vector<10x512xi32>
    %or3A_58 = arith.ori %or3A_53, %shift_left3A_57 : vector<10x512xi32>
    %slice3A_59 = vector.extract_strided_slice %get3A_47 {offsets = [0, 1536], sizes = [10, 512], strides = [1, 1]} : vector<10x2048xi32> to vector<10x512xi32>
    %shift_left3A_60 = arith.constant 24 : i32
    %shift_left3A_61 = vector.broadcast %shift_left3A_60 : i32 to vector<10x512xi32>
    %shift_left3A_62 = arith.shli %slice3A_59, %shift_left3A_61 : vector<10x512xi32>
    %or3A_63 = arith.ori %or3A_58, %shift_left3A_62 : vector<10x512xi32>
    %broadcast_in_dim3A_64 = arith.constant 0 : i32
    %broadcast_in_dim3A_65 = vector.broadcast %broadcast_in_dim3A_64 : i32 to vector<256xi32>
    %broadcast_in_dim3A_66 = arith.constant 0 : i32
    %broadcast_in_dim3A_67 = vector.broadcast %broadcast_in_dim3A_66 : i32 to vector<256xi32>
    %broadcast_in_dim3A_68 = arith.constant 0 : i32
    %broadcast_in_dim3A_69 = vector.broadcast %broadcast_in_dim3A_68 : i32 to vector<256x128xi32>
    %slice3A_70 = vector.extract_strided_slice %or3A_18 {offsets = [0, 0], sizes = [256, 128], strides = [1, 1]} : vector<256x512xi32> to vector<256x128xi32>
    %slice3A_71 = vector.extract_strided_slice %or3A_63 {offsets = [0, 0], sizes = [1, 512], strides = [1, 1]} : vector<10x512xi32> to vector<1x512xi32>
    %squeeze3A = vector.shape_cast %slice3A_71 : vector<1x512xi32> to vector<512xi32>
    %slice3A_72 = vector.extract_strided_slice %squeeze3A {offsets = [0], sizes = [128], strides = [1]} : vector<512xi32> to vector<128xi32>
    %broadcast_in_dim3A_73 = vector.shape_cast %slice3A_72 : vector<128xi32> to vector<1x128xi32>
    %xor3A = vector.broadcast %broadcast_in_dim3A_73 : vector<1x128xi32> to vector<256x128xi32>
    %xor3A_74 = arith.xori %slice3A_70, %xor3A : vector<256x128xi32>
    %sub3A = arith.constant -2139062144 : i32
    %sub3A_75 = vector.broadcast %sub3A : i32 to vector<256x128xi32>
    %sub3A_76 = arith.subi %sub3A_75, %xor3A_74 : vector<256x128xi32>
    %and3A = arith.constant -2139062144 : i32
    %and3A_77 = vector.broadcast %and3A : i32 to vector<256x128xi32>
    %and3A_78 = arith.andi %sub3A_76, %and3A_77 : vector<256x128xi32>
    %broadcast_in_dim3A_79 = arith.constant 7 : i32
    %broadcast_in_dim3A_80 = vector.broadcast %broadcast_in_dim3A_79 : i32 to vector<256x128xi32>
    %shift_right_logical3A = arith.shrui %and3A_78, %broadcast_in_dim3A_80 : vector<256x128xi32>
    %add3A = arith.addi %broadcast_in_dim3A_69, %shift_right_logical3A : vector<256x128xi32>
    %slice3A_81 = vector.extract_strided_slice %or3A_18 {offsets = [0, 128], sizes = [256, 128], strides = [1, 1]} : vector<256x512xi32> to vector<256x128xi32>
    %slice3A_82 = vector.extract_strided_slice %or3A_63 {offsets = [0, 0], sizes = [1, 512], strides = [1, 1]} : vector<10x512xi32> to vector<1x512xi32>
    %squeeze3A_83 = vector.shape_cast %slice3A_82 : vector<1x512xi32> to vector<512xi32>
    %slice3A_84 = vector.extract_strided_slice %squeeze3A_83 {offsets = [128], sizes = [128], strides = [1]} : vector<512xi32> to vector<128xi32>
    %broadcast_in_dim3A_85 = vector.shape_cast %slice3A_84 : vector<128xi32> to vector<1x128xi32>
    %xor3A_86 = vector.broadcast %broadcast_in_dim3A_85 : vector<1x128xi32> to vector<256x128xi32>
    %xor3A_87 = arith.xori %slice3A_81, %xor3A_86 : vector<256x128xi32>
    %sub3A_88 = arith.constant -2139062144 : i32
    %sub3A_89 = vector.broadcast %sub3A_88 : i32 to vector<256x128xi32>
    %sub3A_90 = arith.subi %sub3A_89, %xor3A_87 : vector<256x128xi32>
    %and3A_91 = arith.constant -2139062144 : i32
    %and3A_92 = vector.broadcast %and3A_91 : i32 to vector<256x128xi32>
    %and3A_93 = arith.andi %sub3A_90, %and3A_92 : vector<256x128xi32>
    %broadcast_in_dim3A_94 = arith.constant 7 : i32
    %broadcast_in_dim3A_95 = vector.broadcast %broadcast_in_dim3A_94 : i32 to vector<256x128xi32>
    %shift_right_logical3A_96 = arith.shrui %and3A_93, %broadcast_in_dim3A_95 : vector<256x128xi32>
    %add3A_97 = arith.addi %add3A, %shift_right_logical3A_96 : vector<256x128xi32>
    %slice3A_98 = vector.extract_strided_slice %or3A_18 {offsets = [0, 256], sizes = [256, 128], strides = [1, 1]} : vector<256x512xi32> to vector<256x128xi32>
    %slice3A_99 = vector.extract_strided_slice %or3A_63 {offsets = [0, 0], sizes = [1, 512], strides = [1, 1]} : vector<10x512xi32> to vector<1x512xi32>
    %squeeze3A_100 = vector.shape_cast %slice3A_99 : vector<1x512xi32> to vector<512xi32>
    %slice3A_101 = vector.extract_strided_slice %squeeze3A_100 {offsets = [256], sizes = [128], strides = [1]} : vector<512xi32> to vector<128xi32>
    %broadcast_in_dim3A_102 = vector.shape_cast %slice3A_101 : vector<128xi32> to vector<1x128xi32>
    %xor3A_103 = vector.broadcast %broadcast_in_dim3A_102 : vector<1x128xi32> to vector<256x128xi32>
    %xor3A_104 = arith.xori %slice3A_98, %xor3A_103 : vector<256x128xi32>
    %sub3A_105 = arith.constant -2139062144 : i32
    %sub3A_106 = vector.broadcast %sub3A_105 : i32 to vector<256x128xi32>
    %sub3A_107 = arith.subi %sub3A_106, %xor3A_104 : vector<256x128xi32>
    %and3A_108 = arith.constant -2139062144 : i32
    %and3A_109 = vector.broadcast %and3A_108 : i32 to vector<256x128xi32>
    %and3A_110 = arith.andi %sub3A_107, %and3A_109 : vector<256x128xi32>
    %broadcast_in_dim3A_111 = arith.constant 7 : i32
    %broadcast_in_dim3A_112 = vector.broadcast %broadcast_in_dim3A_111 : i32 to vector<256x128xi32>
    %shift_right_logical3A_113 = arith.shrui %and3A_110, %broadcast_in_dim3A_112 : vector<256x128xi32>
    %add3A_114 = arith.addi %add3A_97, %shift_right_logical3A_113 : vector<256x128xi32>
    %slice3A_115 = vector.extract_strided_slice %or3A_18 {offsets = [0, 384], sizes = [256, 128], strides = [1, 1]} : vector<256x512xi32> to vector<256x128xi32>
    %slice3A_116 = vector.extract_strided_slice %or3A_63 {offsets = [0, 0], sizes = [1, 512], strides = [1, 1]} : vector<10x512xi32> to vector<1x512xi32>
    %squeeze3A_117 = vector.shape_cast %slice3A_116 : vector<1x512xi32> to vector<512xi32>
    %slice3A_118 = vector.extract_strided_slice %squeeze3A_117 {offsets = [384], sizes = [128], strides = [1]} : vector<512xi32> to vector<128xi32>
    %broadcast_in_dim3A_119 = vector.shape_cast %slice3A_118 : vector<128xi32> to vector<1x128xi32>
    %xor3A_120 = vector.broadcast %broadcast_in_dim3A_119 : vector<1x128xi32> to vector<256x128xi32>
    %xor3A_121 = arith.xori %slice3A_115, %xor3A_120 : vector<256x128xi32>
    %sub3A_122 = arith.constant -2139062144 : i32
    %sub3A_123 = vector.broadcast %sub3A_122 : i32 to vector<256x128xi32>
    %sub3A_124 = arith.subi %sub3A_123, %xor3A_121 : vector<256x128xi32>
    %and3A_125 = arith.constant -2139062144 : i32
    %and3A_126 = vector.broadcast %and3A_125 : i32 to vector<256x128xi32>
    %and3A_127 = arith.andi %sub3A_124, %and3A_126 : vector<256x128xi32>
    %broadcast_in_dim3A_128 = arith.constant 7 : i32
    %broadcast_in_dim3A_129 = vector.broadcast %broadcast_in_dim3A_128 : i32 to vector<256x128xi32>
    %shift_right_logical3A_130 = arith.shrui %and3A_127, %broadcast_in_dim3A_129 : vector<256x128xi32>
    %add3A_131 = arith.addi %add3A_114, %shift_right_logical3A_130 : vector<256x128xi32>
    %shift_right_arithmetic3A = arith.constant 16 : i32
    %shift_right_arithmetic3A_132 = vector.broadcast %shift_right_arithmetic3A : i32 to vector<256x128xi32>
    %shift_right_arithmetic3A_133 = arith.shrsi %add3A_131, %shift_right_arithmetic3A_132 : vector<256x128xi32>
    %add3A_134 = arith.addi %add3A_131, %shift_right_arithmetic3A_133 : vector<256x128xi32>
    %shift_right_arithmetic3A_135 = arith.constant 8 : i32
    %shift_right_arithmetic3A_136 = vector.broadcast %shift_right_arithmetic3A_135 : i32 to vector<256x128xi32>
    %shift_right_arithmetic3A_137 = arith.shrsi %add3A_134, %shift_right_arithmetic3A_136 : vector<256x128xi32>
    %add3A_138 = arith.addi %add3A_134, %shift_right_arithmetic3A_137 : vector<256x128xi32>
    %and3A_139 = arith.constant 255 : i32
    %and3A_140 = vector.broadcast %and3A_139 : i32 to vector<256x128xi32>
    %and3A_141 = arith.andi %add3A_138, %and3A_140 : vector<256x128xi32>
    %reduce_sum3A = arith.constant dense<0> : vector<256xi32>
    %reduce_sum3A_142 = vector.multi_reduction <add>, %and3A_141, %reduce_sum3A [1] : vector<256x128xi32> to vector<256xi32>
    %add3A_143 = arith.addi %broadcast_in_dim3A_65, %reduce_sum3A_142 : vector<256xi32>
    %gt3A = arith.constant 1024 : i32
    %gt3A_144 = vector.broadcast %gt3A : i32 to vector<256xi32>
    %gt3A_145 = arith.cmpi sgt, %reduce_sum3A_142, %gt3A_144 : vector<256xi32>
    %convert_element_type3A = arith.extui %gt3A_145 : vector<256xi1> to vector<256xi32>
    %add3A_146 = arith.addi %broadcast_in_dim3A_67, %convert_element_type3A : vector<256xi32>
    %broadcast_in_dim3A_147 = arith.constant 0 : i32
    %broadcast_in_dim3A_148 = vector.broadcast %broadcast_in_dim3A_147 : i32 to vector<256x128xi32>
    %slice3A_149 = vector.extract_strided_slice %or3A_18 {offsets = [0, 0], sizes = [256, 128], strides = [1, 1]} : vector<256x512xi32> to vector<256x128xi32>
    %slice3A_150 = vector.extract_strided_slice %or3A_63 {offsets = [1, 0], sizes = [1, 512], strides = [1, 1]} : vector<10x512xi32> to vector<1x512xi32>
    %squeeze3A_151 = vector.shape_cast %slice3A_150 : vector<1x512xi32> to vector<512xi32>
    %slice3A_152 = vector.extract_strided_slice %squeeze3A_151 {offsets = [0], sizes = [128], strides = [1]} : vector<512xi32> to vector<128xi32>
    %broadcast_in_dim3A_153 = vector.shape_cast %slice3A_152 : vector<128xi32> to vector<1x128xi32>
    %xor3A_154 = vector.broadcast %broadcast_in_dim3A_153 : vector<1x128xi32> to vector<256x128xi32>
    %xor3A_155 = arith.xori %slice3A_149, %xor3A_154 : vector<256x128xi32>
    %sub3A_156 = arith.constant -2139062144 : i32
    %sub3A_157 = vector.broadcast %sub3A_156 : i32 to vector<256x128xi32>
    %sub3A_158 = arith.subi %sub3A_157, %xor3A_155 : vector<256x128xi32>
    %and3A_159 = arith.constant -2139062144 : i32
    %and3A_160 = vector.broadcast %and3A_159 : i32 to vector<256x128xi32>
    %and3A_161 = arith.andi %sub3A_158, %and3A_160 : vector<256x128xi32>
    %broadcast_in_dim3A_162 = arith.constant 7 : i32
    %broadcast_in_dim3A_163 = vector.broadcast %broadcast_in_dim3A_162 : i32 to vector<256x128xi32>
    %shift_right_logical3A_164 = arith.shrui %and3A_161, %broadcast_in_dim3A_163 : vector<256x128xi32>
    %add3A_165 = arith.addi %broadcast_in_dim3A_148, %shift_right_logical3A_164 : vector<256x128xi32>
    %slice3A_166 = vector.extract_strided_slice %or3A_18 {offsets = [0, 128], sizes = [256, 128], strides = [1, 1]} : vector<256x512xi32> to vector<256x128xi32>
    %slice3A_167 = vector.extract_strided_slice %or3A_63 {offsets = [1, 0], sizes = [1, 512], strides = [1, 1]} : vector<10x512xi32> to vector<1x512xi32>
    %squeeze3A_168 = vector.shape_cast %slice3A_167 : vector<1x512xi32> to vector<512xi32>
    %slice3A_169 = vector.extract_strided_slice %squeeze3A_168 {offsets = [128], sizes = [128], strides = [1]} : vector<512xi32> to vector<128xi32>
    %broadcast_in_dim3A_170 = vector.shape_cast %slice3A_169 : vector<128xi32> to vector<1x128xi32>
    %xor3A_171 = vector.broadcast %broadcast_in_dim3A_170 : vector<1x128xi32> to vector<256x128xi32>
    %xor3A_172 = arith.xori %slice3A_166, %xor3A_171 : vector<256x128xi32>
    %sub3A_173 = arith.constant -2139062144 : i32
    %sub3A_174 = vector.broadcast %sub3A_173 : i32 to vector<256x128xi32>
    %sub3A_175 = arith.subi %sub3A_174, %xor3A_172 : vector<256x128xi32>
    %and3A_176 = arith.constant -2139062144 : i32
    %and3A_177 = vector.broadcast %and3A_176 : i32 to vector<256x128xi32>
    %and3A_178 = arith.andi %sub3A_175, %and3A_177 : vector<256x128xi32>
    %broadcast_in_dim3A_179 = arith.constant 7 : i32
    %broadcast_in_dim3A_180 = vector.broadcast %broadcast_in_dim3A_179 : i32 to vector<256x128xi32>
    %shift_right_logical3A_181 = arith.shrui %and3A_178, %broadcast_in_dim3A_180 : vector<256x128xi32>
    %add3A_182 = arith.addi %add3A_165, %shift_right_logical3A_181 : vector<256x128xi32>
    %slice3A_183 = vector.extract_strided_slice %or3A_18 {offsets = [0, 256], sizes = [256, 128], strides = [1, 1]} : vector<256x512xi32> to vector<256x128xi32>
    %slice3A_184 = vector.extract_strided_slice %or3A_63 {offsets = [1, 0], sizes = [1, 512], strides = [1, 1]} : vector<10x512xi32> to vector<1x512xi32>
    %squeeze3A_185 = vector.shape_cast %slice3A_184 : vector<1x512xi32> to vector<512xi32>
    %slice3A_186 = vector.extract_strided_slice %squeeze3A_185 {offsets = [256], sizes = [128], strides = [1]} : vector<512xi32> to vector<128xi32>
    %broadcast_in_dim3A_187 = vector.shape_cast %slice3A_186 : vector<128xi32> to vector<1x128xi32>
    %xor3A_188 = vector.broadcast %broadcast_in_dim3A_187 : vector<1x128xi32> to vector<256x128xi32>
    %xor3A_189 = arith.xori %slice3A_183, %xor3A_188 : vector<256x128xi32>
    %sub3A_190 = arith.constant -2139062144 : i32
    %sub3A_191 = vector.broadcast %sub3A_190 : i32 to vector<256x128xi32>
    %sub3A_192 = arith.subi %sub3A_191, %xor3A_189 : vector<256x128xi32>
    %and3A_193 = arith.constant -2139062144 : i32
    %and3A_194 = vector.broadcast %and3A_193 : i32 to vector<256x128xi32>
    %and3A_195 = arith.andi %sub3A_192, %and3A_194 : vector<256x128xi32>
    %broadcast_in_dim3A_196 = arith.constant 7 : i32
    %broadcast_in_dim3A_197 = vector.broadcast %broadcast_in_dim3A_196 : i32 to vector<256x128xi32>
    %shift_right_logical3A_198 = arith.shrui %and3A_195, %broadcast_in_dim3A_197 : vector<256x128xi32>
    %add3A_199 = arith.addi %add3A_182, %shift_right_logical3A_198 : vector<256x128xi32>
    %slice3A_200 = vector.extract_strided_slice %or3A_18 {offsets = [0, 384], sizes = [256, 128], strides = [1, 1]} : vector<256x512xi32> to vector<256x128xi32>
    %slice3A_201 = vector.extract_strided_slice %or3A_63 {offsets = [1, 0], sizes = [1, 512], strides = [1, 1]} : vector<10x512xi32> to vector<1x512xi32>
    %squeeze3A_202 = vector.shape_cast %slice3A_201 : vector<1x512xi32> to vector<512xi32>
    %slice3A_203 = vector.extract_strided_slice %squeeze3A_202 {offsets = [384], sizes = [128], strides = [1]} : vector<512xi32> to vector<128xi32>
    %broadcast_in_dim3A_204 = vector.shape_cast %slice3A_203 : vector<128xi32> to vector<1x128xi32>
    %xor3A_205 = vector.broadcast %broadcast_in_dim3A_204 : vector<1x128xi32> to vector<256x128xi32>
    %xor3A_206 = arith.xori %slice3A_200, %xor3A_205 : vector<256x128xi32>
    %sub3A_207 = arith.constant -2139062144 : i32
    %sub3A_208 = vector.broadcast %sub3A_207 : i32 to vector<256x128xi32>
    %sub3A_209 = arith.subi %sub3A_208, %xor3A_206 : vector<256x128xi32>
    %and3A_210 = arith.constant -2139062144 : i32
    %and3A_211 = vector.broadcast %and3A_210 : i32 to vector<256x128xi32>
    %and3A_212 = arith.andi %sub3A_209, %and3A_211 : vector<256x128xi32>
    %broadcast_in_dim3A_213 = arith.constant 7 : i32
    %broadcast_in_dim3A_214 = vector.broadcast %broadcast_in_dim3A_213 : i32 to vector<256x128xi32>
    %shift_right_logical3A_215 = arith.shrui %and3A_212, %broadcast_in_dim3A_214 : vector<256x128xi32>
    %add3A_216 = arith.addi %add3A_199, %shift_right_logical3A_215 : vector<256x128xi32>
    %shift_right_arithmetic3A_217 = arith.constant 16 : i32
    %shift_right_arithmetic3A_218 = vector.broadcast %shift_right_arithmetic3A_217 : i32 to vector<256x128xi32>
    %shift_right_arithmetic3A_219 = arith.shrsi %add3A_216, %shift_right_arithmetic3A_218 : vector<256x128xi32>
    %add3A_220 = arith.addi %add3A_216, %shift_right_arithmetic3A_219 : vector<256x128xi32>
    %shift_right_arithmetic3A_221 = arith.constant 8 : i32
    %shift_right_arithmetic3A_222 = vector.broadcast %shift_right_arithmetic3A_221 : i32 to vector<256x128xi32>
    %shift_right_arithmetic3A_223 = arith.shrsi %add3A_220, %shift_right_arithmetic3A_222 : vector<256x128xi32>
    %add3A_224 = arith.addi %add3A_220, %shift_right_arithmetic3A_223 : vector<256x128xi32>
    %and3A_225 = arith.constant 255 : i32
    %and3A_226 = vector.broadcast %and3A_225 : i32 to vector<256x128xi32>
    %and3A_227 = arith.andi %add3A_224, %and3A_226 : vector<256x128xi32>
    %reduce_sum3A_228 = arith.constant dense<0> : vector<256xi32>
    %reduce_sum3A_229 = vector.multi_reduction <add>, %and3A_227, %reduce_sum3A_228 [1] : vector<256x128xi32> to vector<256xi32>
    %add3A_230 = arith.addi %add3A_143, %reduce_sum3A_229 : vector<256xi32>
    %gt3A_231 = arith.constant 1024 : i32
    %gt3A_232 = vector.broadcast %gt3A_231 : i32 to vector<256xi32>
    %gt3A_233 = arith.cmpi sgt, %reduce_sum3A_229, %gt3A_232 : vector<256xi32>
    %convert_element_type3A_234 = arith.extui %gt3A_233 : vector<256xi1> to vector<256xi32>
    %add3A_235 = arith.addi %add3A_146, %convert_element_type3A_234 : vector<256xi32>
    %broadcast_in_dim3A_236 = arith.constant 0 : i32
    %broadcast_in_dim3A_237 = vector.broadcast %broadcast_in_dim3A_236 : i32 to vector<256x128xi32>
    %slice3A_238 = vector.extract_strided_slice %or3A_18 {offsets = [0, 0], sizes = [256, 128], strides = [1, 1]} : vector<256x512xi32> to vector<256x128xi32>
    %slice3A_239 = vector.extract_strided_slice %or3A_63 {offsets = [2, 0], sizes = [1, 512], strides = [1, 1]} : vector<10x512xi32> to vector<1x512xi32>
    %squeeze3A_240 = vector.shape_cast %slice3A_239 : vector<1x512xi32> to vector<512xi32>
    %slice3A_241 = vector.extract_strided_slice %squeeze3A_240 {offsets = [0], sizes = [128], strides = [1]} : vector<512xi32> to vector<128xi32>
    %broadcast_in_dim3A_242 = vector.shape_cast %slice3A_241 : vector<128xi32> to vector<1x128xi32>
    %xor3A_243 = vector.broadcast %broadcast_in_dim3A_242 : vector<1x128xi32> to vector<256x128xi32>
    %xor3A_244 = arith.xori %slice3A_238, %xor3A_243 : vector<256x128xi32>
    %sub3A_245 = arith.constant -2139062144 : i32
    %sub3A_246 = vector.broadcast %sub3A_245 : i32 to vector<256x128xi32>
    %sub3A_247 = arith.subi %sub3A_246, %xor3A_244 : vector<256x128xi32>
    %and3A_248 = arith.constant -2139062144 : i32
    %and3A_249 = vector.broadcast %and3A_248 : i32 to vector<256x128xi32>
    %and3A_250 = arith.andi %sub3A_247, %and3A_249 : vector<256x128xi32>
    %broadcast_in_dim3A_251 = arith.constant 7 : i32
    %broadcast_in_dim3A_252 = vector.broadcast %broadcast_in_dim3A_251 : i32 to vector<256x128xi32>
    %shift_right_logical3A_253 = arith.shrui %and3A_250, %broadcast_in_dim3A_252 : vector<256x128xi32>
    %add3A_254 = arith.addi %broadcast_in_dim3A_237, %shift_right_logical3A_253 : vector<256x128xi32>
    %slice3A_255 = vector.extract_strided_slice %or3A_18 {offsets = [0, 128], sizes = [256, 128], strides = [1, 1]} : vector<256x512xi32> to vector<256x128xi32>
    %slice3A_256 = vector.extract_strided_slice %or3A_63 {offsets = [2, 0], sizes = [1, 512], strides = [1, 1]} : vector<10x512xi32> to vector<1x512xi32>
    %squeeze3A_257 = vector.shape_cast %slice3A_256 : vector<1x512xi32> to vector<512xi32>
    %slice3A_258 = vector.extract_strided_slice %squeeze3A_257 {offsets = [128], sizes = [128], strides = [1]} : vector<512xi32> to vector<128xi32>
    %broadcast_in_dim3A_259 = vector.shape_cast %slice3A_258 : vector<128xi32> to vector<1x128xi32>
    %xor3A_260 = vector.broadcast %broadcast_in_dim3A_259 : vector<1x128xi32> to vector<256x128xi32>
    %xor3A_261 = arith.xori %slice3A_255, %xor3A_260 : vector<256x128xi32>
    %sub3A_262 = arith.constant -2139062144 : i32
    %sub3A_263 = vector.broadcast %sub3A_262 : i32 to vector<256x128xi32>
    %sub3A_264 = arith.subi %sub3A_263, %xor3A_261 : vector<256x128xi32>
    %and3A_265 = arith.constant -2139062144 : i32
    %and3A_266 = vector.broadcast %and3A_265 : i32 to vector<256x128xi32>
    %and3A_267 = arith.andi %sub3A_264, %and3A_266 : vector<256x128xi32>
    %broadcast_in_dim3A_268 = arith.constant 7 : i32
    %broadcast_in_dim3A_269 = vector.broadcast %broadcast_in_dim3A_268 : i32 to vector<256x128xi32>
    %shift_right_logical3A_270 = arith.shrui %and3A_267, %broadcast_in_dim3A_269 : vector<256x128xi32>
    %add3A_271 = arith.addi %add3A_254, %shift_right_logical3A_270 : vector<256x128xi32>
    %slice3A_272 = vector.extract_strided_slice %or3A_18 {offsets = [0, 256], sizes = [256, 128], strides = [1, 1]} : vector<256x512xi32> to vector<256x128xi32>
    %slice3A_273 = vector.extract_strided_slice %or3A_63 {offsets = [2, 0], sizes = [1, 512], strides = [1, 1]} : vector<10x512xi32> to vector<1x512xi32>
    %squeeze3A_274 = vector.shape_cast %slice3A_273 : vector<1x512xi32> to vector<512xi32>
    %slice3A_275 = vector.extract_strided_slice %squeeze3A_274 {offsets = [256], sizes = [128], strides = [1]} : vector<512xi32> to vector<128xi32>
    %broadcast_in_dim3A_276 = vector.shape_cast %slice3A_275 : vector<128xi32> to vector<1x128xi32>
    %xor3A_277 = vector.broadcast %broadcast_in_dim3A_276 : vector<1x128xi32> to vector<256x128xi32>
    %xor3A_278 = arith.xori %slice3A_272, %xor3A_277 : vector<256x128xi32>
    %sub3A_279 = arith.constant -2139062144 : i32
    %sub3A_280 = vector.broadcast %sub3A_279 : i32 to vector<256x128xi32>
    %sub3A_281 = arith.subi %sub3A_280, %xor3A_278 : vector<256x128xi32>
    %and3A_282 = arith.constant -2139062144 : i32
    %and3A_283 = vector.broadcast %and3A_282 : i32 to vector<256x128xi32>
    %and3A_284 = arith.andi %sub3A_281, %and3A_283 : vector<256x128xi32>
    %broadcast_in_dim3A_285 = arith.constant 7 : i32
    %broadcast_in_dim3A_286 = vector.broadcast %broadcast_in_dim3A_285 : i32 to vector<256x128xi32>
    %shift_right_logical3A_287 = arith.shrui %and3A_284, %broadcast_in_dim3A_286 : vector<256x128xi32>
    %add3A_288 = arith.addi %add3A_271, %shift_right_logical3A_287 : vector<256x128xi32>
    %slice3A_289 = vector.extract_strided_slice %or3A_18 {offsets = [0, 384], sizes = [256, 128], strides = [1, 1]} : vector<256x512xi32> to vector<256x128xi32>
    %slice3A_290 = vector.extract_strided_slice %or3A_63 {offsets = [2, 0], sizes = [1, 512], strides = [1, 1]} : vector<10x512xi32> to vector<1x512xi32>
    %squeeze3A_291 = vector.shape_cast %slice3A_290 : vector<1x512xi32> to vector<512xi32>
    %slice3A_292 = vector.extract_strided_slice %squeeze3A_291 {offsets = [384], sizes = [128], strides = [1]} : vector<512xi32> to vector<128xi32>
    %broadcast_in_dim3A_293 = vector.shape_cast %slice3A_292 : vector<128xi32> to vector<1x128xi32>
    %xor3A_294 = vector.broadcast %broadcast_in_dim3A_293 : vector<1x128xi32> to vector<256x128xi32>
    %xor3A_295 = arith.xori %slice3A_289, %xor3A_294 : vector<256x128xi32>
    %sub3A_296 = arith.constant -2139062144 : i32
    %sub3A_297 = vector.broadcast %sub3A_296 : i32 to vector<256x128xi32>
    %sub3A_298 = arith.subi %sub3A_297, %xor3A_295 : vector<256x128xi32>
    %and3A_299 = arith.constant -2139062144 : i32
    %and3A_300 = vector.broadcast %and3A_299 : i32 to vector<256x128xi32>
    %and3A_301 = arith.andi %sub3A_298, %and3A_300 : vector<256x128xi32>
    %broadcast_in_dim3A_302 = arith.constant 7 : i32
    %broadcast_in_dim3A_303 = vector.broadcast %broadcast_in_dim3A_302 : i32 to vector<256x128xi32>
    %shift_right_logical3A_304 = arith.shrui %and3A_301, %broadcast_in_dim3A_303 : vector<256x128xi32>
    %add3A_305 = arith.addi %add3A_288, %shift_right_logical3A_304 : vector<256x128xi32>
    %shift_right_arithmetic3A_306 = arith.constant 16 : i32
    %shift_right_arithmetic3A_307 = vector.broadcast %shift_right_arithmetic3A_306 : i32 to vector<256x128xi32>
    %shift_right_arithmetic3A_308 = arith.shrsi %add3A_305, %shift_right_arithmetic3A_307 : vector<256x128xi32>
    %add3A_309 = arith.addi %add3A_305, %shift_right_arithmetic3A_308 : vector<256x128xi32>
    %shift_right_arithmetic3A_310 = arith.constant 8 : i32
    %shift_right_arithmetic3A_311 = vector.broadcast %shift_right_arithmetic3A_310 : i32 to vector<256x128xi32>
    %shift_right_arithmetic3A_312 = arith.shrsi %add3A_309, %shift_right_arithmetic3A_311 : vector<256x128xi32>
    %add3A_313 = arith.addi %add3A_309, %shift_right_arithmetic3A_312 : vector<256x128xi32>
    %and3A_314 = arith.constant 255 : i32
    %and3A_315 = vector.broadcast %and3A_314 : i32 to vector<256x128xi32>
    %and3A_316 = arith.andi %add3A_313, %and3A_315 : vector<256x128xi32>
    %reduce_sum3A_317 = arith.constant dense<0> : vector<256xi32>
    %reduce_sum3A_318 = vector.multi_reduction <add>, %and3A_316, %reduce_sum3A_317 [1] : vector<256x128xi32> to vector<256xi32>
    %add3A_319 = arith.addi %add3A_230, %reduce_sum3A_318 : vector<256xi32>
    %gt3A_320 = arith.constant 1024 : i32
    %gt3A_321 = vector.broadcast %gt3A_320 : i32 to vector<256xi32>
    %gt3A_322 = arith.cmpi sgt, %reduce_sum3A_318, %gt3A_321 : vector<256xi32>
    %convert_element_type3A_323 = arith.extui %gt3A_322 : vector<256xi1> to vector<256xi32>
    %add3A_324 = arith.addi %add3A_235, %convert_element_type3A_323 : vector<256xi32>
    %broadcast_in_dim3A_325 = arith.constant 0 : i32
    %broadcast_in_dim3A_326 = vector.broadcast %broadcast_in_dim3A_325 : i32 to vector<256x128xi32>
    %slice3A_327 = vector.extract_strided_slice %or3A_18 {offsets = [0, 0], sizes = [256, 128], strides = [1, 1]} : vector<256x512xi32> to vector<256x128xi32>
    %slice3A_328 = vector.extract_strided_slice %or3A_63 {offsets = [3, 0], sizes = [1, 512], strides = [1, 1]} : vector<10x512xi32> to vector<1x512xi32>
    %squeeze3A_329 = vector.shape_cast %slice3A_328 : vector<1x512xi32> to vector<512xi32>
    %slice3A_330 = vector.extract_strided_slice %squeeze3A_329 {offsets = [0], sizes = [128], strides = [1]} : vector<512xi32> to vector<128xi32>
    %broadcast_in_dim3A_331 = vector.shape_cast %slice3A_330 : vector<128xi32> to vector<1x128xi32>
    %xor3A_332 = vector.broadcast %broadcast_in_dim3A_331 : vector<1x128xi32> to vector<256x128xi32>
    %xor3A_333 = arith.xori %slice3A_327, %xor3A_332 : vector<256x128xi32>
    %sub3A_334 = arith.constant -2139062144 : i32
    %sub3A_335 = vector.broadcast %sub3A_334 : i32 to vector<256x128xi32>
    %sub3A_336 = arith.subi %sub3A_335, %xor3A_333 : vector<256x128xi32>
    %and3A_337 = arith.constant -2139062144 : i32
    %and3A_338 = vector.broadcast %and3A_337 : i32 to vector<256x128xi32>
    %and3A_339 = arith.andi %sub3A_336, %and3A_338 : vector<256x128xi32>
    %broadcast_in_dim3A_340 = arith.constant 7 : i32
    %broadcast_in_dim3A_341 = vector.broadcast %broadcast_in_dim3A_340 : i32 to vector<256x128xi32>
    %shift_right_logical3A_342 = arith.shrui %and3A_339, %broadcast_in_dim3A_341 : vector<256x128xi32>
    %add3A_343 = arith.addi %broadcast_in_dim3A_326, %shift_right_logical3A_342 : vector<256x128xi32>
    %slice3A_344 = vector.extract_strided_slice %or3A_18 {offsets = [0, 128], sizes = [256, 128], strides = [1, 1]} : vector<256x512xi32> to vector<256x128xi32>
    %slice3A_345 = vector.extract_strided_slice %or3A_63 {offsets = [3, 0], sizes = [1, 512], strides = [1, 1]} : vector<10x512xi32> to vector<1x512xi32>
    %squeeze3A_346 = vector.shape_cast %slice3A_345 : vector<1x512xi32> to vector<512xi32>
    %slice3A_347 = vector.extract_strided_slice %squeeze3A_346 {offsets = [128], sizes = [128], strides = [1]} : vector<512xi32> to vector<128xi32>
    %broadcast_in_dim3A_348 = vector.shape_cast %slice3A_347 : vector<128xi32> to vector<1x128xi32>
    %xor3A_349 = vector.broadcast %broadcast_in_dim3A_348 : vector<1x128xi32> to vector<256x128xi32>
    %xor3A_350 = arith.xori %slice3A_344, %xor3A_349 : vector<256x128xi32>
    %sub3A_351 = arith.constant -2139062144 : i32
    %sub3A_352 = vector.broadcast %sub3A_351 : i32 to vector<256x128xi32>
    %sub3A_353 = arith.subi %sub3A_352, %xor3A_350 : vector<256x128xi32>
    %and3A_354 = arith.constant -2139062144 : i32
    %and3A_355 = vector.broadcast %and3A_354 : i32 to vector<256x128xi32>
    %and3A_356 = arith.andi %sub3A_353, %and3A_355 : vector<256x128xi32>
    %broadcast_in_dim3A_357 = arith.constant 7 : i32
    %broadcast_in_dim3A_358 = vector.broadcast %broadcast_in_dim3A_357 : i32 to vector<256x128xi32>
    %shift_right_logical3A_359 = arith.shrui %and3A_356, %broadcast_in_dim3A_358 : vector<256x128xi32>
    %add3A_360 = arith.addi %add3A_343, %shift_right_logical3A_359 : vector<256x128xi32>
    %slice3A_361 = vector.extract_strided_slice %or3A_18 {offsets = [0, 256], sizes = [256, 128], strides = [1, 1]} : vector<256x512xi32> to vector<256x128xi32>
    %slice3A_362 = vector.extract_strided_slice %or3A_63 {offsets = [3, 0], sizes = [1, 512], strides = [1, 1]} : vector<10x512xi32> to vector<1x512xi32>
    %squeeze3A_363 = vector.shape_cast %slice3A_362 : vector<1x512xi32> to vector<512xi32>
    %slice3A_364 = vector.extract_strided_slice %squeeze3A_363 {offsets = [256], sizes = [128], strides = [1]} : vector<512xi32> to vector<128xi32>
    %broadcast_in_dim3A_365 = vector.shape_cast %slice3A_364 : vector<128xi32> to vector<1x128xi32>
    %xor3A_366 = vector.broadcast %broadcast_in_dim3A_365 : vector<1x128xi32> to vector<256x128xi32>
    %xor3A_367 = arith.xori %slice3A_361, %xor3A_366 : vector<256x128xi32>
    %sub3A_368 = arith.constant -2139062144 : i32
    %sub3A_369 = vector.broadcast %sub3A_368 : i32 to vector<256x128xi32>
    %sub3A_370 = arith.subi %sub3A_369, %xor3A_367 : vector<256x128xi32>
    %and3A_371 = arith.constant -2139062144 : i32
    %and3A_372 = vector.broadcast %and3A_371 : i32 to vector<256x128xi32>
    %and3A_373 = arith.andi %sub3A_370, %and3A_372 : vector<256x128xi32>
    %broadcast_in_dim3A_374 = arith.constant 7 : i32
    %broadcast_in_dim3A_375 = vector.broadcast %broadcast_in_dim3A_374 : i32 to vector<256x128xi32>
    %shift_right_logical3A_376 = arith.shrui %and3A_373, %broadcast_in_dim3A_375 : vector<256x128xi32>
    %add3A_377 = arith.addi %add3A_360, %shift_right_logical3A_376 : vector<256x128xi32>
    %slice3A_378 = vector.extract_strided_slice %or3A_18 {offsets = [0, 384], sizes = [256, 128], strides = [1, 1]} : vector<256x512xi32> to vector<256x128xi32>
    %slice3A_379 = vector.extract_strided_slice %or3A_63 {offsets = [3, 0], sizes = [1, 512], strides = [1, 1]} : vector<10x512xi32> to vector<1x512xi32>
    %squeeze3A_380 = vector.shape_cast %slice3A_379 : vector<1x512xi32> to vector<512xi32>
    %slice3A_381 = vector.extract_strided_slice %squeeze3A_380 {offsets = [384], sizes = [128], strides = [1]} : vector<512xi32> to vector<128xi32>
    %broadcast_in_dim3A_382 = vector.shape_cast %slice3A_381 : vector<128xi32> to vector<1x128xi32>
    %xor3A_383 = vector.broadcast %broadcast_in_dim3A_382 : vector<1x128xi32> to vector<256x128xi32>
    %xor3A_384 = arith.xori %slice3A_378, %xor3A_383 : vector<256x128xi32>
    %sub3A_385 = arith.constant -2139062144 : i32
    %sub3A_386 = vector.broadcast %sub3A_385 : i32 to vector<256x128xi32>
    %sub3A_387 = arith.subi %sub3A_386, %xor3A_384 : vector<256x128xi32>
    %and3A_388 = arith.constant -2139062144 : i32
    %and3A_389 = vector.broadcast %and3A_388 : i32 to vector<256x128xi32>
    %and3A_390 = arith.andi %sub3A_387, %and3A_389 : vector<256x128xi32>
    %broadcast_in_dim3A_391 = arith.constant 7 : i32
    %broadcast_in_dim3A_392 = vector.broadcast %broadcast_in_dim3A_391 : i32 to vector<256x128xi32>
    %shift_right_logical3A_393 = arith.shrui %and3A_390, %broadcast_in_dim3A_392 : vector<256x128xi32>
    %add3A_394 = arith.addi %add3A_377, %shift_right_logical3A_393 : vector<256x128xi32>
    %shift_right_arithmetic3A_395 = arith.constant 16 : i32
    %shift_right_arithmetic3A_396 = vector.broadcast %shift_right_arithmetic3A_395 : i32 to vector<256x128xi32>
    %shift_right_arithmetic3A_397 = arith.shrsi %add3A_394, %shift_right_arithmetic3A_396 : vector<256x128xi32>
    %add3A_398 = arith.addi %add3A_394, %shift_right_arithmetic3A_397 : vector<256x128xi32>
    %shift_right_arithmetic3A_399 = arith.constant 8 : i32
    %shift_right_arithmetic3A_400 = vector.broadcast %shift_right_arithmetic3A_399 : i32 to vector<256x128xi32>
    %shift_right_arithmetic3A_401 = arith.shrsi %add3A_398, %shift_right_arithmetic3A_400 : vector<256x128xi32>
    %add3A_402 = arith.addi %add3A_398, %shift_right_arithmetic3A_401 : vector<256x128xi32>
    %and3A_403 = arith.constant 255 : i32
    %and3A_404 = vector.broadcast %and3A_403 : i32 to vector<256x128xi32>
    %and3A_405 = arith.andi %add3A_402, %and3A_404 : vector<256x128xi32>
    %reduce_sum3A_406 = arith.constant dense<0> : vector<256xi32>
    %reduce_sum3A_407 = vector.multi_reduction <add>, %and3A_405, %reduce_sum3A_406 [1] : vector<256x128xi32> to vector<256xi32>
    %add3A_408 = arith.addi %add3A_319, %reduce_sum3A_407 : vector<256xi32>
    %gt3A_409 = arith.constant 1024 : i32
    %gt3A_410 = vector.broadcast %gt3A_409 : i32 to vector<256xi32>
    %gt3A_411 = arith.cmpi sgt, %reduce_sum3A_407, %gt3A_410 : vector<256xi32>
    %convert_element_type3A_412 = arith.extui %gt3A_411 : vector<256xi1> to vector<256xi32>
    %add3A_413 = arith.addi %add3A_324, %convert_element_type3A_412 : vector<256xi32>
    %broadcast_in_dim3A_414 = arith.constant 0 : i32
    %broadcast_in_dim3A_415 = vector.broadcast %broadcast_in_dim3A_414 : i32 to vector<256x128xi32>
    %slice3A_416 = vector.extract_strided_slice %or3A_18 {offsets = [0, 0], sizes = [256, 128], strides = [1, 1]} : vector<256x512xi32> to vector<256x128xi32>
    %slice3A_417 = vector.extract_strided_slice %or3A_63 {offsets = [4, 0], sizes = [1, 512], strides = [1, 1]} : vector<10x512xi32> to vector<1x512xi32>
    %squeeze3A_418 = vector.shape_cast %slice3A_417 : vector<1x512xi32> to vector<512xi32>
    %slice3A_419 = vector.extract_strided_slice %squeeze3A_418 {offsets = [0], sizes = [128], strides = [1]} : vector<512xi32> to vector<128xi32>
    %broadcast_in_dim3A_420 = vector.shape_cast %slice3A_419 : vector<128xi32> to vector<1x128xi32>
    %xor3A_421 = vector.broadcast %broadcast_in_dim3A_420 : vector<1x128xi32> to vector<256x128xi32>
    %xor3A_422 = arith.xori %slice3A_416, %xor3A_421 : vector<256x128xi32>
    %sub3A_423 = arith.constant -2139062144 : i32
    %sub3A_424 = vector.broadcast %sub3A_423 : i32 to vector<256x128xi32>
    %sub3A_425 = arith.subi %sub3A_424, %xor3A_422 : vector<256x128xi32>
    %and3A_426 = arith.constant -2139062144 : i32
    %and3A_427 = vector.broadcast %and3A_426 : i32 to vector<256x128xi32>
    %and3A_428 = arith.andi %sub3A_425, %and3A_427 : vector<256x128xi32>
    %broadcast_in_dim3A_429 = arith.constant 7 : i32
    %broadcast_in_dim3A_430 = vector.broadcast %broadcast_in_dim3A_429 : i32 to vector<256x128xi32>
    %shift_right_logical3A_431 = arith.shrui %and3A_428, %broadcast_in_dim3A_430 : vector<256x128xi32>
    %add3A_432 = arith.addi %broadcast_in_dim3A_415, %shift_right_logical3A_431 : vector<256x128xi32>
    %slice3A_433 = vector.extract_strided_slice %or3A_18 {offsets = [0, 128], sizes = [256, 128], strides = [1, 1]} : vector<256x512xi32> to vector<256x128xi32>
    %slice3A_434 = vector.extract_strided_slice %or3A_63 {offsets = [4, 0], sizes = [1, 512], strides = [1, 1]} : vector<10x512xi32> to vector<1x512xi32>
    %squeeze3A_435 = vector.shape_cast %slice3A_434 : vector<1x512xi32> to vector<512xi32>
    %slice3A_436 = vector.extract_strided_slice %squeeze3A_435 {offsets = [128], sizes = [128], strides = [1]} : vector<512xi32> to vector<128xi32>
    %broadcast_in_dim3A_437 = vector.shape_cast %slice3A_436 : vector<128xi32> to vector<1x128xi32>
    %xor3A_438 = vector.broadcast %broadcast_in_dim3A_437 : vector<1x128xi32> to vector<256x128xi32>
    %xor3A_439 = arith.xori %slice3A_433, %xor3A_438 : vector<256x128xi32>
    %sub3A_440 = arith.constant -2139062144 : i32
    %sub3A_441 = vector.broadcast %sub3A_440 : i32 to vector<256x128xi32>
    %sub3A_442 = arith.subi %sub3A_441, %xor3A_439 : vector<256x128xi32>
    %and3A_443 = arith.constant -2139062144 : i32
    %and3A_444 = vector.broadcast %and3A_443 : i32 to vector<256x128xi32>
    %and3A_445 = arith.andi %sub3A_442, %and3A_444 : vector<256x128xi32>
    %broadcast_in_dim3A_446 = arith.constant 7 : i32
    %broadcast_in_dim3A_447 = vector.broadcast %broadcast_in_dim3A_446 : i32 to vector<256x128xi32>
    %shift_right_logical3A_448 = arith.shrui %and3A_445, %broadcast_in_dim3A_447 : vector<256x128xi32>
    %add3A_449 = arith.addi %add3A_432, %shift_right_logical3A_448 : vector<256x128xi32>
    %slice3A_450 = vector.extract_strided_slice %or3A_18 {offsets = [0, 256], sizes = [256, 128], strides = [1, 1]} : vector<256x512xi32> to vector<256x128xi32>
    %slice3A_451 = vector.extract_strided_slice %or3A_63 {offsets = [4, 0], sizes = [1, 512], strides = [1, 1]} : vector<10x512xi32> to vector<1x512xi32>
    %squeeze3A_452 = vector.shape_cast %slice3A_451 : vector<1x512xi32> to vector<512xi32>
    %slice3A_453 = vector.extract_strided_slice %squeeze3A_452 {offsets = [256], sizes = [128], strides = [1]} : vector<512xi32> to vector<128xi32>
    %broadcast_in_dim3A_454 = vector.shape_cast %slice3A_453 : vector<128xi32> to vector<1x128xi32>
    %xor3A_455 = vector.broadcast %broadcast_in_dim3A_454 : vector<1x128xi32> to vector<256x128xi32>
    %xor3A_456 = arith.xori %slice3A_450, %xor3A_455 : vector<256x128xi32>
    %sub3A_457 = arith.constant -2139062144 : i32
    %sub3A_458 = vector.broadcast %sub3A_457 : i32 to vector<256x128xi32>
    %sub3A_459 = arith.subi %sub3A_458, %xor3A_456 : vector<256x128xi32>
    %and3A_460 = arith.constant -2139062144 : i32
    %and3A_461 = vector.broadcast %and3A_460 : i32 to vector<256x128xi32>
    %and3A_462 = arith.andi %sub3A_459, %and3A_461 : vector<256x128xi32>
    %broadcast_in_dim3A_463 = arith.constant 7 : i32
    %broadcast_in_dim3A_464 = vector.broadcast %broadcast_in_dim3A_463 : i32 to vector<256x128xi32>
    %shift_right_logical3A_465 = arith.shrui %and3A_462, %broadcast_in_dim3A_464 : vector<256x128xi32>
    %add3A_466 = arith.addi %add3A_449, %shift_right_logical3A_465 : vector<256x128xi32>
    %slice3A_467 = vector.extract_strided_slice %or3A_18 {offsets = [0, 384], sizes = [256, 128], strides = [1, 1]} : vector<256x512xi32> to vector<256x128xi32>
    %slice3A_468 = vector.extract_strided_slice %or3A_63 {offsets = [4, 0], sizes = [1, 512], strides = [1, 1]} : vector<10x512xi32> to vector<1x512xi32>
    %squeeze3A_469 = vector.shape_cast %slice3A_468 : vector<1x512xi32> to vector<512xi32>
    %slice3A_470 = vector.extract_strided_slice %squeeze3A_469 {offsets = [384], sizes = [128], strides = [1]} : vector<512xi32> to vector<128xi32>
    %broadcast_in_dim3A_471 = vector.shape_cast %slice3A_470 : vector<128xi32> to vector<1x128xi32>
    %xor3A_472 = vector.broadcast %broadcast_in_dim3A_471 : vector<1x128xi32> to vector<256x128xi32>
    %xor3A_473 = arith.xori %slice3A_467, %xor3A_472 : vector<256x128xi32>
    %sub3A_474 = arith.constant -2139062144 : i32
    %sub3A_475 = vector.broadcast %sub3A_474 : i32 to vector<256x128xi32>
    %sub3A_476 = arith.subi %sub3A_475, %xor3A_473 : vector<256x128xi32>
    %and3A_477 = arith.constant -2139062144 : i32
    %and3A_478 = vector.broadcast %and3A_477 : i32 to vector<256x128xi32>
    %and3A_479 = arith.andi %sub3A_476, %and3A_478 : vector<256x128xi32>
    %broadcast_in_dim3A_480 = arith.constant 7 : i32
    %broadcast_in_dim3A_481 = vector.broadcast %broadcast_in_dim3A_480 : i32 to vector<256x128xi32>
    %shift_right_logical3A_482 = arith.shrui %and3A_479, %broadcast_in_dim3A_481 : vector<256x128xi32>
    %add3A_483 = arith.addi %add3A_466, %shift_right_logical3A_482 : vector<256x128xi32>
    %shift_right_arithmetic3A_484 = arith.constant 16 : i32
    %shift_right_arithmetic3A_485 = vector.broadcast %shift_right_arithmetic3A_484 : i32 to vector<256x128xi32>
    %shift_right_arithmetic3A_486 = arith.shrsi %add3A_483, %shift_right_arithmetic3A_485 : vector<256x128xi32>
    %add3A_487 = arith.addi %add3A_483, %shift_right_arithmetic3A_486 : vector<256x128xi32>
    %shift_right_arithmetic3A_488 = arith.constant 8 : i32
    %shift_right_arithmetic3A_489 = vector.broadcast %shift_right_arithmetic3A_488 : i32 to vector<256x128xi32>
    %shift_right_arithmetic3A_490 = arith.shrsi %add3A_487, %shift_right_arithmetic3A_489 : vector<256x128xi32>
    %add3A_491 = arith.addi %add3A_487, %shift_right_arithmetic3A_490 : vector<256x128xi32>
    %and3A_492 = arith.constant 255 : i32
    %and3A_493 = vector.broadcast %and3A_492 : i32 to vector<256x128xi32>
    %and3A_494 = arith.andi %add3A_491, %and3A_493 : vector<256x128xi32>
    %reduce_sum3A_495 = arith.constant dense<0> : vector<256xi32>
    %reduce_sum3A_496 = vector.multi_reduction <add>, %and3A_494, %reduce_sum3A_495 [1] : vector<256x128xi32> to vector<256xi32>
    %add3A_497 = arith.addi %add3A_408, %reduce_sum3A_496 : vector<256xi32>
    %gt3A_498 = arith.constant 1024 : i32
    %gt3A_499 = vector.broadcast %gt3A_498 : i32 to vector<256xi32>
    %gt3A_500 = arith.cmpi sgt, %reduce_sum3A_496, %gt3A_499 : vector<256xi32>
    %convert_element_type3A_501 = arith.extui %gt3A_500 : vector<256xi1> to vector<256xi32>
    %add3A_502 = arith.addi %add3A_413, %convert_element_type3A_501 : vector<256xi32>
    %broadcast_in_dim3A_503 = arith.constant 0 : i32
    %broadcast_in_dim3A_504 = vector.broadcast %broadcast_in_dim3A_503 : i32 to vector<256x128xi32>
    %slice3A_505 = vector.extract_strided_slice %or3A_18 {offsets = [0, 0], sizes = [256, 128], strides = [1, 1]} : vector<256x512xi32> to vector<256x128xi32>
    %slice3A_506 = vector.extract_strided_slice %or3A_63 {offsets = [5, 0], sizes = [1, 512], strides = [1, 1]} : vector<10x512xi32> to vector<1x512xi32>
    %squeeze3A_507 = vector.shape_cast %slice3A_506 : vector<1x512xi32> to vector<512xi32>
    %slice3A_508 = vector.extract_strided_slice %squeeze3A_507 {offsets = [0], sizes = [128], strides = [1]} : vector<512xi32> to vector<128xi32>
    %broadcast_in_dim3A_509 = vector.shape_cast %slice3A_508 : vector<128xi32> to vector<1x128xi32>
    %xor3A_510 = vector.broadcast %broadcast_in_dim3A_509 : vector<1x128xi32> to vector<256x128xi32>
    %xor3A_511 = arith.xori %slice3A_505, %xor3A_510 : vector<256x128xi32>
    %sub3A_512 = arith.constant -2139062144 : i32
    %sub3A_513 = vector.broadcast %sub3A_512 : i32 to vector<256x128xi32>
    %sub3A_514 = arith.subi %sub3A_513, %xor3A_511 : vector<256x128xi32>
    %and3A_515 = arith.constant -2139062144 : i32
    %and3A_516 = vector.broadcast %and3A_515 : i32 to vector<256x128xi32>
    %and3A_517 = arith.andi %sub3A_514, %and3A_516 : vector<256x128xi32>
    %broadcast_in_dim3A_518 = arith.constant 7 : i32
    %broadcast_in_dim3A_519 = vector.broadcast %broadcast_in_dim3A_518 : i32 to vector<256x128xi32>
    %shift_right_logical3A_520 = arith.shrui %and3A_517, %broadcast_in_dim3A_519 : vector<256x128xi32>
    %add3A_521 = arith.addi %broadcast_in_dim3A_504, %shift_right_logical3A_520 : vector<256x128xi32>
    %slice3A_522 = vector.extract_strided_slice %or3A_18 {offsets = [0, 128], sizes = [256, 128], strides = [1, 1]} : vector<256x512xi32> to vector<256x128xi32>
    %slice3A_523 = vector.extract_strided_slice %or3A_63 {offsets = [5, 0], sizes = [1, 512], strides = [1, 1]} : vector<10x512xi32> to vector<1x512xi32>
    %squeeze3A_524 = vector.shape_cast %slice3A_523 : vector<1x512xi32> to vector<512xi32>
    %slice3A_525 = vector.extract_strided_slice %squeeze3A_524 {offsets = [128], sizes = [128], strides = [1]} : vector<512xi32> to vector<128xi32>
    %broadcast_in_dim3A_526 = vector.shape_cast %slice3A_525 : vector<128xi32> to vector<1x128xi32>
    %xor3A_527 = vector.broadcast %broadcast_in_dim3A_526 : vector<1x128xi32> to vector<256x128xi32>
    %xor3A_528 = arith.xori %slice3A_522, %xor3A_527 : vector<256x128xi32>
    %sub3A_529 = arith.constant -2139062144 : i32
    %sub3A_530 = vector.broadcast %sub3A_529 : i32 to vector<256x128xi32>
    %sub3A_531 = arith.subi %sub3A_530, %xor3A_528 : vector<256x128xi32>
    %and3A_532 = arith.constant -2139062144 : i32
    %and3A_533 = vector.broadcast %and3A_532 : i32 to vector<256x128xi32>
    %and3A_534 = arith.andi %sub3A_531, %and3A_533 : vector<256x128xi32>
    %broadcast_in_dim3A_535 = arith.constant 7 : i32
    %broadcast_in_dim3A_536 = vector.broadcast %broadcast_in_dim3A_535 : i32 to vector<256x128xi32>
    %shift_right_logical3A_537 = arith.shrui %and3A_534, %broadcast_in_dim3A_536 : vector<256x128xi32>
    %add3A_538 = arith.addi %add3A_521, %shift_right_logical3A_537 : vector<256x128xi32>
    %slice3A_539 = vector.extract_strided_slice %or3A_18 {offsets = [0, 256], sizes = [256, 128], strides = [1, 1]} : vector<256x512xi32> to vector<256x128xi32>
    %slice3A_540 = vector.extract_strided_slice %or3A_63 {offsets = [5, 0], sizes = [1, 512], strides = [1, 1]} : vector<10x512xi32> to vector<1x512xi32>
    %squeeze3A_541 = vector.shape_cast %slice3A_540 : vector<1x512xi32> to vector<512xi32>
    %slice3A_542 = vector.extract_strided_slice %squeeze3A_541 {offsets = [256], sizes = [128], strides = [1]} : vector<512xi32> to vector<128xi32>
    %broadcast_in_dim3A_543 = vector.shape_cast %slice3A_542 : vector<128xi32> to vector<1x128xi32>
    %xor3A_544 = vector.broadcast %broadcast_in_dim3A_543 : vector<1x128xi32> to vector<256x128xi32>
    %xor3A_545 = arith.xori %slice3A_539, %xor3A_544 : vector<256x128xi32>
    %sub3A_546 = arith.constant -2139062144 : i32
    %sub3A_547 = vector.broadcast %sub3A_546 : i32 to vector<256x128xi32>
    %sub3A_548 = arith.subi %sub3A_547, %xor3A_545 : vector<256x128xi32>
    %and3A_549 = arith.constant -2139062144 : i32
    %and3A_550 = vector.broadcast %and3A_549 : i32 to vector<256x128xi32>
    %and3A_551 = arith.andi %sub3A_548, %and3A_550 : vector<256x128xi32>
    %broadcast_in_dim3A_552 = arith.constant 7 : i32
    %broadcast_in_dim3A_553 = vector.broadcast %broadcast_in_dim3A_552 : i32 to vector<256x128xi32>
    %shift_right_logical3A_554 = arith.shrui %and3A_551, %broadcast_in_dim3A_553 : vector<256x128xi32>
    %add3A_555 = arith.addi %add3A_538, %shift_right_logical3A_554 : vector<256x128xi32>
    %slice3A_556 = vector.extract_strided_slice %or3A_18 {offsets = [0, 384], sizes = [256, 128], strides = [1, 1]} : vector<256x512xi32> to vector<256x128xi32>
    %slice3A_557 = vector.extract_strided_slice %or3A_63 {offsets = [5, 0], sizes = [1, 512], strides = [1, 1]} : vector<10x512xi32> to vector<1x512xi32>
    %squeeze3A_558 = vector.shape_cast %slice3A_557 : vector<1x512xi32> to vector<512xi32>
    %slice3A_559 = vector.extract_strided_slice %squeeze3A_558 {offsets = [384], sizes = [128], strides = [1]} : vector<512xi32> to vector<128xi32>
    %broadcast_in_dim3A_560 = vector.shape_cast %slice3A_559 : vector<128xi32> to vector<1x128xi32>
    %xor3A_561 = vector.broadcast %broadcast_in_dim3A_560 : vector<1x128xi32> to vector<256x128xi32>
    %xor3A_562 = arith.xori %slice3A_556, %xor3A_561 : vector<256x128xi32>
    %sub3A_563 = arith.constant -2139062144 : i32
    %sub3A_564 = vector.broadcast %sub3A_563 : i32 to vector<256x128xi32>
    %sub3A_565 = arith.subi %sub3A_564, %xor3A_562 : vector<256x128xi32>
    %and3A_566 = arith.constant -2139062144 : i32
    %and3A_567 = vector.broadcast %and3A_566 : i32 to vector<256x128xi32>
    %and3A_568 = arith.andi %sub3A_565, %and3A_567 : vector<256x128xi32>
    %broadcast_in_dim3A_569 = arith.constant 7 : i32
    %broadcast_in_dim3A_570 = vector.broadcast %broadcast_in_dim3A_569 : i32 to vector<256x128xi32>
    %shift_right_logical3A_571 = arith.shrui %and3A_568, %broadcast_in_dim3A_570 : vector<256x128xi32>
    %add3A_572 = arith.addi %add3A_555, %shift_right_logical3A_571 : vector<256x128xi32>
    %shift_right_arithmetic3A_573 = arith.constant 16 : i32
    %shift_right_arithmetic3A_574 = vector.broadcast %shift_right_arithmetic3A_573 : i32 to vector<256x128xi32>
    %shift_right_arithmetic3A_575 = arith.shrsi %add3A_572, %shift_right_arithmetic3A_574 : vector<256x128xi32>
    %add3A_576 = arith.addi %add3A_572, %shift_right_arithmetic3A_575 : vector<256x128xi32>
    %shift_right_arithmetic3A_577 = arith.constant 8 : i32
    %shift_right_arithmetic3A_578 = vector.broadcast %shift_right_arithmetic3A_577 : i32 to vector<256x128xi32>
    %shift_right_arithmetic3A_579 = arith.shrsi %add3A_576, %shift_right_arithmetic3A_578 : vector<256x128xi32>
    %add3A_580 = arith.addi %add3A_576, %shift_right_arithmetic3A_579 : vector<256x128xi32>
    %and3A_581 = arith.constant 255 : i32
    %and3A_582 = vector.broadcast %and3A_581 : i32 to vector<256x128xi32>
    %and3A_583 = arith.andi %add3A_580, %and3A_582 : vector<256x128xi32>
    %reduce_sum3A_584 = arith.constant dense<0> : vector<256xi32>
    %reduce_sum3A_585 = vector.multi_reduction <add>, %and3A_583, %reduce_sum3A_584 [1] : vector<256x128xi32> to vector<256xi32>
    %add3A_586 = arith.addi %add3A_497, %reduce_sum3A_585 : vector<256xi32>
    %gt3A_587 = arith.constant 1024 : i32
    %gt3A_588 = vector.broadcast %gt3A_587 : i32 to vector<256xi32>
    %gt3A_589 = arith.cmpi sgt, %reduce_sum3A_585, %gt3A_588 : vector<256xi32>
    %convert_element_type3A_590 = arith.extui %gt3A_589 : vector<256xi1> to vector<256xi32>
    %add3A_591 = arith.addi %add3A_502, %convert_element_type3A_590 : vector<256xi32>
    %broadcast_in_dim3A_592 = arith.constant 0 : i32
    %broadcast_in_dim3A_593 = vector.broadcast %broadcast_in_dim3A_592 : i32 to vector<256x128xi32>
    %slice3A_594 = vector.extract_strided_slice %or3A_18 {offsets = [0, 0], sizes = [256, 128], strides = [1, 1]} : vector<256x512xi32> to vector<256x128xi32>
    %slice3A_595 = vector.extract_strided_slice %or3A_63 {offsets = [6, 0], sizes = [1, 512], strides = [1, 1]} : vector<10x512xi32> to vector<1x512xi32>
    %squeeze3A_596 = vector.shape_cast %slice3A_595 : vector<1x512xi32> to vector<512xi32>
    %slice3A_597 = vector.extract_strided_slice %squeeze3A_596 {offsets = [0], sizes = [128], strides = [1]} : vector<512xi32> to vector<128xi32>
    %broadcast_in_dim3A_598 = vector.shape_cast %slice3A_597 : vector<128xi32> to vector<1x128xi32>
    %xor3A_599 = vector.broadcast %broadcast_in_dim3A_598 : vector<1x128xi32> to vector<256x128xi32>
    %xor3A_600 = arith.xori %slice3A_594, %xor3A_599 : vector<256x128xi32>
    %sub3A_601 = arith.constant -2139062144 : i32
    %sub3A_602 = vector.broadcast %sub3A_601 : i32 to vector<256x128xi32>
    %sub3A_603 = arith.subi %sub3A_602, %xor3A_600 : vector<256x128xi32>
    %and3A_604 = arith.constant -2139062144 : i32
    %and3A_605 = vector.broadcast %and3A_604 : i32 to vector<256x128xi32>
    %and3A_606 = arith.andi %sub3A_603, %and3A_605 : vector<256x128xi32>
    %broadcast_in_dim3A_607 = arith.constant 7 : i32
    %broadcast_in_dim3A_608 = vector.broadcast %broadcast_in_dim3A_607 : i32 to vector<256x128xi32>
    %shift_right_logical3A_609 = arith.shrui %and3A_606, %broadcast_in_dim3A_608 : vector<256x128xi32>
    %add3A_610 = arith.addi %broadcast_in_dim3A_593, %shift_right_logical3A_609 : vector<256x128xi32>
    %slice3A_611 = vector.extract_strided_slice %or3A_18 {offsets = [0, 128], sizes = [256, 128], strides = [1, 1]} : vector<256x512xi32> to vector<256x128xi32>
    %slice3A_612 = vector.extract_strided_slice %or3A_63 {offsets = [6, 0], sizes = [1, 512], strides = [1, 1]} : vector<10x512xi32> to vector<1x512xi32>
    %squeeze3A_613 = vector.shape_cast %slice3A_612 : vector<1x512xi32> to vector<512xi32>
    %slice3A_614 = vector.extract_strided_slice %squeeze3A_613 {offsets = [128], sizes = [128], strides = [1]} : vector<512xi32> to vector<128xi32>
    %broadcast_in_dim3A_615 = vector.shape_cast %slice3A_614 : vector<128xi32> to vector<1x128xi32>
    %xor3A_616 = vector.broadcast %broadcast_in_dim3A_615 : vector<1x128xi32> to vector<256x128xi32>
    %xor3A_617 = arith.xori %slice3A_611, %xor3A_616 : vector<256x128xi32>
    %sub3A_618 = arith.constant -2139062144 : i32
    %sub3A_619 = vector.broadcast %sub3A_618 : i32 to vector<256x128xi32>
    %sub3A_620 = arith.subi %sub3A_619, %xor3A_617 : vector<256x128xi32>
    %and3A_621 = arith.constant -2139062144 : i32
    %and3A_622 = vector.broadcast %and3A_621 : i32 to vector<256x128xi32>
    %and3A_623 = arith.andi %sub3A_620, %and3A_622 : vector<256x128xi32>
    %broadcast_in_dim3A_624 = arith.constant 7 : i32
    %broadcast_in_dim3A_625 = vector.broadcast %broadcast_in_dim3A_624 : i32 to vector<256x128xi32>
    %shift_right_logical3A_626 = arith.shrui %and3A_623, %broadcast_in_dim3A_625 : vector<256x128xi32>
    %add3A_627 = arith.addi %add3A_610, %shift_right_logical3A_626 : vector<256x128xi32>
    %slice3A_628 = vector.extract_strided_slice %or3A_18 {offsets = [0, 256], sizes = [256, 128], strides = [1, 1]} : vector<256x512xi32> to vector<256x128xi32>
    %slice3A_629 = vector.extract_strided_slice %or3A_63 {offsets = [6, 0], sizes = [1, 512], strides = [1, 1]} : vector<10x512xi32> to vector<1x512xi32>
    %squeeze3A_630 = vector.shape_cast %slice3A_629 : vector<1x512xi32> to vector<512xi32>
    %slice3A_631 = vector.extract_strided_slice %squeeze3A_630 {offsets = [256], sizes = [128], strides = [1]} : vector<512xi32> to vector<128xi32>
    %broadcast_in_dim3A_632 = vector.shape_cast %slice3A_631 : vector<128xi32> to vector<1x128xi32>
    %xor3A_633 = vector.broadcast %broadcast_in_dim3A_632 : vector<1x128xi32> to vector<256x128xi32>
    %xor3A_634 = arith.xori %slice3A_628, %xor3A_633 : vector<256x128xi32>
    %sub3A_635 = arith.constant -2139062144 : i32
    %sub3A_636 = vector.broadcast %sub3A_635 : i32 to vector<256x128xi32>
    %sub3A_637 = arith.subi %sub3A_636, %xor3A_634 : vector<256x128xi32>
    %and3A_638 = arith.constant -2139062144 : i32
    %and3A_639 = vector.broadcast %and3A_638 : i32 to vector<256x128xi32>
    %and3A_640 = arith.andi %sub3A_637, %and3A_639 : vector<256x128xi32>
    %broadcast_in_dim3A_641 = arith.constant 7 : i32
    %broadcast_in_dim3A_642 = vector.broadcast %broadcast_in_dim3A_641 : i32 to vector<256x128xi32>
    %shift_right_logical3A_643 = arith.shrui %and3A_640, %broadcast_in_dim3A_642 : vector<256x128xi32>
    %add3A_644 = arith.addi %add3A_627, %shift_right_logical3A_643 : vector<256x128xi32>
    %slice3A_645 = vector.extract_strided_slice %or3A_18 {offsets = [0, 384], sizes = [256, 128], strides = [1, 1]} : vector<256x512xi32> to vector<256x128xi32>
    %slice3A_646 = vector.extract_strided_slice %or3A_63 {offsets = [6, 0], sizes = [1, 512], strides = [1, 1]} : vector<10x512xi32> to vector<1x512xi32>
    %squeeze3A_647 = vector.shape_cast %slice3A_646 : vector<1x512xi32> to vector<512xi32>
    %slice3A_648 = vector.extract_strided_slice %squeeze3A_647 {offsets = [384], sizes = [128], strides = [1]} : vector<512xi32> to vector<128xi32>
    %broadcast_in_dim3A_649 = vector.shape_cast %slice3A_648 : vector<128xi32> to vector<1x128xi32>
    %xor3A_650 = vector.broadcast %broadcast_in_dim3A_649 : vector<1x128xi32> to vector<256x128xi32>
    %xor3A_651 = arith.xori %slice3A_645, %xor3A_650 : vector<256x128xi32>
    %sub3A_652 = arith.constant -2139062144 : i32
    %sub3A_653 = vector.broadcast %sub3A_652 : i32 to vector<256x128xi32>
    %sub3A_654 = arith.subi %sub3A_653, %xor3A_651 : vector<256x128xi32>
    %and3A_655 = arith.constant -2139062144 : i32
    %and3A_656 = vector.broadcast %and3A_655 : i32 to vector<256x128xi32>
    %and3A_657 = arith.andi %sub3A_654, %and3A_656 : vector<256x128xi32>
    %broadcast_in_dim3A_658 = arith.constant 7 : i32
    %broadcast_in_dim3A_659 = vector.broadcast %broadcast_in_dim3A_658 : i32 to vector<256x128xi32>
    %shift_right_logical3A_660 = arith.shrui %and3A_657, %broadcast_in_dim3A_659 : vector<256x128xi32>
    %add3A_661 = arith.addi %add3A_644, %shift_right_logical3A_660 : vector<256x128xi32>
    %shift_right_arithmetic3A_662 = arith.constant 16 : i32
    %shift_right_arithmetic3A_663 = vector.broadcast %shift_right_arithmetic3A_662 : i32 to vector<256x128xi32>
    %shift_right_arithmetic3A_664 = arith.shrsi %add3A_661, %shift_right_arithmetic3A_663 : vector<256x128xi32>
    %add3A_665 = arith.addi %add3A_661, %shift_right_arithmetic3A_664 : vector<256x128xi32>
    %shift_right_arithmetic3A_666 = arith.constant 8 : i32
    %shift_right_arithmetic3A_667 = vector.broadcast %shift_right_arithmetic3A_666 : i32 to vector<256x128xi32>
    %shift_right_arithmetic3A_668 = arith.shrsi %add3A_665, %shift_right_arithmetic3A_667 : vector<256x128xi32>
    %add3A_669 = arith.addi %add3A_665, %shift_right_arithmetic3A_668 : vector<256x128xi32>
    %and3A_670 = arith.constant 255 : i32
    %and3A_671 = vector.broadcast %and3A_670 : i32 to vector<256x128xi32>
    %and3A_672 = arith.andi %add3A_669, %and3A_671 : vector<256x128xi32>
    %reduce_sum3A_673 = arith.constant dense<0> : vector<256xi32>
    %reduce_sum3A_674 = vector.multi_reduction <add>, %and3A_672, %reduce_sum3A_673 [1] : vector<256x128xi32> to vector<256xi32>
    %add3A_675 = arith.addi %add3A_586, %reduce_sum3A_674 : vector<256xi32>
    %gt3A_676 = arith.constant 1024 : i32
    %gt3A_677 = vector.broadcast %gt3A_676 : i32 to vector<256xi32>
    %gt3A_678 = arith.cmpi sgt, %reduce_sum3A_674, %gt3A_677 : vector<256xi32>
    %convert_element_type3A_679 = arith.extui %gt3A_678 : vector<256xi1> to vector<256xi32>
    %add3A_680 = arith.addi %add3A_591, %convert_element_type3A_679 : vector<256xi32>
    %broadcast_in_dim3A_681 = arith.constant 0 : i32
    %broadcast_in_dim3A_682 = vector.broadcast %broadcast_in_dim3A_681 : i32 to vector<256x128xi32>
    %slice3A_683 = vector.extract_strided_slice %or3A_18 {offsets = [0, 0], sizes = [256, 128], strides = [1, 1]} : vector<256x512xi32> to vector<256x128xi32>
    %slice3A_684 = vector.extract_strided_slice %or3A_63 {offsets = [7, 0], sizes = [1, 512], strides = [1, 1]} : vector<10x512xi32> to vector<1x512xi32>
    %squeeze3A_685 = vector.shape_cast %slice3A_684 : vector<1x512xi32> to vector<512xi32>
    %slice3A_686 = vector.extract_strided_slice %squeeze3A_685 {offsets = [0], sizes = [128], strides = [1]} : vector<512xi32> to vector<128xi32>
    %broadcast_in_dim3A_687 = vector.shape_cast %slice3A_686 : vector<128xi32> to vector<1x128xi32>
    %xor3A_688 = vector.broadcast %broadcast_in_dim3A_687 : vector<1x128xi32> to vector<256x128xi32>
    %xor3A_689 = arith.xori %slice3A_683, %xor3A_688 : vector<256x128xi32>
    %sub3A_690 = arith.constant -2139062144 : i32
    %sub3A_691 = vector.broadcast %sub3A_690 : i32 to vector<256x128xi32>
    %sub3A_692 = arith.subi %sub3A_691, %xor3A_689 : vector<256x128xi32>
    %and3A_693 = arith.constant -2139062144 : i32
    %and3A_694 = vector.broadcast %and3A_693 : i32 to vector<256x128xi32>
    %and3A_695 = arith.andi %sub3A_692, %and3A_694 : vector<256x128xi32>
    %broadcast_in_dim3A_696 = arith.constant 7 : i32
    %broadcast_in_dim3A_697 = vector.broadcast %broadcast_in_dim3A_696 : i32 to vector<256x128xi32>
    %shift_right_logical3A_698 = arith.shrui %and3A_695, %broadcast_in_dim3A_697 : vector<256x128xi32>
    %add3A_699 = arith.addi %broadcast_in_dim3A_682, %shift_right_logical3A_698 : vector<256x128xi32>
    %slice3A_700 = vector.extract_strided_slice %or3A_18 {offsets = [0, 128], sizes = [256, 128], strides = [1, 1]} : vector<256x512xi32> to vector<256x128xi32>
    %slice3A_701 = vector.extract_strided_slice %or3A_63 {offsets = [7, 0], sizes = [1, 512], strides = [1, 1]} : vector<10x512xi32> to vector<1x512xi32>
    %squeeze3A_702 = vector.shape_cast %slice3A_701 : vector<1x512xi32> to vector<512xi32>
    %slice3A_703 = vector.extract_strided_slice %squeeze3A_702 {offsets = [128], sizes = [128], strides = [1]} : vector<512xi32> to vector<128xi32>
    %broadcast_in_dim3A_704 = vector.shape_cast %slice3A_703 : vector<128xi32> to vector<1x128xi32>
    %xor3A_705 = vector.broadcast %broadcast_in_dim3A_704 : vector<1x128xi32> to vector<256x128xi32>
    %xor3A_706 = arith.xori %slice3A_700, %xor3A_705 : vector<256x128xi32>
    %sub3A_707 = arith.constant -2139062144 : i32
    %sub3A_708 = vector.broadcast %sub3A_707 : i32 to vector<256x128xi32>
    %sub3A_709 = arith.subi %sub3A_708, %xor3A_706 : vector<256x128xi32>
    %and3A_710 = arith.constant -2139062144 : i32
    %and3A_711 = vector.broadcast %and3A_710 : i32 to vector<256x128xi32>
    %and3A_712 = arith.andi %sub3A_709, %and3A_711 : vector<256x128xi32>
    %broadcast_in_dim3A_713 = arith.constant 7 : i32
    %broadcast_in_dim3A_714 = vector.broadcast %broadcast_in_dim3A_713 : i32 to vector<256x128xi32>
    %shift_right_logical3A_715 = arith.shrui %and3A_712, %broadcast_in_dim3A_714 : vector<256x128xi32>
    %add3A_716 = arith.addi %add3A_699, %shift_right_logical3A_715 : vector<256x128xi32>
    %slice3A_717 = vector.extract_strided_slice %or3A_18 {offsets = [0, 256], sizes = [256, 128], strides = [1, 1]} : vector<256x512xi32> to vector<256x128xi32>
    %slice3A_718 = vector.extract_strided_slice %or3A_63 {offsets = [7, 0], sizes = [1, 512], strides = [1, 1]} : vector<10x512xi32> to vector<1x512xi32>
    %squeeze3A_719 = vector.shape_cast %slice3A_718 : vector<1x512xi32> to vector<512xi32>
    %slice3A_720 = vector.extract_strided_slice %squeeze3A_719 {offsets = [256], sizes = [128], strides = [1]} : vector<512xi32> to vector<128xi32>
    %broadcast_in_dim3A_721 = vector.shape_cast %slice3A_720 : vector<128xi32> to vector<1x128xi32>
    %xor3A_722 = vector.broadcast %broadcast_in_dim3A_721 : vector<1x128xi32> to vector<256x128xi32>
    %xor3A_723 = arith.xori %slice3A_717, %xor3A_722 : vector<256x128xi32>
    %sub3A_724 = arith.constant -2139062144 : i32
    %sub3A_725 = vector.broadcast %sub3A_724 : i32 to vector<256x128xi32>
    %sub3A_726 = arith.subi %sub3A_725, %xor3A_723 : vector<256x128xi32>
    %and3A_727 = arith.constant -2139062144 : i32
    %and3A_728 = vector.broadcast %and3A_727 : i32 to vector<256x128xi32>
    %and3A_729 = arith.andi %sub3A_726, %and3A_728 : vector<256x128xi32>
    %broadcast_in_dim3A_730 = arith.constant 7 : i32
    %broadcast_in_dim3A_731 = vector.broadcast %broadcast_in_dim3A_730 : i32 to vector<256x128xi32>
    %shift_right_logical3A_732 = arith.shrui %and3A_729, %broadcast_in_dim3A_731 : vector<256x128xi32>
    %add3A_733 = arith.addi %add3A_716, %shift_right_logical3A_732 : vector<256x128xi32>
    %slice3A_734 = vector.extract_strided_slice %or3A_18 {offsets = [0, 384], sizes = [256, 128], strides = [1, 1]} : vector<256x512xi32> to vector<256x128xi32>
    %slice3A_735 = vector.extract_strided_slice %or3A_63 {offsets = [7, 0], sizes = [1, 512], strides = [1, 1]} : vector<10x512xi32> to vector<1x512xi32>
    %squeeze3A_736 = vector.shape_cast %slice3A_735 : vector<1x512xi32> to vector<512xi32>
    %slice3A_737 = vector.extract_strided_slice %squeeze3A_736 {offsets = [384], sizes = [128], strides = [1]} : vector<512xi32> to vector<128xi32>
    %broadcast_in_dim3A_738 = vector.shape_cast %slice3A_737 : vector<128xi32> to vector<1x128xi32>
    %xor3A_739 = vector.broadcast %broadcast_in_dim3A_738 : vector<1x128xi32> to vector<256x128xi32>
    %xor3A_740 = arith.xori %slice3A_734, %xor3A_739 : vector<256x128xi32>
    %sub3A_741 = arith.constant -2139062144 : i32
    %sub3A_742 = vector.broadcast %sub3A_741 : i32 to vector<256x128xi32>
    %sub3A_743 = arith.subi %sub3A_742, %xor3A_740 : vector<256x128xi32>
    %and3A_744 = arith.constant -2139062144 : i32
    %and3A_745 = vector.broadcast %and3A_744 : i32 to vector<256x128xi32>
    %and3A_746 = arith.andi %sub3A_743, %and3A_745 : vector<256x128xi32>
    %broadcast_in_dim3A_747 = arith.constant 7 : i32
    %broadcast_in_dim3A_748 = vector.broadcast %broadcast_in_dim3A_747 : i32 to vector<256x128xi32>
    %shift_right_logical3A_749 = arith.shrui %and3A_746, %broadcast_in_dim3A_748 : vector<256x128xi32>
    %add3A_750 = arith.addi %add3A_733, %shift_right_logical3A_749 : vector<256x128xi32>
    %shift_right_arithmetic3A_751 = arith.constant 16 : i32
    %shift_right_arithmetic3A_752 = vector.broadcast %shift_right_arithmetic3A_751 : i32 to vector<256x128xi32>
    %shift_right_arithmetic3A_753 = arith.shrsi %add3A_750, %shift_right_arithmetic3A_752 : vector<256x128xi32>
    %add3A_754 = arith.addi %add3A_750, %shift_right_arithmetic3A_753 : vector<256x128xi32>
    %shift_right_arithmetic3A_755 = arith.constant 8 : i32
    %shift_right_arithmetic3A_756 = vector.broadcast %shift_right_arithmetic3A_755 : i32 to vector<256x128xi32>
    %shift_right_arithmetic3A_757 = arith.shrsi %add3A_754, %shift_right_arithmetic3A_756 : vector<256x128xi32>
    %add3A_758 = arith.addi %add3A_754, %shift_right_arithmetic3A_757 : vector<256x128xi32>
    %and3A_759 = arith.constant 255 : i32
    %and3A_760 = vector.broadcast %and3A_759 : i32 to vector<256x128xi32>
    %and3A_761 = arith.andi %add3A_758, %and3A_760 : vector<256x128xi32>
    %reduce_sum3A_762 = arith.constant dense<0> : vector<256xi32>
    %reduce_sum3A_763 = vector.multi_reduction <add>, %and3A_761, %reduce_sum3A_762 [1] : vector<256x128xi32> to vector<256xi32>
    %add3A_764 = arith.addi %add3A_675, %reduce_sum3A_763 : vector<256xi32>
    %gt3A_765 = arith.constant 1024 : i32
    %gt3A_766 = vector.broadcast %gt3A_765 : i32 to vector<256xi32>
    %gt3A_767 = arith.cmpi sgt, %reduce_sum3A_763, %gt3A_766 : vector<256xi32>
    %convert_element_type3A_768 = arith.extui %gt3A_767 : vector<256xi1> to vector<256xi32>
    %add3A_769 = arith.addi %add3A_680, %convert_element_type3A_768 : vector<256xi32>
    %broadcast_in_dim3A_770 = arith.constant 0 : i32
    %broadcast_in_dim3A_771 = vector.broadcast %broadcast_in_dim3A_770 : i32 to vector<256x128xi32>
    %slice3A_772 = vector.extract_strided_slice %or3A_18 {offsets = [0, 0], sizes = [256, 128], strides = [1, 1]} : vector<256x512xi32> to vector<256x128xi32>
    %slice3A_773 = vector.extract_strided_slice %or3A_63 {offsets = [8, 0], sizes = [1, 512], strides = [1, 1]} : vector<10x512xi32> to vector<1x512xi32>
    %squeeze3A_774 = vector.shape_cast %slice3A_773 : vector<1x512xi32> to vector<512xi32>
    %slice3A_775 = vector.extract_strided_slice %squeeze3A_774 {offsets = [0], sizes = [128], strides = [1]} : vector<512xi32> to vector<128xi32>
    %broadcast_in_dim3A_776 = vector.shape_cast %slice3A_775 : vector<128xi32> to vector<1x128xi32>
    %xor3A_777 = vector.broadcast %broadcast_in_dim3A_776 : vector<1x128xi32> to vector<256x128xi32>
    %xor3A_778 = arith.xori %slice3A_772, %xor3A_777 : vector<256x128xi32>
    %sub3A_779 = arith.constant -2139062144 : i32
    %sub3A_780 = vector.broadcast %sub3A_779 : i32 to vector<256x128xi32>
    %sub3A_781 = arith.subi %sub3A_780, %xor3A_778 : vector<256x128xi32>
    %and3A_782 = arith.constant -2139062144 : i32
    %and3A_783 = vector.broadcast %and3A_782 : i32 to vector<256x128xi32>
    %and3A_784 = arith.andi %sub3A_781, %and3A_783 : vector<256x128xi32>
    %broadcast_in_dim3A_785 = arith.constant 7 : i32
    %broadcast_in_dim3A_786 = vector.broadcast %broadcast_in_dim3A_785 : i32 to vector<256x128xi32>
    %shift_right_logical3A_787 = arith.shrui %and3A_784, %broadcast_in_dim3A_786 : vector<256x128xi32>
    %add3A_788 = arith.addi %broadcast_in_dim3A_771, %shift_right_logical3A_787 : vector<256x128xi32>
    %slice3A_789 = vector.extract_strided_slice %or3A_18 {offsets = [0, 128], sizes = [256, 128], strides = [1, 1]} : vector<256x512xi32> to vector<256x128xi32>
    %slice3A_790 = vector.extract_strided_slice %or3A_63 {offsets = [8, 0], sizes = [1, 512], strides = [1, 1]} : vector<10x512xi32> to vector<1x512xi32>
    %squeeze3A_791 = vector.shape_cast %slice3A_790 : vector<1x512xi32> to vector<512xi32>
    %slice3A_792 = vector.extract_strided_slice %squeeze3A_791 {offsets = [128], sizes = [128], strides = [1]} : vector<512xi32> to vector<128xi32>
    %broadcast_in_dim3A_793 = vector.shape_cast %slice3A_792 : vector<128xi32> to vector<1x128xi32>
    %xor3A_794 = vector.broadcast %broadcast_in_dim3A_793 : vector<1x128xi32> to vector<256x128xi32>
    %xor3A_795 = arith.xori %slice3A_789, %xor3A_794 : vector<256x128xi32>
    %sub3A_796 = arith.constant -2139062144 : i32
    %sub3A_797 = vector.broadcast %sub3A_796 : i32 to vector<256x128xi32>
    %sub3A_798 = arith.subi %sub3A_797, %xor3A_795 : vector<256x128xi32>
    %and3A_799 = arith.constant -2139062144 : i32
    %and3A_800 = vector.broadcast %and3A_799 : i32 to vector<256x128xi32>
    %and3A_801 = arith.andi %sub3A_798, %and3A_800 : vector<256x128xi32>
    %broadcast_in_dim3A_802 = arith.constant 7 : i32
    %broadcast_in_dim3A_803 = vector.broadcast %broadcast_in_dim3A_802 : i32 to vector<256x128xi32>
    %shift_right_logical3A_804 = arith.shrui %and3A_801, %broadcast_in_dim3A_803 : vector<256x128xi32>
    %add3A_805 = arith.addi %add3A_788, %shift_right_logical3A_804 : vector<256x128xi32>
    %slice3A_806 = vector.extract_strided_slice %or3A_18 {offsets = [0, 256], sizes = [256, 128], strides = [1, 1]} : vector<256x512xi32> to vector<256x128xi32>
    %slice3A_807 = vector.extract_strided_slice %or3A_63 {offsets = [8, 0], sizes = [1, 512], strides = [1, 1]} : vector<10x512xi32> to vector<1x512xi32>
    %squeeze3A_808 = vector.shape_cast %slice3A_807 : vector<1x512xi32> to vector<512xi32>
    %slice3A_809 = vector.extract_strided_slice %squeeze3A_808 {offsets = [256], sizes = [128], strides = [1]} : vector<512xi32> to vector<128xi32>
    %broadcast_in_dim3A_810 = vector.shape_cast %slice3A_809 : vector<128xi32> to vector<1x128xi32>
    %xor3A_811 = vector.broadcast %broadcast_in_dim3A_810 : vector<1x128xi32> to vector<256x128xi32>
    %xor3A_812 = arith.xori %slice3A_806, %xor3A_811 : vector<256x128xi32>
    %sub3A_813 = arith.constant -2139062144 : i32
    %sub3A_814 = vector.broadcast %sub3A_813 : i32 to vector<256x128xi32>
    %sub3A_815 = arith.subi %sub3A_814, %xor3A_812 : vector<256x128xi32>
    %and3A_816 = arith.constant -2139062144 : i32
    %and3A_817 = vector.broadcast %and3A_816 : i32 to vector<256x128xi32>
    %and3A_818 = arith.andi %sub3A_815, %and3A_817 : vector<256x128xi32>
    %broadcast_in_dim3A_819 = arith.constant 7 : i32
    %broadcast_in_dim3A_820 = vector.broadcast %broadcast_in_dim3A_819 : i32 to vector<256x128xi32>
    %shift_right_logical3A_821 = arith.shrui %and3A_818, %broadcast_in_dim3A_820 : vector<256x128xi32>
    %add3A_822 = arith.addi %add3A_805, %shift_right_logical3A_821 : vector<256x128xi32>
    %slice3A_823 = vector.extract_strided_slice %or3A_18 {offsets = [0, 384], sizes = [256, 128], strides = [1, 1]} : vector<256x512xi32> to vector<256x128xi32>
    %slice3A_824 = vector.extract_strided_slice %or3A_63 {offsets = [8, 0], sizes = [1, 512], strides = [1, 1]} : vector<10x512xi32> to vector<1x512xi32>
    %squeeze3A_825 = vector.shape_cast %slice3A_824 : vector<1x512xi32> to vector<512xi32>
    %slice3A_826 = vector.extract_strided_slice %squeeze3A_825 {offsets = [384], sizes = [128], strides = [1]} : vector<512xi32> to vector<128xi32>
    %broadcast_in_dim3A_827 = vector.shape_cast %slice3A_826 : vector<128xi32> to vector<1x128xi32>
    %xor3A_828 = vector.broadcast %broadcast_in_dim3A_827 : vector<1x128xi32> to vector<256x128xi32>
    %xor3A_829 = arith.xori %slice3A_823, %xor3A_828 : vector<256x128xi32>
    %sub3A_830 = arith.constant -2139062144 : i32
    %sub3A_831 = vector.broadcast %sub3A_830 : i32 to vector<256x128xi32>
    %sub3A_832 = arith.subi %sub3A_831, %xor3A_829 : vector<256x128xi32>
    %and3A_833 = arith.constant -2139062144 : i32
    %and3A_834 = vector.broadcast %and3A_833 : i32 to vector<256x128xi32>
    %and3A_835 = arith.andi %sub3A_832, %and3A_834 : vector<256x128xi32>
    %broadcast_in_dim3A_836 = arith.constant 7 : i32
    %broadcast_in_dim3A_837 = vector.broadcast %broadcast_in_dim3A_836 : i32 to vector<256x128xi32>
    %shift_right_logical3A_838 = arith.shrui %and3A_835, %broadcast_in_dim3A_837 : vector<256x128xi32>
    %add3A_839 = arith.addi %add3A_822, %shift_right_logical3A_838 : vector<256x128xi32>
    %shift_right_arithmetic3A_840 = arith.constant 16 : i32
    %shift_right_arithmetic3A_841 = vector.broadcast %shift_right_arithmetic3A_840 : i32 to vector<256x128xi32>
    %shift_right_arithmetic3A_842 = arith.shrsi %add3A_839, %shift_right_arithmetic3A_841 : vector<256x128xi32>
    %add3A_843 = arith.addi %add3A_839, %shift_right_arithmetic3A_842 : vector<256x128xi32>
    %shift_right_arithmetic3A_844 = arith.constant 8 : i32
    %shift_right_arithmetic3A_845 = vector.broadcast %shift_right_arithmetic3A_844 : i32 to vector<256x128xi32>
    %shift_right_arithmetic3A_846 = arith.shrsi %add3A_843, %shift_right_arithmetic3A_845 : vector<256x128xi32>
    %add3A_847 = arith.addi %add3A_843, %shift_right_arithmetic3A_846 : vector<256x128xi32>
    %and3A_848 = arith.constant 255 : i32
    %and3A_849 = vector.broadcast %and3A_848 : i32 to vector<256x128xi32>
    %and3A_850 = arith.andi %add3A_847, %and3A_849 : vector<256x128xi32>
    %reduce_sum3A_851 = arith.constant dense<0> : vector<256xi32>
    %reduce_sum3A_852 = vector.multi_reduction <add>, %and3A_850, %reduce_sum3A_851 [1] : vector<256x128xi32> to vector<256xi32>
    %add3A_853 = arith.addi %add3A_764, %reduce_sum3A_852 : vector<256xi32>
    %gt3A_854 = arith.constant 1024 : i32
    %gt3A_855 = vector.broadcast %gt3A_854 : i32 to vector<256xi32>
    %gt3A_856 = arith.cmpi sgt, %reduce_sum3A_852, %gt3A_855 : vector<256xi32>
    %convert_element_type3A_857 = arith.extui %gt3A_856 : vector<256xi1> to vector<256xi32>
    %add3A_858 = arith.addi %add3A_769, %convert_element_type3A_857 : vector<256xi32>
    %broadcast_in_dim3A_859 = arith.constant 0 : i32
    %broadcast_in_dim3A_860 = vector.broadcast %broadcast_in_dim3A_859 : i32 to vector<256x128xi32>
    %slice3A_861 = vector.extract_strided_slice %or3A_18 {offsets = [0, 0], sizes = [256, 128], strides = [1, 1]} : vector<256x512xi32> to vector<256x128xi32>
    %slice3A_862 = vector.extract_strided_slice %or3A_63 {offsets = [9, 0], sizes = [1, 512], strides = [1, 1]} : vector<10x512xi32> to vector<1x512xi32>
    %squeeze3A_863 = vector.shape_cast %slice3A_862 : vector<1x512xi32> to vector<512xi32>
    %slice3A_864 = vector.extract_strided_slice %squeeze3A_863 {offsets = [0], sizes = [128], strides = [1]} : vector<512xi32> to vector<128xi32>
    %broadcast_in_dim3A_865 = vector.shape_cast %slice3A_864 : vector<128xi32> to vector<1x128xi32>
    %xor3A_866 = vector.broadcast %broadcast_in_dim3A_865 : vector<1x128xi32> to vector<256x128xi32>
    %xor3A_867 = arith.xori %slice3A_861, %xor3A_866 : vector<256x128xi32>
    %sub3A_868 = arith.constant -2139062144 : i32
    %sub3A_869 = vector.broadcast %sub3A_868 : i32 to vector<256x128xi32>
    %sub3A_870 = arith.subi %sub3A_869, %xor3A_867 : vector<256x128xi32>
    %and3A_871 = arith.constant -2139062144 : i32
    %and3A_872 = vector.broadcast %and3A_871 : i32 to vector<256x128xi32>
    %and3A_873 = arith.andi %sub3A_870, %and3A_872 : vector<256x128xi32>
    %broadcast_in_dim3A_874 = arith.constant 7 : i32
    %broadcast_in_dim3A_875 = vector.broadcast %broadcast_in_dim3A_874 : i32 to vector<256x128xi32>
    %shift_right_logical3A_876 = arith.shrui %and3A_873, %broadcast_in_dim3A_875 : vector<256x128xi32>
    %add3A_877 = arith.addi %broadcast_in_dim3A_860, %shift_right_logical3A_876 : vector<256x128xi32>
    %slice3A_878 = vector.extract_strided_slice %or3A_18 {offsets = [0, 128], sizes = [256, 128], strides = [1, 1]} : vector<256x512xi32> to vector<256x128xi32>
    %slice3A_879 = vector.extract_strided_slice %or3A_63 {offsets = [9, 0], sizes = [1, 512], strides = [1, 1]} : vector<10x512xi32> to vector<1x512xi32>
    %squeeze3A_880 = vector.shape_cast %slice3A_879 : vector<1x512xi32> to vector<512xi32>
    %slice3A_881 = vector.extract_strided_slice %squeeze3A_880 {offsets = [128], sizes = [128], strides = [1]} : vector<512xi32> to vector<128xi32>
    %broadcast_in_dim3A_882 = vector.shape_cast %slice3A_881 : vector<128xi32> to vector<1x128xi32>
    %xor3A_883 = vector.broadcast %broadcast_in_dim3A_882 : vector<1x128xi32> to vector<256x128xi32>
    %xor3A_884 = arith.xori %slice3A_878, %xor3A_883 : vector<256x128xi32>
    %sub3A_885 = arith.constant -2139062144 : i32
    %sub3A_886 = vector.broadcast %sub3A_885 : i32 to vector<256x128xi32>
    %sub3A_887 = arith.subi %sub3A_886, %xor3A_884 : vector<256x128xi32>
    %and3A_888 = arith.constant -2139062144 : i32
    %and3A_889 = vector.broadcast %and3A_888 : i32 to vector<256x128xi32>
    %and3A_890 = arith.andi %sub3A_887, %and3A_889 : vector<256x128xi32>
    %broadcast_in_dim3A_891 = arith.constant 7 : i32
    %broadcast_in_dim3A_892 = vector.broadcast %broadcast_in_dim3A_891 : i32 to vector<256x128xi32>
    %shift_right_logical3A_893 = arith.shrui %and3A_890, %broadcast_in_dim3A_892 : vector<256x128xi32>
    %add3A_894 = arith.addi %add3A_877, %shift_right_logical3A_893 : vector<256x128xi32>
    %slice3A_895 = vector.extract_strided_slice %or3A_18 {offsets = [0, 256], sizes = [256, 128], strides = [1, 1]} : vector<256x512xi32> to vector<256x128xi32>
    %slice3A_896 = vector.extract_strided_slice %or3A_63 {offsets = [9, 0], sizes = [1, 512], strides = [1, 1]} : vector<10x512xi32> to vector<1x512xi32>
    %squeeze3A_897 = vector.shape_cast %slice3A_896 : vector<1x512xi32> to vector<512xi32>
    %slice3A_898 = vector.extract_strided_slice %squeeze3A_897 {offsets = [256], sizes = [128], strides = [1]} : vector<512xi32> to vector<128xi32>
    %broadcast_in_dim3A_899 = vector.shape_cast %slice3A_898 : vector<128xi32> to vector<1x128xi32>
    %xor3A_900 = vector.broadcast %broadcast_in_dim3A_899 : vector<1x128xi32> to vector<256x128xi32>
    %xor3A_901 = arith.xori %slice3A_895, %xor3A_900 : vector<256x128xi32>
    %sub3A_902 = arith.constant -2139062144 : i32
    %sub3A_903 = vector.broadcast %sub3A_902 : i32 to vector<256x128xi32>
    %sub3A_904 = arith.subi %sub3A_903, %xor3A_901 : vector<256x128xi32>
    %and3A_905 = arith.constant -2139062144 : i32
    %and3A_906 = vector.broadcast %and3A_905 : i32 to vector<256x128xi32>
    %and3A_907 = arith.andi %sub3A_904, %and3A_906 : vector<256x128xi32>
    %broadcast_in_dim3A_908 = arith.constant 7 : i32
    %broadcast_in_dim3A_909 = vector.broadcast %broadcast_in_dim3A_908 : i32 to vector<256x128xi32>
    %shift_right_logical3A_910 = arith.shrui %and3A_907, %broadcast_in_dim3A_909 : vector<256x128xi32>
    %add3A_911 = arith.addi %add3A_894, %shift_right_logical3A_910 : vector<256x128xi32>
    %slice3A_912 = vector.extract_strided_slice %or3A_18 {offsets = [0, 384], sizes = [256, 128], strides = [1, 1]} : vector<256x512xi32> to vector<256x128xi32>
    %slice3A_913 = vector.extract_strided_slice %or3A_63 {offsets = [9, 0], sizes = [1, 512], strides = [1, 1]} : vector<10x512xi32> to vector<1x512xi32>
    %squeeze3A_914 = vector.shape_cast %slice3A_913 : vector<1x512xi32> to vector<512xi32>
    %slice3A_915 = vector.extract_strided_slice %squeeze3A_914 {offsets = [384], sizes = [128], strides = [1]} : vector<512xi32> to vector<128xi32>
    %broadcast_in_dim3A_916 = vector.shape_cast %slice3A_915 : vector<128xi32> to vector<1x128xi32>
    %xor3A_917 = vector.broadcast %broadcast_in_dim3A_916 : vector<1x128xi32> to vector<256x128xi32>
    %xor3A_918 = arith.xori %slice3A_912, %xor3A_917 : vector<256x128xi32>
    %sub3A_919 = arith.constant -2139062144 : i32
    %sub3A_920 = vector.broadcast %sub3A_919 : i32 to vector<256x128xi32>
    %sub3A_921 = arith.subi %sub3A_920, %xor3A_918 : vector<256x128xi32>
    %and3A_922 = arith.constant -2139062144 : i32
    %and3A_923 = vector.broadcast %and3A_922 : i32 to vector<256x128xi32>
    %and3A_924 = arith.andi %sub3A_921, %and3A_923 : vector<256x128xi32>
    %broadcast_in_dim3A_925 = arith.constant 7 : i32
    %broadcast_in_dim3A_926 = vector.broadcast %broadcast_in_dim3A_925 : i32 to vector<256x128xi32>
    %shift_right_logical3A_927 = arith.shrui %and3A_924, %broadcast_in_dim3A_926 : vector<256x128xi32>
    %add3A_928 = arith.addi %add3A_911, %shift_right_logical3A_927 : vector<256x128xi32>
    %shift_right_arithmetic3A_929 = arith.constant 16 : i32
    %shift_right_arithmetic3A_930 = vector.broadcast %shift_right_arithmetic3A_929 : i32 to vector<256x128xi32>
    %shift_right_arithmetic3A_931 = arith.shrsi %add3A_928, %shift_right_arithmetic3A_930 : vector<256x128xi32>
    %add3A_932 = arith.addi %add3A_928, %shift_right_arithmetic3A_931 : vector<256x128xi32>
    %shift_right_arithmetic3A_933 = arith.constant 8 : i32
    %shift_right_arithmetic3A_934 = vector.broadcast %shift_right_arithmetic3A_933 : i32 to vector<256x128xi32>
    %shift_right_arithmetic3A_935 = arith.shrsi %add3A_932, %shift_right_arithmetic3A_934 : vector<256x128xi32>
    %add3A_936 = arith.addi %add3A_932, %shift_right_arithmetic3A_935 : vector<256x128xi32>
    %and3A_937 = arith.constant 255 : i32
    %and3A_938 = vector.broadcast %and3A_937 : i32 to vector<256x128xi32>
    %and3A_939 = arith.andi %add3A_936, %and3A_938 : vector<256x128xi32>
    %reduce_sum3A_940 = arith.constant dense<0> : vector<256xi32>
    %reduce_sum3A_941 = vector.multi_reduction <add>, %and3A_939, %reduce_sum3A_940 [1] : vector<256x128xi32> to vector<256xi32>
    %add3A_942 = arith.addi %add3A_853, %reduce_sum3A_941 : vector<256xi32>
    %gt3A_943 = arith.constant 1024 : i32
    %gt3A_944 = vector.broadcast %gt3A_943 : i32 to vector<256xi32>
    %gt3A_945 = arith.cmpi sgt, %reduce_sum3A_941, %gt3A_944 : vector<256xi32>
    %convert_element_type3A_946 = arith.extui %gt3A_945 : vector<256xi1> to vector<256xi32>
    %add3A_947 = arith.addi %add3A_858, %convert_element_type3A_946 : vector<256xi32>
    %convert_element_type3A_948 = arith.sitofp %add3A_942 : vector<256xi32> to vector<256xf32>
    %mul3A = arith.constant 4.88281257E-5 : f32
    %mul3A_949 = vector.broadcast %mul3A : f32 to vector<256xf32>
    %mul3A_950 = arith.mulf %convert_element_type3A_948, %mul3A_949 : vector<256xf32>
    %sub3A_951 = arith.constant 1.000000e+00 : f32
    %sub3A_952 = vector.broadcast %sub3A_951 : f32 to vector<256xf32>
    %sub3A_953 = arith.subf %sub3A_952, %mul3A_950 : vector<256xf32>
    %convert_element_type3A_954 = arith.sitofp %add3A_947 : vector<256xi32> to vector<256xf32>
    %mul3A_955 = arith.constant 1.000000e-01 : f32
    %mul3A_956 = vector.broadcast %mul3A_955 : f32 to vector<256xf32>
    %mul3A_957 = arith.mulf %convert_element_type3A_954, %mul3A_956 : vector<256xf32>
    %sub3A_958 = arith.constant 1.000000e+00 : f32
    %sub3A_959 = vector.broadcast %sub3A_958 : f32 to vector<256xf32>
    %sub3A_960 = arith.subf %sub3A_959, %mul3A_957 : vector<256xf32>
    %get3A_961 = arith.constant 0 : index
    %get3A_962 = vector.load %arg3[%get3A_961] : memref<2048xf32, #tpu.memory_space<vmem>>, vector<2048xf32>
    %reduce_sum3A_963 = vector.shape_cast %get3A_962 : vector<2048xf32> to vector<1x2048xf32>
    %reduce_sum3A_964 = arith.constant dense<0.000000e+00> : vector<1xf32>
    %reduce_sum3A_965 = vector.multi_reduction <add>, %reduce_sum3A_963, %reduce_sum3A_964 [1] : vector<1x2048xf32> to vector<1xf32>
    %reduce_sum3A_966 = vector.shape_cast %reduce_sum3A_965 : vector<1xf32> to vector<1x1xf32>
    %reduce_sum3A_967 = vector.extract %reduce_sum3A_966[0, 0] : f32 from vector<1x1xf32>
    %mul3A_968 = arith.constant 4.8828125E-4 : f32
    %mul3A_969 = arith.mulf %reduce_sum3A_967, %mul3A_968 : f32
    %mul3A_970 = arith.constant 0.0476190485 : f32
    %mul3A_971 = arith.mulf %mul3A_969, %mul3A_970 : f32
    %sub3A_972 = arith.constant 5.000000e-01 : f32
    %sub3A_973 = arith.subf %mul3A_971, %sub3A_972 : f32
    %mul3A_974 = arith.constant 6.66666651 : f32
    %mul3A_975 = arith.mulf %sub3A_973, %mul3A_974 : f32
    %mul3A_976 = arith.constant -5.000000e-01 : f32
    %mul3A_977 = arith.mulf %mul3A_976, %mul3A_975 : f32
    %mul3A_978 = arith.mulf %mul3A_977, %mul3A_975 : f32
    %exp3A = math.exp %mul3A_978 : f32
    %sub3A_979 = arith.constant 1.000000e+00 : f32
    %sub3A_980 = arith.subf %sub3A_979, %exp3A : f32
    %mul3A_981 = arith.constant 1.000000e+00 : f32
    %mul3A_982 = vector.broadcast %mul3A_981 : f32 to vector<256xf32>
    %mul3A_983 = arith.mulf %mul3A_982, %sub3A_953 : vector<256xf32>
    %mul3A_984 = arith.constant 4.000000e-01 : f32
    %mul3A_985 = vector.broadcast %mul3A_984 : f32 to vector<256xf32>
    %mul3A_986 = arith.mulf %mul3A_985, %sub3A_960 : vector<256xf32>
    %add3A_987 = arith.addf %mul3A_983, %mul3A_986 : vector<256xf32>
    %mul3A_988 = arith.constant 5.000000e-01 : f32
    %mul3A_989 = arith.mulf %mul3A_988, %sub3A_980 : f32
    %add3A_990 = vector.broadcast %mul3A_989 : f32 to vector<256xf32>
    %add3A_991 = arith.addf %add3A_987, %add3A_990 : vector<256xf32>
    %swap3A_992 = arith.constant 0 : index
    %swap3A_993 = vector.load %arg5[%swap3A_992] : memref<256xf32, #tpu.memory_space<vmem>>, vector<256xf32>
    tpu.vector_store %arg5[%swap3A_992], %add3A_991 {strides = array<i32>} : memref<256xf32, #tpu.memory_space<vmem>>, vector<256xf32>,
    return
  }
  func.func @transform_0(%arg0: i32) -> (i32, i32) {
    %c0_i32 = arith.constant 0 : i32
    %c0_i32_0 = arith.constant 0 : i32
    return %arg0, %c0_i32 : i32, i32
  }
  func.func @transform_1(%arg0: i32) -> (i32, i32) {
    %c0_i32 = arith.constant 0 : i32
    %c0_i32_0 = arith.constant 0 : i32
    %c0_i32_1 = arith.constant 0 : i32
    return %c0_i32, %c0_i32_0 : i32, i32
  }
  func.func @transform_2(%arg0: i32) -> i32 {
    %c0_i32 = arith.constant 0 : i32
    %c0_i32_0 = arith.constant 0 : i32
    return %c0_i32 : i32
  }
  func.func @transform_3(%arg0: i32) -> i32 {
    %c0_i32 = arith.constant 0 : i32
    %c0_i32_0 = arith.constant 0 : i32
    return %c0_i32 : i32
  }
  func.func @transform_4(%arg0: i32) -> i32 {
    %c0_i32 = arith.constant 0 : i32
    return %arg0 : i32
  }
  func.func @transform_5(%arg0: i32) -> (i32, i32) {
    %c0_i32 = arith.constant 0 : i32
    %c0_i32_0 = arith.constant 0 : i32
    return %arg0, %c0_i32 : i32, i32
  }
  func.func @transform_6(%arg0: i32) -> i32 {
    %c0_i32 = arith.constant 0 : i32
    %c0_i32_0 = arith.constant 0 : i32
    return %c0_i32 : i32
  }
}

</mosaic_0001>

<sc_bundles>
// kernel: kernel.4.cloned.1.call-start
scs
__scs_entry_jumppad:
0x0: {  	(pc) =	sbr.rel $0x88, $3  }
0x1: {  	(tag) =	ssettag $0x0;
	lr =	simm.s32 $0x1  }
0x2: {  	[smem:$0x3F9D] =	sst lr;
	_ =	strace $0xD0000000  }
0x3: {  	_ = 	snop  }
0x4: {  	_ = 	snop  }
0x5: {  	_ = 	snop  }
0x6: {  	_ = 	snop  }
0x7: {  	_ = 	snop  }
__scs_overlays_trampoline_lowered:
0x8: {  	[smem:$0x3FAC] =	sst s0  }
0x9: {  	[smem:$0x3FAD] =	sst s1  }
0xa: {  	[smem:$0x3FAE] =	sst s2  }
0xb: {  	[smem:$0x3FAF] =	sst s3  }
0xc: {  	[smem:$0x3FB0] =	sst s4  }
0xd: {  	[smem:$0x3FB1] =	sst s5  }
0xe: {  	[smem:$0x3FB2] =	sst s6  }
0xf: {  	[smem:$0x3FB3] =	sst s7  }
0x10: {  	[smem:$0x3FB4] =	sst s8  }
0x11: {  	[smem:$0x3FB5] =	sst s9;
	s0 =	simm.s32 @!p0 $0x0  }
0x12: {  	s1 =	sld [smem:$0x3F9B];
	s0 =	simm.s32 @p0 $0x1  }
0x13: {  	[smem:$0x3FB6] =	sst s0;
	s0 =	simm.s32 @!p1 $0x0  }
0x14: {  	s2 =	sld [smem:$0x3F9A];
	s0 =	simm.s32 @p1 $0x1  }
0x15: {  	[smem:$0x3FB7] =	sst s0;
	s0 =	simm.s32 @!p2 $0x0  }
0x16: {  	s3 =	sld [smem:$0x3FDB];
	s0 =	simm.s32 @p2 $0x1  }
0x17: {  	s4 =	simm.s32 $0x1BF5;
	[smem:$0x3FB9] =	sst s0  }
0x18: {  	s0 =	sld [smem:$0x3F9C];
	_ =	swait.ge [sflag:s4], $0x0  }
0x19: {  	s7 =	sld [smem:$0x3F9D]  }
0x1a: {  	s8 =	sadd.s32 $0xFFFFE003, lr  }
0x1b: {  	s9 =	sadd.s32 $0xFFFFFEF7, lr;
	s5 =	simm.s32 $0xFFFFFFFF;
	p2 =	slt.u32 s8, $0xFFFFF086  }
0x1c: {  	p1 =	slt.u32 s9, $0xF7A;
	s5 =	simm.s32 @!p2 $0x0  }
0x1d: {  	s5 =	simm.s32 @p1 $0x1;
	p0 =	seq.s32 s7, s2  }
0x1e: {  	s7 =	smul.u32 @!p0 $0xF7A, s2;
	p2 =	seq.s32 @!p0 s5, $0x0  }
0x1f: {  	s9 =	smul.u32 $0xF7A, s1;
	s8 =	simm.s32 @!p0 $0x1BF5;
	p2 =	por !p2, p0  }
0x20: {  	[sflag:s8] =	ssyncset.s32 @!p0 $0xFFFFF086;
	s6 =	sadd.s32 @!p0 s3, s7;
	s7 =	simm.s32 @!p0 $0x108  }
0x21: {  	s3 =	sadd.s32 s3, s9;
	s6 =	sadd.s32 @!p0 $0x88, s6;
	s7 =	simm.s32 @p2 $0x1082  }
0x22: {  	[simem:s7], [sflag:s8] =	dma.local @!p0 [hbm:s6], $0xF7A  }
0x23: {  	s9 =	sor.u32 $0xD0000000, s2;
	s6 =	simm.s32 $0x108;
	_ =	swait.ge @!p0 [sflag:s8], $0x0  }
0x24: {  	s3 =	sadd.s32 $0x88, s3;
	s6 =	simm.s32 @!p1 $0x1082;
	[sflag:s4] =	ssyncset.s32 $0xFFFFF086  }
0x25: {  	[simem:s6], [sflag:s4] =	dma.local [hbm:s3], $0xF7A  }
0x26: {  	[smem:$0x3F9D] =	sst s1;
	(tag) =	ssettag s2;
	_ =	strace s9  }
0x27: {  	s1 =	sld [smem:$0x3FAD]  }
0x28: {  	s2 =	sld [smem:$0x3FAE]  }
0x29: {  	s4 =	sld [smem:$0x3FB0]  }
0x2a: {  	p0 =	seq.s32 s5, $0x0;
	s5 =	sld [smem:$0x3FB1]  }
0x2b: {  	s6 =	sld [smem:$0x3FB2]  }
0x2c: {  	s7 =	sld [smem:$0x3FB3]  }
0x2d: {  	s3 =	simm.s32 $0x108;
	s8 =	sld [smem:$0x3FB4]  }
0x2e: {  	s3 =	simm.s32 @!p0 $0x1082;
	s9 =	sld [smem:$0x3FB5]  }
0x2f: {  	lr =	sadd.s32 s0, s3;
	s0 =	sld [smem:$0x3FAC]  }
0x30: {  	s3 =	sld [smem:$0x3FAF]  }
0x31: {  	[smem:$0x3FB8] =	sst s10  }
0x32: {  	s10 =	sld [smem:$0x3FB6];
	_ =	sdelay $0x3  }
0x33: {  	p0 =	seq.s32 s10, $0x1;
	s10 =	sld [smem:$0x3FB8];
	_ =	sdelay $0x3  }
0x34: {  	[smem:$0x3FB8] =	sst s10  }
0x35: {  	s10 =	sld [smem:$0x3FB7];
	_ =	sdelay $0x3  }
0x36: {  	p1 =	seq.s32 s10, $0x1;
	s10 =	sld [smem:$0x3FB8];
	_ =	sdelay $0x3  }
0x37: {  	[smem:$0x3FB8] =	sst s10  }
0x38: {  	s10 =	sld [smem:$0x3FB9]  }
0x39: {  	_ = 	snop;
	(pc) =	sbr.ind lr, $3  }
0x3a: {  	_ = 	snop  }
0x3b: {  	_ = 	snop  }
0x3c: {  	p2 =	seq.s32 s10, $0x1;
	s10 =	sld [smem:$0x3FB8]  }
0x3d: {  	_ =	shalt  }
0x3e: {  	_ =	shalt  }
0x3f: {  	_ =	shalt  }
0x40: {  	_ =	shalt  }
0x41: {  	_ =	shalt  }
0x42: {  	_ =	shalt  }
0x43: {  	_ =	shalt  }
0x44: {  	_ =	shalt  }
0x45: {  	_ =	shalt  }
0x46: {  	_ =	shalt  }
0x47: {  	_ =	shalt  }
0x48: {  	_ =	shalt  }
0x49: {  	_ =	shalt  }
0x4a: {  	_ =	shalt  }
0x4b: {  	_ =	shalt  }
0x4c: {  	_ =	shalt  }
0x4d: {  	_ =	shalt  }
0x4e: {  	_ =	shalt  }
0x4f: {  	_ =	shalt  }
0x50: {  	_ =	shalt  }
0x51: {  	_ =	shalt  }
0x52: {  	_ =	shalt  }
0x53: {  	_ =	shalt  }
0x54: {  	_ =	shalt  }
0x55: {  	_ =	shalt  }
0x56: {  	_ =	shalt  }
0x57: {  	_ =	shalt  }
0x58: {  	_ =	shalt  }
0x59: {  	_ =	shalt  }
0x5a: {  	_ =	shalt  }
0x5b: {  	_ =	shalt  }
0x5c: {  	_ =	shalt  }
0x5d: {  	_ =	shalt  }
0x5e: {  	_ =	shalt  }
0x5f: {  	_ =	shalt  }
0x60: {  	_ =	shalt  }
0x61: {  	_ =	shalt  }
0x62: {  	_ =	shalt  }
0x63: {  	_ =	shalt  }
0x64: {  	_ =	shalt  }
0x65: {  	_ =	shalt  }
0x66: {  	_ =	shalt  }
0x67: {  	_ =	shalt  }
0x68: {  	_ =	shalt  }
0x69: {  	_ =	shalt  }
0x6a: {  	_ =	shalt  }
0x6b: {  	_ =	shalt  }
0x6c: {  	_ =	shalt  }
0x6d: {  	_ =	shalt  }
0x6e: {  	_ =	shalt  }
0x6f: {  	_ =	shalt  }
0x70: {  	_ =	shalt  }
0x71: {  	_ =	shalt  }
0x72: {  	_ =	shalt  }
0x73: {  	_ =	shalt  }
0x74: {  	_ =	shalt  }
0x75: {  	_ =	shalt  }
0x76: {  	_ =	shalt  }
0x77: {  	_ =	shalt  }
0x78: {  	_ =	shalt  }
0x79: {  	_ =	shalt  }
0x7a: {  	_ =	shalt  }
0x7b: {  	_ =	shalt  }
0x7c: {  	_ =	shalt  }
0x7d: {  	_ =	shalt  }
0x7e: {  	_ =	shalt  }
0x7f: {  	_ =	shalt  }
0x80: {  	_ =	shalt  }
0x81: {  	_ =	shalt  }
0x82: {  	_ =	shalt  }
0x83: {  	_ =	shalt  }
0x84: {  	_ =	shalt  }
0x85: {  	_ =	shalt  }
0x86: {  	_ =	shalt  }
0x87: {  	_ =	shalt  }
.Lfunc_end0:
.L_simem_size_0:
called_computation_lowered:
.L_overlay_start_0:
0x88: {  	s2 =	sld [smem:$0x3FD9]  }
0x89: {  	s3 =	sld [smem:$0x3FFE];
	_ =	sdelay $0x1  }
0x8a: {  	s1 =	srdreg.scid  }
0x8b: {  	s0 =	sand.u32 $0x1, s1  }
0x8c: {  	s17 =	sshll.u32 s0, $0xA;
	s2 =	sadd.s32 s3, s2  }
0x8d: {  	s2 =	sadd.s32 s2, s17  }
0x8e: {  	[smem:$0x3FC4] =	sst s2  }
0x8f: {  	_ = 	snop  }
0x90: {  	s2 =	sld [smem:$0x3FD0];
	(tm) =	ssettm $0x1  }
0x91: {  	s18 =	sld [smem:$0x3FFB];
	_ =	sdelay $0x3  }
0x92: {  	_ =	strace s18  }
0x93: {  	s3 =	sld [smem:$0x3FFC];
	_ =	sdelay $0x3  }
0x94: {  	_ =	strace s3  }
0x95: {  	s3 =	sld [smem:$0x3FFD];
	_ =	sdelay $0x3  }
0x96: {  	_ =	strace s3  }
0x97: {  	_ =	strace $0x8FFFFFFF  }
0x98: {  	s19 =	sld [smem:$0x3FDB];
	_ =	sdelay $0x1  }
0x99: {  	s4 =	simm.s32 $_scs_section_size  }
0x9a: {  	s5 =	simm.s32 $_size__tile_overlayer_lowered;
	s6 =	simm.s32 $_tile_overlayer_lowered  }
0x9b: {  	s22 =	simm.s32 $0x1BFF;
	s21 =	sshll.u32 s6, $0x1;
	s3 =	sadd.s32 s4, s19  }
0x9c: {  	s7 =	simm.s32 $0x0;
	s20 =	sshll.u32 s5, $0x1;
	s5 =	sadd.s32 s21, s3  }
0x9d: {  	[timem:s7], [sflag:s22] =	dma.local [hbm:s5], s20  }
0x9e: {  	_ =	swait.ge [sflag:s22], s20  }
0x9f: {  	s4 =	ssub.s32 $0x0, s20;
	[sflag:s22] =	ssyncset.done $0x0  }
0xa0: {  	[sflag:s22] =	ssyncadd.s32 s4;
	_ =	sdelay $0x1  }
0xa1: {  	s23 =	simm.s32 $0x1B8B  }
0xa2: {  	_ =	swait.ge [sflag:s23], $0x1  }
0xa3: {  	[sflag:s23] =	ssyncset.done $0x0  }
0xa4: {  	s25 =	simm.s32 $0x1B8E;
	s24 =	sld [smem:$0x3FFE];
	[sflag:s23] =	ssyncadd.s32 $0xFFFFFFFF  }
0xa5: {  	s26 =	simm.s32 $execute0_lowered;
	[smem:$0x3FD2] =	sst s25  }
0xa6: {  	s5 =	sshll.u32 s26, $0x1;
	_ =	strace $0x80000046;
	[dreg:$0x1] =	wrdreg $0xFFFFFFFF  }
0xa7: {  	s28 =	simm.s32 $_size_execute0_lowered;
	s3 =	sadd.s32 s3, s5;
	[dreg:$0x0] =	wrdreg $0x0  }
0xa8: {  	s5 =	sshll.u32 s28, $0x1;
	[dreg:$0x2] =	wrdreg s3  }
0xa9: {  	[dreg:$0x3] =	wrdreg s5  }
0xaa: {  	[dreg:$0x4] =	wrdreg $0xC0  }
0xab: {  	_ =	task [dreg:s7], $0x5FFFF  }
0xac: {  	[dreg:$0x1] =	wrdreg $0xFFFFFFFF  }
0xad: {  	[dreg:$0x0] =	wrdreg $0x60  }
0xae: {  	[dreg:$0x2] =	wrdreg s24  }
0xaf: {  	[dreg:$0x3] =	wrdreg s2  }
0xb0: {  	[dreg:$0x4] =	wrdreg $0x9  }
0xb1: {  	_ =	task.clear_ibuf [dreg:s7], $0x5FFFF;
	_ =	strace $0x90000046  }
0xb2: {  	s29 =	simm.s32 $0x9;
	_ =	strace $0x80000048  }
0xb3: {  	_ =	swait.ge [sflag:s29], $0x1  }
0xb4: {  	[sflag:s29] =	ssyncadd.s32 $0xFFFFFFFF  }
0xb5: {  	_ =	strace $0x90000048  }
0xb6: {  	_ =	sfence  }
0xb7: {  	s30 =	sld [smem:$0x0];
	_ =	sdelay $0x2  }
0xb8: {  	s31 =	sshll.u32 s1, $0xD;
	s1 =	sshrl.u32 s1, $0x2  }
0xb9: {  	s3 =	sand.u32 $0x4000, s31;
	s1 =	sadd.s32 s1, s30  }
0xba: {  	s0 =	sor.u32 s3, s0;
	s1 =	sshll.u32 s1, $0x11  }
0xbb: {  	s0 =	sor.u32 s1, s0  }
0xbc: {  	s0 =	sadd.s32 $0x8F2B, s0  }
0xbd: {  	[sflag:s0] =	ssyncadd.remote.s32 $0x1  }
0xbe: {  	_ =	sfence.sel $0xFFFF  }
0xbf: {  	[dreg:$0x0] =	wrdreg $0xFFFFFFFF;
	(pc) =	sbr.abs _section_cstart, $3  }
0xc0: {  	[dreg:$0x1] =	wrdreg $0xFFFFFFFF  }
0xc1: {  	_ =	task.clear_ibuf [dreg:s7], $0x2FFFF;
	_ =	strace $0x9FFFFFFF  }
0xc2: {  	(tm) =	ssettm $0x7FFFFFFF  }
0xc3: {  	_ =	shalt  }
tec
execute0_lowered:
.L_overlay_start_1:
0x0: {  	(tag) =	ssettag $0x1  }
0x1: {  	s4 =	rddreg [dreg:$0x0]  }
0x2: {  	s9 =	rddreg [dreg:$0x1]  }
0x3: {  	s2 =	srdreg.scid;
	s0 =	rddreg [dreg:$0x2]  }
0x4: {  	s1 =	stileid.u32;
	s13 =	simm.s32 $0x480;
	s14 =	simm.s32 $0x1080  }
0x5: {  	s15 =	simm.s32 $0x1C80;
	s16 =	simm.s32 $0x2880;
	s17 =	simm.s32 $0x5  }
0x6: {  	s18 =	simm.s32 $0x1;
	s19 =	simm.s32 $0x80;
	s20 =	simm.s32 $0x2  }
0x7: {  	s21 =	simm.s32 $0x3;
	s22 =	simm.s32 $0x4;
	s23 =	simm.s32 $0x3500  }
0x8: {  	s24 =	simm.s32 $0x0;
	s5 =	sand.u32 $0x1, s2;
	s2 =	simm.s32 $0x0  }
0x9: {  	s3 =	sshll.u32 s1, $0x3;
	s8 =	sadd.s32 $0x1400, s4;
	s6 =	sshll.u32 s5, $0x2  }
0xa: {  	[smem:$0x7FF] =	sst s2;
	s5 =	ssub.s32 $0x2, s5;
	s10 =	sor.u32 s6, s3  }
0xb: {  	_ =	strace $0x80000047;
	s3 =	sadd.s32 $0xD600, s4;
	s6 =	smul.u32 $0x180, s10  }
0xc: {  	s31 =	sshrl.u32 s5, $0x1;
	s7 =	smul.u32 $0xC00, s10;
	s11 =	sadd.s32 s10, s4  }
0xd: {  	s12 =	ssub.s32 s5, s31;
	s9 =	sadd.s32 s9, s10;
	s5 =	sadd.s32 $0xD400, s11  }
0xe: {  	s10 =	smax.u32 s12, $0x1;
	s11 =	simm.s32 $0x6;
	s7 =	sshrl.u32 s7, $0x3  }
0xf: {  	v0 =	vlaneseq.u32;
	s12 =	simm.s32 $0x3480;
	s4 =	sadd.s32 s8, s6;
	s8 =	sadd.s32 s8, s7  }
0x10: {  	v1 =	vor.u32 $0x10, v0;
	s6 =	sadd.s32 $0x180, s4;
	s7 =	sadd.s32 $0x300, s8;
	s8 =	sadd.s32 $0x480, s8  }
.LBB2_1:
0x11: {  	[tilespmem:s2], [sflag:$0x6] =	stream.linear.gather [hbm4b:s3+s2], $0x80, $0x38;
	[tilespmem:$0x3580] =	vst v63  }
0x12: {  	_ =	swait.ge [sflag:s11], $0x80  }
0x13: {  	[sflag:s11] =	ssyncset.done $0x0  }
0x14: {  	[sflag:s11] =	ssyncadd.s32 $0xFFFFFF80  }
0x15: {  	[tilespmem:s12], [sflag:$0x5] =	stream.linear.gather [hbm4b:s5+s2], $0x20, $0x38;
	[tilespmem:$0x3580] =	vst v63  }
0x16: {  	v2 =	vmov s2  }
0x17: {  	v2 =	vshra.s32 v2, $0x5;
	[tilespmem:s13], [sflag:$0x1] =	stream.linear.gather [hbm4b:s4+s2], $0xC00, $0x38;
	[tilespmem:$0x3580] =	vst v63  }
0x18: {  	v2 =	vand.u32 $0xFFFFFFFE, v2  }
0x19: {  	v2 =	vbroadcast v2, $0x0;
	[tilespmem:s14], [sflag:$0x2] =	stream.linear.gather [hbm4b:s6+s2], $0xC00, $0x38;
	[tilespmem:$0x3580] =	vst v63  }
0x1a: {  	_ = 	snop  }
0x1b: {  	[tilespmem:s15], [sflag:$0x3] =	stream.linear.gather [hbm4b:s7+s2], $0xC00, $0x38;
	[tilespmem:$0x3580] =	vst v63  }
0x1c: {  	_ = 	snop  }
0x1d: {  	[tilespmem:s16], [sflag:$0x4] =	stream.linear.gather [hbm4b:s8+s2], $0xC00, $0x38;
	[tilespmem:$0x3580] =	vst v63  }
0x1e: {  	v3 =	vld.idx.msk [tilespmem:v0+s2+$0x0], $0xffff  }
0x1f: {  	s25 =	simm.s32 $0x10;
	v2 =	vld.idx.msk [tilespmem:v2+s2+$0x0], $0xffff  }
0x20: {  	v4 =	vmov s25  }
0x21: {  	v4 =	vshra.s32 v4, $0x5  }
0x22: {  	v4 =	vbroadcast v4, $0x0;
	_ =	sdelay $0x1  }
0x23: {  	v2 =	vadd.f32 v2, v3  }
0x24: {  	s25 =	simm.s32 $0xA0  }
0x25: {  	[tilespmem:s25+$0xFFFFFFE0] =	vst v2  }
0x26: {  	v2 =	vld.idx.msk [tilespmem:v1+s2+$0x0], $0xffff  }
0x27: {  	s26 =	simm.s32 $0x20;
	v3 =	vld.idx.msk [tilespmem:v4+s2+$0x0], $0xffff  }
0x28: {  	v4 =	vmov s26  }
0x29: {  	v4 =	vshra.s32 v4, $0x5  }
0x2a: {  	v4 =	vbroadcast v4, $0x0;
	_ =	sdelay $0x1  }
0x2b: {  	v2 =	vadd.f32 v3, v2;
	_ =	sdelay $0x1  }
0x2c: {  	[tilespmem:s25+$0xFFFFFFF0] =	vst v2  }
0x2d: {  	v2 =	vld.idx.msk [tilespmem:v0+s2+$0x0], $0xffff  }
0x2e: {  	s31 =	simm.s32 $0x30;
	v3 =	vld.idx.msk [tilespmem:v4+s2+$0x0], $0xffff  }
0x2f: {  	v4 =	vmov s31  }
0x30: {  	v4 =	vshra.s32 v4, $0x5  }
0x31: {  	v4 =	vbroadcast v4, $0x0;
	_ =	sdelay $0x1  }
0x32: {  	v2 =	vadd.f32 v3, v2;
	_ =	sdelay $0x1  }
0x33: {  	[tilespmem:s25+$0x0] =	vst v2  }
0x34: {  	s26 =	simm.s32 $0x40;
	v2 =	vld.idx.msk [tilespmem:v1+s2+$0x0], $0xffff  }
0x35: {  	v3 =	vmov s26;
	v4 =	vld.idx.msk [tilespmem:v4+s2+$0x0], $0xffff  }
0x36: {  	v3 =	vshra.s32 v3, $0x5  }
0x37: {  	v3 =	vand.u32 $0xFFFFFFFE, v3  }
0x38: {  	s28 =	simm.s32 $0x4;
	s29 =	simm.s32 $0xA0;
	v3 =	vbroadcast v3, $0x0  }
.LBB2_2:
0x39: {  	s28 =	sadd.s32 $0x4, s28;
	s25 =	sadd.s32 $0x40, s25  }
0x3a: {  	v2 =	vadd.f32 v4, v2;
	p0 =	slt.u32 s28, $0x3C;
	_ =	sdelay $0x1  }
0x3b: {  	[tilespmem:s29+$0x10] =	vst v2;
	s29 =	smov.u32 s25  }
0x3c: {  	v2 =	vld.idx.msk [tilespmem:v0+s2+$0x0], $0xffff  }
0x3d: {  	s30 =	sadd.s32 $0x10, s26;
	v3 =	vld.idx.msk [tilespmem:v3+s2+$0x0], $0xffff  }
0x3e: {  	v4 =	vmov s30  }
0x3f: {  	v4 =	vshra.s32 v4, $0x5  }
0x40: {  	v4 =	vbroadcast v4, $0x0;
	_ =	sdelay $0x2  }
0x41: {  	v2 =	vadd.f32 v3, v2;
	_ =	sdelay $0x1  }
0x42: {  	[tilespmem:s25+$0xFFFFFFE0] =	vst v2  }
0x43: {  	v2 =	vld.idx.msk [tilespmem:v1+s2+$0x0], $0xffff  }
0x44: {  	s30 =	sadd.s32 $0x20, s26;
	v3 =	vld.idx.msk [tilespmem:v4+s2+$0x0], $0xffff  }
0x45: {  	v4 =	vmov s30  }
0x46: {  	v4 =	vshra.s32 v4, $0x5  }
0x47: {  	v4 =	vbroadcast v4, $0x0;
	_ =	sdelay $0x2  }
0x48: {  	v2 =	vadd.f32 v3, v2;
	_ =	sdelay $0x1  }
0x49: {  	[tilespmem:s25+$0xFFFFFFF0] =	vst v2  }
0x4a: {  	v2 =	vld.idx.msk [tilespmem:v0+s2+$0x0], $0xffff  }
0x4b: {  	s30 =	sadd.s32 $0x30, s26;
	v3 =	vld.idx.msk [tilespmem:v4+s2+$0x0], $0xffff  }
0x4c: {  	v4 =	vmov s30  }
0x4d: {  	v4 =	vshra.s32 v4, $0x5  }
0x4e: {  	v4 =	vbroadcast v4, $0x0;
	_ =	sdelay $0x2  }
0x4f: {  	v2 =	vadd.f32 v3, v2;
	_ =	sdelay $0x1  }
0x50: {  	[tilespmem:s25+$0x0] =	vst v2  }
0x51: {  	v2 =	vld.idx.msk [tilespmem:v1+s2+$0x0], $0xffff  }
.Ltmp0:
0x52: {  	s26 =	sadd.s32 $0x40, s26;
	v4 =	vld.idx.msk [tilespmem:v4+s2+$0x0], $0xffff;
	(pc) =	sbr.rel @p0 .LBB2_2-.Ltmp0, $4  }
0x53: {  	v3 =	vmov s26  }
0x54: {  	v3 =	vshra.s32 v3, $0x5  }
0x55: {  	v3 =	vand.u32 $0xFFFFFFFE, v3  }
0x56: {  	v3 =	vbroadcast v3, $0x0  }
0x57: {  	_ = 	snop  }
0x58: {  	v2 =	vadd.f32 v4, v2;
	_ =	sdelay $0x1  }
0x59: {  	[tilespmem:s29+$0x10] =	vst v2  }
0x5a: {  	v2 =	vld.idx.msk [tilespmem:v0+s2+$0x0], $0xffff  }
0x5b: {  	s28 =	sadd.s32 $0x10, s26;
	v3 =	vld.idx.msk [tilespmem:v3+s2+$0x0], $0xffff  }
0x5c: {  	v4 =	vmov s28  }
0x5d: {  	v4 =	vshra.s32 v4, $0x5  }
0x5e: {  	v4 =	vbroadcast v4, $0x0;
	_ =	sdelay $0x1  }
0x5f: {  	v2 =	vadd.f32 v3, v2  }
0x60: {  	s25 =	sadd.s32 $0x40, s25  }
0x61: {  	[tilespmem:s25+$0xFFFFFFE0] =	vst v2  }
0x62: {  	v2 =	vld.idx.msk [tilespmem:v1+s2+$0x0], $0xffff  }
0x63: {  	s28 =	sadd.s32 $0x20, s26;
	v3 =	vld.idx.msk [tilespmem:v4+s2+$0x0], $0xffff  }
0x64: {  	v4 =	vmov s28  }
0x65: {  	v4 =	vshra.s32 v4, $0x5  }
0x66: {  	v4 =	vbroadcast v4, $0x0;
	_ =	sdelay $0x1  }
0x67: {  	v2 =	vadd.f32 v3, v2;
	_ =	sdelay $0x1  }
0x68: {  	[tilespmem:s25+$0xFFFFFFF0] =	vst v2  }
0x69: {  	v2 =	vld.idx.msk [tilespmem:v0+s2+$0x0], $0xffff  }
0x6a: {  	s31 =	sadd.s32 $0x30, s26;
	v3 =	vld.idx.msk [tilespmem:v4+s2+$0x0], $0xffff  }
0x6b: {  	v4 =	vmov s31  }
0x6c: {  	v4 =	vshra.s32 v4, $0x5  }
0x6d: {  	v4 =	vbroadcast v4, $0x0;
	_ =	sdelay $0x1  }
0x6e: {  	v2 =	vadd.f32 v3, v2;
	_ =	sdelay $0x1  }
0x6f: {  	[tilespmem:s25+$0x0] =	vst v2  }
0x70: {  	v2 =	vld.idx.msk [tilespmem:v1+s2+$0x0], $0xffff  }
0x71: {  	v3 =	vld.idx.msk [tilespmem:v4+s2+$0x0], $0xffff;
	_ =	sdelay $0x4  }
0x72: {  	v2 =	vadd.f32 v3, v2;
	_ =	sdelay $0x1  }
0x73: {  	[tilespmem:s25+$0x10] =	vst v2  }
0x74: {  	_ =	swait.ge [sflag:s17], $0x20  }
0x75: {  	[sflag:s17] =	ssyncset.done $0x0  }
0x76: {  	[sflag:s17] =	ssyncadd.s32 $0xFFFFFFE0  }
0x77: {  	_ =	swait.ge [sflag:s18], $0xC00  }
0x78: {  	[sflag:s18] =	ssyncset.done $0x0  }
0x79: {  	s31 =	simm.s32 $0x8B0;
	[sflag:s18] =	ssyncadd.s32 $0xFFFFF400  }
0x7a: {  	v2 =	vld [tilespmem:s31+$0xFFFFFBD0];
	_ =	sdelay $0x4  }
0x7b: {  	v3 =	vand.u32 $0x3FF, v2  }
0x7c: {  	v4 =	vld [tilespmem:s31+$0xFFFFFBE0];
	v5 =	vshrl.u32 v2, $0xA  }
0x7d: {  	v5 =	vand.u32 $0x3FF, v5;
	_ =	sdelay $0x1  }
0x7e: {  	v2 =	vshra.s32 v2, $0x14  }
0x7f: {  	v3 =	vld.idx.msk [tilespmem:v3+s19+$0x0], $0xffff  }
0x80: {  	v6 =	vld [tilespmem:s31+$0xFFFFFBF0];
	v7 =	vand.u32 $0x3FF, v4  }
0x81: {  	v8 =	vshrl.u32 v4, $0xA;
	v5 =	vld.idx.msk [tilespmem:v5+s19+$0x0], $0xffff  }
0x82: {  	v8 =	vand.u32 $0x3FF, v8  }
0x83: {  	v2 =	vld.idx.msk [tilespmem:v2+s19+$0x0], $0xffff  }
0x84: {  	v4 =	vshra.s32 v4, $0x14;
	v3 =	vadd.f32 $0.0e+00, v3  }
0x85: {  	v7 =	vld.idx.msk [tilespmem:v7+s19+$0x0], $0xffff  }
0x86: {  	v9 =	vld [tilespmem:s31+$0xFFFFFC00];
	v10 =	vand.u32 $0x3FF, v6;
	v3 =	vadd.f32 v5, v3  }
0x87: {  	v5 =	vld.idx.msk [tilespmem:v8+s19+$0x0], $0xffff;
	v8 =	vshrl.u32 v6, $0xA  }
0x88: {  	v8 =	vand.u32 $0x3FF, v8;
	v2 =	vadd.f32 v2, v3  }
0x89: {  	v3 =	vld.idx.msk [tilespmem:v4+s19+$0x0], $0xffff  }
0x8a: {  	v4 =	vshra.s32 v6, $0x14;
	v2 =	vadd.f32 v7, v2  }
0x8b: {  	v6 =	vld.idx.msk [tilespmem:v10+s19+$0x0], $0xffff  }
0x8c: {  	v10 =	vand.u32 $0x3FF, v9;
	v7 =	vld [tilespmem:s31+$0xFFFFFC10];
	v2 =	vadd.f32 v5, v2  }
0x8d: {  	v5 =	vld.idx.msk [tilespmem:v8+s19+$0x0], $0xffff;
	v8 =	vshrl.u32 v9, $0xA  }
0x8e: {  	v8 =	vand.u32 $0x3FF, v8;
	v2 =	vadd.f32 v3, v2  }
0x8f: {  	v3 =	vld.idx.msk [tilespmem:v4+s19+$0x0], $0xffff  }
0x90: {  	v4 =	vshra.s32 v9, $0x14;
	v2 =	vadd.f32 v6, v2  }
0x91: {  	v6 =	vld.idx.msk [tilespmem:v10+s19+$0x0], $0xffff  }
0x92: {  	v9 =	vld [tilespmem:s31+$0xFFFFFC20];
	v10 =	vand.u32 $0x3FF, v7;
	v2 =	vadd.f32 v5, v2  }
0x93: {  	v5 =	vld.idx.msk [tilespmem:v8+s19+$0x0], $0xffff;
	v8 =	vshrl.u32 v7, $0xA  }
0x94: {  	v8 =	vand.u32 $0x3FF, v8;
	v2 =	vadd.f32 v3, v2  }
0x95: {  	v3 =	vld.idx.msk [tilespmem:v4+s19+$0x0], $0xffff  }
0x96: {  	v4 =	vshra.s32 v7, $0x14;
	v2 =	vadd.f32 v6, v2  }
0x97: {  	v6 =	vld.idx.msk [tilespmem:v10+s19+$0x0], $0xffff  }
0x98: {  	v7 =	vld [tilespmem:s31+$0xFFFFFC30];
	v10 =	vand.u32 $0x3FF, v9;
	v2 =	vadd.f32 v5, v2  }
0x99: {  	v5 =	vld.idx.msk [tilespmem:v8+s19+$0x0], $0xffff;
	v8 =	vshrl.u32 v9, $0xA  }
0x9a: {  	v8 =	vand.u32 $0x3FF, v8;
	v2 =	vadd.f32 v3, v2  }
0x9b: {  	v3 =	vld.idx.msk [tilespmem:v4+s19+$0x0], $0xffff  }
0x9c: {  	v9 =	vshra.s32 v9, $0x14;
	v2 =	vadd.f32 v6, v2  }
0x9d: {  	v6 =	vld.idx.msk [tilespmem:v10+s19+$0x0], $0xffff  }
0x9e: {  	v4 =	vld [tilespmem:s31+$0xFFFFFC40];
	v10 =	vand.u32 $0x3FF, v7;
	v2 =	vadd.f32 v5, v2  }
0x9f: {  	v5 =	vld.idx.msk [tilespmem:v8+s19+$0x0], $0xffff;
	v8 =	vshrl.u32 v7, $0xA  }
0xa0: {  	v8 =	vand.u32 $0x3FF, v8;
	v2 =	vadd.f32 v3, v2  }
0xa1: {  	v3 =	vld.idx.msk [tilespmem:v9+s19+$0x0], $0xffff  }
0xa2: {  	v7 =	vshra.s32 v7, $0x14;
	v2 =	vadd.f32 v6, v2  }
0xa3: {  	v10 =	vld.idx.msk [tilespmem:v10+s19+$0x0], $0xffff  }
0xa4: {  	v9 =	vld [tilespmem:s31+$0xFFFFFFD0];
	v6 =	vand.u32 $0x3FF, v4;
	v2 =	vadd.f32 v5, v2  }
0xa5: {  	v11 =	vshrl.u32 v4, $0xA;
	v8 =	vld.idx.msk [tilespmem:v8+s19+$0x0], $0xffff  }
0xa6: {  	v5 =	vand.u32 $0x3FF, v11;
	v2 =	vadd.f32 v3, v2  }
0xa7: {  	v7 =	vld.idx.msk [tilespmem:v7+s19+$0x0], $0xffff  }
0xa8: {  	v18 =	vld [tilespmem:s31+$0x20];
	v3 =	vshra.s32 v4, $0x14;
	v2 =	vadd.f32 v10, v2  }
0xa9: {  	v4 =	vld.idx.msk [tilespmem:v6+s19+$0x0], $0xffff  }
0xaa: {  	v6 =	vand.u32 $0x3FF, v9;
	v10 =	vld [tilespmem:s31+$0xFFFFFFE0];
	v8 =	vadd.f32 v8, v2  }
0xab: {  	v11 =	vshrl.u32 v9, $0xA;
	v5 =	vld.idx.msk [tilespmem:v5+s19+$0x0], $0xffff  }
0xac: {  	v13 =	vld [tilespmem:s31+$0xFFFFFFF0];
	v11 =	vand.u32 $0x3FF, v11;
	v7 =	vadd.f32 v7, v8  }
0xad: {  	v12 =	vld.idx.msk [tilespmem:v3+s19+$0x0], $0xffff  }
0xae: {  	v16 =	vld [tilespmem:s31+$0x10];
	v21 =	vshrl.u32 v18, $0xA;
	v8 =	vshra.s32 v9, $0x14;
	v4 =	vadd.f32 v4, v7  }
0xaf: {  	s26 =	simm.s32 $0x930;
	v21 =	vand.u32 $0x3FF, v21;
	v9 =	vld.idx.msk [tilespmem:v6+s19+$0x0], $0xffff  }
0xb0: {  	v24 =	vld [tilespmem:s26+$0xFFFFFBE0];
	v7 =	vand.u32 $0x3FF, v10;
	v4 =	vadd.f32 v5, v4  }
0xb1: {  	v11 =	vld.idx.msk [tilespmem:v11+s19+$0x0], $0xffff;
	v6 =	vshrl.u32 v10, $0xA  }
0xb2: {  	v53 =	vld [tilespmem:s26+$0xFFFFFBF0];
	v5 =	vand.u32 $0x3FF, v6;
	v4 =	vadd.f32 v12, v4  }
0xb3: {  	v14 =	vld.idx.msk [tilespmem:v8+s19+$0x0], $0xffff  }
0xb4: {  	v21 =	vld.idx.msk [tilespmem:v21+s19+$0x0], $0xffff;
	v10 =	vshra.s32 v10, $0x14;
	v4 =	vadd.f32 v9, v4  }
0xb5: {  	v7 =	vld.idx.msk [tilespmem:v7+s19+$0x0], $0xffff  }
0xb6: {  	v12 =	vld [tilespmem:s31+$0x0];
	v9 =	vand.u32 $0x3FF, v13;
	v4 =	vadd.f32 v11, v4  }
0xb7: {  	v15 =	vshrl.u32 v13, $0xA;
	v5 =	vld.idx.msk [tilespmem:v5+s19+$0x0], $0xffff  }
0xb8: {  	v2 =	vld [tilespmem:s31+$0x420];
	v11 =	vand.u32 $0x3FF, v15;
	v4 =	vadd.f32 v14, v4  }
0xb9: {  	v10 =	vld.idx.msk [tilespmem:v10+s19+$0x0], $0xffff  }
0xba: {  	v8 =	vld [tilespmem:s31+$0x3F0];
	v13 =	vshra.s32 v13, $0x14;
	v4 =	vadd.f32 v7, v4  }
0xbb: {  	v9 =	vld.idx.msk [tilespmem:v9+s19+$0x0], $0xffff  }
0xbc: {  	v3 =	vld [tilespmem:s31+$0x410];
	v7 =	vand.u32 $0x3FF, v12;
	v4 =	vadd.f32 v5, v4  }
0xbd: {  	v17 =	vshrl.u32 v12, $0xA;
	v11 =	vld.idx.msk [tilespmem:v11+s19+$0x0], $0xffff  }
0xbe: {  	v6 =	vld [tilespmem:s31+$0x400];
	v5 =	vand.u32 $0x3FF, v17;
	v4 =	vadd.f32 v10, v4  }
0xbf: {  	v59 =	vand.u32 $0x3FF, v8;
	v60 =	vshrl.u32 v8, $0xA;
	v8 =	vshra.s32 v8, $0x14;
	v13 =	vld.idx.msk [tilespmem:v13+s19+$0x0], $0xffff  }
0xc0: {  	v15 =	vld [tilespmem:s31+$0x3E0];
	v10 =	vshra.s32 v12, $0x14;
	v4 =	vadd.f32 v9, v4  }
0xc1: {  	v7 =	vld.idx.msk [tilespmem:v7+s19+$0x0], $0xffff  }
0xc2: {  	v14 =	vld [tilespmem:s31+$0x3D0];
	v9 =	vand.u32 $0x3FF, v16;
	v11 =	vadd.f32 v11, v4  }
0xc3: {  	v19 =	vld.idx.msk [tilespmem:v5+s19+$0x0], $0xffff;
	v5 =	vshrl.u32 v16, $0xA  }
0xc4: {  	v8 =	vld.idx.msk [tilespmem:v8+s19+$0x0], $0xffff;
	v20 =	vand.u32 $0x3FF, v5;
	v11 =	vadd.f32 v13, v11  }
0xc5: {  	v57 =	vand.u32 $0x3FF, v15;
	v58 =	vshrl.u32 v15, $0xA;
	v15 =	vshra.s32 v15, $0x14;
	v10 =	vld.idx.msk [tilespmem:v10+s19+$0x0], $0xffff  }
0xc6: {  	v17 =	vld [tilespmem:s31+$0x40];
	v13 =	vshra.s32 v16, $0x14;
	v11 =	vadd.f32 v7, v11  }
0xc7: {  	v9 =	vld.idx.msk [tilespmem:v9+s19+$0x0], $0xffff  }
0xc8: {  	v12 =	vld [tilespmem:s31+$0x30];
	v16 =	vand.u32 $0x3FF, v18;
	v11 =	vadd.f32 v19, v11  }
0xc9: {  	v20 =	vld.idx.msk [tilespmem:v20+s19+$0x0], $0xffff  }
0xca: {  	v15 =	vld.idx.msk [tilespmem:v15+s19+$0x0], $0xffff;
	v10 =	vadd.f32 v10, v11  }
0xcb: {  	v28 =	vand.u32 $0x3FF, v14;
	v13 =	vld.idx.msk [tilespmem:v13+s19+$0x0], $0xffff  }
0xcc: {  	v18 =	vshra.s32 v18, $0x14;
	v11 =	vld [tilespmem:s26+$0xFFFFFBD0];
	v9 =	vadd.f32 v9, v10  }
0xcd: {  	v55 =	vshrl.u32 v14, $0xA;
	v14 =	vshra.s32 v14, $0x14;
	v16 =	vld.idx.msk [tilespmem:v16+s19+$0x0], $0xffff  }
0xce: {  	v4 =	vld [tilespmem:s26+$0xFFFFFFD0];
	v22 =	vand.u32 $0x3FF, v12;
	v9 =	vadd.f32 v20, v9  }
0xcf: {  	v26 =	vand.u32 $0x3FF, v17;
	v5 =	vld [tilespmem:s26+$0xFFFFFC40];
	v23 =	vshrl.u32 v12, $0xA  }
0xd0: {  	v56 =	vld.idx.msk [tilespmem:v28+s19+$0x0], $0xffff;
	v23 =	vand.u32 $0x3FF, v23;
	v9 =	vadd.f32 v13, v9  }
0xd1: {  	v18 =	vld.idx.msk [tilespmem:v18+s19+$0x0], $0xffff;
	v13 =	vand.u32 $0x3FF, v11  }
0xd2: {  	v14 =	vld.idx.msk [tilespmem:v14+s19+$0x0], $0xffff;
	v12 =	vshra.s32 v12, $0x14;
	v25 =	vshrl.u32 v11, $0xA;
	v9 =	vadd.f32 v16, v9  }
0xd3: {  	v22 =	vld.idx.msk [tilespmem:v22+s19+$0x0], $0xffff;
	v16 =	vand.u32 $0x3FF, v25  }
0xd4: {  	v27 =	vshrl.u32 v17, $0xA;
	v17 =	vshra.s32 v17, $0x14;
	v26 =	vld.idx.msk [tilespmem:v26+s19+$0x0], $0xffff;
	v9 =	vadd.f32 v21, v9  }
0xd5: {  	v23 =	vld.idx.msk [tilespmem:v23+s19+$0x0], $0xffff;
	v11 =	vshra.s32 v11, $0x14  }
0xd6: {  	v21 =	vand.u32 $0x3FF, v27;
	v13 =	vld.idx.msk [tilespmem:v13+s19+$0x0], $0xffff;
	v9 =	vadd.f32 v18, v9  }
0xd7: {  	v12 =	vld.idx.msk [tilespmem:v12+s19+$0x0], $0xffff;
	v18 =	vand.u32 $0x3FF, v24  }
0xd8: {  	v54 =	vshrl.u32 v24, $0xA;
	v16 =	vld.idx.msk [tilespmem:v16+s19+$0x0], $0xffff;
	v9 =	vadd.f32 v22, v9  }
0xd9: {  	v17 =	vld.idx.msk [tilespmem:v17+s19+$0x0], $0xffff;
	v22 =	vand.u32 $0x3FF, v54  }
0xda: {  	v11 =	vld.idx.msk [tilespmem:v11+s19+$0x0], $0xffff;
	v9 =	vadd.f32 v23, v9  }
0xdb: {  	v24 =	vshra.s32 v24, $0x14;
	v21 =	vld.idx.msk [tilespmem:v21+s19+$0x0], $0xffff;
	v13 =	vadd.f32 $0.0e+00, v13  }
0xdc: {  	v23 =	vand.u32 $0x3FF, v55;
	v18 =	vld.idx.msk [tilespmem:v18+s19+$0x0], $0xffff;
	v9 =	vadd.f32 v12, v9  }
0xdd: {  	v20 =	vld [tilespmem:s26+$0xFFFFFC00];
	v12 =	vand.u32 $0x3FF, v53;
	v13 =	vadd.f32 v16, v13  }
0xde: {  	v16 =	vld.idx.msk [tilespmem:v22+s19+$0x0], $0xffff;
	v22 =	vshrl.u32 v53, $0xA;
	v9 =	vadd.f32 v26, v9  }
0xdf: {  	v19 =	vld [tilespmem:s26+$0xFFFFFC20];
	v22 =	vand.u32 $0x3FF, v22;
	v11 =	vadd.f32 v11, v13  }
0xe0: {  	v24 =	vld.idx.msk [tilespmem:v24+s19+$0x0], $0xffff;
	v9 =	vadd.f32 v21, v9  }
0xe1: {  	v13 =	vshra.s32 v53, $0x14;
	v23 =	vld.idx.msk [tilespmem:v23+s19+$0x0], $0xffff;
	v11 =	vadd.f32 v18, v11  }
0xe2: {  	v21 =	vand.u32 $0x3FF, v58;
	v12 =	vld.idx.msk [tilespmem:v12+s19+$0x0], $0xffff;
	v9 =	vadd.f32 v17, v9  }
0xe3: {  	v10 =	vld [tilespmem:s26+$0xFFFFFC10];
	v17 =	vand.u32 $0x3FF, v20;
	v11 =	vadd.f32 v16, v11  }
0xe4: {  	v16 =	vld.idx.msk [tilespmem:v22+s19+$0x0], $0xffff;
	v22 =	vshrl.u32 v20, $0xA;
	v9 =	vadd.f32 v56, v9  }
0xe5: {  	v18 =	vld.idx.msk [tilespmem:v57+s19+$0x0], $0xffff;
	v22 =	vand.u32 $0x3FF, v22;
	v11 =	vadd.f32 v24, v11  }
0xe6: {  	v13 =	vld.idx.msk [tilespmem:v13+s19+$0x0], $0xffff;
	v20 =	vshra.s32 v20, $0x14;
	v9 =	vadd.f32 v23, v9  }
0xe7: {  	v21 =	vld.idx.msk [tilespmem:v21+s19+$0x0], $0xffff;
	v11 =	vadd.f32 v12, v11  }
0xe8: {  	v23 =	vand.u32 $0x3FF, v60;
	v12 =	vld.idx.msk [tilespmem:v17+s19+$0x0], $0xffff;
	v9 =	vadd.f32 v14, v9  }
0xe9: {  	v17 =	vld.idx.msk [tilespmem:v59+s19+$0x0], $0xffff;
	v14 =	vand.u32 $0x3FF, v10;
	v11 =	vadd.f32 v16, v11  }
0xea: {  	v61 =	vand.u32 $0x3FF, v6;
	v16 =	vld.idx.msk [tilespmem:v22+s19+$0x0], $0xffff;
	v22 =	vshrl.u32 v10, $0xA;
	v9 =	vadd.f32 v18, v9  }
0xeb: {  	v18 =	vld.idx.msk [tilespmem:v20+s19+$0x0], $0xffff;
	v20 =	vand.u32 $0x3FF, v22;
	v11 =	vadd.f32 v13, v11  }
0xec: {  	v7 =	vld [tilespmem:s26+$0xFFFFFC30];
	v10 =	vshra.s32 v10, $0x14;
	v9 =	vadd.f32 v21, v9  }
0xed: {  	v22 =	vshrl.u32 v6, $0xA;
	v6 =	vshra.s32 v6, $0x14;
	v13 =	vld.idx.msk [tilespmem:v23+s19+$0x0], $0xffff;
	v11 =	vadd.f32 v12, v11  }
0xee: {  	v21 =	vand.u32 $0x3FF, v22;
	v12 =	vld.idx.msk [tilespmem:v14+s19+$0x0], $0xffff;
	v9 =	vadd.f32 v15, v9  }
0xef: {  	v14 =	vand.u32 $0x3FF, v19;
	v15 =	vld.idx.msk [tilespmem:v61+s19+$0x0], $0xffff;
	v11 =	vadd.f32 v16, v11  }
0xf0: {  	v22 =	vand.u32 $0x3FF, v3;
	v16 =	vld.idx.msk [tilespmem:v20+s19+$0x0], $0xffff;
	v20 =	vshrl.u32 v19, $0xA;
	v9 =	vadd.f32 v17, v9  }
0xf1: {  	v10 =	vld.idx.msk [tilespmem:v10+s19+$0x0], $0xffff;
	v17 =	vand.u32 $0x3FF, v20;
	v11 =	vadd.f32 v18, v11  }
0xf2: {  	v6 =	vld.idx.msk [tilespmem:v6+s19+$0x0], $0xffff;
	v20 =	vshrl.u32 v3, $0xA;
	v3 =	vshra.s32 v3, $0x14;
	v9 =	vadd.f32 v13, v9  }
0xf3: {  	v18 =	vshra.s32 v19, $0x14;
	v19 =	vld.idx.msk [tilespmem:v21+s19+$0x0], $0xffff;
	v11 =	vadd.f32 v12, v11  }
0xf4: {  	v13 =	vand.u32 $0x3FF, v20;
	v12 =	vld.idx.msk [tilespmem:v14+s19+$0x0], $0xffff;
	v8 =	vadd.f32 v8, v9  }
0xf5: {  	v14 =	vld.idx.msk [tilespmem:v22+s19+$0x0], $0xffff;
	v9 =	vand.u32 $0x3FF, v7;
	v11 =	vadd.f32 v16, v11  }
0xf6: {  	v20 =	vand.u32 $0x3FF, v2;
	v16 =	vld.idx.msk [tilespmem:v17+s19+$0x0], $0xffff;
	v17 =	vshrl.u32 v7, $0xA;
	v8 =	vadd.f32 v15, v8  }
0xf7: {  	v3 =	vld.idx.msk [tilespmem:v3+s19+$0x0], $0xffff;
	v17 =	vand.u32 $0x3FF, v17;
	v10 =	vadd.f32 v10, v11  }
0xf8: {  	v7 =	vshra.s32 v7, $0x14;
	v15 =	vld.idx.msk [tilespmem:v18+s19+$0x0], $0xffff;
	v8 =	vadd.f32 v19, v8  }
0xf9: {  	v18 =	vshrl.u32 v2, $0xA;
	v2 =	vshra.s32 v2, $0x14;
	v11 =	vld.idx.msk [tilespmem:v13+s19+$0x0], $0xffff;
	v10 =	vadd.f32 v12, v10  }
0xfa: {  	v13 =	vand.u32 $0x3FF, v18;
	v9 =	vld.idx.msk [tilespmem:v9+s19+$0x0], $0xffff;
	v6 =	vadd.f32 v6, v8  }
0xfb: {  	v12 =	vld.idx.msk [tilespmem:v20+s19+$0x0], $0xffff;
	v8 =	vand.u32 $0x3FF, v5;
	v10 =	vadd.f32 v16, v10  }
0xfc: {  	v16 =	vld.idx.msk [tilespmem:v17+s19+$0x0], $0xffff;
	v17 =	vshrl.u32 v5, $0xA;
	v6 =	vadd.f32 v14, v6  }
0xfd: {  	v7 =	vld.idx.msk [tilespmem:v7+s19+$0x0], $0xffff;
	v14 =	vand.u32 $0x3FF, v17;
	v10 =	vadd.f32 v15, v10  }
0xfe: {  	v2 =	vld.idx.msk [tilespmem:v2+s19+$0x0], $0xffff;
	v6 =	vadd.f32 v11, v6  }
0xff: {  	v5 =	vshra.s32 v5, $0x14;
	v13 =	vld.idx.msk [tilespmem:v13+s19+$0x0], $0xffff;
	v9 =	vadd.f32 v9, v10  }
0x100: {  	v8 =	vld.idx.msk [tilespmem:v8+s19+$0x0], $0xffff;
	v3 =	vadd.f32 v3, v6  }
0x101: {  	v10 =	vld [tilespmem:s26+$0xFFFFFFE0];
	v6 =	vand.u32 $0x3FF, v4;
	v9 =	vadd.f32 v16, v9  }
0x102: {  	s29 =	simm.s32 $0x9B0;
	v11 =	vld.idx.msk [tilespmem:v14+s19+$0x0], $0xffff;
	v14 =	vshrl.u32 v4, $0xA;
	v12 =	vadd.f32 v12, v3  }
0x103: {  	v21 =	vld [tilespmem:s29+$0xFFFFFBD0];
	v14 =	vand.u32 $0x3FF, v14;
	v7 =	vadd.f32 v7, v9  }
0x104: {  	v9 =	vld.idx.msk [tilespmem:v5+s19+$0x0], $0xffff;
	v5 =	vadd.f32 v13, v12  }
0x105: {  	v18 =	vld [tilespmem:s26+$0x20];
	v12 =	vshra.s32 v4, $0x14;
	v7 =	vadd.f32 v8, v7  }
0x106: {  	v8 =	vld.idx.msk [tilespmem:v6+s19+$0x0], $0xffff;
	v2 =	vadd.f32 v2, v5  }
0x107: {  	v15 =	vld [tilespmem:s26+$0xFFFFFFF0];
	v13 =	vand.u32 $0x3FF, v10;
	v6 =	vadd.f32 v11, v7  }
0x108: {  	v5 =	vshrl.u32 v10, $0xA;
	v7 =	vld.idx.msk [tilespmem:v14+s19+$0x0], $0xffff;
	(xrf2) =	vadd.scan.msk.f32 $0xffff, v2  }
0x109: {  	v17 =	vld [tilespmem:s26+$0x10];
	v2 =	vand.u32 $0x3FF, v5;
	v9 =	vadd.f32 v9, v6  }
0x10a: {  	v11 =	vld.idx.msk [tilespmem:v12+s19+$0x0], $0xffff  }
0x10b: {  	v3 =	vld [tilespmem:s26+$0x420];
	v10 =	vshra.s32 v10, $0x14;
	v8 =	vadd.f32 v8, v9  }
0x10c: {  	v12 =	vld.idx.msk [tilespmem:v13+s19+$0x0], $0xffff  }
0x10d: {  	v14 =	vld [tilespmem:s26+$0x0];
	v13 =	vand.u32 $0x3FF, v15;
	v8 =	vadd.f32 v7, v8  }
0x10e: {  	v7 =	vshrl.u32 v15, $0xA;
	v2 =	vld.idx.msk [tilespmem:v2+s19+$0x0], $0xffff  }
0x10f: {  	v4 =	vld [tilespmem:s26+$0x410];
	v16 =	vand.u32 $0x3FF, v7;
	v8 =	vadd.f32 v11, v8  }
0x110: {  	v10 =	vld.idx.msk [tilespmem:v10+s19+$0x0], $0xffff  }
0x111: {  	v5 =	vld [tilespmem:s26+$0x400];
	v11 =	vshra.s32 v15, $0x14;
	v8 =	vadd.f32 v12, v8  }
0x112: {  	v13 =	vld.idx.msk [tilespmem:v13+s19+$0x0], $0xffff;
	v12, _, _ =	vpop (xrf2)  }
0x113: {  	v6 =	vld [tilespmem:s26+$0x3F0];
	v15 =	vand.u32 $0x3FF, v14;
	v2 =	vadd.f32 v2, v8;
	(v2sf) =	vpush v12, $0xF  }
0x114: {  	v8 =	vld.idx.msk [tilespmem:v16+s19+$0x0], $0xffff;
	v12 =	vshrl.u32 v14, $0xA  }
0x115: {  	v9 =	vld [tilespmem:s26+$0x3D0];
	v16 =	vand.u32 $0x3FF, v12;
	v2 =	vadd.f32 v10, v2  }
0x116: {  	v10 =	vld.idx.msk [tilespmem:v11+s19+$0x0], $0xffff  }
0x117: {  	v7 =	vld [tilespmem:s26+$0x3E0];
	v11 =	vshra.s32 v14, $0x14;
	v2 =	vadd.f32 v13, v2  }
0x118: {  	v13 =	vld.idx.msk [tilespmem:v15+s19+$0x0], $0xffff  }
0x119: {  	v12 =	vld [tilespmem:s26+$0x40];
	v2 =	vadd.f32 v8, v2  }
0x11a: {  	v19 =	vshrl.u32 v17, $0xA;
	v15 =	vand.u32 $0x3FF, v17;
	v16 =	vld.idx.msk [tilespmem:v16+s19+$0x0], $0xffff  }
0x11b: {  	v19 =	vand.u32 $0x3FF, v19;
	v14 =	vld [tilespmem:s26+$0x30];
	v2 =	vadd.f32 v10, v2  }
0x11c: {  	v20 =	vld.idx.msk [tilespmem:v11+s19+$0x0], $0xffff  }
0x11d: {  	v17 =	vshra.s32 v17, $0x14;
	v8 =	vld [tilespmem:s29+$0xFFFFFFD0];
	v2 =	vadd.f32 v13, v2  }
0x11e: {  	v23 =	vand.u32 $0x3FF, v18;
	v11 =	vld [tilespmem:s29+$0xFFFFFC30]  }
0x11f: {  	v22 =	vld.idx.msk [tilespmem:v15+s19+$0x0], $0xffff;
	v2 =	vadd.f32 v16, v2  }
0x120: {  	v16 =	vld.idx.msk [tilespmem:v19+s19+$0x0], $0xffff;
	v19 =	vshrl.u32 v18, $0xA  }
0x121: {  	v10 =	vld [tilespmem:s29+$0xFFFFFC40];
	v62 =	vadd.f32 v20, v2;
	v20 =	vand.u32 $0x3FF, v19  }
0x122: {  	s31 =	simm.s32 $0x0;
	v15 =	vld.idx.msk [tilespmem:v17+s19+$0x0], $0xffff;
	s28 =	spop (v2sf)  }
0x123: {  	v63 =	vmov s31;
	v17 =	vld.idx.msk [tilespmem:v23+s19+$0x0], $0xffff;
	v19 =	vshra.s32 v18, $0x14;
	s28 =	smul.f32 $1.464843810e-04, s28  }
0x124: {  	s30 =	simm.s32 $0x3;
	s25 =	simm.s32 $0x2;
	vm0 =	veq.s32 v63, v0;
	s26 =	simm.s32 $0x1;
	v13 =	vld [tilespmem:s29+$0xFFFFFC20];
	v2 =	vimm.f32 $0.0e+00;
	v18 =	vadd.f32 v22, v62  }
.LBB2_4:
0x125: {  	p0 =	sne.s32 s30, $0x7;
	v22 =	vld [tilespmem:s29+$0xFFFFFC10];
	v23 =	vand.u32 $0x3FF, v14;
	v2 =	vsel vm0, s28, v2  }
0x126: {  	v16 =	vadd.f32 v16, v18;
	v18 =	vld.idx.msk [tilespmem:v20+s19+$0x0], $0xffff;
	v20 =	vshrl.u32 v14, $0xA  }
0x127: {  	v24 =	vld [tilespmem:s29+$0xFFFFFC00];
	v20 =	vand.u32 $0x3FF, v20  }
0x128: {  	v14 =	vshra.s32 v14, $0x14;
	v15 =	vadd.f32 v15, v16;
	v16 =	vld.idx.msk [tilespmem:v19+s19+$0x0], $0xffff  }
0x129: {  	v19 =	vand.u32 $0x3FF, v21;
	v25 =	vld [tilespmem:s29+$0xFFFFFBE0]  }
0x12a: {  	v26 =	vshrl.u32 v21, $0xA;
	v15 =	vadd.f32 v17, v15;
	v17 =	vld.idx.msk [tilespmem:v23+s19+$0x0], $0xffff;
	v23 =	vand.u32 $0x3FF, v12  }
0x12b: {  	v26 =	vand.u32 $0x3FF, v26;
	v27 =	vld [tilespmem:s29+$0xFFFFFBF0]  }
0x12c: {  	v21 =	vshra.s32 v21, $0x14;
	v15 =	vadd.f32 v18, v15;
	v18 =	vld.idx.msk [tilespmem:v20+s19+$0x0], $0xffff;
	v20 =	vshrl.u32 v12, $0xA  }
0x12d: {  	v14 =	vld.idx.msk [tilespmem:v14+s19+$0x0], $0xffff;
	v20 =	vand.u32 $0x3FF, v20  }
0x12e: {  	v12 =	vshra.s32 v12, $0x14;
	v19 =	vld.idx.msk [tilespmem:v19+s19+$0x0], $0xffff;
	v15 =	vadd.f32 v16, v15  }
0x12f: {  	v16 =	vand.u32 $0x3FF, v25;
	v23 =	vld.idx.msk [tilespmem:v23+s19+$0x0], $0xffff  }
0x130: {  	v28 =	vshrl.u32 v25, $0xA;
	v26 =	vld.idx.msk [tilespmem:v26+s19+$0x0], $0xffff;
	v15 =	vadd.f32 v17, v15;
	v17 =	vand.u32 $0x3FF, v9  }
0x131: {  	v28 =	vand.u32 $0x3FF, v28;
	v21 =	vld.idx.msk [tilespmem:v21+s19+$0x0], $0xffff  }
0x132: {  	v25 =	vshra.s32 v25, $0x14;
	v15 =	vadd.f32 v18, v15;
	v18 =	vld.idx.msk [tilespmem:v20+s19+$0x0], $0xffff;
	v20 =	vshrl.u32 v9, $0xA  }
0x133: {  	v12 =	vld.idx.msk [tilespmem:v12+s19+$0x0], $0xffff;
	v20 =	vand.u32 $0x3FF, v20  }
0x134: {  	v9 =	vshra.s32 v9, $0x14;
	v19 =	vadd.f32 $0.0e+00, v19;
	v16 =	vld.idx.msk [tilespmem:v16+s19+$0x0], $0xffff;
	v14 =	vadd.f32 v14, v15  }
0x135: {  	v29 =	vand.u32 $0x3FF, v7;
	v15 =	vand.u32 $0x3FF, v27;
	v17 =	vld.idx.msk [tilespmem:v17+s19+$0x0], $0xffff  }
0x136: {  	v19 =	vadd.f32 v26, v19;
	v26 =	vld.idx.msk [tilespmem:v28+s19+$0x0], $0xffff;
	v28 =	vshrl.u32 v27, $0xA;
	v14 =	vadd.f32 v23, v14  }
0x137: {  	v23 =	vld.idx.msk [tilespmem:v25+s19+$0x0], $0xffff;
	v25 =	vand.u32 $0x3FF, v28;
	v28 =	vshrl.u32 v7, $0xA  }
0x138: {  	v19 =	vadd.f32 v21, v19;
	v21 =	vshra.s32 v27, $0x14;
	v14 =	vadd.f32 v18, v14;
	v18 =	vld.idx.msk [tilespmem:v20+s19+$0x0], $0xffff  }
0x139: {  	v20 =	vand.u32 $0x3FF, v28;
	v9 =	vld.idx.msk [tilespmem:v9+s19+$0x0], $0xffff  }
0x13a: {  	v7 =	vshra.s32 v7, $0x14;
	v16 =	vadd.f32 v16, v19;
	v15 =	vld.idx.msk [tilespmem:v15+s19+$0x0], $0xffff;
	v12 =	vadd.f32 v12, v14  }
0x13b: {  	v27 =	vand.u32 $0x3FF, v6;
	v14 =	vand.u32 $0x3FF, v24;
	v19 =	vld.idx.msk [tilespmem:v29+s19+$0x0], $0xffff  }
0x13c: {  	v16 =	vadd.f32 v26, v16;
	v26 =	vshrl.u32 v24, $0xA;
	v25 =	vld.idx.msk [tilespmem:v25+s19+$0x0], $0xffff;
	v12 =	vadd.f32 v17, v12  }
0x13d: {  	v17 =	vld.idx.msk [tilespmem:v21+s19+$0x0], $0xffff;
	v21 =	vand.u32 $0x3FF, v26;
	v26 =	vshrl.u32 v6, $0xA  }
0x13e: {  	v16 =	vadd.f32 v23, v16;
	v23 =	vshra.s32 v24, $0x14;
	v12 =	vadd.f32 v18, v12;
	v18 =	vld.idx.msk [tilespmem:v20+s19+$0x0], $0xffff  }
0x13f: {  	v20 =	vand.u32 $0x3FF, v26;
	v7 =	vld.idx.msk [tilespmem:v7+s19+$0x0], $0xffff  }
0x140: {  	v6 =	vshra.s32 v6, $0x14;
	v15 =	vadd.f32 v15, v16;
	v14 =	vld.idx.msk [tilespmem:v14+s19+$0x0], $0xffff;
	v9 =	vadd.f32 v9, v12  }
0x141: {  	v24 =	vand.u32 $0x3FF, v5;
	v12 =	vand.u32 $0x3FF, v22;
	v16 =	vld.idx.msk [tilespmem:v27+s19+$0x0], $0xffff  }
0x142: {  	v15 =	vadd.f32 v25, v15;
	v25 =	vshrl.u32 v22, $0xA;
	v21 =	vld.idx.msk [tilespmem:v21+s19+$0x0], $0xffff;
	v9 =	vadd.f32 v19, v9  }
0x143: {  	v19 =	vld.idx.msk [tilespmem:v23+s19+$0x0], $0xffff;
	v23 =	vand.u32 $0x3FF, v25;
	v25 =	vshrl.u32 v5, $0xA  }
0x144: {  	v15 =	vadd.f32 v17, v15;
	v17 =	vshra.s32 v22, $0x14;
	v9 =	vadd.f32 v18, v9;
	v18 =	vld.idx.msk [tilespmem:v20+s19+$0x0], $0xffff  }
0x145: {  	v20 =	vand.u32 $0x3FF, v25;
	v6 =	vld.idx.msk [tilespmem:v6+s19+$0x0], $0xffff  }
0x146: {  	v5 =	vshra.s32 v5, $0x14;
	v14 =	vadd.f32 v14, v15;
	v12 =	vld.idx.msk [tilespmem:v12+s19+$0x0], $0xffff;
	v7 =	vadd.f32 v7, v9  }
0x147: {  	v22 =	vand.u32 $0x3FF, v4;
	v9 =	vand.u32 $0x3FF, v13;
	v15 =	vld.idx.msk [tilespmem:v24+s19+$0x0], $0xffff  }
0x148: {  	v14 =	vadd.f32 v21, v14;
	v21 =	vld.idx.msk [tilespmem:v23+s19+$0x0], $0xffff;
	v23 =	vshrl.u32 v13, $0xA;
	v7 =	vadd.f32 v16, v7  }
0x149: {  	v16 =	vld.idx.msk [tilespmem:v17+s19+$0x0], $0xffff;
	v17 =	vand.u32 $0x3FF, v23;
	v23 =	vshrl.u32 v4, $0xA  }
0x14a: {  	v13 =	vshra.s32 v13, $0x14;
	v14 =	vadd.f32 v19, v14;
	v7 =	vadd.f32 v18, v7;
	v18 =	vld.idx.msk [tilespmem:v20+s19+$0x0], $0xffff  }
0x14b: {  	v19 =	vand.u32 $0x3FF, v23;
	v5 =	vld.idx.msk [tilespmem:v5+s19+$0x0], $0xffff  }
0x14c: {  	v4 =	vshra.s32 v4, $0x14;
	v12 =	vadd.f32 v12, v14;
	v9 =	vld.idx.msk [tilespmem:v9+s19+$0x0], $0xffff;
	v6 =	vadd.f32 v6, v7  }
0x14d: {  	v20 =	vand.u32 $0x3FF, v3;
	v7 =	vand.u32 $0x3FF, v11;
	v14 =	vld.idx.msk [tilespmem:v22+s19+$0x0], $0xffff  }
0x14e: {  	v12 =	vadd.f32 v21, v12;
	v21 =	vshrl.u32 v11, $0xA;
	v17 =	vld.idx.msk [tilespmem:v17+s19+$0x0], $0xffff;
	v6 =	vadd.f32 v15, v6  }
0x14f: {  	v15 =	vand.u32 $0x3FF, v21;
	v21 =	vshrl.u32 v3, $0xA;
	v13 =	vld.idx.msk [tilespmem:v13+s19+$0x0], $0xffff  }
0x150: {  	v11 =	vshra.s32 v11, $0x14;
	v12 =	vadd.f32 v16, v12;
	v6 =	vadd.f32 v18, v6;
	v16 =	vld.idx.msk [tilespmem:v19+s19+$0x0], $0xffff  }
0x151: {  	v18 =	vand.u32 $0x3FF, v21;
	v4 =	vld.idx.msk [tilespmem:v4+s19+$0x0], $0xffff  }
0x152: {  	v3 =	vshra.s32 v3, $0x14;
	v9 =	vadd.f32 v9, v12;
	v7 =	vld.idx.msk [tilespmem:v7+s19+$0x0], $0xffff;
	v5 =	vadd.f32 v5, v6  }
0x153: {  	v6 =	vand.u32 $0x3FF, v10;
	v12 =	vld.idx.msk [tilespmem:v20+s19+$0x0], $0xffff  }
0x154: {  	v9 =	vadd.f32 v17, v9;
	v17 =	vshrl.u32 v10, $0xA;
	v15 =	vld.idx.msk [tilespmem:v15+s19+$0x0], $0xffff;
	v5 =	vadd.f32 v14, v5  }
0x155: {  	v14 =	vand.u32 $0x3FF, v17;
	v11 =	vld.idx.msk [tilespmem:v11+s19+$0x0], $0xffff  }
0x156: {  	v9 =	vadd.f32 v13, v9;
	v5 =	vadd.f32 v16, v5;
	v13 =	vld.idx.msk [tilespmem:v18+s19+$0x0], $0xffff  }
0x157: {  	v10 =	vshra.s32 v10, $0x14;
	v16 =	vld.idx.msk [tilespmem:v3+s19+$0x0], $0xffff  }
0x158: {  	v3 =	vadd.f32 v7, v9;
	v6 =	vld.idx.msk [tilespmem:v6+s19+$0x0], $0xffff;
	v4 =	vadd.f32 v4, v5  }
0x159: {  	v5 =	vand.u32 $0x3FF, v8;
	v7 =	vld [tilespmem:s29+$0xFFFFFFE0]  }
0x15a: {  	v9 =	vadd.f32 v15, v3;
	v3 =	vshrl.u32 v8, $0xA;
	v14 =	vld.idx.msk [tilespmem:v14+s19+$0x0], $0xffff;
	v4 =	vadd.f32 v12, v4  }
0x15b: {  	v12 =	vand.u32 $0x3FF, v3;
	v3 =	vld [tilespmem:s29+$0x420]  }
0x15c: {  	v9 =	vadd.f32 v11, v9;
	v10 =	vld.idx.msk [tilespmem:v10+s19+$0x0], $0xffff;
	v11 =	vadd.f32 v13, v4  }
0x15d: {  	v8 =	vshra.s32 v8, $0x14;
	v4 =	vld [tilespmem:s29+$0x410]  }
0x15e: {  	v6 =	vadd.f32 v6, v9;
	v9 =	vld.idx.msk [tilespmem:v5+s19+$0x0], $0xffff;
	v5 =	vadd.f32 v16, v11  }
0x15f: {  	v11 =	vand.u32 $0x3FF, v7;
	v13 =	vld [tilespmem:s29+$0xFFFFFFF0]  }
0x160: {  	v6 =	vadd.f32 v14, v6;
	v14 =	vshrl.u32 v7, $0xA;
	v12 =	vld.idx.msk [tilespmem:v12+s19+$0x0], $0xffff;
	(xrf2) =	vadd.scan.msk.f32 $0xffff, v5  }
0x161: {  	v14 =	vand.u32 $0x3FF, v14;
	v5 =	vld [tilespmem:s29+$0x400]  }
0x162: {  	v10 =	vadd.f32 v10, v6;
	v8 =	vld.idx.msk [tilespmem:v8+s19+$0x0], $0xffff  }
0x163: {  	v15 =	vshra.s32 v7, $0x14;
	v6 =	vld [tilespmem:s29+$0x3F0]  }
0x164: {  	v7 =	vadd.f32 v9, v10;
	v10 =	vld.idx.msk [tilespmem:v11+s19+$0x0], $0xffff  }
0x165: {  	v11 =	vand.u32 $0x3FF, v13;
	v16 =	vld [tilespmem:s29+$0x0]  }
0x166: {  	v9 =	vadd.f32 v12, v7;
	v7 =	vshrl.u32 v13, $0xA;
	v12 =	vld.idx.msk [tilespmem:v14+s19+$0x0], $0xffff  }
0x167: {  	v14 =	vand.u32 $0x3FF, v7;
	v7 =	vld [tilespmem:s29+$0x3E0]  }
0x168: {  	v8 =	vadd.f32 v8, v9;
	v15 =	vld.idx.msk [tilespmem:v15+s19+$0x0], $0xffff  }
0x169: {  	v13 =	vshra.s32 v13, $0x14;
	v9 =	vld [tilespmem:s29+$0x3D0]  }
0x16a: {  	v8 =	vadd.f32 v10, v8;
	v10 =	vld.idx.msk [tilespmem:v11+s19+$0x0], $0xffff;
	v11, _, _ =	vpop (xrf2)  }
0x16b: {  	v17 =	vand.u32 $0x3FF, v16;
	v18 =	vld [tilespmem:s29+$0x10];
	(v2sf) =	vpush v11, $0xF  }
0x16c: {  	v8 =	vadd.f32 v12, v8;
	v12 =	vshrl.u32 v16, $0xA;
	v11 =	vld.idx.msk [tilespmem:v14+s19+$0x0], $0xffff  }
0x16d: {  	v19 =	vand.u32 $0x3FF, v12;
	v12 =	vld [tilespmem:s29+$0x40]  }
0x16e: {  	v8 =	vadd.f32 v15, v8;
	v13 =	vld.idx.msk [tilespmem:v13+s19+$0x0], $0xffff  }
0x16f: {  	v15 =	vshra.s32 v16, $0x14;
	v14 =	vld [tilespmem:s29+$0x30]  }
0x170: {  	v8 =	vadd.f32 v10, v8;
	v16 =	vld.idx.msk [tilespmem:v17+s19+$0x0], $0xffff  }
0x171: {  	v17 =	vand.u32 $0x3FF, v18;
	v22 =	vld [tilespmem:s29+$0x20]  }
0x172: {  	v10 =	vadd.f32 v11, v8;
	v11 =	vshrl.u32 v18, $0xA;
	s29 =	sadd.s32 $0x80, s29;
	v19 =	vld.idx.msk [tilespmem:v19+s19+$0x0], $0xffff  }
0x173: {  	v20 =	vand.u32 $0x3FF, v11;
	v8 =	vld [tilespmem:s29+$0xFFFFFFD0]  }
0x174: {  	v11 =	vadd.f32 v13, v10;
	v15 =	vld.idx.msk [tilespmem:v15+s19+$0x0], $0xffff  }
0x175: {  	v18 =	vshra.s32 v18, $0x14;
	v10 =	vld [tilespmem:s29+$0xFFFFFC40]  }
0x176: {  	v13 =	vadd.f32 v16, v11;
	v17 =	vld.idx.msk [tilespmem:v17+s19+$0x0], $0xffff  }
0x177: {  	v23 =	vand.u32 $0x3FF, v22;
	v11 =	vld [tilespmem:s29+$0xFFFFFC30]  }
.Ltmp1:
0x178: {  	v19 =	vadd.f32 v19, v13;
	v16 =	vld.idx.msk [tilespmem:v20+s19+$0x0], $0xffff;
	v20 =	vshrl.u32 v22, $0xA;
	(pc) =	sbr.rel @p0 .LBB2_4-.Ltmp1, $4  }
0x179: {  	v13 =	vld [tilespmem:s29+$0xFFFFFC20];
	v20 =	vand.u32 $0x3FF, v20  }
0x17a: {  	v24 =	vadd.f32 v15, v19;
	v15 =	vld.idx.msk [tilespmem:v18+s19+$0x0], $0xffff;
	s28 =	spop (v2sf)  }
0x17b: {  	v19 =	vshra.s32 v22, $0x14;
	v22 =	vmov s26;
	s26 =	smov.u32 s25;
	s25 =	smov.u32 s30;
	v21 =	vld [tilespmem:s29+$0xFFFFFBD0];
	s28 =	smul.f32 $1.464843810e-04, s28  }
0x17c: {  	s30 =	sadd.s32 $0x1, s30;
	vm0 =	veq.s32 v22, v0;
	v18 =	vadd.f32 v17, v24;
	v17 =	vld.idx.msk [tilespmem:v23+s19+$0x0], $0xffff  }
0x17d: {  	_ =	sdelay $0x2  }
0x17e: {  	v22 =	vand.u32 $0x3FF, v21  }
0x17f: {  	v23 =	vld [tilespmem:s29+$0xFFFFFBE0];
	v24 =	vshrl.u32 v21, $0xA  }
0x180: {  	v24 =	vand.u32 $0x3FF, v24;
	_ =	sdelay $0x1  }
0x181: {  	v21 =	vshra.s32 v21, $0x14  }
0x182: {  	v22 =	vld.idx.msk [tilespmem:v22+s19+$0x0], $0xffff  }
0x183: {  	v25 =	vld [tilespmem:s29+$0xFFFFFBF0];
	v26 =	vand.u32 $0x3FF, v23  }
0x184: {  	v27 =	vshrl.u32 v23, $0xA;
	v24 =	vld.idx.msk [tilespmem:v24+s19+$0x0], $0xffff  }
0x185: {  	v27 =	vand.u32 $0x3FF, v27  }
0x186: {  	v21 =	vld.idx.msk [tilespmem:v21+s19+$0x0], $0xffff  }
0x187: {  	v23 =	vshra.s32 v23, $0x14;
	v22 =	vadd.f32 $0.0e+00, v22  }
0x188: {  	v26 =	vld.idx.msk [tilespmem:v26+s19+$0x0], $0xffff  }
0x189: {  	v28 =	vld [tilespmem:s29+$0xFFFFFC00];
	v29 =	vand.u32 $0x3FF, v25;
	v22 =	vadd.f32 v24, v22  }
0x18a: {  	v33 =	vshrl.u32 v25, $0xA;
	v32 =	vld.idx.msk [tilespmem:v27+s19+$0x0], $0xffff  }
0x18b: {  	v27 =	vand.u32 $0x3FF, v33;
	v21 =	vadd.f32 v21, v22  }
0x18c: {  	v22 =	vld.idx.msk [tilespmem:v23+s19+$0x0], $0xffff  }
0x18d: {  	v23 =	vshra.s32 v25, $0x14;
	v21 =	vadd.f32 v26, v21  }
0x18e: {  	v34 =	vld.idx.msk [tilespmem:v29+s19+$0x0], $0xffff  }
0x18f: {  	v35 =	vld [tilespmem:s29+$0xFFFFFC10];
	v36 =	vand.u32 $0x3FF, v28;
	v21 =	vadd.f32 v32, v21  }
0x190: {  	v38 =	vshrl.u32 v28, $0xA;
	v37 =	vld.idx.msk [tilespmem:v27+s19+$0x0], $0xffff  }
0x191: {  	v27 =	vand.u32 $0x3FF, v38;
	v21 =	vadd.f32 v22, v21  }
0x192: {  	v22 =	vld.idx.msk [tilespmem:v23+s19+$0x0], $0xffff  }
0x193: {  	v23 =	vshra.s32 v28, $0x14;
	v21 =	vadd.f32 v34, v21  }
0x194: {  	v39 =	vld.idx.msk [tilespmem:v36+s19+$0x0], $0xffff  }
0x195: {  	v40 =	vand.u32 $0x3FF, v35;
	v21 =	vadd.f32 v37, v21  }
0x196: {  	v42 =	vshrl.u32 v35, $0xA;
	v41 =	vld.idx.msk [tilespmem:v27+s19+$0x0], $0xffff  }
0x197: {  	v27 =	vand.u32 $0x3FF, v42;
	v21 =	vadd.f32 v22, v21  }
0x198: {  	v22 =	vld.idx.msk [tilespmem:v23+s19+$0x0], $0xffff  }
0x199: {  	v23 =	vshra.s32 v35, $0x14;
	v21 =	vadd.f32 v39, v21  }
0x19a: {  	v43 =	vld.idx.msk [tilespmem:v40+s19+$0x0], $0xffff  }
0x19b: {  	v44 =	vand.u32 $0x3FF, v13;
	v21 =	vadd.f32 v41, v21  }
0x19c: {  	v46 =	vshrl.u32 v13, $0xA;
	v45 =	vld.idx.msk [tilespmem:v27+s19+$0x0], $0xffff  }
0x19d: {  	v27 =	vand.u32 $0x3FF, v46;
	v21 =	vadd.f32 v22, v21  }
0x19e: {  	v22 =	vld.idx.msk [tilespmem:v23+s19+$0x0], $0xffff  }
0x19f: {  	v13 =	vshra.s32 v13, $0x14;
	v21 =	vadd.f32 v43, v21  }
0x1a0: {  	v23 =	vld.idx.msk [tilespmem:v44+s19+$0x0], $0xffff  }
0x1a1: {  	v47 =	vand.u32 $0x3FF, v11;
	v21 =	vadd.f32 v45, v21  }
0x1a2: {  	v49 =	vshrl.u32 v11, $0xA;
	v48 =	vld.idx.msk [tilespmem:v27+s19+$0x0], $0xffff  }
0x1a3: {  	v26 =	vand.u32 $0x3FF, v49;
	v21 =	vadd.f32 v22, v21  }
0x1a4: {  	v13 =	vld.idx.msk [tilespmem:v13+s19+$0x0], $0xffff  }
0x1a5: {  	v11 =	vshra.s32 v11, $0x14;
	v21 =	vadd.f32 v23, v21  }
0x1a6: {  	v22 =	vld.idx.msk [tilespmem:v47+s19+$0x0], $0xffff  }
0x1a7: {  	v51 =	vshrl.u32 v10, $0xA;
	v23 =	vand.u32 $0x3FF, v10;
	v21 =	vadd.f32 v48, v21  }
0x1a8: {  	v25 =	vand.u32 $0x3FF, v51;
	v50 =	vld.idx.msk [tilespmem:v26+s19+$0x0], $0xffff  }
0x1a9: {  	v13 =	vadd.f32 v13, v21  }
0x1aa: {  	v11 =	vld.idx.msk [tilespmem:v11+s19+$0x0], $0xffff  }
0x1ab: {  	v10 =	vshra.s32 v10, $0x14;
	v13 =	vadd.f32 v22, v13  }
0x1ac: {  	v21 =	vld.idx.msk [tilespmem:v23+s19+$0x0], $0xffff  }
0x1ad: {  	v53 =	vshrl.u32 v8, $0xA;
	v52 =	vld.idx.msk [tilespmem:v25+s19+$0x0], $0xffff;
	v22 =	vand.u32 $0x3FF, v8;
	v13 =	vadd.f32 v50, v13  }
0x1ae: {  	v25 =	vand.u32 $0x3FF, v53;
	v23 =	vld [tilespmem:s29+$0xFFFFFFE0]  }
0x1af: {  	v11 =	vadd.f32 v11, v13  }
0x1b0: {  	v10 =	vld.idx.msk [tilespmem:v10+s19+$0x0], $0xffff  }
0x1b1: {  	v8 =	vshra.s32 v8, $0x14;
	v11 =	vadd.f32 v21, v11  }
0x1b2: {  	v13 =	vld.idx.msk [tilespmem:v22+s19+$0x0], $0xffff  }
0x1b3: {  	v54 =	vld.idx.msk [tilespmem:v25+s19+$0x0], $0xffff;
	v21 =	vand.u32 $0x3FF, v23;
	v11 =	vadd.f32 v52, v11  }
0x1b4: {  	v55 =	vshrl.u32 v23, $0xA;
	v22 =	vld [tilespmem:s29+$0xFFFFFFF0]  }
0x1b5: {  	v25 =	vand.u32 $0x3FF, v55;
	v10 =	vadd.f32 v10, v11  }
0x1b6: {  	v8 =	vld.idx.msk [tilespmem:v8+s19+$0x0], $0xffff  }
0x1b7: {  	v11 =	vshra.s32 v23, $0x14;
	v10 =	vadd.f32 v13, v10  }
0x1b8: {  	v13 =	vld.idx.msk [tilespmem:v21+s19+$0x0], $0xffff  }
0x1b9: {  	v23 =	vld [tilespmem:s29+$0x0];
	v21 =	vand.u32 $0x3FF, v22;
	v10 =	vadd.f32 v54, v10  }
0x1ba: {  	v56 =	vld.idx.msk [tilespmem:v25+s19+$0x0], $0xffff;
	v57 =	vshrl.u32 v22, $0xA  }
0x1bb: {  	v58 =	vld [tilespmem:s29+$0x10];
	v25 =	vand.u32 $0x3FF, v57;
	v8 =	vadd.f32 v8, v10  }
0x1bc: {  	v10 =	vld.idx.msk [tilespmem:v11+s19+$0x0], $0xffff  }
0x1bd: {  	v11 =	vld.idx.msk [tilespmem:v20+s19+$0x0], $0xffff;
	v20 =	vshra.s32 v22, $0x14;
	v8 =	vadd.f32 v13, v8  }
0x1be: {  	v21 =	vld.idx.msk [tilespmem:v21+s19+$0x0], $0xffff  }
0x1bf: {  	v19 =	vld.idx.msk [tilespmem:v19+s19+$0x0], $0xffff;
	v22 =	vand.u32 $0x3FF, v23;
	v8 =	vadd.f32 v56, v8  }
0x1c0: {  	v16 =	vadd.f32 v16, v18;
	v18 =	vand.u32 $0x3FF, v9;
	v60 =	vshrl.u32 v23, $0xA;
	v59 =	vld.idx.msk [tilespmem:v25+s19+$0x0], $0xffff  }
0x1c1: {  	v62 =	vld [tilespmem:s29+$0x20];
	v25 =	vand.u32 $0x3FF, v60;
	v8 =	vadd.f32 v10, v8  }
0x1c2: {  	v20 =	vld.idx.msk [tilespmem:v20+s19+$0x0], $0xffff  }
0x1c3: {  	v33 =	vld [tilespmem:s29+$0x30];
	v23 =	vshra.s32 v23, $0x14;
	v8 =	vadd.f32 v21, v8  }
0x1c4: {  	v21 =	vld.idx.msk [tilespmem:v22+s19+$0x0], $0xffff  }
0x1c5: {  	v18 =	vld.idx.msk [tilespmem:v18+s19+$0x0], $0xffff;
	v22 =	vand.u32 $0x3FF, v58;
	v8 =	vadd.f32 v59, v8  }
0x1c6: {  	v31 =	vshrl.u32 v58, $0xA;
	v41 =	vshrl.u32 v9, $0xA;
	v9 =	vshra.s32 v9, $0x14;
	v63 =	vld.idx.msk [tilespmem:v25+s19+$0x0], $0xffff  }
0x1c7: {  	v38 =	vld [tilespmem:s29+$0x40];
	v25 =	vand.u32 $0x3FF, v31;
	v8 =	vadd.f32 v20, v8  }
0x1c8: {  	v39 =	vand.u32 $0x3FF, v33;
	v23 =	vld.idx.msk [tilespmem:v23+s19+$0x0], $0xffff  }
0x1c9: {  	v15 =	vadd.f32 v15, v16;
	v26 =	vshra.s32 v58, $0x14;
	v46 =	vld [tilespmem:s29+$0x3E0];
	v8 =	vadd.f32 v21, v8  }
0x1ca: {  	v61 =	vshrl.u32 v14, $0xA;
	v13 =	vand.u32 $0x3FF, v14;
	v22 =	vld.idx.msk [tilespmem:v22+s19+$0x0], $0xffff  }
0x1cb: {  	v15 =	vadd.f32 v17, v15;
	v34 =	vand.u32 $0x3FF, v62;
	v9 =	vld.idx.msk [tilespmem:v9+s19+$0x0], $0xffff;
	v8 =	vadd.f32 v63, v8  }
0x1cc: {  	v36 =	vshrl.u32 v62, $0xA;
	v10 =	vand.u32 $0x3FF, v61;
	v35 =	vld.idx.msk [tilespmem:v25+s19+$0x0], $0xffff  }
0x1cd: {  	v11 =	vadd.f32 v11, v15;
	v15 =	vld.idx.msk [tilespmem:v39+s19+$0x0], $0xffff;
	v25 =	vand.u32 $0x3FF, v36;
	v8 =	vadd.f32 v23, v8  }
0x1ce: {  	v14 =	vshra.s32 v14, $0x14;
	v23 =	vld.idx.msk [tilespmem:v26+s19+$0x0], $0xffff  }
0x1cf: {  	v37 =	vshra.s32 v62, $0x14;
	v13 =	vld.idx.msk [tilespmem:v13+s19+$0x0], $0xffff;
	v8 =	vadd.f32 v22, v8  }
0x1d0: {  	v32 =	vshrl.u32 v12, $0xA;
	v20 =	vand.u32 $0x3FF, v12;
	v22 =	vld.idx.msk [tilespmem:v34+s19+$0x0], $0xffff  }
0x1d1: {  	v10 =	vld.idx.msk [tilespmem:v10+s19+$0x0], $0xffff;
	v21 =	vand.u32 $0x3FF, v32;
	v8 =	vadd.f32 v35, v8  }
0x1d2: {  	v40 =	vshrl.u32 v33, $0xA;
	v11 =	vadd.f32 v19, v11;
	v16 =	vld.idx.msk [tilespmem:v25+s19+$0x0], $0xffff  }
0x1d3: {  	v24 =	vand.u32 $0x3FF, v40;
	v14 =	vld.idx.msk [tilespmem:v14+s19+$0x0], $0xffff;
	v8 =	vadd.f32 v23, v8  }
0x1d4: {  	v12 =	vshra.s32 v12, $0x14;
	v11 =	vadd.f32 v13, v11;
	v23 =	vld.idx.msk [tilespmem:v37+s19+$0x0], $0xffff  }
0x1d5: {  	v42 =	vshra.s32 v33, $0x14;
	v20 =	vld.idx.msk [tilespmem:v20+s19+$0x0], $0xffff;
	v8 =	vadd.f32 v22, v8  }
0x1d6: {  	v17 =	vand.u32 $0x3FF, v41;
	v10 =	vadd.f32 v10, v11;
	v21 =	vld.idx.msk [tilespmem:v21+s19+$0x0], $0xffff  }
0x1d7: {  	v43 =	vand.u32 $0x3FF, v38;
	v22 =	vld [tilespmem:s29+$0x3D0];
	v8 =	vadd.f32 v16, v8  }
0x1d8: {  	v19 =	vshrl.u32 v38, $0xA;
	v13 =	vand.u32 $0x3FF, v7;
	v10 =	vadd.f32 v14, v10;
	v16 =	vld.idx.msk [tilespmem:v24+s19+$0x0], $0xffff  }
0x1d9: {  	v19 =	vand.u32 $0x3FF, v19;
	v12 =	vld.idx.msk [tilespmem:v12+s19+$0x0], $0xffff;
	v8 =	vadd.f32 v23, v8  }
0x1da: {  	v44 =	vshrl.u32 v7, $0xA;
	v7 =	vshra.s32 v7, $0x14;
	v10 =	vadd.f32 v20, v10;
	v23 =	vld.idx.msk [tilespmem:v42+s19+$0x0], $0xffff  }
0x1db: {  	v17 =	vld.idx.msk [tilespmem:v17+s19+$0x0], $0xffff;
	v45 =	vshra.s32 v38, $0x14;
	v8 =	vadd.f32 v15, v8  }
0x1dc: {  	v11 =	vand.u32 $0x3FF, v44;
	v10 =	vadd.f32 v21, v10;
	v15 =	vld.idx.msk [tilespmem:v43+s19+$0x0], $0xffff  }
0x1dd: {  	v13 =	vld.idx.msk [tilespmem:v13+s19+$0x0], $0xffff;
	v47 =	vand.u32 $0x3FF, v22;
	v8 =	vadd.f32 v16, v8  }
0x1de: {  	v14 =	vld.idx.msk [tilespmem:v19+s19+$0x0], $0xffff;
	v10 =	vadd.f32 v12, v10;
	v16 =	vshrl.u32 v22, $0xA  }
0x1df: {  	v7 =	vld.idx.msk [tilespmem:v7+s19+$0x0], $0xffff;
	v16 =	vand.u32 $0x3FF, v16;
	v8 =	vadd.f32 v23, v8  }
0x1e0: {  	v19 =	vld.idx.msk [tilespmem:v45+s19+$0x0], $0xffff;
	v10 =	vadd.f32 v18, v10;
	v20 =	vshra.s32 v22, $0x14  }
0x1e1: {  	v11 =	vld.idx.msk [tilespmem:v11+s19+$0x0], $0xffff;
	v8 =	vadd.f32 v15, v8  }
0x1e2: {  	v10 =	vadd.f32 v17, v10;
	v21 =	vld.idx.msk [tilespmem:v47+s19+$0x0], $0xffff  }
0x1e3: {  	v12 =	vshrl.u32 v46, $0xA;
	v22 =	vld [tilespmem:s29+$0x3F0];
	v23 =	vand.u32 $0x3FF, v46;
	v8 =	vadd.f32 v14, v8  }
0x1e4: {  	v12 =	vand.u32 $0x3FF, v12;
	v9 =	vadd.f32 v9, v10;
	v14 =	vld.idx.msk [tilespmem:v16+s19+$0x0], $0xffff  }
0x1e5: {  	v18 =	vld.idx.msk [tilespmem:v20+s19+$0x0], $0xffff;
	v15 =	vand.u32 $0x3FF, v6;
	v8 =	vadd.f32 v19, v8  }
0x1e6: {  	v9 =	vadd.f32 v13, v9;
	v20 =	vld [tilespmem:s29+$0x400];
	v16 =	vshrl.u32 v6, $0xA;
	v6 =	vshra.s32 v6, $0x14  }
0x1e7: {  	v19 =	vshra.s32 v46, $0x14;
	v8 =	vadd.f32 v21, v8  }
0x1e8: {  	v9 =	vadd.f32 v11, v9;
	v16 =	vand.u32 $0x3FF, v16;
	v17 =	vld.idx.msk [tilespmem:v23+s19+$0x0], $0xffff  }
0x1e9: {  	v12 =	vld.idx.msk [tilespmem:v12+s19+$0x0], $0xffff;
	v10 =	vshrl.u32 v22, $0xA;
	v21 =	vand.u32 $0x3FF, v22;
	v8 =	vadd.f32 v14, v8  }
0x1ea: {  	v10 =	vand.u32 $0x3FF, v10;
	v15 =	vld.idx.msk [tilespmem:v15+s19+$0x0], $0xffff  }
0x1eb: {  	v7 =	vadd.f32 v7, v9;
	v9 =	vshrl.u32 v20, $0xA;
	v6 =	vld.idx.msk [tilespmem:v6+s19+$0x0], $0xffff;
	v8 =	vadd.f32 v18, v8  }
0x1ec: {  	v9 =	vand.u32 $0x3FF, v9;
	v13 =	vld.idx.msk [tilespmem:v19+s19+$0x0], $0xffff  }
0x1ed: {  	v14 =	vld.idx.msk [tilespmem:v16+s19+$0x0], $0xffff;
	v19 =	vshra.s32 v22, $0x14;
	v8 =	vadd.f32 v17, v8  }
0x1ee: {  	v16 =	vand.u32 $0x3FF, v5;
	v17 =	vld.idx.msk [tilespmem:v21+s19+$0x0], $0xffff  }
0x1ef: {  	v10 =	vld.idx.msk [tilespmem:v10+s19+$0x0], $0xffff;
	v18 =	vshrl.u32 v5, $0xA;
	v21 =	vand.u32 $0x3FF, v20;
	v8 =	vadd.f32 v12, v8  }
0x1f0: {  	v11 =	vand.u32 $0x3FF, v18;
	v18 =	vld [tilespmem:s29+$0x410]  }
0x1f1: {  	v9 =	vld.idx.msk [tilespmem:v9+s19+$0x0], $0xffff;
	v8 =	vadd.f32 v13, v8  }
0x1f2: {  	v5 =	vshra.s32 v5, $0x14;
	v7 =	vadd.f32 v15, v7;
	v13 =	vld.idx.msk [tilespmem:v19+s19+$0x0], $0xffff  }
0x1f3: {  	v15 =	vshra.s32 v20, $0x14;
	v12 =	vld.idx.msk [tilespmem:v16+s19+$0x0], $0xffff;
	v8 =	vadd.f32 v17, v8  }
0x1f4: {  	v7 =	vadd.f32 v14, v7;
	v16 =	vand.u32 $0x3FF, v4;
	v14 =	vld.idx.msk [tilespmem:v21+s19+$0x0], $0xffff  }
0x1f5: {  	v11 =	vld.idx.msk [tilespmem:v11+s19+$0x0], $0xffff;
	v20 =	vand.u32 $0x3FF, v18;
	v17 =	vshrl.u32 v4, $0xA;
	v8 =	vadd.f32 v10, v8  }
0x1f6: {  	v6 =	vadd.f32 v6, v7;
	v19 =	vld [tilespmem:s29+$0x420];
	v7 =	vshrl.u32 v18, $0xA;
	v10 =	vand.u32 $0x3FF, v17  }
0x1f7: {  	v5 =	vld.idx.msk [tilespmem:v5+s19+$0x0], $0xffff;
	v7 =	vand.u32 $0x3FF, v7;
	v8 =	vadd.f32 v13, v8  }
0x1f8: {  	v4 =	vshra.s32 v4, $0x14;
	v6 =	vadd.f32 v12, v6;
	v12 =	vld.idx.msk [tilespmem:v15+s19+$0x0], $0xffff  }
0x1f9: {  	v15 =	vshra.s32 v18, $0x14;
	v13 =	vld.idx.msk [tilespmem:v16+s19+$0x0], $0xffff;
	v8 =	vadd.f32 v14, v8  }
0x1fa: {  	v6 =	vadd.f32 v11, v6;
	v11 =	vld.idx.msk [tilespmem:v20+s19+$0x0], $0xffff;
	v14 =	vand.u32 $0x3FF, v3  }
0x1fb: {  	v17 =	vand.u32 $0x3FF, v19;
	v16 =	vshrl.u32 v3, $0xA;
	v10 =	vld.idx.msk [tilespmem:v10+s19+$0x0], $0xffff;
	v8 =	vadd.f32 v9, v8  }
0x1fc: {  	v7 =	vld.idx.msk [tilespmem:v7+s19+$0x0], $0xffff;
	v5 =	vadd.f32 v5, v6;
	v6 =	vshrl.u32 v19, $0xA;
	v9 =	vand.u32 $0x3FF, v16  }
0x1fd: {  	v4 =	vld.idx.msk [tilespmem:v4+s19+$0x0], $0xffff;
	v6 =	vand.u32 $0x3FF, v6;
	v8 =	vadd.f32 v12, v8  }
0x1fe: {  	v3 =	vshra.s32 v3, $0x14;
	v5 =	vadd.f32 v13, v5;
	v12 =	vld.idx.msk [tilespmem:v15+s19+$0x0], $0xffff  }
0x1ff: {  	v13 =	vld.idx.msk [tilespmem:v14+s19+$0x0], $0xffff;
	v14 =	vshra.s32 v19, $0x14;
	v8 =	vadd.f32 v11, v8  }
0x200: {  	v5 =	vadd.f32 v10, v5;
	v10 =	vld.idx.msk [tilespmem:v17+s19+$0x0], $0xffff  }
0x201: {  	v9 =	vld.idx.msk [tilespmem:v9+s19+$0x0], $0xffff;
	v7 =	vadd.f32 v7, v8  }
0x202: {  	v4 =	vadd.f32 v4, v5;
	v5 =	vld.idx.msk [tilespmem:v6+s19+$0x0], $0xffff  }
0x203: {  	v3 =	vld.idx.msk [tilespmem:v3+s19+$0x0], $0xffff;
	v6 =	vadd.f32 v12, v7  }
0x204: {  	v4 =	vadd.f32 v13, v4;
	v7 =	vld.idx.msk [tilespmem:v14+s19+$0x0], $0xffff  }
0x205: {  	v6 =	vadd.f32 v10, v6  }
0x206: {  	v4 =	vadd.f32 v9, v4  }
0x207: {  	v5 =	vadd.f32 v5, v6  }
0x208: {  	v3 =	vadd.f32 v3, v4  }
0x209: {  	v4 =	vadd.f32 v7, v5  }
0x20a: {  	(xrf2) =	vadd.scan.msk.f32 $0xffff, v3  }
0x20b: {  	(xrf2) =	vadd.scan.msk.f32 $0xffff, v4;
	_ =	sdelay $0x8  }
0x20c: {  	v3, _, _ =	vpop (xrf2)  }
0x20d: {  	(v2sf) =	vpush v3, $0xF;
	v3, _, _ =	vpop (xrf2)  }
0x20e: {  	(v2sf) =	vpush v3, $0xF;
	_ =	sdelay $0xd  }
0x20f: {  	s31 =	spop (v2sf)  }
0x210: {  	s30 =	spop (v2sf)  }
0x211: {  	_ =	swait.ge [sflag:s20], $0xC00  }
0x212: {  	[sflag:s20] =	ssyncset.done $0x0  }
0x213: {  	s29 =	simm.s32 $0x1080;
	[sflag:s20] =	ssyncadd.s32 $0xFFFFF400  }
0x214: {  	v3 =	vld [tilespmem:s29+$0x0];
	_ =	sdelay $0x4  }
0x215: {  	v4 =	vand.u32 $0x3FF, v3  }
0x216: {  	v5 =	vld [tilespmem:s29+$0x10];
	v6 =	vshrl.u32 v3, $0xA  }
0x217: {  	v6 =	vand.u32 $0x3FF, v6;
	_ =	sdelay $0x1  }
0x218: {  	v3 =	vshra.s32 v3, $0x14  }
0x219: {  	v4 =	vld.idx.msk [tilespmem:v4+s19+$0x0], $0xffff  }
0x21a: {  	v7 =	vld [tilespmem:s29+$0x20];
	v8 =	vand.u32 $0x3FF, v5  }
0x21b: {  	v9 =	vshrl.u32 v5, $0xA;
	v6 =	vld.idx.msk [tilespmem:v6+s19+$0x0], $0xffff  }
0x21c: {  	v9 =	vand.u32 $0x3FF, v9  }
0x21d: {  	v3 =	vld.idx.msk [tilespmem:v3+s19+$0x0], $0xffff  }
0x21e: {  	v5 =	vshra.s32 v5, $0x14;
	v4 =	vadd.f32 $0.0e+00, v4  }
0x21f: {  	v8 =	vld.idx.msk [tilespmem:v8+s19+$0x0], $0xffff  }
0x220: {  	v10 =	vld [tilespmem:s29+$0x30];
	v11 =	vand.u32 $0x3FF, v7;
	v4 =	vadd.f32 v6, v4  }
0x221: {  	v6 =	vld.idx.msk [tilespmem:v9+s19+$0x0], $0xffff;
	v9 =	vshrl.u32 v7, $0xA  }
0x222: {  	v9 =	vand.u32 $0x3FF, v9;
	v3 =	vadd.f32 v3, v4  }
0x223: {  	v4 =	vld.idx.msk [tilespmem:v5+s19+$0x0], $0xffff  }
0x224: {  	v5 =	vshra.s32 v7, $0x14;
	v3 =	vadd.f32 v8, v3  }
0x225: {  	v7 =	vld.idx.msk [tilespmem:v11+s19+$0x0], $0xffff  }
0x226: {  	v11 =	vand.u32 $0x3FF, v10;
	v8 =	vld [tilespmem:s29+$0x40];
	v3 =	vadd.f32 v6, v3  }
0x227: {  	v6 =	vld.idx.msk [tilespmem:v9+s19+$0x0], $0xffff;
	v9 =	vshrl.u32 v10, $0xA  }
0x228: {  	v9 =	vand.u32 $0x3FF, v9;
	v3 =	vadd.f32 v4, v3  }
0x229: {  	v4 =	vld.idx.msk [tilespmem:v5+s19+$0x0], $0xffff  }
0x22a: {  	v5 =	vshra.s32 v10, $0x14;
	v3 =	vadd.f32 v7, v3  }
0x22b: {  	v7 =	vld.idx.msk [tilespmem:v11+s19+$0x0], $0xffff  }
0x22c: {  	v10 =	vld [tilespmem:s29+$0x50];
	v11 =	vand.u32 $0x3FF, v8;
	v3 =	vadd.f32 v6, v3  }
0x22d: {  	v6 =	vld.idx.msk [tilespmem:v9+s19+$0x0], $0xffff;
	v9 =	vshrl.u32 v8, $0xA  }
0x22e: {  	v9 =	vand.u32 $0x3FF, v9;
	v3 =	vadd.f32 v4, v3  }
0x22f: {  	v4 =	vld.idx.msk [tilespmem:v5+s19+$0x0], $0xffff  }
0x230: {  	v5 =	vshra.s32 v8, $0x14;
	v3 =	vadd.f32 v7, v3  }
0x231: {  	v7 =	vld.idx.msk [tilespmem:v11+s19+$0x0], $0xffff  }
0x232: {  	v8 =	vld [tilespmem:s29+$0x60];
	v11 =	vand.u32 $0x3FF, v10;
	v3 =	vadd.f32 v6, v3  }
0x233: {  	v6 =	vld.idx.msk [tilespmem:v9+s19+$0x0], $0xffff;
	v9 =	vshrl.u32 v10, $0xA  }
0x234: {  	v9 =	vand.u32 $0x3FF, v9;
	v3 =	vadd.f32 v4, v3  }
0x235: {  	v4 =	vld.idx.msk [tilespmem:v5+s19+$0x0], $0xffff  }
0x236: {  	v10 =	vshra.s32 v10, $0x14;
	v3 =	vadd.f32 v7, v3  }
0x237: {  	v7 =	vld.idx.msk [tilespmem:v11+s19+$0x0], $0xffff  }
0x238: {  	v5 =	vld [tilespmem:s29+$0x70];
	v11 =	vand.u32 $0x3FF, v8;
	v3 =	vadd.f32 v6, v3  }
0x239: {  	v6 =	vld.idx.msk [tilespmem:v9+s19+$0x0], $0xffff;
	v9 =	vshrl.u32 v8, $0xA  }
0x23a: {  	v9 =	vand.u32 $0x3FF, v9;
	v3 =	vadd.f32 v4, v3  }
0x23b: {  	v4 =	vld.idx.msk [tilespmem:v10+s19+$0x0], $0xffff  }
0x23c: {  	v17 =	vld [tilespmem:s29+$0x440];
	v8 =	vshra.s32 v8, $0x14;
	v3 =	vadd.f32 v7, v3  }
0x23d: {  	v11 =	vld.idx.msk [tilespmem:v11+s19+$0x0], $0xffff  }
0x23e: {  	v10 =	vld [tilespmem:s29+$0x400];
	v7 =	vand.u32 $0x3FF, v5;
	v3 =	vadd.f32 v6, v3  }
0x23f: {  	v12 =	vshrl.u32 v5, $0xA;
	v9 =	vld.idx.msk [tilespmem:v9+s19+$0x0], $0xffff  }
0x240: {  	v19 =	vld [tilespmem:s29+$0x450];
	v6 =	vand.u32 $0x3FF, v12;
	v3 =	vadd.f32 v4, v3  }
0x241: {  	v8 =	vld.idx.msk [tilespmem:v8+s19+$0x0], $0xffff  }
0x242: {  	v20 =	vshrl.u32 v17, $0xA;
	v4 =	vshra.s32 v5, $0x14;
	v3 =	vadd.f32 v11, v3  }
0x243: {  	v20 =	vand.u32 $0x3FF, v20;
	v7 =	vld.idx.msk [tilespmem:v7+s19+$0x0], $0xffff  }
0x244: {  	v12 =	vld [tilespmem:s29+$0x410];
	v5 =	vshrl.u32 v10, $0xA;
	v11 =	vand.u32 $0x3FF, v10;
	v9 =	vadd.f32 v9, v3  }
0x245: {  	v13 =	vand.u32 $0x3FF, v5;
	v6 =	vld.idx.msk [tilespmem:v6+s19+$0x0], $0xffff  }
0x246: {  	v22 =	vshrl.u32 v19, $0xA;
	v8 =	vadd.f32 v8, v9  }
0x247: {  	v22 =	vand.u32 $0x3FF, v22;
	v4 =	vld.idx.msk [tilespmem:v4+s19+$0x0], $0xffff  }
0x248: {  	v20 =	vld.idx.msk [tilespmem:v20+s19+$0x0], $0xffff;
	v9 =	vshra.s32 v10, $0x14;
	v7 =	vadd.f32 v7, v8  }
0x249: {  	v10 =	vld.idx.msk [tilespmem:v11+s19+$0x0], $0xffff  }
0x24a: {  	v14 =	vshrl.u32 v12, $0xA;
	v13 =	vld.idx.msk [tilespmem:v13+s19+$0x0], $0xffff;
	v8 =	vand.u32 $0x3FF, v12;
	v6 =	vadd.f32 v6, v7  }
0x24b: {  	v14 =	vand.u32 $0x3FF, v14;
	v11 =	vld [tilespmem:s29+$0x420]  }
0x24c: {  	v22 =	vld.idx.msk [tilespmem:v22+s19+$0x0], $0xffff;
	v4 =	vadd.f32 v4, v6  }
0x24d: {  	v15 =	vld.idx.msk [tilespmem:v9+s19+$0x0], $0xffff  }
0x24e: {  	v5 =	vld [tilespmem:s29+$0x840];
	v6 =	vshra.s32 v12, $0x14;
	v4 =	vadd.f32 v10, v4  }
0x24f: {  	v8 =	vld.idx.msk [tilespmem:v8+s19+$0x0], $0xffff  }
0x250: {  	v14 =	vld.idx.msk [tilespmem:v14+s19+$0x0], $0xffff;
	v10 =	vand.u32 $0x3FF, v11;
	v4 =	vadd.f32 v13, v4  }
0x251: {  	v12 =	vld [tilespmem:s29+$0x430];
	v16 =	vshrl.u32 v11, $0xA  }
0x252: {  	v3 =	vld [tilespmem:s29+$0x850];
	v13 =	vand.u32 $0x3FF, v16;
	v4 =	vadd.f32 v15, v4  }
0x253: {  	v6 =	vld.idx.msk [tilespmem:v6+s19+$0x0], $0xffff  }
0x254: {  	v7 =	vld [tilespmem:s29+$0x830];
	v11 =	vshra.s32 v11, $0x14;
	v4 =	vadd.f32 v8, v4  }
0x255: {  	v10 =	vld.idx.msk [tilespmem:v10+s19+$0x0], $0xffff  }
0x256: {  	v9 =	vld [tilespmem:s29+$0x820];
	v8 =	vand.u32 $0x3FF, v12;
	v4 =	vadd.f32 v14, v4  }
0x257: {  	v18 =	vshrl.u32 v12, $0xA;
	v13 =	vld.idx.msk [tilespmem:v13+s19+$0x0], $0xffff  }
0x258: {  	v16 =	vld [tilespmem:s29+$0x810];
	v14 =	vand.u32 $0x3FF, v18;
	v4 =	vadd.f32 v6, v4  }
0x259: {  	v11 =	vld.idx.msk [tilespmem:v11+s19+$0x0], $0xffff  }
0x25a: {  	v15 =	vld [tilespmem:s29+$0x800];
	v6 =	vshra.s32 v12, $0x14;
	v4 =	vadd.f32 v10, v4  }
0x25b: {  	v8 =	vld.idx.msk [tilespmem:v8+s19+$0x0], $0xffff  }
0x25c: {  	v18 =	vld [tilespmem:s29+$0x470];
	v10 =	vand.u32 $0x3FF, v17;
	v13 =	vadd.f32 v13, v4  }
0x25d: {  	v14 =	vld.idx.msk [tilespmem:v14+s19+$0x0], $0xffff  }
0x25e: {  	v12 =	vld [tilespmem:s29+$0x460];
	v11 =	vadd.f32 v11, v13  }
0x25f: {  	v55 =	vand.u32 $0x3FF, v15;
	s29 =	simm.s32 $0x1100;
	v21 =	vld.idx.msk [tilespmem:v6+s19+$0x0], $0xffff  }
0x260: {  	v49 =	vld [tilespmem:s29+$0x10];
	v13 =	vshra.s32 v17, $0x14;
	v11 =	vadd.f32 v8, v11  }
0x261: {  	v17 =	vand.u32 $0x3FF, v19;
	v10 =	vld.idx.msk [tilespmem:v10+s19+$0x0], $0xffff  }
0x262: {  	v52 =	vld [tilespmem:s29+$0x20];
	v11 =	vadd.f32 v14, v11  }
0x263: {  	v56 =	vshrl.u32 v15, $0xA;
	v15 =	vshra.s32 v15, $0x14;
	v4 =	vld [tilespmem:s29+$0x400]  }
0x264: {  	v58 =	vld.idx.msk [tilespmem:v55+s19+$0x0], $0xffff;
	v11 =	vadd.f32 v21, v11  }
0x265: {  	v13 =	vld.idx.msk [tilespmem:v13+s19+$0x0], $0xffff  }
0x266: {  	v19 =	vshra.s32 v19, $0x14;
	v17 =	vld.idx.msk [tilespmem:v17+s19+$0x0], $0xffff;
	v10 =	vadd.f32 v10, v11  }
0x267: {  	v51 =	vand.u32 $0x3FF, v18;
	v21 =	vld [tilespmem:s29+$0x0]  }
0x268: {  	v15 =	vld.idx.msk [tilespmem:v15+s19+$0x0], $0xffff;
	v23 =	vand.u32 $0x3FF, v12;
	v10 =	vadd.f32 v20, v10  }
0x269: {  	v53 =	vshrl.u32 v18, $0xA;
	v18 =	vshra.s32 v18, $0x14;
	v6 =	vld [tilespmem:s29+$0x70];
	v48 =	vshrl.u32 v12, $0xA  }
0x26a: {  	v24 =	vand.u32 $0x3FF, v48;
	v8 =	vld [tilespmem:s29+$0x60];
	v10 =	vadd.f32 v13, v10  }
0x26b: {  	v12 =	vshra.s32 v12, $0x14;
	v19 =	vld.idx.msk [tilespmem:v19+s19+$0x0], $0xffff  }
0x26c: {  	v27 =	vld.idx.msk [tilespmem:v51+s19+$0x0], $0xffff;
	v13 =	vand.u32 $0x3FF, v21;
	v10 =	vadd.f32 v17, v10  }
0x26d: {  	v23 =	vld.idx.msk [tilespmem:v23+s19+$0x0], $0xffff;
	v50 =	vshrl.u32 v21, $0xA  }
0x26e: {  	v18 =	vld.idx.msk [tilespmem:v18+s19+$0x0], $0xffff;
	v17 =	vand.u32 $0x3FF, v50;
	v10 =	vadd.f32 v22, v10  }
0x26f: {  	v24 =	vld.idx.msk [tilespmem:v24+s19+$0x0], $0xffff;
	v21 =	vshra.s32 v21, $0x14  }
0x270: {  	v12 =	vld.idx.msk [tilespmem:v12+s19+$0x0], $0xffff;
	v22 =	vand.u32 $0x3FF, v53;
	v10 =	vadd.f32 v19, v10  }
0x271: {  	v13 =	vld.idx.msk [tilespmem:v13+s19+$0x0], $0xffff  }
0x272: {  	v54 =	vshrl.u32 v49, $0xA;
	v14 =	vld [tilespmem:s29+$0x50];
	v19 =	vand.u32 $0x3FF, v49;
	v10 =	vadd.f32 v23, v10  }
0x273: {  	v17 =	vld.idx.msk [tilespmem:v17+s19+$0x0], $0xffff;
	v23 =	vand.u32 $0x3FF, v54  }
0x274: {  	v25 =	vshra.s32 v49, $0x14;
	v21 =	vld.idx.msk [tilespmem:v21+s19+$0x0], $0xffff;
	v10 =	vadd.f32 v24, v10  }
0x275: {  	v26 =	vshra.s32 v52, $0x14;
	v22 =	vld.idx.msk [tilespmem:v22+s19+$0x0], $0xffff  }
0x276: {  	v57 =	vand.u32 $0x3FF, v56;
	v20 =	vld [tilespmem:s29+$0x30];
	v13 =	vadd.f32 $0.0e+00, v13;
	v10 =	vadd.f32 v12, v10  }
0x277: {  	v19 =	vld.idx.msk [tilespmem:v19+s19+$0x0], $0xffff;
	v12 =	vand.u32 $0x3FF, v52  }
0x278: {  	v13 =	vadd.f32 v17, v13;
	v17 =	vld.idx.msk [tilespmem:v23+s19+$0x0], $0xffff;
	v23 =	vshrl.u32 v52, $0xA;
	v10 =	vadd.f32 v27, v10  }
0x279: {  	v25 =	vld.idx.msk [tilespmem:v25+s19+$0x0], $0xffff;
	v23 =	vand.u32 $0x3FF, v23  }
0x27a: {  	v59 =	vand.u32 $0x3FF, v16;
	v26 =	vld.idx.msk [tilespmem:v26+s19+$0x0], $0xffff;
	v13 =	vadd.f32 v21, v13;
	v10 =	vadd.f32 v22, v10  }
0x27b: {  	v24 =	vld.idx.msk [tilespmem:v57+s19+$0x0], $0xffff;
	v21 =	vshrl.u32 v16, $0xA;
	v16 =	vshra.s32 v16, $0x14  }
0x27c: {  	v11 =	vld [tilespmem:s29+$0x40];
	v21 =	vand.u32 $0x3FF, v21;
	v13 =	vadd.f32 v19, v13;
	v10 =	vadd.f32 v18, v10  }
0x27d: {  	v22 =	vand.u32 $0x3FF, v9;
	v12 =	vld.idx.msk [tilespmem:v12+s19+$0x0], $0xffff;
	v18 =	vand.u32 $0x3FF, v20  }
0x27e: {  	v13 =	vadd.f32 v17, v13;
	v17 =	vld.idx.msk [tilespmem:v23+s19+$0x0], $0xffff;
	v23 =	vshrl.u32 v20, $0xA;
	v10 =	vadd.f32 v58, v10  }
0x27f: {  	v19 =	vld.idx.msk [tilespmem:v59+s19+$0x0], $0xffff;
	v23 =	vand.u32 $0x3FF, v23  }
0x280: {  	v20 =	vshra.s32 v20, $0x14;
	v16 =	vld.idx.msk [tilespmem:v16+s19+$0x0], $0xffff;
	v13 =	vadd.f32 v25, v13;
	v10 =	vadd.f32 v24, v10  }
0x281: {  	v60 =	vshrl.u32 v9, $0xA;
	v9 =	vshra.s32 v9, $0x14;
	v21 =	vld.idx.msk [tilespmem:v21+s19+$0x0], $0xffff  }
0x282: {  	v61 =	vand.u32 $0x3FF, v60;
	v12 =	vadd.f32 v12, v13;
	v13 =	vld.idx.msk [tilespmem:v18+s19+$0x0], $0xffff;
	v10 =	vadd.f32 v15, v10  }
0x283: {  	v18 =	vld.idx.msk [tilespmem:v22+s19+$0x0], $0xffff;
	v22 =	vand.u32 $0x3FF, v7;
	v15 =	vand.u32 $0x3FF, v11  }
0x284: {  	v12 =	vadd.f32 v17, v12;
	v17 =	vld.idx.msk [tilespmem:v23+s19+$0x0], $0xffff;
	v23 =	vshrl.u32 v11, $0xA;
	v10 =	vadd.f32 v19, v10  }
0x285: {  	v19 =	vld.idx.msk [tilespmem:v20+s19+$0x0], $0xffff;
	v20 =	vand.u32 $0x3FF, v23  }
0x286: {  	v9 =	vld.idx.msk [tilespmem:v9+s19+$0x0], $0xffff;
	v11 =	vshra.s32 v11, $0x14;
	v12 =	vadd.f32 v26, v12;
	v10 =	vadd.f32 v21, v10  }
0x287: {  	v24 =	vld.idx.msk [tilespmem:v61+s19+$0x0], $0xffff;
	v23 =	vshrl.u32 v7, $0xA;
	v7 =	vshra.s32 v7, $0x14  }
0x288: {  	v21 =	vand.u32 $0x3FF, v23;
	v12 =	vadd.f32 v13, v12;
	v13 =	vld.idx.msk [tilespmem:v15+s19+$0x0], $0xffff;
	v10 =	vadd.f32 v16, v10  }
0x289: {  	v15 =	vand.u32 $0x3FF, v14;
	v16 =	vld.idx.msk [tilespmem:v22+s19+$0x0], $0xffff;
	v22 =	vand.u32 $0x3FF, v5  }
0x28a: {  	v12 =	vadd.f32 v17, v12;
	v17 =	vld.idx.msk [tilespmem:v20+s19+$0x0], $0xffff;
	v20 =	vshrl.u32 v14, $0xA;
	v10 =	vadd.f32 v18, v10  }
0x28b: {  	v11 =	vld.idx.msk [tilespmem:v11+s19+$0x0], $0xffff;
	v18 =	vand.u32 $0x3FF, v20  }
0x28c: {  	v14 =	vshra.s32 v14, $0x14;
	v7 =	vld.idx.msk [tilespmem:v7+s19+$0x0], $0xffff;
	v12 =	vadd.f32 v19, v12;
	v10 =	vadd.f32 v24, v10  }
0x28d: {  	v20 =	vshrl.u32 v5, $0xA;
	v5 =	vshra.s32 v5, $0x14;
	v19 =	vld.idx.msk [tilespmem:v21+s19+$0x0], $0xffff  }
0x28e: {  	v20 =	vand.u32 $0x3FF, v20;
	v12 =	vadd.f32 v13, v12;
	v13 =	vld.idx.msk [tilespmem:v15+s19+$0x0], $0xffff;
	v9 =	vadd.f32 v9, v10  }
0x28f: {  	v21 =	vand.u32 $0x3FF, v3;
	v15 =	vld.idx.msk [tilespmem:v22+s19+$0x0], $0xffff;
	v10 =	vand.u32 $0x3FF, v8  }
0x290: {  	v12 =	vadd.f32 v17, v12;
	v17 =	vld.idx.msk [tilespmem:v18+s19+$0x0], $0xffff;
	v18 =	vshrl.u32 v8, $0xA;
	v9 =	vadd.f32 v16, v9  }
0x291: {  	v14 =	vld.idx.msk [tilespmem:v14+s19+$0x0], $0xffff;
	v8 =	vshra.s32 v8, $0x14;
	v16 =	vand.u32 $0x3FF, v18  }
0x292: {  	v5 =	vld.idx.msk [tilespmem:v5+s19+$0x0], $0xffff;
	v18 =	vshrl.u32 v3, $0xA;
	v11 =	vadd.f32 v11, v12;
	v9 =	vadd.f32 v19, v9  }
0x293: {  	v12 =	vld.idx.msk [tilespmem:v20+s19+$0x0], $0xffff;
	v18 =	vand.u32 $0x3FF, v18  }
0x294: {  	v11 =	vadd.f32 v13, v11;
	v13 =	vld.idx.msk [tilespmem:v21+s19+$0x0], $0xffff;
	v7 =	vadd.f32 v7, v9  }
0x295: {  	v3 =	vshra.s32 v3, $0x14;
	v10 =	vld.idx.msk [tilespmem:v10+s19+$0x0], $0xffff  }
0x296: {  	v9 =	vand.u32 $0x3FF, v6;
	v11 =	vadd.f32 v17, v11;
	v8 =	vld.idx.msk [tilespmem:v8+s19+$0x0], $0xffff;
	v7 =	vadd.f32 v15, v7  }
0x297: {  	v17 =	vshrl.u32 v6, $0xA;
	v16 =	vld.idx.msk [tilespmem:v16+s19+$0x0], $0xffff  }
0x298: {  	v15 =	vand.u32 $0x3FF, v17;
	v11 =	vadd.f32 v14, v11;
	v14 =	vld.idx.msk [tilespmem:v18+s19+$0x0], $0xffff;
	v7 =	vadd.f32 v12, v7  }
0x299: {  	v6 =	vshra.s32 v6, $0x14;
	v18 =	vld [tilespmem:s29+$0x440]  }
0x29a: {  	v12 =	vld.idx.msk [tilespmem:v3+s19+$0x0], $0xffff;
	v3 =	vadd.f32 v10, v11;
	v5 =	vadd.f32 v5, v7  }
0x29b: {  	v9 =	vld.idx.msk [tilespmem:v9+s19+$0x0], $0xffff  }
0x29c: {  	v10 =	vld [tilespmem:s29+$0x410];
	v7 =	vand.u32 $0x3FF, v4;
	v11 =	vadd.f32 v16, v3;
	v5 =	vadd.f32 v13, v5  }
0x29d: {  	v3 =	vshrl.u32 v4, $0xA;
	v15 =	vld.idx.msk [tilespmem:v15+s19+$0x0], $0xffff  }
0x29e: {  	v6 =	vld.idx.msk [tilespmem:v6+s19+$0x0], $0xffff;
	v13 =	vand.u32 $0x3FF, v3;
	v8 =	vadd.f32 v8, v11;
	v5 =	vadd.f32 v14, v5  }
0x29f: {  	v16 =	vld [tilespmem:s29+$0x430]  }
0x2a0: {  	v3 =	vld [tilespmem:s29+$0x850];
	v11 =	vshra.s32 v4, $0x14;
	v8 =	vadd.f32 v9, v8;
	v5 =	vadd.f32 v12, v5  }
0x2a1: {  	v7 =	vld.idx.msk [tilespmem:v7+s19+$0x0], $0xffff  }
0x2a2: {  	v9 =	vand.u32 $0x3FF, v10;
	v12 =	vld [tilespmem:s29+$0x420];
	v8 =	vadd.f32 v15, v8;
	(xrf2) =	vadd.scan.msk.f32 $0xffff, v5  }
0x2a3: {  	v14 =	vshrl.u32 v10, $0xA;
	v13 =	vld.idx.msk [tilespmem:v13+s19+$0x0], $0xffff  }
0x2a4: {  	v4 =	vld [tilespmem:s29+$0x840];
	v14 =	vand.u32 $0x3FF, v14;
	v8 =	vadd.f32 v6, v8  }
0x2a5: {  	v10 =	vshra.s32 v10, $0x14;
	v11 =	vld.idx.msk [tilespmem:v11+s19+$0x0], $0xffff  }
0x2a6: {  	v5 =	vld [tilespmem:s29+$0x830];
	v7 =	vadd.f32 v7, v8  }
0x2a7: {  	v8 =	vld.idx.msk [tilespmem:v9+s19+$0x0], $0xffff  }
0x2a8: {  	v6 =	vld [tilespmem:s29+$0x820];
	v15 =	vand.u32 $0x3FF, v12;
	v9 =	vadd.f32 v13, v7;
	v7 =	vshrl.u32 v12, $0xA  }
0x2a9: {  	v13 =	vld.idx.msk [tilespmem:v14+s19+$0x0], $0xffff;
	v14 =	vand.u32 $0x3FF, v7  }
0x2aa: {  	v10 =	vld.idx.msk [tilespmem:v10+s19+$0x0], $0xffff;
	v11 =	vadd.f32 v11, v9  }
0x2ab: {  	v7 =	vld [tilespmem:s29+$0x810]  }
0x2ac: {  	v17 =	vshra.s32 v12, $0x14;
	v9 =	vld [tilespmem:s29+$0x800];
	v8 =	vadd.f32 v8, v11;
	v12, _, _ =	vpop (xrf2)  }
0x2ad: {  	v11 =	vld.idx.msk [tilespmem:v15+s19+$0x0], $0xffff;
	v15 =	vand.u32 $0x3FF, v16;
	(v2sf) =	vpush v12, $0xF  }
0x2ae: {  	v8 =	vadd.f32 v13, v8;
	v13 =	vld.idx.msk [tilespmem:v14+s19+$0x0], $0xffff  }
0x2af: {  	v14 =	vld [tilespmem:s29+$0x460];
	v12 =	vshrl.u32 v16, $0xA  }
0x2b0: {  	v19 =	vand.u32 $0x3FF, v12;
	v12 =	vld [tilespmem:s29+$0x470];
	v8 =	vadd.f32 v10, v8  }
0x2b1: {  	v16 =	vshra.s32 v16, $0x14;
	v10 =	vld.idx.msk [tilespmem:v17+s19+$0x0], $0xffff  }
0x2b2: {  	v8 =	vadd.f32 v11, v8;
	v11 =	vld.idx.msk [tilespmem:v15+s19+$0x0], $0xffff;
	v15 =	vand.u32 $0x3FF, v18  }
0x2b3: {  	v20 =	vshrl.u32 v18, $0xA;
	v17 =	vld [tilespmem:s29+$0x450];
	s29 =	simm.s32 $0x1180  }
0x2b4: {  	v20 =	vand.u32 $0x3FF, v20;
	v21 =	vld [tilespmem:s29+$0x0];
	v13 =	vadd.f32 v13, v8  }
0x2b5: {  	v19 =	vld.idx.msk [tilespmem:v19+s19+$0x0], $0xffff  }
0x2b6: {  	v16 =	vld.idx.msk [tilespmem:v16+s19+$0x0], $0xffff;
	v13 =	vadd.f32 v10, v13  }
0x2b7: {  	v2 =	vsel vm0, s28, v2;
	s31 =	smul.f32 $1.464843810e-04, s31;
	v22 =	vld.idx.msk [tilespmem:v15+s19+$0x0], $0xffff;
	v15 =	vmov s26  }
0x2b8: {  	v18 =	vshra.s32 v18, $0x14;
	v8 =	vld [tilespmem:s29+$0x400];
	v13 =	vadd.f32 v11, v13;
	vm0 =	veq.s32 v15, v0  }
0x2b9: {  	v23 =	vand.u32 $0x3FF, v17;
	v15 =	vld.idx.msk [tilespmem:v20+s19+$0x0], $0xffff;
	v20 =	vmov s25;
	v2 =	vsel vm0, s31, v2  }
0x2ba: {  	v10 =	vld [tilespmem:s29+$0x70];
	vm0 =	veq.s32 v20, v0;
	v20 =	vshrl.u32 v17, $0xA;
	v19 =	vadd.f32 v19, v13  }
0x2bb: {  	v11 =	vld [tilespmem:s29+$0x60];
	v20 =	vand.u32 $0x3FF, v20  }
0x2bc: {  	s28 =	simm.s32 $0x8;
	s31 =	smul.f32 $1.464843810e-04, s30;
	v13 =	vld [tilespmem:s29+$0x50];
	v62 =	vadd.f32 v16, v19;
	s30 =	spop (v2sf)  }
0x2bd: {  	v63 =	vmov s28;
	v16 =	vld.idx.msk [tilespmem:v18+s19+$0x0], $0xffff;
	v19 =	vshra.s32 v17, $0x14;
	s28 =	smul.f32 $1.464843810e-04, s30  }
0x2be: {  	s26 =	simm.s32 $0xA;
	s25 =	simm.s32 $0x9;
	v2 =	vsel vm0, s31, v2;
	vm0 =	veq.s32 v63, v0;
	v17 =	vld.idx.msk [tilespmem:v23+s19+$0x0], $0xffff;
	v18 =	vadd.f32 v22, v62;
	s30 =	simm.s32 $0xB  }
.LBB2_6:
0x2bf: {  	p0 =	sne.s32 s30, $0xF;
	v22 =	vld [tilespmem:s29+$0x40];
	v23 =	vand.u32 $0x3FF, v14;
	v2 =	vsel vm0, s28, v2  }
0x2c0: {  	v15 =	vadd.f32 v15, v18;
	v18 =	vld.idx.msk [tilespmem:v20+s19+$0x0], $0xffff;
	v20 =	vshrl.u32 v14, $0xA  }
0x2c1: {  	v24 =	vld [tilespmem:s29+$0x30];
	v20 =	vand.u32 $0x3FF, v20  }
0x2c2: {  	v14 =	vshra.s32 v14, $0x14;
	v15 =	vadd.f32 v16, v15;
	v16 =	vld.idx.msk [tilespmem:v19+s19+$0x0], $0xffff  }
0x2c3: {  	v19 =	vand.u32 $0x3FF, v21;
	v25 =	vld [tilespmem:s29+$0x10]  }
0x2c4: {  	v26 =	vshrl.u32 v21, $0xA;
	v15 =	vadd.f32 v17, v15;
	v17 =	vld.idx.msk [tilespmem:v23+s19+$0x0], $0xffff;
	v23 =	vand.u32 $0x3FF, v12  }
0x2c5: {  	v26 =	vand.u32 $0x3FF, v26;
	v27 =	vld [tilespmem:s29+$0x20]  }
0x2c6: {  	v21 =	vshra.s32 v21, $0x14;
	v15 =	vadd.f32 v18, v15;
	v18 =	vld.idx.msk [tilespmem:v20+s19+$0x0], $0xffff;
	v20 =	vshrl.u32 v12, $0xA  }
0x2c7: {  	v14 =	vld.idx.msk [tilespmem:v14+s19+$0x0], $0xffff;
	v20 =	vand.u32 $0x3FF, v20  }
0x2c8: {  	v12 =	vshra.s32 v12, $0x14;
	v19 =	vld.idx.msk [tilespmem:v19+s19+$0x0], $0xffff;
	v15 =	vadd.f32 v16, v15  }
0x2c9: {  	v16 =	vand.u32 $0x3FF, v25;
	v23 =	vld.idx.msk [tilespmem:v23+s19+$0x0], $0xffff  }
0x2ca: {  	v28 =	vshrl.u32 v25, $0xA;
	v26 =	vld.idx.msk [tilespmem:v26+s19+$0x0], $0xffff;
	v15 =	vadd.f32 v17, v15;
	v17 =	vand.u32 $0x3FF, v9  }
0x2cb: {  	v28 =	vand.u32 $0x3FF, v28;
	v21 =	vld.idx.msk [tilespmem:v21+s19+$0x0], $0xffff  }
0x2cc: {  	v25 =	vshra.s32 v25, $0x14;
	v15 =	vadd.f32 v18, v15;
	v18 =	vld.idx.msk [tilespmem:v20+s19+$0x0], $0xffff;
	v20 =	vshrl.u32 v9, $0xA  }
0x2cd: {  	v12 =	vld.idx.msk [tilespmem:v12+s19+$0x0], $0xffff;
	v20 =	vand.u32 $0x3FF, v20  }
0x2ce: {  	v9 =	vshra.s32 v9, $0x14;
	v19 =	vadd.f32 $0.0e+00, v19;
	v16 =	vld.idx.msk [tilespmem:v16+s19+$0x0], $0xffff;
	v14 =	vadd.f32 v14, v15  }
0x2cf: {  	v29 =	vand.u32 $0x3FF, v7;
	v15 =	vand.u32 $0x3FF, v27;
	v17 =	vld.idx.msk [tilespmem:v17+s19+$0x0], $0xffff  }
0x2d0: {  	v19 =	vadd.f32 v26, v19;
	v26 =	vld.idx.msk [tilespmem:v28+s19+$0x0], $0xffff;
	v28 =	vshrl.u32 v27, $0xA;
	v14 =	vadd.f32 v23, v14  }
0x2d1: {  	v23 =	vld.idx.msk [tilespmem:v25+s19+$0x0], $0xffff;
	v25 =	vand.u32 $0x3FF, v28;
	v28 =	vshrl.u32 v7, $0xA  }
0x2d2: {  	v19 =	vadd.f32 v21, v19;
	v21 =	vshra.s32 v27, $0x14;
	v14 =	vadd.f32 v18, v14;
	v18 =	vld.idx.msk [tilespmem:v20+s19+$0x0], $0xffff  }
0x2d3: {  	v20 =	vand.u32 $0x3FF, v28;
	v9 =	vld.idx.msk [tilespmem:v9+s19+$0x0], $0xffff  }
0x2d4: {  	v7 =	vshra.s32 v7, $0x14;
	v16 =	vadd.f32 v16, v19;
	v15 =	vld.idx.msk [tilespmem:v15+s19+$0x0], $0xffff;
	v12 =	vadd.f32 v12, v14  }
0x2d5: {  	v27 =	vand.u32 $0x3FF, v6;
	v14 =	vand.u32 $0x3FF, v24;
	v19 =	vld.idx.msk [tilespmem:v29+s19+$0x0], $0xffff  }
0x2d6: {  	v16 =	vadd.f32 v26, v16;
	v26 =	vshrl.u32 v24, $0xA;
	v25 =	vld.idx.msk [tilespmem:v25+s19+$0x0], $0xffff;
	v12 =	vadd.f32 v17, v12  }
0x2d7: {  	v17 =	vld.idx.msk [tilespmem:v21+s19+$0x0], $0xffff;
	v21 =	vand.u32 $0x3FF, v26;
	v26 =	vshrl.u32 v6, $0xA  }
0x2d8: {  	v16 =	vadd.f32 v23, v16;
	v23 =	vshra.s32 v24, $0x14;
	v12 =	vadd.f32 v18, v12;
	v18 =	vld.idx.msk [tilespmem:v20+s19+$0x0], $0xffff  }
0x2d9: {  	v20 =	vand.u32 $0x3FF, v26;
	v7 =	vld.idx.msk [tilespmem:v7+s19+$0x0], $0xffff  }
0x2da: {  	v6 =	vshra.s32 v6, $0x14;
	v15 =	vadd.f32 v15, v16;
	v14 =	vld.idx.msk [tilespmem:v14+s19+$0x0], $0xffff;
	v9 =	vadd.f32 v9, v12  }
0x2db: {  	v24 =	vand.u32 $0x3FF, v5;
	v12 =	vand.u32 $0x3FF, v22;
	v16 =	vld.idx.msk [tilespmem:v27+s19+$0x0], $0xffff  }
0x2dc: {  	v15 =	vadd.f32 v25, v15;
	v25 =	vshrl.u32 v22, $0xA;
	v21 =	vld.idx.msk [tilespmem:v21+s19+$0x0], $0xffff;
	v9 =	vadd.f32 v19, v9  }
0x2dd: {  	v19 =	vld.idx.msk [tilespmem:v23+s19+$0x0], $0xffff;
	v23 =	vand.u32 $0x3FF, v25;
	v25 =	vshrl.u32 v5, $0xA  }
0x2de: {  	v15 =	vadd.f32 v17, v15;
	v17 =	vshra.s32 v22, $0x14;
	v9 =	vadd.f32 v18, v9;
	v18 =	vld.idx.msk [tilespmem:v20+s19+$0x0], $0xffff  }
0x2df: {  	v20 =	vand.u32 $0x3FF, v25;
	v6 =	vld.idx.msk [tilespmem:v6+s19+$0x0], $0xffff  }
0x2e0: {  	v5 =	vshra.s32 v5, $0x14;
	v14 =	vadd.f32 v14, v15;
	v12 =	vld.idx.msk [tilespmem:v12+s19+$0x0], $0xffff;
	v7 =	vadd.f32 v7, v9  }
0x2e1: {  	v22 =	vand.u32 $0x3FF, v4;
	v9 =	vand.u32 $0x3FF, v13;
	v15 =	vld.idx.msk [tilespmem:v24+s19+$0x0], $0xffff  }
0x2e2: {  	v14 =	vadd.f32 v21, v14;
	v21 =	vld.idx.msk [tilespmem:v23+s19+$0x0], $0xffff;
	v23 =	vshrl.u32 v13, $0xA;
	v7 =	vadd.f32 v16, v7  }
0x2e3: {  	v16 =	vld.idx.msk [tilespmem:v17+s19+$0x0], $0xffff;
	v17 =	vand.u32 $0x3FF, v23;
	v23 =	vshrl.u32 v4, $0xA  }
0x2e4: {  	v13 =	vshra.s32 v13, $0x14;
	v14 =	vadd.f32 v19, v14;
	v7 =	vadd.f32 v18, v7;
	v18 =	vld.idx.msk [tilespmem:v20+s19+$0x0], $0xffff  }
0x2e5: {  	v19 =	vand.u32 $0x3FF, v23;
	v5 =	vld.idx.msk [tilespmem:v5+s19+$0x0], $0xffff  }
0x2e6: {  	v4 =	vshra.s32 v4, $0x14;
	v12 =	vadd.f32 v12, v14;
	v9 =	vld.idx.msk [tilespmem:v9+s19+$0x0], $0xffff;
	v6 =	vadd.f32 v6, v7  }
0x2e7: {  	v20 =	vand.u32 $0x3FF, v3;
	v7 =	vand.u32 $0x3FF, v11;
	v14 =	vld.idx.msk [tilespmem:v22+s19+$0x0], $0xffff  }
0x2e8: {  	v12 =	vadd.f32 v21, v12;
	v21 =	vshrl.u32 v11, $0xA;
	v17 =	vld.idx.msk [tilespmem:v17+s19+$0x0], $0xffff;
	v6 =	vadd.f32 v15, v6  }
0x2e9: {  	v15 =	vand.u32 $0x3FF, v21;
	v21 =	vshrl.u32 v3, $0xA;
	v13 =	vld.idx.msk [tilespmem:v13+s19+$0x0], $0xffff  }
0x2ea: {  	v11 =	vshra.s32 v11, $0x14;
	v12 =	vadd.f32 v16, v12;
	v6 =	vadd.f32 v18, v6;
	v16 =	vld.idx.msk [tilespmem:v19+s19+$0x0], $0xffff  }
0x2eb: {  	v18 =	vand.u32 $0x3FF, v21;
	v4 =	vld.idx.msk [tilespmem:v4+s19+$0x0], $0xffff  }
0x2ec: {  	v3 =	vshra.s32 v3, $0x14;
	v9 =	vadd.f32 v9, v12;
	v7 =	vld.idx.msk [tilespmem:v7+s19+$0x0], $0xffff;
	v5 =	vadd.f32 v5, v6  }
0x2ed: {  	v6 =	vand.u32 $0x3FF, v10;
	v12 =	vld.idx.msk [tilespmem:v20+s19+$0x0], $0xffff  }
0x2ee: {  	v9 =	vadd.f32 v17, v9;
	v17 =	vshrl.u32 v10, $0xA;
	v15 =	vld.idx.msk [tilespmem:v15+s19+$0x0], $0xffff;
	v5 =	vadd.f32 v14, v5  }
0x2ef: {  	v14 =	vand.u32 $0x3FF, v17;
	v11 =	vld.idx.msk [tilespmem:v11+s19+$0x0], $0xffff  }
0x2f0: {  	v9 =	vadd.f32 v13, v9;
	v5 =	vadd.f32 v16, v5;
	v13 =	vld.idx.msk [tilespmem:v18+s19+$0x0], $0xffff  }
0x2f1: {  	v10 =	vshra.s32 v10, $0x14;
	v16 =	vld.idx.msk [tilespmem:v3+s19+$0x0], $0xffff  }
0x2f2: {  	v3 =	vadd.f32 v7, v9;
	v6 =	vld.idx.msk [tilespmem:v6+s19+$0x0], $0xffff;
	v4 =	vadd.f32 v4, v5  }
0x2f3: {  	v5 =	vand.u32 $0x3FF, v8;
	v7 =	vld [tilespmem:s29+$0x410]  }
0x2f4: {  	v9 =	vadd.f32 v15, v3;
	v3 =	vshrl.u32 v8, $0xA;
	v14 =	vld.idx.msk [tilespmem:v14+s19+$0x0], $0xffff;
	v4 =	vadd.f32 v12, v4  }
0x2f5: {  	v12 =	vand.u32 $0x3FF, v3;
	v3 =	vld [tilespmem:s29+$0x850]  }
0x2f6: {  	v9 =	vadd.f32 v11, v9;
	v10 =	vld.idx.msk [tilespmem:v10+s19+$0x0], $0xffff;
	v11 =	vadd.f32 v13, v4  }
0x2f7: {  	v8 =	vshra.s32 v8, $0x14;
	v4 =	vld [tilespmem:s29+$0x840]  }
0x2f8: {  	v6 =	vadd.f32 v6, v9;
	v9 =	vld.idx.msk [tilespmem:v5+s19+$0x0], $0xffff;
	v5 =	vadd.f32 v16, v11  }
0x2f9: {  	v11 =	vand.u32 $0x3FF, v7;
	v13 =	vld [tilespmem:s29+$0x420]  }
0x2fa: {  	v6 =	vadd.f32 v14, v6;
	v14 =	vshrl.u32 v7, $0xA;
	v12 =	vld.idx.msk [tilespmem:v12+s19+$0x0], $0xffff;
	(xrf2) =	vadd.scan.msk.f32 $0xffff, v5  }
0x2fb: {  	v14 =	vand.u32 $0x3FF, v14;
	v5 =	vld [tilespmem:s29+$0x830]  }
0x2fc: {  	v10 =	vadd.f32 v10, v6;
	v8 =	vld.idx.msk [tilespmem:v8+s19+$0x0], $0xffff  }
0x2fd: {  	v15 =	vshra.s32 v7, $0x14;
	v6 =	vld [tilespmem:s29+$0x820]  }
0x2fe: {  	v7 =	vadd.f32 v9, v10;
	v10 =	vld.idx.msk [tilespmem:v11+s19+$0x0], $0xffff  }
0x2ff: {  	v11 =	vand.u32 $0x3FF, v13;
	v16 =	vld [tilespmem:s29+$0x430]  }
0x300: {  	v9 =	vadd.f32 v12, v7;
	v7 =	vshrl.u32 v13, $0xA;
	v12 =	vld.idx.msk [tilespmem:v14+s19+$0x0], $0xffff  }
0x301: {  	v14 =	vand.u32 $0x3FF, v7;
	v7 =	vld [tilespmem:s29+$0x810]  }
0x302: {  	v8 =	vadd.f32 v8, v9;
	v15 =	vld.idx.msk [tilespmem:v15+s19+$0x0], $0xffff  }
0x303: {  	v13 =	vshra.s32 v13, $0x14;
	v9 =	vld [tilespmem:s29+$0x800]  }
0x304: {  	v8 =	vadd.f32 v10, v8;
	v10 =	vld.idx.msk [tilespmem:v11+s19+$0x0], $0xffff;
	v11, _, _ =	vpop (xrf2)  }
0x305: {  	v17 =	vand.u32 $0x3FF, v16;
	v18 =	vld [tilespmem:s29+$0x440];
	(v2sf) =	vpush v11, $0xF  }
0x306: {  	v8 =	vadd.f32 v12, v8;
	v12 =	vshrl.u32 v16, $0xA;
	v11 =	vld.idx.msk [tilespmem:v14+s19+$0x0], $0xffff  }
0x307: {  	v19 =	vand.u32 $0x3FF, v12;
	v12 =	vld [tilespmem:s29+$0x470]  }
0x308: {  	v8 =	vadd.f32 v15, v8;
	v13 =	vld.idx.msk [tilespmem:v13+s19+$0x0], $0xffff  }
0x309: {  	v15 =	vshra.s32 v16, $0x14;
	v14 =	vld [tilespmem:s29+$0x460]  }
0x30a: {  	v8 =	vadd.f32 v10, v8;
	v16 =	vld.idx.msk [tilespmem:v17+s19+$0x0], $0xffff  }
0x30b: {  	v17 =	vand.u32 $0x3FF, v18;
	v22 =	vld [tilespmem:s29+$0x450]  }
0x30c: {  	v10 =	vadd.f32 v11, v8;
	v11 =	vshrl.u32 v18, $0xA;
	s29 =	sadd.s32 $0x80, s29;
	v19 =	vld.idx.msk [tilespmem:v19+s19+$0x0], $0xffff  }
0x30d: {  	v20 =	vand.u32 $0x3FF, v11;
	v8 =	vld [tilespmem:s29+$0x400]  }
0x30e: {  	v11 =	vadd.f32 v13, v10;
	v21 =	vld.idx.msk [tilespmem:v15+s19+$0x0], $0xffff  }
0x30f: {  	v18 =	vshra.s32 v18, $0x14;
	v10 =	vld [tilespmem:s29+$0x70]  }
0x310: {  	v13 =	vadd.f32 v16, v11;
	v17 =	vld.idx.msk [tilespmem:v17+s19+$0x0], $0xffff  }
0x311: {  	v23 =	vand.u32 $0x3FF, v22;
	v11 =	vld [tilespmem:s29+$0x60]  }
.Ltmp2:
0x312: {  	v16 =	vadd.f32 v19, v13;
	v19 =	vshrl.u32 v22, $0xA;
	v15 =	vld.idx.msk [tilespmem:v20+s19+$0x0], $0xffff;
	(pc) =	sbr.rel @p0 .LBB2_6-.Ltmp2, $4  }
0x313: {  	v20 =	vand.u32 $0x3FF, v19;
	v13 =	vld [tilespmem:s29+$0x50]  }
0x314: {  	v24 =	vadd.f32 v21, v16;
	v16 =	vld.idx.msk [tilespmem:v18+s19+$0x0], $0xffff;
	s28 =	spop (v2sf)  }
0x315: {  	v19 =	vshra.s32 v22, $0x14;
	v22 =	vmov s25;
	s25 =	smov.u32 s26;
	s26 =	smov.u32 s30;
	v21 =	vld [tilespmem:s29+$0x0];
	s28 =	smul.f32 $1.464843810e-04, s28  }
0x316: {  	s30 =	sadd.s32 $0x1, s30;
	vm0 =	veq.s32 v22, v0;
	v18 =	vadd.f32 v17, v24;
	v17 =	vld.idx.msk [tilespmem:v23+s19+$0x0], $0xffff  }
0x317: {  	_ =	sdelay $0x2  }
0x318: {  	v22 =	vand.u32 $0x3FF, v21  }
0x319: {  	v23 =	vld [tilespmem:s29+$0x10];
	v24 =	vshrl.u32 v21, $0xA  }
0x31a: {  	v24 =	vand.u32 $0x3FF, v24;
	_ =	sdelay $0x1  }
0x31b: {  	v21 =	vshra.s32 v21, $0x14  }
0x31c: {  	v22 =	vld.idx.msk [tilespmem:v22+s19+$0x0], $0xffff  }
0x31d: {  	v25 =	vld [tilespmem:s29+$0x20];
	v26 =	vand.u32 $0x3FF, v23  }
0x31e: {  	v27 =	vshrl.u32 v23, $0xA;
	v24 =	vld.idx.msk [tilespmem:v24+s19+$0x0], $0xffff  }
0x31f: {  	v27 =	vand.u32 $0x3FF, v27  }
0x320: {  	v21 =	vld.idx.msk [tilespmem:v21+s19+$0x0], $0xffff  }
0x321: {  	v23 =	vshra.s32 v23, $0x14;
	v22 =	vadd.f32 $0.0e+00, v22  }
0x322: {  	v26 =	vld.idx.msk [tilespmem:v26+s19+$0x0], $0xffff  }
0x323: {  	v28 =	vld [tilespmem:s29+$0x30];
	v29 =	vand.u32 $0x3FF, v25;
	v22 =	vadd.f32 v24, v22  }
0x324: {  	v31 =	vshrl.u32 v25, $0xA;
	v63 =	vld.idx.msk [tilespmem:v27+s19+$0x0], $0xffff  }
0x325: {  	v27 =	vand.u32 $0x3FF, v31;
	v21 =	vadd.f32 v21, v22  }
0x326: {  	v22 =	vld.idx.msk [tilespmem:v23+s19+$0x0], $0xffff  }
0x327: {  	v23 =	vshra.s32 v25, $0x14;
	v21 =	vadd.f32 v26, v21  }
0x328: {  	v32 =	vld.idx.msk [tilespmem:v29+s19+$0x0], $0xffff  }
0x329: {  	v33 =	vld [tilespmem:s29+$0x40];
	v34 =	vand.u32 $0x3FF, v28;
	v21 =	vadd.f32 v63, v21  }
0x32a: {  	v36 =	vshrl.u32 v28, $0xA;
	v35 =	vld.idx.msk [tilespmem:v27+s19+$0x0], $0xffff  }
0x32b: {  	v27 =	vand.u32 $0x3FF, v36;
	v21 =	vadd.f32 v22, v21  }
0x32c: {  	v22 =	vld.idx.msk [tilespmem:v23+s19+$0x0], $0xffff  }
0x32d: {  	v23 =	vshra.s32 v28, $0x14;
	v21 =	vadd.f32 v32, v21  }
0x32e: {  	v37 =	vld.idx.msk [tilespmem:v34+s19+$0x0], $0xffff  }
0x32f: {  	v38 =	vand.u32 $0x3FF, v33;
	v21 =	vadd.f32 v35, v21  }
0x330: {  	v40 =	vshrl.u32 v33, $0xA;
	v39 =	vld.idx.msk [tilespmem:v27+s19+$0x0], $0xffff  }
0x331: {  	v27 =	vand.u32 $0x3FF, v40;
	v21 =	vadd.f32 v22, v21  }
0x332: {  	v22 =	vld.idx.msk [tilespmem:v23+s19+$0x0], $0xffff  }
0x333: {  	v23 =	vshra.s32 v33, $0x14;
	v21 =	vadd.f32 v37, v21  }
0x334: {  	v41 =	vld.idx.msk [tilespmem:v38+s19+$0x0], $0xffff  }
0x335: {  	v42 =	vand.u32 $0x3FF, v13;
	v21 =	vadd.f32 v39, v21  }
0x336: {  	v44 =	vshrl.u32 v13, $0xA;
	v43 =	vld.idx.msk [tilespmem:v27+s19+$0x0], $0xffff  }
0x337: {  	v27 =	vand.u32 $0x3FF, v44;
	v21 =	vadd.f32 v22, v21  }
0x338: {  	v22 =	vld.idx.msk [tilespmem:v23+s19+$0x0], $0xffff  }
0x339: {  	v13 =	vshra.s32 v13, $0x14;
	v21 =	vadd.f32 v41, v21  }
0x33a: {  	v23 =	vld.idx.msk [tilespmem:v42+s19+$0x0], $0xffff  }
0x33b: {  	v45 =	vand.u32 $0x3FF, v11;
	v21 =	vadd.f32 v43, v21  }
0x33c: {  	v47 =	vshrl.u32 v11, $0xA;
	v46 =	vld.idx.msk [tilespmem:v27+s19+$0x0], $0xffff  }
0x33d: {  	v26 =	vand.u32 $0x3FF, v47;
	v21 =	vadd.f32 v22, v21  }
0x33e: {  	v13 =	vld.idx.msk [tilespmem:v13+s19+$0x0], $0xffff  }
0x33f: {  	v11 =	vshra.s32 v11, $0x14;
	v21 =	vadd.f32 v23, v21  }
0x340: {  	v22 =	vld.idx.msk [tilespmem:v45+s19+$0x0], $0xffff  }
0x341: {  	v49 =	vshrl.u32 v10, $0xA;
	v23 =	vand.u32 $0x3FF, v10;
	v21 =	vadd.f32 v46, v21  }
0x342: {  	v25 =	vand.u32 $0x3FF, v49;
	v48 =	vld.idx.msk [tilespmem:v26+s19+$0x0], $0xffff  }
0x343: {  	v13 =	vadd.f32 v13, v21  }
0x344: {  	v11 =	vld.idx.msk [tilespmem:v11+s19+$0x0], $0xffff  }
0x345: {  	v10 =	vshra.s32 v10, $0x14;
	v13 =	vadd.f32 v22, v13  }
0x346: {  	v21 =	vld.idx.msk [tilespmem:v23+s19+$0x0], $0xffff  }
0x347: {  	v51 =	vshrl.u32 v8, $0xA;
	v50 =	vld.idx.msk [tilespmem:v25+s19+$0x0], $0xffff;
	v22 =	vand.u32 $0x3FF, v8;
	v13 =	vadd.f32 v48, v13  }
0x348: {  	v25 =	vand.u32 $0x3FF, v51;
	v23 =	vld [tilespmem:s29+$0x410]  }
0x349: {  	v11 =	vadd.f32 v11, v13  }
0x34a: {  	v10 =	vld.idx.msk [tilespmem:v10+s19+$0x0], $0xffff  }
0x34b: {  	v8 =	vshra.s32 v8, $0x14;
	v11 =	vadd.f32 v21, v11  }
0x34c: {  	v13 =	vld.idx.msk [tilespmem:v22+s19+$0x0], $0xffff  }
0x34d: {  	v52 =	vld.idx.msk [tilespmem:v25+s19+$0x0], $0xffff;
	v21 =	vand.u32 $0x3FF, v23;
	v11 =	vadd.f32 v50, v11  }
0x34e: {  	v53 =	vshrl.u32 v23, $0xA;
	v22 =	vld [tilespmem:s29+$0x420]  }
0x34f: {  	v25 =	vand.u32 $0x3FF, v53;
	v10 =	vadd.f32 v10, v11  }
0x350: {  	v8 =	vld.idx.msk [tilespmem:v8+s19+$0x0], $0xffff  }
0x351: {  	v11 =	vshra.s32 v23, $0x14;
	v10 =	vadd.f32 v13, v10  }
0x352: {  	v13 =	vld.idx.msk [tilespmem:v21+s19+$0x0], $0xffff  }
0x353: {  	v23 =	vld [tilespmem:s29+$0x430];
	v21 =	vand.u32 $0x3FF, v22;
	v10 =	vadd.f32 v52, v10  }
0x354: {  	v54 =	vld.idx.msk [tilespmem:v25+s19+$0x0], $0xffff;
	v55 =	vshrl.u32 v22, $0xA  }
0x355: {  	v56 =	vld [tilespmem:s29+$0x440];
	v25 =	vand.u32 $0x3FF, v55;
	v8 =	vadd.f32 v8, v10  }
0x356: {  	v10 =	vld.idx.msk [tilespmem:v11+s19+$0x0], $0xffff  }
0x357: {  	v11 =	vld.idx.msk [tilespmem:v20+s19+$0x0], $0xffff;
	v20 =	vshra.s32 v22, $0x14;
	v8 =	vadd.f32 v13, v8  }
0x358: {  	v15 =	vadd.f32 v15, v18;
	v18 =	vand.u32 $0x3FF, v9;
	v21 =	vld.idx.msk [tilespmem:v21+s19+$0x0], $0xffff  }
0x359: {  	v19 =	vld.idx.msk [tilespmem:v19+s19+$0x0], $0xffff;
	v22 =	vand.u32 $0x3FF, v23;
	v8 =	vadd.f32 v54, v8  }
0x35a: {  	v58 =	vshrl.u32 v23, $0xA;
	v57 =	vld.idx.msk [tilespmem:v25+s19+$0x0], $0xffff  }
0x35b: {  	v60 =	vld [tilespmem:s29+$0x450];
	v25 =	vand.u32 $0x3FF, v58;
	v8 =	vadd.f32 v10, v8  }
0x35c: {  	v20 =	vld.idx.msk [tilespmem:v20+s19+$0x0], $0xffff  }
0x35d: {  	v18 =	vld.idx.msk [tilespmem:v18+s19+$0x0], $0xffff;
	v23 =	vshra.s32 v23, $0x14;
	v8 =	vadd.f32 v21, v8  }
0x35e: {  	v15 =	vadd.f32 v16, v15;
	v40 =	vshrl.u32 v9, $0xA;
	v9 =	vshra.s32 v9, $0x14;
	v21 =	vld.idx.msk [tilespmem:v22+s19+$0x0], $0xffff  }
0x35f: {  	v38 =	vld [tilespmem:s29+$0x470];
	v22 =	vand.u32 $0x3FF, v56;
	v8 =	vadd.f32 v57, v8  }
0x360: {  	v62 =	vshrl.u32 v56, $0xA;
	v15 =	vadd.f32 v17, v15;
	v17 =	vand.u32 $0x3FF, v40;
	v61 =	vld.idx.msk [tilespmem:v25+s19+$0x0], $0xffff  }
0x361: {  	v32 =	vld [tilespmem:s29+$0x460];
	v25 =	vand.u32 $0x3FF, v62;
	v8 =	vadd.f32 v20, v8  }
0x362: {  	v26 =	vshra.s32 v56, $0x14;
	v23 =	vld.idx.msk [tilespmem:v23+s19+$0x0], $0xffff  }
0x363: {  	v9 =	vld.idx.msk [tilespmem:v9+s19+$0x0], $0xffff;
	v37 =	vshra.s32 v60, $0x14;
	v8 =	vadd.f32 v21, v8  }
0x364: {  	v13 =	vand.u32 $0x3FF, v14;
	v22 =	vld.idx.msk [tilespmem:v22+s19+$0x0], $0xffff  }
0x365: {  	v59 =	vshrl.u32 v14, $0xA;
	v17 =	vld.idx.msk [tilespmem:v17+s19+$0x0], $0xffff;
	v33 =	vand.u32 $0x3FF, v60;
	v8 =	vadd.f32 v61, v8  }
0x366: {  	v35 =	vshrl.u32 v60, $0xA;
	v10 =	vand.u32 $0x3FF, v59;
	v34 =	vld.idx.msk [tilespmem:v25+s19+$0x0], $0xffff  }
0x367: {  	v36 =	vld.idx.msk [tilespmem:v26+s19+$0x0], $0xffff;
	v8 =	vadd.f32 v23, v8;
	v23 =	vand.u32 $0x3FF, v35  }
0x368: {  	v41 =	vld.idx.msk [tilespmem:v37+s19+$0x0], $0xffff;
	v14 =	vshra.s32 v14, $0x14  }
0x369: {  	v39 =	vand.u32 $0x3FF, v32;
	v13 =	vld.idx.msk [tilespmem:v13+s19+$0x0], $0xffff;
	v8 =	vadd.f32 v22, v8  }
0x36a: {  	v63 =	vshrl.u32 v12, $0xA;
	v11 =	vadd.f32 v11, v15;
	v20 =	vand.u32 $0x3FF, v12;
	v22 =	vld.idx.msk [tilespmem:v33+s19+$0x0], $0xffff  }
0x36b: {  	v10 =	vld.idx.msk [tilespmem:v10+s19+$0x0], $0xffff;
	v21 =	vand.u32 $0x3FF, v63;
	v8 =	vadd.f32 v34, v8  }
0x36c: {  	v11 =	vadd.f32 v19, v11;
	v16 =	vld.idx.msk [tilespmem:v23+s19+$0x0], $0xffff;
	v23 =	vshrl.u32 v32, $0xA  }
0x36d: {  	v14 =	vld.idx.msk [tilespmem:v14+s19+$0x0], $0xffff;
	v8 =	vadd.f32 v36, v8;
	v23 =	vand.u32 $0x3FF, v23  }
0x36e: {  	v15 =	vld.idx.msk [tilespmem:v39+s19+$0x0], $0xffff;
	v12 =	vshra.s32 v12, $0x14;
	v11 =	vadd.f32 v13, v11  }
0x36f: {  	v42 =	vshra.s32 v32, $0x14;
	v20 =	vld.idx.msk [tilespmem:v20+s19+$0x0], $0xffff;
	v8 =	vadd.f32 v22, v8  }
0x370: {  	v10 =	vadd.f32 v10, v11;
	v21 =	vld.idx.msk [tilespmem:v21+s19+$0x0], $0xffff  }
0x371: {  	v43 =	vand.u32 $0x3FF, v38;
	v22 =	vld [tilespmem:s29+$0x800];
	v8 =	vadd.f32 v16, v8  }
0x372: {  	v19 =	vshrl.u32 v38, $0xA;
	v13 =	vand.u32 $0x3FF, v7;
	v10 =	vadd.f32 v14, v10;
	v16 =	vld.idx.msk [tilespmem:v23+s19+$0x0], $0xffff  }
0x373: {  	v19 =	vand.u32 $0x3FF, v19;
	v12 =	vld.idx.msk [tilespmem:v12+s19+$0x0], $0xffff;
	v8 =	vadd.f32 v41, v8  }
0x374: {  	v44 =	vshrl.u32 v7, $0xA;
	v7 =	vshra.s32 v7, $0x14;
	v10 =	vadd.f32 v20, v10;
	v23 =	vld.idx.msk [tilespmem:v42+s19+$0x0], $0xffff  }
0x375: {  	v45 =	vshra.s32 v38, $0x14;
	v46 =	vld [tilespmem:s29+$0x810];
	v8 =	vadd.f32 v15, v8  }
0x376: {  	v11 =	vand.u32 $0x3FF, v44;
	v10 =	vadd.f32 v21, v10;
	v15 =	vld.idx.msk [tilespmem:v43+s19+$0x0], $0xffff  }
0x377: {  	v13 =	vld.idx.msk [tilespmem:v13+s19+$0x0], $0xffff;
	v47 =	vand.u32 $0x3FF, v22;
	v8 =	vadd.f32 v16, v8  }
0x378: {  	v14 =	vld.idx.msk [tilespmem:v19+s19+$0x0], $0xffff;
	v10 =	vadd.f32 v12, v10;
	v16 =	vshrl.u32 v22, $0xA  }
0x379: {  	v7 =	vld.idx.msk [tilespmem:v7+s19+$0x0], $0xffff;
	v16 =	vand.u32 $0x3FF, v16;
	v8 =	vadd.f32 v23, v8  }
0x37a: {  	v19 =	vld.idx.msk [tilespmem:v45+s19+$0x0], $0xffff;
	v10 =	vadd.f32 v18, v10;
	v20 =	vshra.s32 v22, $0x14  }
0x37b: {  	v11 =	vld.idx.msk [tilespmem:v11+s19+$0x0], $0xffff;
	v8 =	vadd.f32 v15, v8  }
0x37c: {  	v10 =	vadd.f32 v17, v10;
	v21 =	vld.idx.msk [tilespmem:v47+s19+$0x0], $0xffff  }
0x37d: {  	v12 =	vshrl.u32 v46, $0xA;
	v22 =	vld [tilespmem:s29+$0x820];
	v23 =	vand.u32 $0x3FF, v46;
	v8 =	vadd.f32 v14, v8  }
0x37e: {  	v12 =	vand.u32 $0x3FF, v12;
	v9 =	vadd.f32 v9, v10;
	v14 =	vld.idx.msk [tilespmem:v16+s19+$0x0], $0xffff  }
0x37f: {  	v18 =	vld.idx.msk [tilespmem:v20+s19+$0x0], $0xffff;
	v15 =	vand.u32 $0x3FF, v6;
	v8 =	vadd.f32 v19, v8  }
0x380: {  	v9 =	vadd.f32 v13, v9;
	v20 =	vld [tilespmem:s29+$0x830];
	v16 =	vshrl.u32 v6, $0xA;
	v6 =	vshra.s32 v6, $0x14  }
0x381: {  	v19 =	vshra.s32 v46, $0x14;
	v8 =	vadd.f32 v21, v8  }
0x382: {  	v9 =	vadd.f32 v11, v9;
	v16 =	vand.u32 $0x3FF, v16;
	v17 =	vld.idx.msk [tilespmem:v23+s19+$0x0], $0xffff  }
0x383: {  	v12 =	vld.idx.msk [tilespmem:v12+s19+$0x0], $0xffff;
	v10 =	vshrl.u32 v22, $0xA;
	v21 =	vand.u32 $0x3FF, v22;
	v8 =	vadd.f32 v14, v8  }
0x384: {  	v10 =	vand.u32 $0x3FF, v10;
	v15 =	vld.idx.msk [tilespmem:v15+s19+$0x0], $0xffff  }
0x385: {  	v7 =	vadd.f32 v7, v9;
	v9 =	vshrl.u32 v20, $0xA;
	v6 =	vld.idx.msk [tilespmem:v6+s19+$0x0], $0xffff;
	v8 =	vadd.f32 v18, v8  }
0x386: {  	v9 =	vand.u32 $0x3FF, v9;
	v13 =	vld.idx.msk [tilespmem:v19+s19+$0x0], $0xffff  }
0x387: {  	v14 =	vld.idx.msk [tilespmem:v16+s19+$0x0], $0xffff;
	v19 =	vshra.s32 v22, $0x14;
	v8 =	vadd.f32 v17, v8  }
0x388: {  	v16 =	vand.u32 $0x3FF, v5;
	v17 =	vld.idx.msk [tilespmem:v21+s19+$0x0], $0xffff  }
0x389: {  	v10 =	vld.idx.msk [tilespmem:v10+s19+$0x0], $0xffff;
	v18 =	vshrl.u32 v5, $0xA;
	v21 =	vand.u32 $0x3FF, v20;
	v8 =	vadd.f32 v12, v8  }
0x38a: {  	v11 =	vand.u32 $0x3FF, v18;
	v18 =	vld [tilespmem:s29+$0x840]  }
0x38b: {  	v9 =	vld.idx.msk [tilespmem:v9+s19+$0x0], $0xffff;
	v8 =	vadd.f32 v13, v8  }
0x38c: {  	v5 =	vshra.s32 v5, $0x14;
	v7 =	vadd.f32 v15, v7;
	v13 =	vld.idx.msk [tilespmem:v19+s19+$0x0], $0xffff  }
0x38d: {  	v15 =	vshra.s32 v20, $0x14;
	v12 =	vld.idx.msk [tilespmem:v16+s19+$0x0], $0xffff;
	v8 =	vadd.f32 v17, v8  }
0x38e: {  	v7 =	vadd.f32 v14, v7;
	v16 =	vand.u32 $0x3FF, v4;
	v14 =	vld.idx.msk [tilespmem:v21+s19+$0x0], $0xffff  }
0x38f: {  	v11 =	vld.idx.msk [tilespmem:v11+s19+$0x0], $0xffff;
	v20 =	vand.u32 $0x3FF, v18;
	v17 =	vshrl.u32 v4, $0xA;
	v8 =	vadd.f32 v10, v8  }
0x390: {  	v6 =	vadd.f32 v6, v7;
	v19 =	vld [tilespmem:s29+$0x850];
	v7 =	vshrl.u32 v18, $0xA;
	v10 =	vand.u32 $0x3FF, v17  }
0x391: {  	v5 =	vld.idx.msk [tilespmem:v5+s19+$0x0], $0xffff;
	v7 =	vand.u32 $0x3FF, v7;
	v8 =	vadd.f32 v13, v8  }
0x392: {  	v4 =	vshra.s32 v4, $0x14;
	v6 =	vadd.f32 v12, v6;
	v12 =	vld.idx.msk [tilespmem:v15+s19+$0x0], $0xffff  }
0x393: {  	v15 =	vshra.s32 v18, $0x14;
	v13 =	vld.idx.msk [tilespmem:v16+s19+$0x0], $0xffff;
	v8 =	vadd.f32 v14, v8  }
0x394: {  	v6 =	vadd.f32 v11, v6;
	v11 =	vld.idx.msk [tilespmem:v20+s19+$0x0], $0xffff;
	v14 =	vand.u32 $0x3FF, v3  }
0x395: {  	v17 =	vand.u32 $0x3FF, v19;
	v16 =	vshrl.u32 v3, $0xA;
	v10 =	vld.idx.msk [tilespmem:v10+s19+$0x0], $0xffff;
	v8 =	vadd.f32 v9, v8  }
0x396: {  	v7 =	vld.idx.msk [tilespmem:v7+s19+$0x0], $0xffff;
	v5 =	vadd.f32 v5, v6;
	v6 =	vshrl.u32 v19, $0xA;
	v9 =	vand.u32 $0x3FF, v16  }
0x397: {  	v4 =	vld.idx.msk [tilespmem:v4+s19+$0x0], $0xffff;
	v6 =	vand.u32 $0x3FF, v6;
	v8 =	vadd.f32 v12, v8  }
0x398: {  	v3 =	vshra.s32 v3, $0x14;
	v5 =	vadd.f32 v13, v5;
	v12 =	vld.idx.msk [tilespmem:v15+s19+$0x0], $0xffff  }
0x399: {  	v13 =	vld.idx.msk [tilespmem:v14+s19+$0x0], $0xffff;
	v14 =	vshra.s32 v19, $0x14;
	v8 =	vadd.f32 v11, v8  }
0x39a: {  	v5 =	vadd.f32 v10, v5;
	v10 =	vld.idx.msk [tilespmem:v17+s19+$0x0], $0xffff  }
0x39b: {  	v9 =	vld.idx.msk [tilespmem:v9+s19+$0x0], $0xffff;
	v7 =	vadd.f32 v7, v8  }
0x39c: {  	v4 =	vadd.f32 v4, v5;
	v5 =	vld.idx.msk [tilespmem:v6+s19+$0x0], $0xffff  }
0x39d: {  	v3 =	vld.idx.msk [tilespmem:v3+s19+$0x0], $0xffff;
	v6 =	vadd.f32 v12, v7  }
0x39e: {  	v4 =	vadd.f32 v13, v4;
	v7 =	vld.idx.msk [tilespmem:v14+s19+$0x0], $0xffff  }
0x39f: {  	v6 =	vadd.f32 v10, v6  }
0x3a0: {  	v4 =	vadd.f32 v9, v4  }
0x3a1: {  	v5 =	vadd.f32 v5, v6  }
0x3a2: {  	v3 =	vadd.f32 v3, v4  }
0x3a3: {  	v4 =	vadd.f32 v7, v5  }
0x3a4: {  	(xrf2) =	vadd.scan.msk.f32 $0xffff, v3  }
0x3a5: {  	(xrf2) =	vadd.scan.msk.f32 $0xffff, v4;
	_ =	sdelay $0x8  }
0x3a6: {  	v3, _, _ =	vpop (xrf2)  }
0x3a7: {  	(v2sf) =	vpush v3, $0xF;
	v3, _, _ =	vpop (xrf2)  }
0x3a8: {  	(v2sf) =	vpush v3, $0xF;
	_ =	sdelay $0xd  }
0x3a9: {  	v3 =	vld [tilespmem:$0x3480];
	s29 =	spop (v2sf)  }
0x3aa: {  	v4 =	vmov s25;
	s29 =	smul.f32 $1.464843810e-04, s29;
	s31 =	spop (v2sf)  }
0x3ab: {  	v2 =	vsel vm0, s28, v2;
	vm0 =	veq.s32 v4, v0;
	v4 =	vmov s26;
	s25 =	smul.f32 $1.464843810e-04, s31  }
0x3ac: {  	v2 =	vsel vm0, s29, v2;
	vm0 =	veq.s32 v4, v0  }
0x3ad: {  	v2 =	vsel vm0, s25, v2  }
0x3ae: {  	v2 =	vadd.f32 v3, v2;
	_ =	sdelay $0x1  }
0x3af: {  	[tilespmem:$0x3500] =	vst v2  }
0x3b0: {  	_ =	swait.ge [sflag:s21], $0xC00  }
0x3b1: {  	[sflag:s21] =	ssyncset.done $0x0  }
0x3b2: {  	s31 =	simm.s32 $0x1C80;
	[sflag:s21] =	ssyncadd.s32 $0xFFFFF400  }
0x3b3: {  	v2 =	vld [tilespmem:s31+$0x0];
	_ =	sdelay $0x4  }
0x3b4: {  	v3 =	vand.u32 $0x3FF, v2  }
0x3b5: {  	v4 =	vld [tilespmem:s31+$0x10];
	v5 =	vshrl.u32 v2, $0xA  }
0x3b6: {  	v5 =	vand.u32 $0x3FF, v5;
	_ =	sdelay $0x1  }
0x3b7: {  	v2 =	vshra.s32 v2, $0x14  }
0x3b8: {  	v3 =	vld.idx.msk [tilespmem:v3+s19+$0x0], $0xffff  }
0x3b9: {  	v6 =	vld [tilespmem:s31+$0x20];
	v7 =	vand.u32 $0x3FF, v4  }
0x3ba: {  	v8 =	vshrl.u32 v4, $0xA;
	v5 =	vld.idx.msk [tilespmem:v5+s19+$0x0], $0xffff  }
0x3bb: {  	v8 =	vand.u32 $0x3FF, v8  }
0x3bc: {  	v2 =	vld.idx.msk [tilespmem:v2+s19+$0x0], $0xffff  }
0x3bd: {  	v4 =	vshra.s32 v4, $0x14;
	v3 =	vadd.f32 $0.0e+00, v3  }
0x3be: {  	v7 =	vld.idx.msk [tilespmem:v7+s19+$0x0], $0xffff  }
0x3bf: {  	v9 =	vld [tilespmem:s31+$0x30];
	v10 =	vand.u32 $0x3FF, v6;
	v3 =	vadd.f32 v5, v3  }
0x3c0: {  	v5 =	vld.idx.msk [tilespmem:v8+s19+$0x0], $0xffff;
	v8 =	vshrl.u32 v6, $0xA  }
0x3c1: {  	v8 =	vand.u32 $0x3FF, v8;
	v2 =	vadd.f32 v2, v3  }
0x3c2: {  	v3 =	vld.idx.msk [tilespmem:v4+s19+$0x0], $0xffff  }
0x3c3: {  	v4 =	vshra.s32 v6, $0x14;
	v2 =	vadd.f32 v7, v2  }
0x3c4: {  	v6 =	vld.idx.msk [tilespmem:v10+s19+$0x0], $0xffff  }
0x3c5: {  	v10 =	vand.u32 $0x3FF, v9;
	v7 =	vld [tilespmem:s31+$0x40];
	v2 =	vadd.f32 v5, v2  }
0x3c6: {  	v5 =	vld.idx.msk [tilespmem:v8+s19+$0x0], $0xffff;
	v8 =	vshrl.u32 v9, $0xA  }
0x3c7: {  	v8 =	vand.u32 $0x3FF, v8;
	v2 =	vadd.f32 v3, v2  }
0x3c8: {  	v3 =	vld.idx.msk [tilespmem:v4+s19+$0x0], $0xffff  }
0x3c9: {  	v4 =	vshra.s32 v9, $0x14;
	v2 =	vadd.f32 v6, v2  }
0x3ca: {  	v6 =	vld.idx.msk [tilespmem:v10+s19+$0x0], $0xffff  }
0x3cb: {  	v9 =	vld [tilespmem:s31+$0x50];
	v10 =	vand.u32 $0x3FF, v7;
	v2 =	vadd.f32 v5, v2  }
0x3cc: {  	v5 =	vld.idx.msk [tilespmem:v8+s19+$0x0], $0xffff;
	v8 =	vshrl.u32 v7, $0xA  }
0x3cd: {  	v8 =	vand.u32 $0x3FF, v8;
	v2 =	vadd.f32 v3, v2  }
0x3ce: {  	v3 =	vld.idx.msk [tilespmem:v4+s19+$0x0], $0xffff  }
0x3cf: {  	v4 =	vshra.s32 v7, $0x14;
	v2 =	vadd.f32 v6, v2  }
0x3d0: {  	v6 =	vld.idx.msk [tilespmem:v10+s19+$0x0], $0xffff  }
0x3d1: {  	v7 =	vld [tilespmem:s31+$0x60];
	v10 =	vand.u32 $0x3FF, v9;
	v2 =	vadd.f32 v5, v2  }
0x3d2: {  	v5 =	vld.idx.msk [tilespmem:v8+s19+$0x0], $0xffff;
	v8 =	vshrl.u32 v9, $0xA  }
0x3d3: {  	v8 =	vand.u32 $0x3FF, v8;
	v2 =	vadd.f32 v3, v2  }
0x3d4: {  	v3 =	vld.idx.msk [tilespmem:v4+s19+$0x0], $0xffff  }
0x3d5: {  	v9 =	vshra.s32 v9, $0x14;
	v2 =	vadd.f32 v6, v2  }
0x3d6: {  	v6 =	vld.idx.msk [tilespmem:v10+s19+$0x0], $0xffff  }
0x3d7: {  	v4 =	vld [tilespmem:s31+$0x70];
	v10 =	vand.u32 $0x3FF, v7;
	v2 =	vadd.f32 v5, v2  }
0x3d8: {  	v5 =	vld.idx.msk [tilespmem:v8+s19+$0x0], $0xffff;
	v8 =	vshrl.u32 v7, $0xA  }
0x3d9: {  	v8 =	vand.u32 $0x3FF, v8;
	v2 =	vadd.f32 v3, v2  }
0x3da: {  	v3 =	vld.idx.msk [tilespmem:v9+s19+$0x0], $0xffff  }
0x3db: {  	v7 =	vshra.s32 v7, $0x14;
	v2 =	vadd.f32 v6, v2  }
0x3dc: {  	v10 =	vld.idx.msk [tilespmem:v10+s19+$0x0], $0xffff  }
0x3dd: {  	v9 =	vld [tilespmem:s31+$0x400];
	v6 =	vand.u32 $0x3FF, v4;
	v2 =	vadd.f32 v5, v2  }
0x3de: {  	v11 =	vshrl.u32 v4, $0xA;
	v8 =	vld.idx.msk [tilespmem:v8+s19+$0x0], $0xffff  }
0x3df: {  	v5 =	vand.u32 $0x3FF, v11;
	v2 =	vadd.f32 v3, v2  }
0x3e0: {  	s26 =	simm.s32 $0x1D00;
	v7 =	vld.idx.msk [tilespmem:v7+s19+$0x0], $0xffff  }
0x3e1: {  	v48 =	vld [tilespmem:s26+$0x10];
	v3 =	vshra.s32 v4, $0x14;
	v2 =	vadd.f32 v10, v2  }
0x3e2: {  	v4 =	vld.idx.msk [tilespmem:v6+s19+$0x0], $0xffff  }
0x3e3: {  	v6 =	vand.u32 $0x3FF, v9;
	v10 =	vld [tilespmem:s31+$0x410];
	v8 =	vadd.f32 v8, v2  }
0x3e4: {  	v11 =	vshrl.u32 v9, $0xA;
	v5 =	vld.idx.msk [tilespmem:v5+s19+$0x0], $0xffff  }
0x3e5: {  	v18 =	vld [tilespmem:s31+$0x450];
	v11 =	vand.u32 $0x3FF, v11;
	v7 =	vadd.f32 v7, v8  }
0x3e6: {  	v12 =	vld.idx.msk [tilespmem:v3+s19+$0x0], $0xffff  }
0x3e7: {  	v13 =	vld [tilespmem:s31+$0x420];
	v8 =	vshra.s32 v9, $0x14;
	v4 =	vadd.f32 v4, v7  }
0x3e8: {  	v24 =	vshra.s32 v48, $0x14;
	v9 =	vld.idx.msk [tilespmem:v6+s19+$0x0], $0xffff  }
0x3e9: {  	v16 =	vld [tilespmem:s31+$0x440];
	v7 =	vand.u32 $0x3FF, v10;
	v4 =	vadd.f32 v5, v4  }
0x3ea: {  	v11 =	vld.idx.msk [tilespmem:v11+s19+$0x0], $0xffff;
	v6 =	vshrl.u32 v10, $0xA  }
0x3eb: {  	v51 =	vld [tilespmem:s26+$0x20];
	v21 =	vshrl.u32 v18, $0xA;
	v5 =	vand.u32 $0x3FF, v6;
	v4 =	vadd.f32 v12, v4  }
0x3ec: {  	v21 =	vand.u32 $0x3FF, v21;
	v14 =	vld.idx.msk [tilespmem:v8+s19+$0x0], $0xffff  }
0x3ed: {  	v24 =	vld.idx.msk [tilespmem:v24+s19+$0x0], $0xffff;
	v10 =	vshra.s32 v10, $0x14;
	v4 =	vadd.f32 v9, v4  }
0x3ee: {  	v7 =	vld.idx.msk [tilespmem:v7+s19+$0x0], $0xffff  }
0x3ef: {  	v12 =	vld [tilespmem:s31+$0x430];
	v9 =	vand.u32 $0x3FF, v13;
	v4 =	vadd.f32 v11, v4  }
0x3f0: {  	v15 =	vshrl.u32 v13, $0xA;
	v5 =	vld.idx.msk [tilespmem:v5+s19+$0x0], $0xffff  }
0x3f1: {  	v21 =	vld.idx.msk [tilespmem:v21+s19+$0x0], $0xffff;
	v11 =	vand.u32 $0x3FF, v15;
	v4 =	vadd.f32 v14, v4  }
0x3f2: {  	v10 =	vld.idx.msk [tilespmem:v10+s19+$0x0], $0xffff  }
0x3f3: {  	v2 =	vld [tilespmem:s31+$0x850];
	v13 =	vshra.s32 v13, $0x14;
	v4 =	vadd.f32 v7, v4  }
0x3f4: {  	v9 =	vld.idx.msk [tilespmem:v9+s19+$0x0], $0xffff  }
0x3f5: {  	v8 =	vld [tilespmem:s31+$0x820];
	v7 =	vand.u32 $0x3FF, v12;
	v4 =	vadd.f32 v5, v4  }
0x3f6: {  	v17 =	vshrl.u32 v12, $0xA;
	v11 =	vld.idx.msk [tilespmem:v11+s19+$0x0], $0xffff  }
0x3f7: {  	v3 =	vld [tilespmem:s31+$0x840];
	v5 =	vand.u32 $0x3FF, v17;
	v4 =	vadd.f32 v10, v4  }
0x3f8: {  	v13 =	vld.idx.msk [tilespmem:v13+s19+$0x0], $0xffff  }
0x3f9: {  	v6 =	vld [tilespmem:s31+$0x830];
	v10 =	vshra.s32 v12, $0x14;
	v4 =	vadd.f32 v9, v4  }
0x3fa: {  	v59 =	vand.u32 $0x3FF, v8;
	v60 =	vshrl.u32 v8, $0xA;
	v8 =	vshra.s32 v8, $0x14;
	v7 =	vld.idx.msk [tilespmem:v7+s19+$0x0], $0xffff  }
0x3fb: {  	v15 =	vld [tilespmem:s31+$0x810];
	v9 =	vand.u32 $0x3FF, v16;
	v11 =	vadd.f32 v11, v4  }
0x3fc: {  	v19 =	vld.idx.msk [tilespmem:v5+s19+$0x0], $0xffff;
	v5 =	vshrl.u32 v16, $0xA  }
0x3fd: {  	v14 =	vld [tilespmem:s31+$0x800];
	v20 =	vand.u32 $0x3FF, v5;
	v11 =	vadd.f32 v13, v11  }
0x3fe: {  	v10 =	vld.idx.msk [tilespmem:v10+s19+$0x0], $0xffff  }
0x3ff: {  	v8 =	vld.idx.msk [tilespmem:v8+s19+$0x0], $0xffff;
	v13 =	vshra.s32 v16, $0x14;
	v11 =	vadd.f32 v7, v11  }
0x400: {  	v9 =	vld.idx.msk [tilespmem:v9+s19+$0x0], $0xffff  }
0x401: {  	v12 =	vld [tilespmem:s31+$0x460];
	v16 =	vand.u32 $0x3FF, v18;
	v11 =	vadd.f32 v19, v11  }
0x402: {  	v57 =	vand.u32 $0x3FF, v15;
	v58 =	vshrl.u32 v15, $0xA;
	v15 =	vshra.s32 v15, $0x14;
	v20 =	vld.idx.msk [tilespmem:v20+s19+$0x0], $0xffff  }
0x403: {  	v17 =	vld [tilespmem:s31+$0x470];
	v10 =	vadd.f32 v10, v11  }
0x404: {  	v13 =	vld.idx.msk [tilespmem:v13+s19+$0x0], $0xffff  }
0x405: {  	v18 =	vshra.s32 v18, $0x14;
	v11 =	vld [tilespmem:s26+$0x0];
	v9 =	vadd.f32 v9, v10  }
0x406: {  	v54 =	vand.u32 $0x3FF, v14;
	v16 =	vld.idx.msk [tilespmem:v16+s19+$0x0], $0xffff  }
0x407: {  	v15 =	vld.idx.msk [tilespmem:v15+s19+$0x0], $0xffff;
	v22 =	vand.u32 $0x3FF, v12;
	v9 =	vadd.f32 v20, v9  }
0x408: {  	v50 =	vand.u32 $0x3FF, v17;
	v4 =	vld [tilespmem:s26+$0x400];
	v23 =	vshrl.u32 v12, $0xA  }
0x409: {  	v5 =	vld [tilespmem:s26+$0x70];
	v23 =	vand.u32 $0x3FF, v23;
	v9 =	vadd.f32 v13, v9  }
0x40a: {  	v18 =	vld.idx.msk [tilespmem:v18+s19+$0x0], $0xffff;
	v13 =	vand.u32 $0x3FF, v11  }
0x40b: {  	v56 =	vld.idx.msk [tilespmem:v54+s19+$0x0], $0xffff;
	v12 =	vshra.s32 v12, $0x14;
	v49 =	vshrl.u32 v11, $0xA;
	v9 =	vadd.f32 v16, v9  }
0x40c: {  	v22 =	vld.idx.msk [tilespmem:v22+s19+$0x0], $0xffff;
	v16 =	vand.u32 $0x3FF, v49  }
0x40d: {  	v52 =	vshrl.u32 v17, $0xA;
	v17 =	vshra.s32 v17, $0x14;
	v26 =	vld.idx.msk [tilespmem:v50+s19+$0x0], $0xffff;
	v9 =	vadd.f32 v21, v9  }
0x40e: {  	v23 =	vld.idx.msk [tilespmem:v23+s19+$0x0], $0xffff;
	v11 =	vshra.s32 v11, $0x14  }
0x40f: {  	v21 =	vand.u32 $0x3FF, v52;
	v13 =	vld.idx.msk [tilespmem:v13+s19+$0x0], $0xffff;
	v9 =	vadd.f32 v18, v9  }
0x410: {  	v12 =	vld.idx.msk [tilespmem:v12+s19+$0x0], $0xffff;
	v18 =	vand.u32 $0x3FF, v48  }
0x411: {  	v53 =	vshrl.u32 v48, $0xA;
	v16 =	vld.idx.msk [tilespmem:v16+s19+$0x0], $0xffff;
	v9 =	vadd.f32 v22, v9  }
0x412: {  	v17 =	vld.idx.msk [tilespmem:v17+s19+$0x0], $0xffff;
	v22 =	vand.u32 $0x3FF, v53  }
0x413: {  	v55 =	vshrl.u32 v14, $0xA;
	v14 =	vshra.s32 v14, $0x14;
	v11 =	vld.idx.msk [tilespmem:v11+s19+$0x0], $0xffff;
	v9 =	vadd.f32 v23, v9  }
0x414: {  	v21 =	vld.idx.msk [tilespmem:v21+s19+$0x0], $0xffff;
	v13 =	vadd.f32 $0.0e+00, v13  }
0x415: {  	v23 =	vand.u32 $0x3FF, v55;
	v18 =	vld.idx.msk [tilespmem:v18+s19+$0x0], $0xffff;
	v9 =	vadd.f32 v12, v9  }
0x416: {  	v20 =	vld [tilespmem:s26+$0x30];
	v12 =	vand.u32 $0x3FF, v51;
	v13 =	vadd.f32 v16, v13  }
0x417: {  	v16 =	vld.idx.msk [tilespmem:v22+s19+$0x0], $0xffff;
	v22 =	vshrl.u32 v51, $0xA;
	v9 =	vadd.f32 v26, v9  }
0x418: {  	v14 =	vld.idx.msk [tilespmem:v14+s19+$0x0], $0xffff;
	v22 =	vand.u32 $0x3FF, v22;
	v11 =	vadd.f32 v11, v13  }
0x419: {  	v19 =	vld [tilespmem:s26+$0x50];
	v9 =	vadd.f32 v21, v9  }
0x41a: {  	v13 =	vshra.s32 v51, $0x14;
	v23 =	vld.idx.msk [tilespmem:v23+s19+$0x0], $0xffff;
	v11 =	vadd.f32 v18, v11  }
0x41b: {  	v21 =	vand.u32 $0x3FF, v58;
	v12 =	vld.idx.msk [tilespmem:v12+s19+$0x0], $0xffff;
	v9 =	vadd.f32 v17, v9  }
0x41c: {  	v10 =	vld [tilespmem:s26+$0x40];
	v17 =	vand.u32 $0x3FF, v20;
	v11 =	vadd.f32 v16, v11  }
0x41d: {  	v16 =	vld.idx.msk [tilespmem:v22+s19+$0x0], $0xffff;
	v22 =	vshrl.u32 v20, $0xA;
	v9 =	vadd.f32 v56, v9  }
0x41e: {  	v18 =	vld.idx.msk [tilespmem:v57+s19+$0x0], $0xffff;
	v22 =	vand.u32 $0x3FF, v22;
	v11 =	vadd.f32 v24, v11  }
0x41f: {  	v13 =	vld.idx.msk [tilespmem:v13+s19+$0x0], $0xffff;
	v20 =	vshra.s32 v20, $0x14;
	v9 =	vadd.f32 v23, v9  }
0x420: {  	v21 =	vld.idx.msk [tilespmem:v21+s19+$0x0], $0xffff;
	v11 =	vadd.f32 v12, v11  }
0x421: {  	v23 =	vand.u32 $0x3FF, v60;
	v12 =	vld.idx.msk [tilespmem:v17+s19+$0x0], $0xffff;
	v9 =	vadd.f32 v14, v9  }
0x422: {  	v17 =	vld.idx.msk [tilespmem:v59+s19+$0x0], $0xffff;
	v14 =	vand.u32 $0x3FF, v10;
	v11 =	vadd.f32 v16, v11  }
0x423: {  	v61 =	vand.u32 $0x3FF, v6;
	v16 =	vld.idx.msk [tilespmem:v22+s19+$0x0], $0xffff;
	v22 =	vshrl.u32 v10, $0xA;
	v9 =	vadd.f32 v18, v9  }
0x424: {  	v18 =	vld.idx.msk [tilespmem:v20+s19+$0x0], $0xffff;
	v20 =	vand.u32 $0x3FF, v22;
	v11 =	vadd.f32 v13, v11  }
0x425: {  	v7 =	vld [tilespmem:s26+$0x60];
	v10 =	vshra.s32 v10, $0x14;
	v9 =	vadd.f32 v21, v9  }
0x426: {  	v22 =	vshrl.u32 v6, $0xA;
	v6 =	vshra.s32 v6, $0x14;
	v13 =	vld.idx.msk [tilespmem:v23+s19+$0x0], $0xffff;
	v11 =	vadd.f32 v12, v11  }
0x427: {  	v21 =	vand.u32 $0x3FF, v22;
	v12 =	vld.idx.msk [tilespmem:v14+s19+$0x0], $0xffff;
	v9 =	vadd.f32 v15, v9  }
0x428: {  	v14 =	vand.u32 $0x3FF, v19;
	v15 =	vld.idx.msk [tilespmem:v61+s19+$0x0], $0xffff;
	v11 =	vadd.f32 v16, v11  }
0x429: {  	v22 =	vand.u32 $0x3FF, v3;
	v16 =	vld.idx.msk [tilespmem:v20+s19+$0x0], $0xffff;
	v20 =	vshrl.u32 v19, $0xA;
	v9 =	vadd.f32 v17, v9  }
0x42a: {  	v10 =	vld.idx.msk [tilespmem:v10+s19+$0x0], $0xffff;
	v17 =	vand.u32 $0x3FF, v20;
	v11 =	vadd.f32 v18, v11  }
0x42b: {  	v6 =	vld.idx.msk [tilespmem:v6+s19+$0x0], $0xffff;
	v20 =	vshrl.u32 v3, $0xA;
	v3 =	vshra.s32 v3, $0x14;
	v9 =	vadd.f32 v13, v9  }
0x42c: {  	v18 =	vshra.s32 v19, $0x14;
	v19 =	vld.idx.msk [tilespmem:v21+s19+$0x0], $0xffff;
	v11 =	vadd.f32 v12, v11  }
0x42d: {  	v13 =	vand.u32 $0x3FF, v20;
	v12 =	vld.idx.msk [tilespmem:v14+s19+$0x0], $0xffff;
	v8 =	vadd.f32 v8, v9  }
0x42e: {  	v14 =	vld.idx.msk [tilespmem:v22+s19+$0x0], $0xffff;
	v9 =	vand.u32 $0x3FF, v7;
	v11 =	vadd.f32 v16, v11  }
0x42f: {  	v20 =	vand.u32 $0x3FF, v2;
	v16 =	vld.idx.msk [tilespmem:v17+s19+$0x0], $0xffff;
	v17 =	vshrl.u32 v7, $0xA;
	v8 =	vadd.f32 v15, v8  }
0x430: {  	v3 =	vld.idx.msk [tilespmem:v3+s19+$0x0], $0xffff;
	v17 =	vand.u32 $0x3FF, v17;
	v10 =	vadd.f32 v10, v11  }
0x431: {  	v7 =	vshra.s32 v7, $0x14;
	v15 =	vld.idx.msk [tilespmem:v18+s19+$0x0], $0xffff;
	v8 =	vadd.f32 v19, v8  }
0x432: {  	v18 =	vshrl.u32 v2, $0xA;
	v2 =	vshra.s32 v2, $0x14;
	v11 =	vld.idx.msk [tilespmem:v13+s19+$0x0], $0xffff;
	v10 =	vadd.f32 v12, v10  }
0x433: {  	v13 =	vand.u32 $0x3FF, v18;
	v9 =	vld.idx.msk [tilespmem:v9+s19+$0x0], $0xffff;
	v6 =	vadd.f32 v6, v8  }
0x434: {  	v12 =	vld.idx.msk [tilespmem:v20+s19+$0x0], $0xffff;
	v8 =	vand.u32 $0x3FF, v5;
	v10 =	vadd.f32 v16, v10  }
0x435: {  	v16 =	vld.idx.msk [tilespmem:v17+s19+$0x0], $0xffff;
	v17 =	vshrl.u32 v5, $0xA;
	v6 =	vadd.f32 v14, v6  }
0x436: {  	v7 =	vld.idx.msk [tilespmem:v7+s19+$0x0], $0xffff;
	v14 =	vand.u32 $0x3FF, v17;
	v10 =	vadd.f32 v15, v10  }
0x437: {  	v2 =	vld.idx.msk [tilespmem:v2+s19+$0x0], $0xffff;
	v6 =	vadd.f32 v11, v6  }
0x438: {  	v5 =	vshra.s32 v5, $0x14;
	v13 =	vld.idx.msk [tilespmem:v13+s19+$0x0], $0xffff;
	v9 =	vadd.f32 v9, v10  }
0x439: {  	v8 =	vld.idx.msk [tilespmem:v8+s19+$0x0], $0xffff;
	v3 =	vadd.f32 v3, v6  }
0x43a: {  	v10 =	vld [tilespmem:s26+$0x410];
	v6 =	vand.u32 $0x3FF, v4;
	v9 =	vadd.f32 v16, v9  }
0x43b: {  	s29 =	simm.s32 $0x1D80;
	v11 =	vld.idx.msk [tilespmem:v14+s19+$0x0], $0xffff;
	v14 =	vshrl.u32 v4, $0xA;
	v12 =	vadd.f32 v12, v3  }
0x43c: {  	v21 =	vld [tilespmem:s29+$0x0];
	v14 =	vand.u32 $0x3FF, v14;
	v7 =	vadd.f32 v7, v9  }
0x43d: {  	v9 =	vld.idx.msk [tilespmem:v5+s19+$0x0], $0xffff;
	v5 =	vadd.f32 v13, v12  }
0x43e: {  	v18 =	vld [tilespmem:s26+$0x450];
	v12 =	vshra.s32 v4, $0x14;
	v7 =	vadd.f32 v8, v7  }
0x43f: {  	v8 =	vld.idx.msk [tilespmem:v6+s19+$0x0], $0xffff;
	v2 =	vadd.f32 v2, v5  }
0x440: {  	v15 =	vld [tilespmem:s26+$0x420];
	v13 =	vand.u32 $0x3FF, v10;
	v6 =	vadd.f32 v11, v7  }
0x441: {  	v5 =	vshrl.u32 v10, $0xA;
	v7 =	vld.idx.msk [tilespmem:v14+s19+$0x0], $0xffff;
	(xrf2) =	vadd.scan.msk.f32 $0xffff, v2  }
0x442: {  	v17 =	vld [tilespmem:s26+$0x440];
	v2 =	vand.u32 $0x3FF, v5;
	v9 =	vadd.f32 v9, v6  }
0x443: {  	v11 =	vld.idx.msk [tilespmem:v12+s19+$0x0], $0xffff  }
0x444: {  	v3 =	vld [tilespmem:s26+$0x850];
	v10 =	vshra.s32 v10, $0x14;
	v8 =	vadd.f32 v8, v9  }
0x445: {  	v12 =	vld.idx.msk [tilespmem:v13+s19+$0x0], $0xffff  }
0x446: {  	v14 =	vld [tilespmem:s26+$0x430];
	v13 =	vand.u32 $0x3FF, v15;
	v8 =	vadd.f32 v7, v8  }
0x447: {  	v7 =	vshrl.u32 v15, $0xA;
	v2 =	vld.idx.msk [tilespmem:v2+s19+$0x0], $0xffff  }
0x448: {  	v4 =	vld [tilespmem:s26+$0x840];
	v16 =	vand.u32 $0x3FF, v7;
	v8 =	vadd.f32 v11, v8  }
0x449: {  	v10 =	vld.idx.msk [tilespmem:v10+s19+$0x0], $0xffff  }
0x44a: {  	v5 =	vld [tilespmem:s26+$0x830];
	v11 =	vshra.s32 v15, $0x14;
	v8 =	vadd.f32 v12, v8  }
0x44b: {  	v13 =	vld.idx.msk [tilespmem:v13+s19+$0x0], $0xffff;
	v12, _, _ =	vpop (xrf2)  }
0x44c: {  	v6 =	vld [tilespmem:s26+$0x820];
	v15 =	vand.u32 $0x3FF, v14;
	v2 =	vadd.f32 v2, v8;
	(v2sf) =	vpush v12, $0xF  }
0x44d: {  	v8 =	vld.idx.msk [tilespmem:v16+s19+$0x0], $0xffff;
	v12 =	vshrl.u32 v14, $0xA  }
0x44e: {  	v9 =	vld [tilespmem:s26+$0x800];
	v16 =	vand.u32 $0x3FF, v12;
	v2 =	vadd.f32 v10, v2  }
0x44f: {  	v10 =	vld.idx.msk [tilespmem:v11+s19+$0x0], $0xffff  }
0x450: {  	v7 =	vld [tilespmem:s26+$0x810];
	v11 =	vshra.s32 v14, $0x14;
	v2 =	vadd.f32 v13, v2  }
0x451: {  	v13 =	vld.idx.msk [tilespmem:v15+s19+$0x0], $0xffff  }
0x452: {  	v12 =	vld [tilespmem:s26+$0x470];
	v2 =	vadd.f32 v8, v2  }
0x453: {  	v19 =	vshrl.u32 v17, $0xA;
	v15 =	vand.u32 $0x3FF, v17;
	v16 =	vld.idx.msk [tilespmem:v16+s19+$0x0], $0xffff  }
0x454: {  	v19 =	vand.u32 $0x3FF, v19;
	v14 =	vld [tilespmem:s26+$0x460];
	v2 =	vadd.f32 v10, v2  }
0x455: {  	v20 =	vld.idx.msk [tilespmem:v11+s19+$0x0], $0xffff  }
0x456: {  	v17 =	vshra.s32 v17, $0x14;
	v8 =	vld [tilespmem:s29+$0x400];
	v2 =	vadd.f32 v13, v2  }
0x457: {  	v23 =	vand.u32 $0x3FF, v18;
	v11 =	vld [tilespmem:s29+$0x60]  }
0x458: {  	v22 =	vld.idx.msk [tilespmem:v15+s19+$0x0], $0xffff;
	v2 =	vadd.f32 v16, v2  }
0x459: {  	v16 =	vld.idx.msk [tilespmem:v19+s19+$0x0], $0xffff;
	v19 =	vshrl.u32 v18, $0xA  }
0x45a: {  	v10 =	vld [tilespmem:s29+$0x70];
	v62 =	vadd.f32 v20, v2;
	v20 =	vand.u32 $0x3FF, v19  }
0x45b: {  	s31 =	simm.s32 $0x0;
	v15 =	vld.idx.msk [tilespmem:v17+s19+$0x0], $0xffff;
	s28 =	spop (v2sf)  }
0x45c: {  	v63 =	vmov s31;
	v17 =	vld.idx.msk [tilespmem:v23+s19+$0x0], $0xffff;
	v19 =	vshra.s32 v18, $0x14;
	s28 =	smul.f32 $1.464843810e-04, s28  }
0x45d: {  	s30 =	simm.s32 $0x3;
	s25 =	simm.s32 $0x2;
	vm0 =	veq.s32 v63, v0;
	s26 =	simm.s32 $0x1;
	v13 =	vld [tilespmem:s29+$0x50];
	v2 =	vimm.f32 $0.0e+00;
	v18 =	vadd.f32 v22, v62  }
.LBB2_8:
0x45e: {  	p0 =	sne.s32 s30, $0x7;
	v22 =	vld [tilespmem:s29+$0x40];
	v23 =	vand.u32 $0x3FF, v14;
	v2 =	vsel vm0, s28, v2  }
0x45f: {  	v16 =	vadd.f32 v16, v18;
	v18 =	vld.idx.msk [tilespmem:v20+s19+$0x0], $0xffff;
	v20 =	vshrl.u32 v14, $0xA  }
0x460: {  	v24 =	vld [tilespmem:s29+$0x30];
	v20 =	vand.u32 $0x3FF, v20  }
0x461: {  	v14 =	vshra.s32 v14, $0x14;
	v15 =	vadd.f32 v15, v16;
	v16 =	vld.idx.msk [tilespmem:v19+s19+$0x0], $0xffff  }
0x462: {  	v19 =	vand.u32 $0x3FF, v21;
	v25 =	vld [tilespmem:s29+$0x10]  }
0x463: {  	v26 =	vshrl.u32 v21, $0xA;
	v15 =	vadd.f32 v17, v15;
	v17 =	vld.idx.msk [tilespmem:v23+s19+$0x0], $0xffff;
	v23 =	vand.u32 $0x3FF, v12  }
0x464: {  	v26 =	vand.u32 $0x3FF, v26;
	v27 =	vld [tilespmem:s29+$0x20]  }
0x465: {  	v21 =	vshra.s32 v21, $0x14;
	v15 =	vadd.f32 v18, v15;
	v18 =	vld.idx.msk [tilespmem:v20+s19+$0x0], $0xffff;
	v20 =	vshrl.u32 v12, $0xA  }
0x466: {  	v14 =	vld.idx.msk [tilespmem:v14+s19+$0x0], $0xffff;
	v20 =	vand.u32 $0x3FF, v20  }
0x467: {  	v12 =	vshra.s32 v12, $0x14;
	v19 =	vld.idx.msk [tilespmem:v19+s19+$0x0], $0xffff;
	v15 =	vadd.f32 v16, v15  }
0x468: {  	v16 =	vand.u32 $0x3FF, v25;
	v23 =	vld.idx.msk [tilespmem:v23+s19+$0x0], $0xffff  }
0x469: {  	v28 =	vshrl.u32 v25, $0xA;
	v26 =	vld.idx.msk [tilespmem:v26+s19+$0x0], $0xffff;
	v15 =	vadd.f32 v17, v15;
	v17 =	vand.u32 $0x3FF, v9  }
0x46a: {  	v28 =	vand.u32 $0x3FF, v28;
	v21 =	vld.idx.msk [tilespmem:v21+s19+$0x0], $0xffff  }
0x46b: {  	v25 =	vshra.s32 v25, $0x14;
	v15 =	vadd.f32 v18, v15;
	v18 =	vld.idx.msk [tilespmem:v20+s19+$0x0], $0xffff;
	v20 =	vshrl.u32 v9, $0xA  }
0x46c: {  	v12 =	vld.idx.msk [tilespmem:v12+s19+$0x0], $0xffff;
	v20 =	vand.u32 $0x3FF, v20  }
0x46d: {  	v9 =	vshra.s32 v9, $0x14;
	v19 =	vadd.f32 $0.0e+00, v19;
	v16 =	vld.idx.msk [tilespmem:v16+s19+$0x0], $0xffff;
	v14 =	vadd.f32 v14, v15  }
0x46e: {  	v29 =	vand.u32 $0x3FF, v7;
	v15 =	vand.u32 $0x3FF, v27;
	v17 =	vld.idx.msk [tilespmem:v17+s19+$0x0], $0xffff  }
0x46f: {  	v19 =	vadd.f32 v26, v19;
	v26 =	vld.idx.msk [tilespmem:v28+s19+$0x0], $0xffff;
	v28 =	vshrl.u32 v27, $0xA;
	v14 =	vadd.f32 v23, v14  }
0x470: {  	v23 =	vld.idx.msk [tilespmem:v25+s19+$0x0], $0xffff;
	v25 =	vand.u32 $0x3FF, v28;
	v28 =	vshrl.u32 v7, $0xA  }
0x471: {  	v19 =	vadd.f32 v21, v19;
	v21 =	vshra.s32 v27, $0x14;
	v14 =	vadd.f32 v18, v14;
	v18 =	vld.idx.msk [tilespmem:v20+s19+$0x0], $0xffff  }
0x472: {  	v20 =	vand.u32 $0x3FF, v28;
	v9 =	vld.idx.msk [tilespmem:v9+s19+$0x0], $0xffff  }
0x473: {  	v7 =	vshra.s32 v7, $0x14;
	v16 =	vadd.f32 v16, v19;
	v15 =	vld.idx.msk [tilespmem:v15+s19+$0x0], $0xffff;
	v12 =	vadd.f32 v12, v14  }
0x474: {  	v27 =	vand.u32 $0x3FF, v6;
	v14 =	vand.u32 $0x3FF, v24;
	v19 =	vld.idx.msk [tilespmem:v29+s19+$0x0], $0xffff  }
0x475: {  	v16 =	vadd.f32 v26, v16;
	v26 =	vshrl.u32 v24, $0xA;
	v25 =	vld.idx.msk [tilespmem:v25+s19+$0x0], $0xffff;
	v12 =	vadd.f32 v17, v12  }
0x476: {  	v17 =	vld.idx.msk [tilespmem:v21+s19+$0x0], $0xffff;
	v21 =	vand.u32 $0x3FF, v26;
	v26 =	vshrl.u32 v6, $0xA  }
0x477: {  	v16 =	vadd.f32 v23, v16;
	v23 =	vshra.s32 v24, $0x14;
	v12 =	vadd.f32 v18, v12;
	v18 =	vld.idx.msk [tilespmem:v20+s19+$0x0], $0xffff  }
0x478: {  	v20 =	vand.u32 $0x3FF, v26;
	v7 =	vld.idx.msk [tilespmem:v7+s19+$0x0], $0xffff  }
0x479: {  	v6 =	vshra.s32 v6, $0x14;
	v15 =	vadd.f32 v15, v16;
	v14 =	vld.idx.msk [tilespmem:v14+s19+$0x0], $0xffff;
	v9 =	vadd.f32 v9, v12  }
0x47a: {  	v24 =	vand.u32 $0x3FF, v5;
	v12 =	vand.u32 $0x3FF, v22;
	v16 =	vld.idx.msk [tilespmem:v27+s19+$0x0], $0xffff  }
0x47b: {  	v15 =	vadd.f32 v25, v15;
	v25 =	vshrl.u32 v22, $0xA;
	v21 =	vld.idx.msk [tilespmem:v21+s19+$0x0], $0xffff;
	v9 =	vadd.f32 v19, v9  }
0x47c: {  	v19 =	vld.idx.msk [tilespmem:v23+s19+$0x0], $0xffff;
	v23 =	vand.u32 $0x3FF, v25;
	v25 =	vshrl.u32 v5, $0xA  }
0x47d: {  	v15 =	vadd.f32 v17, v15;
	v17 =	vshra.s32 v22, $0x14;
	v9 =	vadd.f32 v18, v9;
	v18 =	vld.idx.msk [tilespmem:v20+s19+$0x0], $0xffff  }
0x47e: {  	v20 =	vand.u32 $0x3FF, v25;
	v6 =	vld.idx.msk [tilespmem:v6+s19+$0x0], $0xffff  }
0x47f: {  	v5 =	vshra.s32 v5, $0x14;
	v14 =	vadd.f32 v14, v15;
	v12 =	vld.idx.msk [tilespmem:v12+s19+$0x0], $0xffff;
	v7 =	vadd.f32 v7, v9  }
0x480: {  	v22 =	vand.u32 $0x3FF, v4;
	v9 =	vand.u32 $0x3FF, v13;
	v15 =	vld.idx.msk [tilespmem:v24+s19+$0x0], $0xffff  }
0x481: {  	v14 =	vadd.f32 v21, v14;
	v21 =	vld.idx.msk [tilespmem:v23+s19+$0x0], $0xffff;
	v23 =	vshrl.u32 v13, $0xA;
	v7 =	vadd.f32 v16, v7  }
0x482: {  	v16 =	vld.idx.msk [tilespmem:v17+s19+$0x0], $0xffff;
	v17 =	vand.u32 $0x3FF, v23;
	v23 =	vshrl.u32 v4, $0xA  }
0x483: {  	v13 =	vshra.s32 v13, $0x14;
	v14 =	vadd.f32 v19, v14;
	v7 =	vadd.f32 v18, v7;
	v18 =	vld.idx.msk [tilespmem:v20+s19+$0x0], $0xffff  }
0x484: {  	v19 =	vand.u32 $0x3FF, v23;
	v5 =	vld.idx.msk [tilespmem:v5+s19+$0x0], $0xffff  }
0x485: {  	v4 =	vshra.s32 v4, $0x14;
	v12 =	vadd.f32 v12, v14;
	v9 =	vld.idx.msk [tilespmem:v9+s19+$0x0], $0xffff;
	v6 =	vadd.f32 v6, v7  }
0x486: {  	v20 =	vand.u32 $0x3FF, v3;
	v7 =	vand.u32 $0x3FF, v11;
	v14 =	vld.idx.msk [tilespmem:v22+s19+$0x0], $0xffff  }
0x487: {  	v12 =	vadd.f32 v21, v12;
	v21 =	vshrl.u32 v11, $0xA;
	v17 =	vld.idx.msk [tilespmem:v17+s19+$0x0], $0xffff;
	v6 =	vadd.f32 v15, v6  }
0x488: {  	v15 =	vand.u32 $0x3FF, v21;
	v21 =	vshrl.u32 v3, $0xA;
	v13 =	vld.idx.msk [tilespmem:v13+s19+$0x0], $0xffff  }
0x489: {  	v11 =	vshra.s32 v11, $0x14;
	v12 =	vadd.f32 v16, v12;
	v6 =	vadd.f32 v18, v6;
	v16 =	vld.idx.msk [tilespmem:v19+s19+$0x0], $0xffff  }
0x48a: {  	v18 =	vand.u32 $0x3FF, v21;
	v4 =	vld.idx.msk [tilespmem:v4+s19+$0x0], $0xffff  }
0x48b: {  	v3 =	vshra.s32 v3, $0x14;
	v9 =	vadd.f32 v9, v12;
	v7 =	vld.idx.msk [tilespmem:v7+s19+$0x0], $0xffff;
	v5 =	vadd.f32 v5, v6  }
0x48c: {  	v6 =	vand.u32 $0x3FF, v10;
	v12 =	vld.idx.msk [tilespmem:v20+s19+$0x0], $0xffff  }
0x48d: {  	v9 =	vadd.f32 v17, v9;
	v17 =	vshrl.u32 v10, $0xA;
	v15 =	vld.idx.msk [tilespmem:v15+s19+$0x0], $0xffff;
	v5 =	vadd.f32 v14, v5  }
0x48e: {  	v14 =	vand.u32 $0x3FF, v17;
	v11 =	vld.idx.msk [tilespmem:v11+s19+$0x0], $0xffff  }
0x48f: {  	v9 =	vadd.f32 v13, v9;
	v5 =	vadd.f32 v16, v5;
	v13 =	vld.idx.msk [tilespmem:v18+s19+$0x0], $0xffff  }
0x490: {  	v10 =	vshra.s32 v10, $0x14;
	v16 =	vld.idx.msk [tilespmem:v3+s19+$0x0], $0xffff  }
0x491: {  	v3 =	vadd.f32 v7, v9;
	v6 =	vld.idx.msk [tilespmem:v6+s19+$0x0], $0xffff;
	v4 =	vadd.f32 v4, v5  }
0x492: {  	v5 =	vand.u32 $0x3FF, v8;
	v7 =	vld [tilespmem:s29+$0x410]  }
0x493: {  	v9 =	vadd.f32 v15, v3;
	v3 =	vshrl.u32 v8, $0xA;
	v14 =	vld.idx.msk [tilespmem:v14+s19+$0x0], $0xffff;
	v4 =	vadd.f32 v12, v4  }
0x494: {  	v12 =	vand.u32 $0x3FF, v3;
	v3 =	vld [tilespmem:s29+$0x850]  }
0x495: {  	v9 =	vadd.f32 v11, v9;
	v10 =	vld.idx.msk [tilespmem:v10+s19+$0x0], $0xffff;
	v11 =	vadd.f32 v13, v4  }
0x496: {  	v8 =	vshra.s32 v8, $0x14;
	v4 =	vld [tilespmem:s29+$0x840]  }
0x497: {  	v6 =	vadd.f32 v6, v9;
	v9 =	vld.idx.msk [tilespmem:v5+s19+$0x0], $0xffff;
	v5 =	vadd.f32 v16, v11  }
0x498: {  	v11 =	vand.u32 $0x3FF, v7;
	v13 =	vld [tilespmem:s29+$0x420]  }
0x499: {  	v6 =	vadd.f32 v14, v6;
	v14 =	vshrl.u32 v7, $0xA;
	v12 =	vld.idx.msk [tilespmem:v12+s19+$0x0], $0xffff;
	(xrf2) =	vadd.scan.msk.f32 $0xffff, v5  }
0x49a: {  	v14 =	vand.u32 $0x3FF, v14;
	v5 =	vld [tilespmem:s29+$0x830]  }
0x49b: {  	v10 =	vadd.f32 v10, v6;
	v8 =	vld.idx.msk [tilespmem:v8+s19+$0x0], $0xffff  }
0x49c: {  	v15 =	vshra.s32 v7, $0x14;
	v6 =	vld [tilespmem:s29+$0x820]  }
0x49d: {  	v7 =	vadd.f32 v9, v10;
	v10 =	vld.idx.msk [tilespmem:v11+s19+$0x0], $0xffff  }
0x49e: {  	v11 =	vand.u32 $0x3FF, v13;
	v16 =	vld [tilespmem:s29+$0x430]  }
0x49f: {  	v9 =	vadd.f32 v12, v7;
	v7 =	vshrl.u32 v13, $0xA;
	v12 =	vld.idx.msk [tilespmem:v14+s19+$0x0], $0xffff  }
0x4a0: {  	v14 =	vand.u32 $0x3FF, v7;
	v7 =	vld [tilespmem:s29+$0x810]  }
0x4a1: {  	v8 =	vadd.f32 v8, v9;
	v15 =	vld.idx.msk [tilespmem:v15+s19+$0x0], $0xffff  }
0x4a2: {  	v13 =	vshra.s32 v13, $0x14;
	v9 =	vld [tilespmem:s29+$0x800]  }
0x4a3: {  	v8 =	vadd.f32 v10, v8;
	v10 =	vld.idx.msk [tilespmem:v11+s19+$0x0], $0xffff;
	v11, _, _ =	vpop (xrf2)  }
0x4a4: {  	v17 =	vand.u32 $0x3FF, v16;
	v18 =	vld [tilespmem:s29+$0x440];
	(v2sf) =	vpush v11, $0xF  }
0x4a5: {  	v8 =	vadd.f32 v12, v8;
	v12 =	vshrl.u32 v16, $0xA;
	v11 =	vld.idx.msk [tilespmem:v14+s19+$0x0], $0xffff  }
0x4a6: {  	v19 =	vand.u32 $0x3FF, v12;
	v12 =	vld [tilespmem:s29+$0x470]  }
0x4a7: {  	v8 =	vadd.f32 v15, v8;
	v13 =	vld.idx.msk [tilespmem:v13+s19+$0x0], $0xffff  }
0x4a8: {  	v15 =	vshra.s32 v16, $0x14;
	v14 =	vld [tilespmem:s29+$0x460]  }
0x4a9: {  	v8 =	vadd.f32 v10, v8;
	v16 =	vld.idx.msk [tilespmem:v17+s19+$0x0], $0xffff  }
0x4aa: {  	v17 =	vand.u32 $0x3FF, v18;
	v22 =	vld [tilespmem:s29+$0x450]  }
0x4ab: {  	v10 =	vadd.f32 v11, v8;
	v11 =	vshrl.u32 v18, $0xA;
	s29 =	sadd.s32 $0x80, s29;
	v19 =	vld.idx.msk [tilespmem:v19+s19+$0x0], $0xffff  }
0x4ac: {  	v20 =	vand.u32 $0x3FF, v11;
	v8 =	vld [tilespmem:s29+$0x400]  }
0x4ad: {  	v11 =	vadd.f32 v13, v10;
	v15 =	vld.idx.msk [tilespmem:v15+s19+$0x0], $0xffff  }
0x4ae: {  	v18 =	vshra.s32 v18, $0x14;
	v10 =	vld [tilespmem:s29+$0x70]  }
0x4af: {  	v13 =	vadd.f32 v16, v11;
	v17 =	vld.idx.msk [tilespmem:v17+s19+$0x0], $0xffff  }
0x4b0: {  	v23 =	vand.u32 $0x3FF, v22;
	v11 =	vld [tilespmem:s29+$0x60]  }
.Ltmp3:
0x4b1: {  	v19 =	vadd.f32 v19, v13;
	v16 =	vld.idx.msk [tilespmem:v20+s19+$0x0], $0xffff;
	v20 =	vshrl.u32 v22, $0xA;
	(pc) =	sbr.rel @p0 .LBB2_8-.Ltmp3, $4  }
0x4b2: {  	v13 =	vld [tilespmem:s29+$0x50];
	v20 =	vand.u32 $0x3FF, v20  }
0x4b3: {  	v24 =	vadd.f32 v15, v19;
	v15 =	vld.idx.msk [tilespmem:v18+s19+$0x0], $0xffff;
	s28 =	spop (v2sf)  }
0x4b4: {  	v19 =	vshra.s32 v22, $0x14;
	v22 =	vmov s26;
	s26 =	smov.u32 s25;
	s25 =	smov.u32 s30;
	v21 =	vld [tilespmem:s29+$0x0];
	s28 =	smul.f32 $1.464843810e-04, s28  }
0x4b5: {  	s30 =	sadd.s32 $0x1, s30;
	vm0 =	veq.s32 v22, v0;
	v18 =	vadd.f32 v17, v24;
	v17 =	vld.idx.msk [tilespmem:v23+s19+$0x0], $0xffff  }
0x4b6: {  	_ =	sdelay $0x2  }
0x4b7: {  	v22 =	vand.u32 $0x3FF, v21  }
0x4b8: {  	v23 =	vld [tilespmem:s29+$0x10];
	v24 =	vshrl.u32 v21, $0xA  }
0x4b9: {  	v24 =	vand.u32 $0x3FF, v24;
	_ =	sdelay $0x1  }
0x4ba: {  	v21 =	vshra.s32 v21, $0x14  }
0x4bb: {  	v22 =	vld.idx.msk [tilespmem:v22+s19+$0x0], $0xffff  }
0x4bc: {  	v25 =	vld [tilespmem:s29+$0x20];
	v26 =	vand.u32 $0x3FF, v23  }
0x4bd: {  	v27 =	vshrl.u32 v23, $0xA;
	v24 =	vld.idx.msk [tilespmem:v24+s19+$0x0], $0xffff  }
0x4be: {  	v27 =	vand.u32 $0x3FF, v27  }
0x4bf: {  	v21 =	vld.idx.msk [tilespmem:v21+s19+$0x0], $0xffff  }
0x4c0: {  	v23 =	vshra.s32 v23, $0x14;
	v22 =	vadd.f32 $0.0e+00, v22  }
0x4c1: {  	v26 =	vld.idx.msk [tilespmem:v26+s19+$0x0], $0xffff  }
0x4c2: {  	v28 =	vld [tilespmem:s29+$0x30];
	v29 =	vand.u32 $0x3FF, v25;
	v22 =	vadd.f32 v24, v22  }
0x4c3: {  	v33 =	vshrl.u32 v25, $0xA;
	v32 =	vld.idx.msk [tilespmem:v27+s19+$0x0], $0xffff  }
0x4c4: {  	v27 =	vand.u32 $0x3FF, v33;
	v21 =	vadd.f32 v21, v22  }
0x4c5: {  	v22 =	vld.idx.msk [tilespmem:v23+s19+$0x0], $0xffff  }
0x4c6: {  	v23 =	vshra.s32 v25, $0x14;
	v21 =	vadd.f32 v26, v21  }
0x4c7: {  	v34 =	vld.idx.msk [tilespmem:v29+s19+$0x0], $0xffff  }
0x4c8: {  	v35 =	vld [tilespmem:s29+$0x40];
	v36 =	vand.u32 $0x3FF, v28;
	v21 =	vadd.f32 v32, v21  }
0x4c9: {  	v38 =	vshrl.u32 v28, $0xA;
	v37 =	vld.idx.msk [tilespmem:v27+s19+$0x0], $0xffff  }
0x4ca: {  	v27 =	vand.u32 $0x3FF, v38;
	v21 =	vadd.f32 v22, v21  }
0x4cb: {  	v22 =	vld.idx.msk [tilespmem:v23+s19+$0x0], $0xffff  }
0x4cc: {  	v23 =	vshra.s32 v28, $0x14;
	v21 =	vadd.f32 v34, v21  }
0x4cd: {  	v39 =	vld.idx.msk [tilespmem:v36+s19+$0x0], $0xffff  }
0x4ce: {  	v40 =	vand.u32 $0x3FF, v35;
	v21 =	vadd.f32 v37, v21  }
0x4cf: {  	v42 =	vshrl.u32 v35, $0xA;
	v41 =	vld.idx.msk [tilespmem:v27+s19+$0x0], $0xffff  }
0x4d0: {  	v27 =	vand.u32 $0x3FF, v42;
	v21 =	vadd.f32 v22, v21  }
0x4d1: {  	v22 =	vld.idx.msk [tilespmem:v23+s19+$0x0], $0xffff  }
0x4d2: {  	v23 =	vshra.s32 v35, $0x14;
	v21 =	vadd.f32 v39, v21  }
0x4d3: {  	v43 =	vld.idx.msk [tilespmem:v40+s19+$0x0], $0xffff  }
0x4d4: {  	v44 =	vand.u32 $0x3FF, v13;
	v21 =	vadd.f32 v41, v21  }
0x4d5: {  	v46 =	vshrl.u32 v13, $0xA;
	v45 =	vld.idx.msk [tilespmem:v27+s19+$0x0], $0xffff  }
0x4d6: {  	v27 =	vand.u32 $0x3FF, v46;
	v21 =	vadd.f32 v22, v21  }
0x4d7: {  	v22 =	vld.idx.msk [tilespmem:v23+s19+$0x0], $0xffff  }
0x4d8: {  	v13 =	vshra.s32 v13, $0x14;
	v21 =	vadd.f32 v43, v21  }
0x4d9: {  	v23 =	vld.idx.msk [tilespmem:v44+s19+$0x0], $0xffff  }
0x4da: {  	v47 =	vand.u32 $0x3FF, v11;
	v21 =	vadd.f32 v45, v21  }
0x4db: {  	v49 =	vshrl.u32 v11, $0xA;
	v48 =	vld.idx.msk [tilespmem:v27+s19+$0x0], $0xffff  }
0x4dc: {  	v26 =	vand.u32 $0x3FF, v49;
	v21 =	vadd.f32 v22, v21  }
0x4dd: {  	v13 =	vld.idx.msk [tilespmem:v13+s19+$0x0], $0xffff  }
0x4de: {  	v11 =	vshra.s32 v11, $0x14;
	v21 =	vadd.f32 v23, v21  }
0x4df: {  	v22 =	vld.idx.msk [tilespmem:v47+s19+$0x0], $0xffff  }
0x4e0: {  	v51 =	vshrl.u32 v10, $0xA;
	v23 =	vand.u32 $0x3FF, v10;
	v21 =	vadd.f32 v48, v21  }
0x4e1: {  	v25 =	vand.u32 $0x3FF, v51;
	v50 =	vld.idx.msk [tilespmem:v26+s19+$0x0], $0xffff  }
0x4e2: {  	v13 =	vadd.f32 v13, v21  }
0x4e3: {  	v11 =	vld.idx.msk [tilespmem:v11+s19+$0x0], $0xffff  }
0x4e4: {  	v10 =	vshra.s32 v10, $0x14;
	v13 =	vadd.f32 v22, v13  }
0x4e5: {  	v21 =	vld.idx.msk [tilespmem:v23+s19+$0x0], $0xffff  }
0x4e6: {  	v53 =	vshrl.u32 v8, $0xA;
	v52 =	vld.idx.msk [tilespmem:v25+s19+$0x0], $0xffff;
	v22 =	vand.u32 $0x3FF, v8;
	v13 =	vadd.f32 v50, v13  }
0x4e7: {  	v25 =	vand.u32 $0x3FF, v53;
	v23 =	vld [tilespmem:s29+$0x410]  }
0x4e8: {  	v11 =	vadd.f32 v11, v13  }
0x4e9: {  	v10 =	vld.idx.msk [tilespmem:v10+s19+$0x0], $0xffff  }
0x4ea: {  	v8 =	vshra.s32 v8, $0x14;
	v11 =	vadd.f32 v21, v11  }
0x4eb: {  	v13 =	vld.idx.msk [tilespmem:v22+s19+$0x0], $0xffff  }
0x4ec: {  	v54 =	vld.idx.msk [tilespmem:v25+s19+$0x0], $0xffff;
	v21 =	vand.u32 $0x3FF, v23;
	v11 =	vadd.f32 v52, v11  }
0x4ed: {  	v55 =	vshrl.u32 v23, $0xA;
	v22 =	vld [tilespmem:s29+$0x420]  }
0x4ee: {  	v25 =	vand.u32 $0x3FF, v55;
	v10 =	vadd.f32 v10, v11  }
0x4ef: {  	v8 =	vld.idx.msk [tilespmem:v8+s19+$0x0], $0xffff  }
0x4f0: {  	v11 =	vshra.s32 v23, $0x14;
	v10 =	vadd.f32 v13, v10  }
0x4f1: {  	v13 =	vld.idx.msk [tilespmem:v21+s19+$0x0], $0xffff  }
0x4f2: {  	v23 =	vld [tilespmem:s29+$0x430];
	v21 =	vand.u32 $0x3FF, v22;
	v10 =	vadd.f32 v54, v10  }
0x4f3: {  	v56 =	vld.idx.msk [tilespmem:v25+s19+$0x0], $0xffff;
	v57 =	vshrl.u32 v22, $0xA  }
0x4f4: {  	v58 =	vld [tilespmem:s29+$0x440];
	v25 =	vand.u32 $0x3FF, v57;
	v8 =	vadd.f32 v8, v10  }
0x4f5: {  	v10 =	vld.idx.msk [tilespmem:v11+s19+$0x0], $0xffff  }
0x4f6: {  	v11 =	vld.idx.msk [tilespmem:v20+s19+$0x0], $0xffff;
	v20 =	vshra.s32 v22, $0x14;
	v8 =	vadd.f32 v13, v8  }
0x4f7: {  	v21 =	vld.idx.msk [tilespmem:v21+s19+$0x0], $0xffff  }
0x4f8: {  	v19 =	vld.idx.msk [tilespmem:v19+s19+$0x0], $0xffff;
	v22 =	vand.u32 $0x3FF, v23;
	v8 =	vadd.f32 v56, v8  }
0x4f9: {  	v16 =	vadd.f32 v16, v18;
	v18 =	vand.u32 $0x3FF, v9;
	v60 =	vshrl.u32 v23, $0xA;
	v59 =	vld.idx.msk [tilespmem:v25+s19+$0x0], $0xffff  }
0x4fa: {  	v62 =	vld [tilespmem:s29+$0x450];
	v25 =	vand.u32 $0x3FF, v60;
	v8 =	vadd.f32 v10, v8  }
0x4fb: {  	v20 =	vld.idx.msk [tilespmem:v20+s19+$0x0], $0xffff  }
0x4fc: {  	v33 =	vld [tilespmem:s29+$0x460];
	v23 =	vshra.s32 v23, $0x14;
	v8 =	vadd.f32 v21, v8  }
0x4fd: {  	v21 =	vld.idx.msk [tilespmem:v22+s19+$0x0], $0xffff  }
0x4fe: {  	v18 =	vld.idx.msk [tilespmem:v18+s19+$0x0], $0xffff;
	v22 =	vand.u32 $0x3FF, v58;
	v8 =	vadd.f32 v59, v8  }
0x4ff: {  	v31 =	vshrl.u32 v58, $0xA;
	v41 =	vshrl.u32 v9, $0xA;
	v9 =	vshra.s32 v9, $0x14;
	v63 =	vld.idx.msk [tilespmem:v25+s19+$0x0], $0xffff  }
0x500: {  	v38 =	vld [tilespmem:s29+$0x470];
	v25 =	vand.u32 $0x3FF, v31;
	v8 =	vadd.f32 v20, v8  }
0x501: {  	v39 =	vand.u32 $0x3FF, v33;
	v23 =	vld.idx.msk [tilespmem:v23+s19+$0x0], $0xffff  }
0x502: {  	v15 =	vadd.f32 v15, v16;
	v26 =	vshra.s32 v58, $0x14;
	v46 =	vld [tilespmem:s29+$0x810];
	v8 =	vadd.f32 v21, v8  }
0x503: {  	v61 =	vshrl.u32 v14, $0xA;
	v13 =	vand.u32 $0x3FF, v14;
	v22 =	vld.idx.msk [tilespmem:v22+s19+$0x0], $0xffff  }
0x504: {  	v15 =	vadd.f32 v17, v15;
	v34 =	vand.u32 $0x3FF, v62;
	v9 =	vld.idx.msk [tilespmem:v9+s19+$0x0], $0xffff;
	v8 =	vadd.f32 v63, v8  }
0x505: {  	v36 =	vshrl.u32 v62, $0xA;
	v10 =	vand.u32 $0x3FF, v61;
	v35 =	vld.idx.msk [tilespmem:v25+s19+$0x0], $0xffff  }
0x506: {  	v11 =	vadd.f32 v11, v15;
	v15 =	vld.idx.msk [tilespmem:v39+s19+$0x0], $0xffff;
	v25 =	vand.u32 $0x3FF, v36;
	v8 =	vadd.f32 v23, v8  }
0x507: {  	v14 =	vshra.s32 v14, $0x14;
	v23 =	vld.idx.msk [tilespmem:v26+s19+$0x0], $0xffff  }
0x508: {  	v37 =	vshra.s32 v62, $0x14;
	v13 =	vld.idx.msk [tilespmem:v13+s19+$0x0], $0xffff;
	v8 =	vadd.f32 v22, v8  }
0x509: {  	v32 =	vshrl.u32 v12, $0xA;
	v20 =	vand.u32 $0x3FF, v12;
	v22 =	vld.idx.msk [tilespmem:v34+s19+$0x0], $0xffff  }
0x50a: {  	v10 =	vld.idx.msk [tilespmem:v10+s19+$0x0], $0xffff;
	v21 =	vand.u32 $0x3FF, v32;
	v8 =	vadd.f32 v35, v8  }
0x50b: {  	v40 =	vshrl.u32 v33, $0xA;
	v11 =	vadd.f32 v19, v11;
	v16 =	vld.idx.msk [tilespmem:v25+s19+$0x0], $0xffff  }
0x50c: {  	v24 =	vand.u32 $0x3FF, v40;
	v14 =	vld.idx.msk [tilespmem:v14+s19+$0x0], $0xffff;
	v8 =	vadd.f32 v23, v8  }
0x50d: {  	v12 =	vshra.s32 v12, $0x14;
	v11 =	vadd.f32 v13, v11;
	v23 =	vld.idx.msk [tilespmem:v37+s19+$0x0], $0xffff  }
0x50e: {  	v42 =	vshra.s32 v33, $0x14;
	v20 =	vld.idx.msk [tilespmem:v20+s19+$0x0], $0xffff;
	v8 =	vadd.f32 v22, v8  }
0x50f: {  	v17 =	vand.u32 $0x3FF, v41;
	v10 =	vadd.f32 v10, v11;
	v21 =	vld.idx.msk [tilespmem:v21+s19+$0x0], $0xffff  }
0x510: {  	v43 =	vand.u32 $0x3FF, v38;
	v22 =	vld [tilespmem:s29+$0x800];
	v8 =	vadd.f32 v16, v8  }
0x511: {  	v19 =	vshrl.u32 v38, $0xA;
	v13 =	vand.u32 $0x3FF, v7;
	v10 =	vadd.f32 v14, v10;
	v16 =	vld.idx.msk [tilespmem:v24+s19+$0x0], $0xffff  }
0x512: {  	v19 =	vand.u32 $0x3FF, v19;
	v12 =	vld.idx.msk [tilespmem:v12+s19+$0x0], $0xffff;
	v8 =	vadd.f32 v23, v8  }
0x513: {  	v44 =	vshrl.u32 v7, $0xA;
	v7 =	vshra.s32 v7, $0x14;
	v10 =	vadd.f32 v20, v10;
	v23 =	vld.idx.msk [tilespmem:v42+s19+$0x0], $0xffff  }
0x514: {  	v17 =	vld.idx.msk [tilespmem:v17+s19+$0x0], $0xffff;
	v45 =	vshra.s32 v38, $0x14;
	v8 =	vadd.f32 v15, v8  }
0x515: {  	v11 =	vand.u32 $0x3FF, v44;
	v10 =	vadd.f32 v21, v10;
	v15 =	vld.idx.msk [tilespmem:v43+s19+$0x0], $0xffff  }
0x516: {  	v13 =	vld.idx.msk [tilespmem:v13+s19+$0x0], $0xffff;
	v47 =	vand.u32 $0x3FF, v22;
	v8 =	vadd.f32 v16, v8  }
0x517: {  	v14 =	vld.idx.msk [tilespmem:v19+s19+$0x0], $0xffff;
	v10 =	vadd.f32 v12, v10;
	v16 =	vshrl.u32 v22, $0xA  }
0x518: {  	v7 =	vld.idx.msk [tilespmem:v7+s19+$0x0], $0xffff;
	v16 =	vand.u32 $0x3FF, v16;
	v8 =	vadd.f32 v23, v8  }
0x519: {  	v19 =	vld.idx.msk [tilespmem:v45+s19+$0x0], $0xffff;
	v10 =	vadd.f32 v18, v10;
	v20 =	vshra.s32 v22, $0x14  }
0x51a: {  	v11 =	vld.idx.msk [tilespmem:v11+s19+$0x0], $0xffff;
	v8 =	vadd.f32 v15, v8  }
0x51b: {  	v10 =	vadd.f32 v17, v10;
	v21 =	vld.idx.msk [tilespmem:v47+s19+$0x0], $0xffff  }
0x51c: {  	v12 =	vshrl.u32 v46, $0xA;
	v22 =	vld [tilespmem:s29+$0x820];
	v23 =	vand.u32 $0x3FF, v46;
	v8 =	vadd.f32 v14, v8  }
0x51d: {  	v12 =	vand.u32 $0x3FF, v12;
	v9 =	vadd.f32 v9, v10;
	v14 =	vld.idx.msk [tilespmem:v16+s19+$0x0], $0xffff  }
0x51e: {  	v18 =	vld.idx.msk [tilespmem:v20+s19+$0x0], $0xffff;
	v15 =	vand.u32 $0x3FF, v6;
	v8 =	vadd.f32 v19, v8  }
0x51f: {  	v9 =	vadd.f32 v13, v9;
	v20 =	vld [tilespmem:s29+$0x830];
	v16 =	vshrl.u32 v6, $0xA;
	v6 =	vshra.s32 v6, $0x14  }
0x520: {  	v19 =	vshra.s32 v46, $0x14;
	v8 =	vadd.f32 v21, v8  }
0x521: {  	v9 =	vadd.f32 v11, v9;
	v16 =	vand.u32 $0x3FF, v16;
	v17 =	vld.idx.msk [tilespmem:v23+s19+$0x0], $0xffff  }
0x522: {  	v12 =	vld.idx.msk [tilespmem:v12+s19+$0x0], $0xffff;
	v10 =	vshrl.u32 v22, $0xA;
	v21 =	vand.u32 $0x3FF, v22;
	v8 =	vadd.f32 v14, v8  }
0x523: {  	v10 =	vand.u32 $0x3FF, v10;
	v15 =	vld.idx.msk [tilespmem:v15+s19+$0x0], $0xffff  }
0x524: {  	v7 =	vadd.f32 v7, v9;
	v9 =	vshrl.u32 v20, $0xA;
	v6 =	vld.idx.msk [tilespmem:v6+s19+$0x0], $0xffff;
	v8 =	vadd.f32 v18, v8  }
0x525: {  	v9 =	vand.u32 $0x3FF, v9;
	v13 =	vld.idx.msk [tilespmem:v19+s19+$0x0], $0xffff  }
0x526: {  	v14 =	vld.idx.msk [tilespmem:v16+s19+$0x0], $0xffff;
	v19 =	vshra.s32 v22, $0x14;
	v8 =	vadd.f32 v17, v8  }
0x527: {  	v16 =	vand.u32 $0x3FF, v5;
	v17 =	vld.idx.msk [tilespmem:v21+s19+$0x0], $0xffff  }
0x528: {  	v10 =	vld.idx.msk [tilespmem:v10+s19+$0x0], $0xffff;
	v18 =	vshrl.u32 v5, $0xA;
	v21 =	vand.u32 $0x3FF, v20;
	v8 =	vadd.f32 v12, v8  }
0x529: {  	v11 =	vand.u32 $0x3FF, v18;
	v18 =	vld [tilespmem:s29+$0x840]  }
0x52a: {  	v9 =	vld.idx.msk [tilespmem:v9+s19+$0x0], $0xffff;
	v8 =	vadd.f32 v13, v8  }
0x52b: {  	v5 =	vshra.s32 v5, $0x14;
	v7 =	vadd.f32 v15, v7;
	v13 =	vld.idx.msk [tilespmem:v19+s19+$0x0], $0xffff  }
0x52c: {  	v15 =	vshra.s32 v20, $0x14;
	v12 =	vld.idx.msk [tilespmem:v16+s19+$0x0], $0xffff;
	v8 =	vadd.f32 v17, v8  }
0x52d: {  	v7 =	vadd.f32 v14, v7;
	v16 =	vand.u32 $0x3FF, v4;
	v14 =	vld.idx.msk [tilespmem:v21+s19+$0x0], $0xffff  }
0x52e: {  	v11 =	vld.idx.msk [tilespmem:v11+s19+$0x0], $0xffff;
	v20 =	vand.u32 $0x3FF, v18;
	v17 =	vshrl.u32 v4, $0xA;
	v8 =	vadd.f32 v10, v8  }
0x52f: {  	v6 =	vadd.f32 v6, v7;
	v19 =	vld [tilespmem:s29+$0x850];
	v7 =	vshrl.u32 v18, $0xA;
	v10 =	vand.u32 $0x3FF, v17  }
0x530: {  	v5 =	vld.idx.msk [tilespmem:v5+s19+$0x0], $0xffff;
	v7 =	vand.u32 $0x3FF, v7;
	v8 =	vadd.f32 v13, v8  }
0x531: {  	v4 =	vshra.s32 v4, $0x14;
	v6 =	vadd.f32 v12, v6;
	v12 =	vld.idx.msk [tilespmem:v15+s19+$0x0], $0xffff  }
0x532: {  	v15 =	vshra.s32 v18, $0x14;
	v13 =	vld.idx.msk [tilespmem:v16+s19+$0x0], $0xffff;
	v8 =	vadd.f32 v14, v8  }
0x533: {  	v6 =	vadd.f32 v11, v6;
	v11 =	vld.idx.msk [tilespmem:v20+s19+$0x0], $0xffff;
	v14 =	vand.u32 $0x3FF, v3  }
0x534: {  	v17 =	vand.u32 $0x3FF, v19;
	v16 =	vshrl.u32 v3, $0xA;
	v10 =	vld.idx.msk [tilespmem:v10+s19+$0x0], $0xffff;
	v8 =	vadd.f32 v9, v8  }
0x535: {  	v7 =	vld.idx.msk [tilespmem:v7+s19+$0x0], $0xffff;
	v5 =	vadd.f32 v5, v6;
	v6 =	vshrl.u32 v19, $0xA;
	v9 =	vand.u32 $0x3FF, v16  }
0x536: {  	v4 =	vld.idx.msk [tilespmem:v4+s19+$0x0], $0xffff;
	v6 =	vand.u32 $0x3FF, v6;
	v8 =	vadd.f32 v12, v8  }
0x537: {  	v3 =	vshra.s32 v3, $0x14;
	v5 =	vadd.f32 v13, v5;
	v12 =	vld.idx.msk [tilespmem:v15+s19+$0x0], $0xffff  }
0x538: {  	v13 =	vld.idx.msk [tilespmem:v14+s19+$0x0], $0xffff;
	v14 =	vshra.s32 v19, $0x14;
	v8 =	vadd.f32 v11, v8  }
0x539: {  	v5 =	vadd.f32 v10, v5;
	v10 =	vld.idx.msk [tilespmem:v17+s19+$0x0], $0xffff  }
0x53a: {  	v9 =	vld.idx.msk [tilespmem:v9+s19+$0x0], $0xffff;
	v7 =	vadd.f32 v7, v8  }
0x53b: {  	v4 =	vadd.f32 v4, v5;
	v5 =	vld.idx.msk [tilespmem:v6+s19+$0x0], $0xffff  }
0x53c: {  	v3 =	vld.idx.msk [tilespmem:v3+s19+$0x0], $0xffff;
	v6 =	vadd.f32 v12, v7  }
0x53d: {  	v4 =	vadd.f32 v13, v4;
	v7 =	vld.idx.msk [tilespmem:v14+s19+$0x0], $0xffff  }
0x53e: {  	v6 =	vadd.f32 v10, v6  }
0x53f: {  	v4 =	vadd.f32 v9, v4  }
0x540: {  	v5 =	vadd.f32 v5, v6  }
0x541: {  	v3 =	vadd.f32 v3, v4  }
0x542: {  	v4 =	vadd.f32 v7, v5  }
0x543: {  	(xrf2) =	vadd.scan.msk.f32 $0xffff, v3  }
0x544: {  	(xrf2) =	vadd.scan.msk.f32 $0xffff, v4;
	_ =	sdelay $0x8  }
0x545: {  	v3, _, _ =	vpop (xrf2)  }
0x546: {  	(v2sf) =	vpush v3, $0xF;
	v3, _, _ =	vpop (xrf2)  }
0x547: {  	(v2sf) =	vpush v3, $0xF;
	_ =	sdelay $0xd  }
0x548: {  	s31 =	spop (v2sf)  }
0x549: {  	s30 =	spop (v2sf)  }
0x54a: {  	_ =	swait.ge [sflag:s22], $0xC00  }
0x54b: {  	[sflag:s22] =	ssyncset.done $0x0  }
0x54c: {  	s29 =	simm.s32 $0x2880;
	[sflag:s22] =	ssyncadd.s32 $0xFFFFF400  }
0x54d: {  	v3 =	vld [tilespmem:s29+$0x0];
	_ =	sdelay $0x4  }
0x54e: {  	v4 =	vand.u32 $0x3FF, v3  }
0x54f: {  	v5 =	vld [tilespmem:s29+$0x10];
	v6 =	vshrl.u32 v3, $0xA  }
0x550: {  	v6 =	vand.u32 $0x3FF, v6;
	_ =	sdelay $0x1  }
0x551: {  	v3 =	vshra.s32 v3, $0x14  }
0x552: {  	v4 =	vld.idx.msk [tilespmem:v4+s19+$0x0], $0xffff  }
0x553: {  	v7 =	vld [tilespmem:s29+$0x20];
	v8 =	vand.u32 $0x3FF, v5  }
0x554: {  	v9 =	vshrl.u32 v5, $0xA;
	v6 =	vld.idx.msk [tilespmem:v6+s19+$0x0], $0xffff  }
0x555: {  	v9 =	vand.u32 $0x3FF, v9  }
0x556: {  	v3 =	vld.idx.msk [tilespmem:v3+s19+$0x0], $0xffff  }
0x557: {  	v5 =	vshra.s32 v5, $0x14;
	v4 =	vadd.f32 $0.0e+00, v4  }
0x558: {  	v8 =	vld.idx.msk [tilespmem:v8+s19+$0x0], $0xffff  }
0x559: {  	v10 =	vld [tilespmem:s29+$0x30];
	v11 =	vand.u32 $0x3FF, v7;
	v4 =	vadd.f32 v6, v4  }
0x55a: {  	v6 =	vld.idx.msk [tilespmem:v9+s19+$0x0], $0xffff;
	v9 =	vshrl.u32 v7, $0xA  }
0x55b: {  	v9 =	vand.u32 $0x3FF, v9;
	v3 =	vadd.f32 v3, v4  }
0x55c: {  	v4 =	vld.idx.msk [tilespmem:v5+s19+$0x0], $0xffff  }
0x55d: {  	v5 =	vshra.s32 v7, $0x14;
	v3 =	vadd.f32 v8, v3  }
0x55e: {  	v7 =	vld.idx.msk [tilespmem:v11+s19+$0x0], $0xffff  }
0x55f: {  	v11 =	vand.u32 $0x3FF, v10;
	v8 =	vld [tilespmem:s29+$0x40];
	v3 =	vadd.f32 v6, v3  }
0x560: {  	v6 =	vld.idx.msk [tilespmem:v9+s19+$0x0], $0xffff;
	v9 =	vshrl.u32 v10, $0xA  }
0x561: {  	v9 =	vand.u32 $0x3FF, v9;
	v3 =	vadd.f32 v4, v3  }
0x562: {  	v4 =	vld.idx.msk [tilespmem:v5+s19+$0x0], $0xffff  }
0x563: {  	v5 =	vshra.s32 v10, $0x14;
	v3 =	vadd.f32 v7, v3  }
0x564: {  	v7 =	vld.idx.msk [tilespmem:v11+s19+$0x0], $0xffff  }
0x565: {  	v10 =	vld [tilespmem:s29+$0x50];
	v11 =	vand.u32 $0x3FF, v8;
	v3 =	vadd.f32 v6, v3  }
0x566: {  	v6 =	vld.idx.msk [tilespmem:v9+s19+$0x0], $0xffff;
	v9 =	vshrl.u32 v8, $0xA  }
0x567: {  	v9 =	vand.u32 $0x3FF, v9;
	v3 =	vadd.f32 v4, v3  }
0x568: {  	v4 =	vld.idx.msk [tilespmem:v5+s19+$0x0], $0xffff  }
0x569: {  	v5 =	vshra.s32 v8, $0x14;
	v3 =	vadd.f32 v7, v3  }
0x56a: {  	v7 =	vld.idx.msk [tilespmem:v11+s19+$0x0], $0xffff  }
0x56b: {  	v8 =	vld [tilespmem:s29+$0x60];
	v11 =	vand.u32 $0x3FF, v10;
	v3 =	vadd.f32 v6, v3  }
0x56c: {  	v6 =	vld.idx.msk [tilespmem:v9+s19+$0x0], $0xffff;
	v9 =	vshrl.u32 v10, $0xA  }
0x56d: {  	v9 =	vand.u32 $0x3FF, v9;
	v3 =	vadd.f32 v4, v3  }
0x56e: {  	v4 =	vld.idx.msk [tilespmem:v5+s19+$0x0], $0xffff  }
0x56f: {  	v10 =	vshra.s32 v10, $0x14;
	v3 =	vadd.f32 v7, v3  }
0x570: {  	v7 =	vld.idx.msk [tilespmem:v11+s19+$0x0], $0xffff  }
0x571: {  	v5 =	vld [tilespmem:s29+$0x70];
	v11 =	vand.u32 $0x3FF, v8;
	v3 =	vadd.f32 v6, v3  }
0x572: {  	v6 =	vld.idx.msk [tilespmem:v9+s19+$0x0], $0xffff;
	v9 =	vshrl.u32 v8, $0xA  }
0x573: {  	v9 =	vand.u32 $0x3FF, v9;
	v3 =	vadd.f32 v4, v3  }
0x574: {  	v4 =	vld.idx.msk [tilespmem:v10+s19+$0x0], $0xffff  }
0x575: {  	v17 =	vld [tilespmem:s29+$0x440];
	v8 =	vshra.s32 v8, $0x14;
	v3 =	vadd.f32 v7, v3  }
0x576: {  	v11 =	vld.idx.msk [tilespmem:v11+s19+$0x0], $0xffff  }
0x577: {  	v10 =	vld [tilespmem:s29+$0x400];
	v7 =	vand.u32 $0x3FF, v5;
	v3 =	vadd.f32 v6, v3  }
0x578: {  	v12 =	vshrl.u32 v5, $0xA;
	v9 =	vld.idx.msk [tilespmem:v9+s19+$0x0], $0xffff  }
0x579: {  	v19 =	vld [tilespmem:s29+$0x450];
	v6 =	vand.u32 $0x3FF, v12;
	v3 =	vadd.f32 v4, v3  }
0x57a: {  	v8 =	vld.idx.msk [tilespmem:v8+s19+$0x0], $0xffff  }
0x57b: {  	v20 =	vshrl.u32 v17, $0xA;
	v4 =	vshra.s32 v5, $0x14;
	v3 =	vadd.f32 v11, v3  }
0x57c: {  	v20 =	vand.u32 $0x3FF, v20;
	v7 =	vld.idx.msk [tilespmem:v7+s19+$0x0], $0xffff  }
0x57d: {  	v12 =	vld [tilespmem:s29+$0x410];
	v5 =	vshrl.u32 v10, $0xA;
	v11 =	vand.u32 $0x3FF, v10;
	v9 =	vadd.f32 v9, v3  }
0x57e: {  	v13 =	vand.u32 $0x3FF, v5;
	v6 =	vld.idx.msk [tilespmem:v6+s19+$0x0], $0xffff  }
0x57f: {  	v22 =	vshrl.u32 v19, $0xA;
	v8 =	vadd.f32 v8, v9  }
0x580: {  	v22 =	vand.u32 $0x3FF, v22;
	v4 =	vld.idx.msk [tilespmem:v4+s19+$0x0], $0xffff  }
0x581: {  	v20 =	vld.idx.msk [tilespmem:v20+s19+$0x0], $0xffff;
	v9 =	vshra.s32 v10, $0x14;
	v7 =	vadd.f32 v7, v8  }
0x582: {  	v10 =	vld.idx.msk [tilespmem:v11+s19+$0x0], $0xffff  }
0x583: {  	v14 =	vshrl.u32 v12, $0xA;
	v13 =	vld.idx.msk [tilespmem:v13+s19+$0x0], $0xffff;
	v8 =	vand.u32 $0x3FF, v12;
	v6 =	vadd.f32 v6, v7  }
0x584: {  	v14 =	vand.u32 $0x3FF, v14;
	v11 =	vld [tilespmem:s29+$0x420]  }
0x585: {  	v22 =	vld.idx.msk [tilespmem:v22+s19+$0x0], $0xffff;
	v4 =	vadd.f32 v4, v6  }
0x586: {  	v15 =	vld.idx.msk [tilespmem:v9+s19+$0x0], $0xffff  }
0x587: {  	v5 =	vld [tilespmem:s29+$0x840];
	v6 =	vshra.s32 v12, $0x14;
	v4 =	vadd.f32 v10, v4  }
0x588: {  	v8 =	vld.idx.msk [tilespmem:v8+s19+$0x0], $0xffff  }
0x589: {  	v14 =	vld.idx.msk [tilespmem:v14+s19+$0x0], $0xffff;
	v10 =	vand.u32 $0x3FF, v11;
	v4 =	vadd.f32 v13, v4  }
0x58a: {  	v12 =	vld [tilespmem:s29+$0x430];
	v16 =	vshrl.u32 v11, $0xA  }
0x58b: {  	v3 =	vld [tilespmem:s29+$0x850];
	v13 =	vand.u32 $0x3FF, v16;
	v4 =	vadd.f32 v15, v4  }
0x58c: {  	v6 =	vld.idx.msk [tilespmem:v6+s19+$0x0], $0xffff  }
0x58d: {  	v7 =	vld [tilespmem:s29+$0x830];
	v11 =	vshra.s32 v11, $0x14;
	v4 =	vadd.f32 v8, v4  }
0x58e: {  	v10 =	vld.idx.msk [tilespmem:v10+s19+$0x0], $0xffff  }
0x58f: {  	v9 =	vld [tilespmem:s29+$0x820];
	v8 =	vand.u32 $0x3FF, v12;
	v4 =	vadd.f32 v14, v4  }
0x590: {  	v18 =	vshrl.u32 v12, $0xA;
	v13 =	vld.idx.msk [tilespmem:v13+s19+$0x0], $0xffff  }
0x591: {  	v16 =	vld [tilespmem:s29+$0x810];
	v14 =	vand.u32 $0x3FF, v18;
	v4 =	vadd.f32 v6, v4  }
0x592: {  	v11 =	vld.idx.msk [tilespmem:v11+s19+$0x0], $0xffff  }
0x593: {  	v15 =	vld [tilespmem:s29+$0x800];
	v6 =	vshra.s32 v12, $0x14;
	v4 =	vadd.f32 v10, v4  }
0x594: {  	v8 =	vld.idx.msk [tilespmem:v8+s19+$0x0], $0xffff  }
0x595: {  	v18 =	vld [tilespmem:s29+$0x470];
	v10 =	vand.u32 $0x3FF, v17;
	v13 =	vadd.f32 v13, v4  }
0x596: {  	v14 =	vld.idx.msk [tilespmem:v14+s19+$0x0], $0xffff  }
0x597: {  	v12 =	vld [tilespmem:s29+$0x460];
	v11 =	vadd.f32 v11, v13  }
0x598: {  	v55 =	vand.u32 $0x3FF, v15;
	s29 =	simm.s32 $0x2900;
	v21 =	vld.idx.msk [tilespmem:v6+s19+$0x0], $0xffff  }
0x599: {  	v49 =	vld [tilespmem:s29+$0x10];
	v13 =	vshra.s32 v17, $0x14;
	v11 =	vadd.f32 v8, v11  }
0x59a: {  	v17 =	vand.u32 $0x3FF, v19;
	v10 =	vld.idx.msk [tilespmem:v10+s19+$0x0], $0xffff  }
0x59b: {  	v52 =	vld [tilespmem:s29+$0x20];
	v11 =	vadd.f32 v14, v11  }
0x59c: {  	v56 =	vshrl.u32 v15, $0xA;
	v15 =	vshra.s32 v15, $0x14;
	v4 =	vld [tilespmem:s29+$0x400]  }
0x59d: {  	v58 =	vld.idx.msk [tilespmem:v55+s19+$0x0], $0xffff;
	v11 =	vadd.f32 v21, v11  }
0x59e: {  	v13 =	vld.idx.msk [tilespmem:v13+s19+$0x0], $0xffff  }
0x59f: {  	v19 =	vshra.s32 v19, $0x14;
	v17 =	vld.idx.msk [tilespmem:v17+s19+$0x0], $0xffff;
	v10 =	vadd.f32 v10, v11  }
0x5a0: {  	v51 =	vand.u32 $0x3FF, v18;
	v21 =	vld [tilespmem:s29+$0x0]  }
0x5a1: {  	v15 =	vld.idx.msk [tilespmem:v15+s19+$0x0], $0xffff;
	v23 =	vand.u32 $0x3FF, v12;
	v10 =	vadd.f32 v20, v10  }
0x5a2: {  	v53 =	vshrl.u32 v18, $0xA;
	v18 =	vshra.s32 v18, $0x14;
	v6 =	vld [tilespmem:s29+$0x70];
	v48 =	vshrl.u32 v12, $0xA  }
0x5a3: {  	v24 =	vand.u32 $0x3FF, v48;
	v8 =	vld [tilespmem:s29+$0x60];
	v10 =	vadd.f32 v13, v10  }
0x5a4: {  	v12 =	vshra.s32 v12, $0x14;
	v19 =	vld.idx.msk [tilespmem:v19+s19+$0x0], $0xffff  }
0x5a5: {  	v27 =	vld.idx.msk [tilespmem:v51+s19+$0x0], $0xffff;
	v13 =	vand.u32 $0x3FF, v21;
	v10 =	vadd.f32 v17, v10  }
0x5a6: {  	v23 =	vld.idx.msk [tilespmem:v23+s19+$0x0], $0xffff;
	v50 =	vshrl.u32 v21, $0xA  }
0x5a7: {  	v18 =	vld.idx.msk [tilespmem:v18+s19+$0x0], $0xffff;
	v17 =	vand.u32 $0x3FF, v50;
	v10 =	vadd.f32 v22, v10  }
0x5a8: {  	v24 =	vld.idx.msk [tilespmem:v24+s19+$0x0], $0xffff;
	v21 =	vshra.s32 v21, $0x14  }
0x5a9: {  	v12 =	vld.idx.msk [tilespmem:v12+s19+$0x0], $0xffff;
	v22 =	vand.u32 $0x3FF, v53;
	v10 =	vadd.f32 v19, v10  }
0x5aa: {  	v13 =	vld.idx.msk [tilespmem:v13+s19+$0x0], $0xffff  }
0x5ab: {  	v54 =	vshrl.u32 v49, $0xA;
	v14 =	vld [tilespmem:s29+$0x50];
	v19 =	vand.u32 $0x3FF, v49;
	v10 =	vadd.f32 v23, v10  }
0x5ac: {  	v17 =	vld.idx.msk [tilespmem:v17+s19+$0x0], $0xffff;
	v23 =	vand.u32 $0x3FF, v54  }
0x5ad: {  	v25 =	vshra.s32 v49, $0x14;
	v21 =	vld.idx.msk [tilespmem:v21+s19+$0x0], $0xffff;
	v10 =	vadd.f32 v24, v10  }
0x5ae: {  	v26 =	vshra.s32 v52, $0x14;
	v22 =	vld.idx.msk [tilespmem:v22+s19+$0x0], $0xffff  }
0x5af: {  	v57 =	vand.u32 $0x3FF, v56;
	v20 =	vld [tilespmem:s29+$0x30];
	v13 =	vadd.f32 $0.0e+00, v13;
	v10 =	vadd.f32 v12, v10  }
0x5b0: {  	v19 =	vld.idx.msk [tilespmem:v19+s19+$0x0], $0xffff;
	v12 =	vand.u32 $0x3FF, v52  }
0x5b1: {  	v13 =	vadd.f32 v17, v13;
	v17 =	vld.idx.msk [tilespmem:v23+s19+$0x0], $0xffff;
	v23 =	vshrl.u32 v52, $0xA;
	v10 =	vadd.f32 v27, v10  }
0x5b2: {  	v25 =	vld.idx.msk [tilespmem:v25+s19+$0x0], $0xffff;
	v23 =	vand.u32 $0x3FF, v23  }
0x5b3: {  	v59 =	vand.u32 $0x3FF, v16;
	v26 =	vld.idx.msk [tilespmem:v26+s19+$0x0], $0xffff;
	v13 =	vadd.f32 v21, v13;
	v10 =	vadd.f32 v22, v10  }
0x5b4: {  	v24 =	vld.idx.msk [tilespmem:v57+s19+$0x0], $0xffff;
	v21 =	vshrl.u32 v16, $0xA;
	v16 =	vshra.s32 v16, $0x14  }
0x5b5: {  	v11 =	vld [tilespmem:s29+$0x40];
	v21 =	vand.u32 $0x3FF, v21;
	v13 =	vadd.f32 v19, v13;
	v10 =	vadd.f32 v18, v10  }
0x5b6: {  	v22 =	vand.u32 $0x3FF, v9;
	v12 =	vld.idx.msk [tilespmem:v12+s19+$0x0], $0xffff;
	v18 =	vand.u32 $0x3FF, v20  }
0x5b7: {  	v13 =	vadd.f32 v17, v13;
	v17 =	vld.idx.msk [tilespmem:v23+s19+$0x0], $0xffff;
	v23 =	vshrl.u32 v20, $0xA;
	v10 =	vadd.f32 v58, v10  }
0x5b8: {  	v19 =	vld.idx.msk [tilespmem:v59+s19+$0x0], $0xffff;
	v23 =	vand.u32 $0x3FF, v23  }
0x5b9: {  	v20 =	vshra.s32 v20, $0x14;
	v16 =	vld.idx.msk [tilespmem:v16+s19+$0x0], $0xffff;
	v13 =	vadd.f32 v25, v13;
	v10 =	vadd.f32 v24, v10  }
0x5ba: {  	v60 =	vshrl.u32 v9, $0xA;
	v9 =	vshra.s32 v9, $0x14;
	v21 =	vld.idx.msk [tilespmem:v21+s19+$0x0], $0xffff  }
0x5bb: {  	v61 =	vand.u32 $0x3FF, v60;
	v12 =	vadd.f32 v12, v13;
	v13 =	vld.idx.msk [tilespmem:v18+s19+$0x0], $0xffff;
	v10 =	vadd.f32 v15, v10  }
0x5bc: {  	v18 =	vld.idx.msk [tilespmem:v22+s19+$0x0], $0xffff;
	v22 =	vand.u32 $0x3FF, v7;
	v15 =	vand.u32 $0x3FF, v11  }
0x5bd: {  	v12 =	vadd.f32 v17, v12;
	v17 =	vld.idx.msk [tilespmem:v23+s19+$0x0], $0xffff;
	v23 =	vshrl.u32 v11, $0xA;
	v10 =	vadd.f32 v19, v10  }
0x5be: {  	v19 =	vld.idx.msk [tilespmem:v20+s19+$0x0], $0xffff;
	v20 =	vand.u32 $0x3FF, v23  }
0x5bf: {  	v9 =	vld.idx.msk [tilespmem:v9+s19+$0x0], $0xffff;
	v11 =	vshra.s32 v11, $0x14;
	v12 =	vadd.f32 v26, v12;
	v10 =	vadd.f32 v21, v10  }
0x5c0: {  	v24 =	vld.idx.msk [tilespmem:v61+s19+$0x0], $0xffff;
	v23 =	vshrl.u32 v7, $0xA;
	v7 =	vshra.s32 v7, $0x14  }
0x5c1: {  	v21 =	vand.u32 $0x3FF, v23;
	v12 =	vadd.f32 v13, v12;
	v13 =	vld.idx.msk [tilespmem:v15+s19+$0x0], $0xffff;
	v10 =	vadd.f32 v16, v10  }
0x5c2: {  	v15 =	vand.u32 $0x3FF, v14;
	v16 =	vld.idx.msk [tilespmem:v22+s19+$0x0], $0xffff;
	v22 =	vand.u32 $0x3FF, v5  }
0x5c3: {  	v12 =	vadd.f32 v17, v12;
	v17 =	vld.idx.msk [tilespmem:v20+s19+$0x0], $0xffff;
	v20 =	vshrl.u32 v14, $0xA;
	v10 =	vadd.f32 v18, v10  }
0x5c4: {  	v11 =	vld.idx.msk [tilespmem:v11+s19+$0x0], $0xffff;
	v18 =	vand.u32 $0x3FF, v20  }
0x5c5: {  	v14 =	vshra.s32 v14, $0x14;
	v7 =	vld.idx.msk [tilespmem:v7+s19+$0x0], $0xffff;
	v12 =	vadd.f32 v19, v12;
	v10 =	vadd.f32 v24, v10  }
0x5c6: {  	v20 =	vshrl.u32 v5, $0xA;
	v5 =	vshra.s32 v5, $0x14;
	v19 =	vld.idx.msk [tilespmem:v21+s19+$0x0], $0xffff  }
0x5c7: {  	v20 =	vand.u32 $0x3FF, v20;
	v12 =	vadd.f32 v13, v12;
	v13 =	vld.idx.msk [tilespmem:v15+s19+$0x0], $0xffff;
	v9 =	vadd.f32 v9, v10  }
0x5c8: {  	v21 =	vand.u32 $0x3FF, v3;
	v15 =	vld.idx.msk [tilespmem:v22+s19+$0x0], $0xffff;
	v10 =	vand.u32 $0x3FF, v8  }
0x5c9: {  	v12 =	vadd.f32 v17, v12;
	v17 =	vld.idx.msk [tilespmem:v18+s19+$0x0], $0xffff;
	v18 =	vshrl.u32 v8, $0xA;
	v9 =	vadd.f32 v16, v9  }
0x5ca: {  	v14 =	vld.idx.msk [tilespmem:v14+s19+$0x0], $0xffff;
	v8 =	vshra.s32 v8, $0x14;
	v16 =	vand.u32 $0x3FF, v18  }
0x5cb: {  	v5 =	vld.idx.msk [tilespmem:v5+s19+$0x0], $0xffff;
	v18 =	vshrl.u32 v3, $0xA;
	v11 =	vadd.f32 v11, v12;
	v9 =	vadd.f32 v19, v9  }
0x5cc: {  	v12 =	vld.idx.msk [tilespmem:v20+s19+$0x0], $0xffff;
	v18 =	vand.u32 $0x3FF, v18  }
0x5cd: {  	v11 =	vadd.f32 v13, v11;
	v13 =	vld.idx.msk [tilespmem:v21+s19+$0x0], $0xffff;
	v7 =	vadd.f32 v7, v9  }
0x5ce: {  	v3 =	vshra.s32 v3, $0x14;
	v10 =	vld.idx.msk [tilespmem:v10+s19+$0x0], $0xffff  }
0x5cf: {  	v9 =	vand.u32 $0x3FF, v6;
	v11 =	vadd.f32 v17, v11;
	v8 =	vld.idx.msk [tilespmem:v8+s19+$0x0], $0xffff;
	v7 =	vadd.f32 v15, v7  }
0x5d0: {  	v17 =	vshrl.u32 v6, $0xA;
	v16 =	vld.idx.msk [tilespmem:v16+s19+$0x0], $0xffff  }
0x5d1: {  	v15 =	vand.u32 $0x3FF, v17;
	v11 =	vadd.f32 v14, v11;
	v14 =	vld.idx.msk [tilespmem:v18+s19+$0x0], $0xffff;
	v7 =	vadd.f32 v12, v7  }
0x5d2: {  	v6 =	vshra.s32 v6, $0x14;
	v18 =	vld [tilespmem:s29+$0x440]  }
0x5d3: {  	v12 =	vld.idx.msk [tilespmem:v3+s19+$0x0], $0xffff;
	v3 =	vadd.f32 v10, v11;
	v5 =	vadd.f32 v5, v7  }
0x5d4: {  	v9 =	vld.idx.msk [tilespmem:v9+s19+$0x0], $0xffff  }
0x5d5: {  	v10 =	vld [tilespmem:s29+$0x410];
	v7 =	vand.u32 $0x3FF, v4;
	v11 =	vadd.f32 v16, v3;
	v5 =	vadd.f32 v13, v5  }
0x5d6: {  	v3 =	vshrl.u32 v4, $0xA;
	v15 =	vld.idx.msk [tilespmem:v15+s19+$0x0], $0xffff  }
0x5d7: {  	v6 =	vld.idx.msk [tilespmem:v6+s19+$0x0], $0xffff;
	v13 =	vand.u32 $0x3FF, v3;
	v8 =	vadd.f32 v8, v11;
	v5 =	vadd.f32 v14, v5  }
0x5d8: {  	v16 =	vld [tilespmem:s29+$0x430]  }
0x5d9: {  	v3 =	vld [tilespmem:s29+$0x850];
	v11 =	vshra.s32 v4, $0x14;
	v8 =	vadd.f32 v9, v8;
	v5 =	vadd.f32 v12, v5  }
0x5da: {  	v7 =	vld.idx.msk [tilespmem:v7+s19+$0x0], $0xffff  }
0x5db: {  	v9 =	vand.u32 $0x3FF, v10;
	v12 =	vld [tilespmem:s29+$0x420];
	v8 =	vadd.f32 v15, v8;
	(xrf2) =	vadd.scan.msk.f32 $0xffff, v5  }
0x5dc: {  	v14 =	vshrl.u32 v10, $0xA;
	v13 =	vld.idx.msk [tilespmem:v13+s19+$0x0], $0xffff  }
0x5dd: {  	v4 =	vld [tilespmem:s29+$0x840];
	v14 =	vand.u32 $0x3FF, v14;
	v8 =	vadd.f32 v6, v8  }
0x5de: {  	v10 =	vshra.s32 v10, $0x14;
	v11 =	vld.idx.msk [tilespmem:v11+s19+$0x0], $0xffff  }
0x5df: {  	v5 =	vld [tilespmem:s29+$0x830];
	v7 =	vadd.f32 v7, v8  }
0x5e0: {  	v8 =	vld.idx.msk [tilespmem:v9+s19+$0x0], $0xffff  }
0x5e1: {  	v6 =	vld [tilespmem:s29+$0x820];
	v15 =	vand.u32 $0x3FF, v12;
	v9 =	vadd.f32 v13, v7;
	v7 =	vshrl.u32 v12, $0xA  }
0x5e2: {  	v13 =	vld.idx.msk [tilespmem:v14+s19+$0x0], $0xffff;
	v14 =	vand.u32 $0x3FF, v7  }
0x5e3: {  	v10 =	vld.idx.msk [tilespmem:v10+s19+$0x0], $0xffff;
	v11 =	vadd.f32 v11, v9  }
0x5e4: {  	v7 =	vld [tilespmem:s29+$0x810]  }
0x5e5: {  	v17 =	vshra.s32 v12, $0x14;
	v9 =	vld [tilespmem:s29+$0x800];
	v8 =	vadd.f32 v8, v11;
	v12, _, _ =	vpop (xrf2)  }
0x5e6: {  	v11 =	vld.idx.msk [tilespmem:v15+s19+$0x0], $0xffff;
	v15 =	vand.u32 $0x3FF, v16;
	(v2sf) =	vpush v12, $0xF  }
0x5e7: {  	v8 =	vadd.f32 v13, v8;
	v13 =	vld.idx.msk [tilespmem:v14+s19+$0x0], $0xffff  }
0x5e8: {  	v14 =	vld [tilespmem:s29+$0x460];
	v12 =	vshrl.u32 v16, $0xA  }
0x5e9: {  	v19 =	vand.u32 $0x3FF, v12;
	v12 =	vld [tilespmem:s29+$0x470];
	v8 =	vadd.f32 v10, v8  }
0x5ea: {  	v16 =	vshra.s32 v16, $0x14;
	v10 =	vld.idx.msk [tilespmem:v17+s19+$0x0], $0xffff  }
0x5eb: {  	v8 =	vadd.f32 v11, v8;
	v11 =	vld.idx.msk [tilespmem:v15+s19+$0x0], $0xffff;
	v15 =	vand.u32 $0x3FF, v18  }
0x5ec: {  	v20 =	vshrl.u32 v18, $0xA;
	v17 =	vld [tilespmem:s29+$0x450];
	s29 =	simm.s32 $0x2980  }
0x5ed: {  	v20 =	vand.u32 $0x3FF, v20;
	v21 =	vld [tilespmem:s29+$0x0];
	v13 =	vadd.f32 v13, v8  }
0x5ee: {  	v19 =	vld.idx.msk [tilespmem:v19+s19+$0x0], $0xffff  }
0x5ef: {  	v16 =	vld.idx.msk [tilespmem:v16+s19+$0x0], $0xffff;
	v13 =	vadd.f32 v10, v13  }
0x5f0: {  	v2 =	vsel vm0, s28, v2;
	s31 =	smul.f32 $1.464843810e-04, s31;
	v22 =	vld.idx.msk [tilespmem:v15+s19+$0x0], $0xffff;
	v15 =	vmov s26  }
0x5f1: {  	v18 =	vshra.s32 v18, $0x14;
	v8 =	vld [tilespmem:s29+$0x400];
	v13 =	vadd.f32 v11, v13;
	vm0 =	veq.s32 v15, v0  }
0x5f2: {  	v23 =	vand.u32 $0x3FF, v17;
	v15 =	vld.idx.msk [tilespmem:v20+s19+$0x0], $0xffff;
	v20 =	vmov s25;
	v2 =	vsel vm0, s31, v2  }
0x5f3: {  	v10 =	vld [tilespmem:s29+$0x70];
	vm0 =	veq.s32 v20, v0;
	v20 =	vshrl.u32 v17, $0xA;
	v19 =	vadd.f32 v19, v13  }
0x5f4: {  	v11 =	vld [tilespmem:s29+$0x60];
	v20 =	vand.u32 $0x3FF, v20  }
0x5f5: {  	s28 =	simm.s32 $0x8;
	s31 =	smul.f32 $1.464843810e-04, s30;
	v13 =	vld [tilespmem:s29+$0x50];
	v62 =	vadd.f32 v16, v19;
	s30 =	spop (v2sf)  }
0x5f6: {  	v63 =	vmov s28;
	v16 =	vld.idx.msk [tilespmem:v18+s19+$0x0], $0xffff;
	v19 =	vshra.s32 v17, $0x14;
	s28 =	smul.f32 $1.464843810e-04, s30  }
0x5f7: {  	s26 =	simm.s32 $0xA;
	s25 =	simm.s32 $0x9;
	v2 =	vsel vm0, s31, v2;
	vm0 =	veq.s32 v63, v0;
	v17 =	vld.idx.msk [tilespmem:v23+s19+$0x0], $0xffff;
	v18 =	vadd.f32 v22, v62;
	s30 =	simm.s32 $0xB  }
.LBB2_10:
0x5f8: {  	p0 =	sne.s32 s30, $0xF;
	v22 =	vld [tilespmem:s29+$0x40];
	v23 =	vand.u32 $0x3FF, v14;
	v2 =	vsel vm0, s28, v2  }
0x5f9: {  	v15 =	vadd.f32 v15, v18;
	v18 =	vld.idx.msk [tilespmem:v20+s19+$0x0], $0xffff;
	v20 =	vshrl.u32 v14, $0xA  }
0x5fa: {  	v24 =	vld [tilespmem:s29+$0x30];
	v20 =	vand.u32 $0x3FF, v20  }
0x5fb: {  	v14 =	vshra.s32 v14, $0x14;
	v15 =	vadd.f32 v16, v15;
	v16 =	vld.idx.msk [tilespmem:v19+s19+$0x0], $0xffff  }
0x5fc: {  	v19 =	vand.u32 $0x3FF, v21;
	v25 =	vld [tilespmem:s29+$0x10]  }
0x5fd: {  	v26 =	vshrl.u32 v21, $0xA;
	v15 =	vadd.f32 v17, v15;
	v17 =	vld.idx.msk [tilespmem:v23+s19+$0x0], $0xffff;
	v23 =	vand.u32 $0x3FF, v12  }
0x5fe: {  	v26 =	vand.u32 $0x3FF, v26;
	v27 =	vld [tilespmem:s29+$0x20]  }
0x5ff: {  	v21 =	vshra.s32 v21, $0x14;
	v15 =	vadd.f32 v18, v15;
	v18 =	vld.idx.msk [tilespmem:v20+s19+$0x0], $0xffff;
	v20 =	vshrl.u32 v12, $0xA  }
0x600: {  	v14 =	vld.idx.msk [tilespmem:v14+s19+$0x0], $0xffff;
	v20 =	vand.u32 $0x3FF, v20  }
0x601: {  	v12 =	vshra.s32 v12, $0x14;
	v19 =	vld.idx.msk [tilespmem:v19+s19+$0x0], $0xffff;
	v15 =	vadd.f32 v16, v15  }
0x602: {  	v16 =	vand.u32 $0x3FF, v25;
	v23 =	vld.idx.msk [tilespmem:v23+s19+$0x0], $0xffff  }
0x603: {  	v28 =	vshrl.u32 v25, $0xA;
	v26 =	vld.idx.msk [tilespmem:v26+s19+$0x0], $0xffff;
	v15 =	vadd.f32 v17, v15;
	v17 =	vand.u32 $0x3FF, v9  }
0x604: {  	v28 =	vand.u32 $0x3FF, v28;
	v21 =	vld.idx.msk [tilespmem:v21+s19+$0x0], $0xffff  }
0x605: {  	v25 =	vshra.s32 v25, $0x14;
	v15 =	vadd.f32 v18, v15;
	v18 =	vld.idx.msk [tilespmem:v20+s19+$0x0], $0xffff;
	v20 =	vshrl.u32 v9, $0xA  }
0x606: {  	v12 =	vld.idx.msk [tilespmem:v12+s19+$0x0], $0xffff;
	v20 =	vand.u32 $0x3FF, v20  }
0x607: {  	v9 =	vshra.s32 v9, $0x14;
	v19 =	vadd.f32 $0.0e+00, v19;
	v16 =	vld.idx.msk [tilespmem:v16+s19+$0x0], $0xffff;
	v14 =	vadd.f32 v14, v15  }
0x608: {  	v29 =	vand.u32 $0x3FF, v7;
	v15 =	vand.u32 $0x3FF, v27;
	v17 =	vld.idx.msk [tilespmem:v17+s19+$0x0], $0xffff  }
0x609: {  	v19 =	vadd.f32 v26, v19;
	v26 =	vld.idx.msk [tilespmem:v28+s19+$0x0], $0xffff;
	v28 =	vshrl.u32 v27, $0xA;
	v14 =	vadd.f32 v23, v14  }
0x60a: {  	v23 =	vld.idx.msk [tilespmem:v25+s19+$0x0], $0xffff;
	v25 =	vand.u32 $0x3FF, v28;
	v28 =	vshrl.u32 v7, $0xA  }
0x60b: {  	v19 =	vadd.f32 v21, v19;
	v21 =	vshra.s32 v27, $0x14;
	v14 =	vadd.f32 v18, v14;
	v18 =	vld.idx.msk [tilespmem:v20+s19+$0x0], $0xffff  }
0x60c: {  	v20 =	vand.u32 $0x3FF, v28;
	v9 =	vld.idx.msk [tilespmem:v9+s19+$0x0], $0xffff  }
0x60d: {  	v7 =	vshra.s32 v7, $0x14;
	v16 =	vadd.f32 v16, v19;
	v15 =	vld.idx.msk [tilespmem:v15+s19+$0x0], $0xffff;
	v12 =	vadd.f32 v12, v14  }
0x60e: {  	v27 =	vand.u32 $0x3FF, v6;
	v14 =	vand.u32 $0x3FF, v24;
	v19 =	vld.idx.msk [tilespmem:v29+s19+$0x0], $0xffff  }
0x60f: {  	v16 =	vadd.f32 v26, v16;
	v26 =	vshrl.u32 v24, $0xA;
	v25 =	vld.idx.msk [tilespmem:v25+s19+$0x0], $0xffff;
	v12 =	vadd.f32 v17, v12  }
0x610: {  	v17 =	vld.idx.msk [tilespmem:v21+s19+$0x0], $0xffff;
	v21 =	vand.u32 $0x3FF, v26;
	v26 =	vshrl.u32 v6, $0xA  }
0x611: {  	v16 =	vadd.f32 v23, v16;
	v23 =	vshra.s32 v24, $0x14;
	v12 =	vadd.f32 v18, v12;
	v18 =	vld.idx.msk [tilespmem:v20+s19+$0x0], $0xffff  }
0x612: {  	v20 =	vand.u32 $0x3FF, v26;
	v7 =	vld.idx.msk [tilespmem:v7+s19+$0x0], $0xffff  }
0x613: {  	v6 =	vshra.s32 v6, $0x14;
	v15 =	vadd.f32 v15, v16;
	v14 =	vld.idx.msk [tilespmem:v14+s19+$0x0], $0xffff;
	v9 =	vadd.f32 v9, v12  }
0x614: {  	v24 =	vand.u32 $0x3FF, v5;
	v12 =	vand.u32 $0x3FF, v22;
	v16 =	vld.idx.msk [tilespmem:v27+s19+$0x0], $0xffff  }
0x615: {  	v15 =	vadd.f32 v25, v15;
	v25 =	vshrl.u32 v22, $0xA;
	v21 =	vld.idx.msk [tilespmem:v21+s19+$0x0], $0xffff;
	v9 =	vadd.f32 v19, v9  }
0x616: {  	v19 =	vld.idx.msk [tilespmem:v23+s19+$0x0], $0xffff;
	v23 =	vand.u32 $0x3FF, v25;
	v25 =	vshrl.u32 v5, $0xA  }
0x617: {  	v15 =	vadd.f32 v17, v15;
	v17 =	vshra.s32 v22, $0x14;
	v9 =	vadd.f32 v18, v9;
	v18 =	vld.idx.msk [tilespmem:v20+s19+$0x0], $0xffff  }
0x618: {  	v20 =	vand.u32 $0x3FF, v25;
	v6 =	vld.idx.msk [tilespmem:v6+s19+$0x0], $0xffff  }
0x619: {  	v5 =	vshra.s32 v5, $0x14;
	v14 =	vadd.f32 v14, v15;
	v12 =	vld.idx.msk [tilespmem:v12+s19+$0x0], $0xffff;
	v7 =	vadd.f32 v7, v9  }
0x61a: {  	v22 =	vand.u32 $0x3FF, v4;
	v9 =	vand.u32 $0x3FF, v13;
	v15 =	vld.idx.msk [tilespmem:v24+s19+$0x0], $0xffff  }
0x61b: {  	v14 =	vadd.f32 v21, v14;
	v21 =	vld.idx.msk [tilespmem:v23+s19+$0x0], $0xffff;
	v23 =	vshrl.u32 v13, $0xA;
	v7 =	vadd.f32 v16, v7  }
0x61c: {  	v16 =	vld.idx.msk [tilespmem:v17+s19+$0x0], $0xffff;
	v17 =	vand.u32 $0x3FF, v23;
	v23 =	vshrl.u32 v4, $0xA  }
0x61d: {  	v13 =	vshra.s32 v13, $0x14;
	v14 =	vadd.f32 v19, v14;
	v7 =	vadd.f32 v18, v7;
	v18 =	vld.idx.msk [tilespmem:v20+s19+$0x0], $0xffff  }
0x61e: {  	v19 =	vand.u32 $0x3FF, v23;
	v5 =	vld.idx.msk [tilespmem:v5+s19+$0x0], $0xffff  }
0x61f: {  	v4 =	vshra.s32 v4, $0x14;
	v12 =	vadd.f32 v12, v14;
	v9 =	vld.idx.msk [tilespmem:v9+s19+$0x0], $0xffff;
	v6 =	vadd.f32 v6, v7  }
0x620: {  	v20 =	vand.u32 $0x3FF, v3;
	v7 =	vand.u32 $0x3FF, v11;
	v14 =	vld.idx.msk [tilespmem:v22+s19+$0x0], $0xffff  }
0x621: {  	v12 =	vadd.f32 v21, v12;
	v21 =	vshrl.u32 v11, $0xA;
	v17 =	vld.idx.msk [tilespmem:v17+s19+$0x0], $0xffff;
	v6 =	vadd.f32 v15, v6  }
0x622: {  	v15 =	vand.u32 $0x3FF, v21;
	v21 =	vshrl.u32 v3, $0xA;
	v13 =	vld.idx.msk [tilespmem:v13+s19+$0x0], $0xffff  }
0x623: {  	v11 =	vshra.s32 v11, $0x14;
	v12 =	vadd.f32 v16, v12;
	v6 =	vadd.f32 v18, v6;
	v16 =	vld.idx.msk [tilespmem:v19+s19+$0x0], $0xffff  }
0x624: {  	v18 =	vand.u32 $0x3FF, v21;
	v4 =	vld.idx.msk [tilespmem:v4+s19+$0x0], $0xffff  }
0x625: {  	v3 =	vshra.s32 v3, $0x14;
	v9 =	vadd.f32 v9, v12;
	v7 =	vld.idx.msk [tilespmem:v7+s19+$0x0], $0xffff;
	v5 =	vadd.f32 v5, v6  }
0x626: {  	v6 =	vand.u32 $0x3FF, v10;
	v12 =	vld.idx.msk [tilespmem:v20+s19+$0x0], $0xffff  }
0x627: {  	v9 =	vadd.f32 v17, v9;
	v17 =	vshrl.u32 v10, $0xA;
	v15 =	vld.idx.msk [tilespmem:v15+s19+$0x0], $0xffff;
	v5 =	vadd.f32 v14, v5  }
0x628: {  	v14 =	vand.u32 $0x3FF, v17;
	v11 =	vld.idx.msk [tilespmem:v11+s19+$0x0], $0xffff  }
0x629: {  	v9 =	vadd.f32 v13, v9;
	v5 =	vadd.f32 v16, v5;
	v13 =	vld.idx.msk [tilespmem:v18+s19+$0x0], $0xffff  }
0x62a: {  	v10 =	vshra.s32 v10, $0x14;
	v16 =	vld.idx.msk [tilespmem:v3+s19+$0x0], $0xffff  }
0x62b: {  	v3 =	vadd.f32 v7, v9;
	v6 =	vld.idx.msk [tilespmem:v6+s19+$0x0], $0xffff;
	v4 =	vadd.f32 v4, v5  }
0x62c: {  	v5 =	vand.u32 $0x3FF, v8;
	v7 =	vld [tilespmem:s29+$0x410]  }
0x62d: {  	v9 =	vadd.f32 v15, v3;
	v3 =	vshrl.u32 v8, $0xA;
	v14 =	vld.idx.msk [tilespmem:v14+s19+$0x0], $0xffff;
	v4 =	vadd.f32 v12, v4  }
0x62e: {  	v12 =	vand.u32 $0x3FF, v3;
	v3 =	vld [tilespmem:s29+$0x850]  }
0x62f: {  	v9 =	vadd.f32 v11, v9;
	v10 =	vld.idx.msk [tilespmem:v10+s19+$0x0], $0xffff;
	v11 =	vadd.f32 v13, v4  }
0x630: {  	v8 =	vshra.s32 v8, $0x14;
	v4 =	vld [tilespmem:s29+$0x840]  }
0x631: {  	v6 =	vadd.f32 v6, v9;
	v9 =	vld.idx.msk [tilespmem:v5+s19+$0x0], $0xffff;
	v5 =	vadd.f32 v16, v11  }
0x632: {  	v11 =	vand.u32 $0x3FF, v7;
	v13 =	vld [tilespmem:s29+$0x420]  }
0x633: {  	v6 =	vadd.f32 v14, v6;
	v14 =	vshrl.u32 v7, $0xA;
	v12 =	vld.idx.msk [tilespmem:v12+s19+$0x0], $0xffff;
	(xrf2) =	vadd.scan.msk.f32 $0xffff, v5  }
0x634: {  	v14 =	vand.u32 $0x3FF, v14;
	v5 =	vld [tilespmem:s29+$0x830]  }
0x635: {  	v10 =	vadd.f32 v10, v6;
	v8 =	vld.idx.msk [tilespmem:v8+s19+$0x0], $0xffff  }
0x636: {  	v15 =	vshra.s32 v7, $0x14;
	v6 =	vld [tilespmem:s29+$0x820]  }
0x637: {  	v7 =	vadd.f32 v9, v10;
	v10 =	vld.idx.msk [tilespmem:v11+s19+$0x0], $0xffff  }
0x638: {  	v11 =	vand.u32 $0x3FF, v13;
	v16 =	vld [tilespmem:s29+$0x430]  }
0x639: {  	v9 =	vadd.f32 v12, v7;
	v7 =	vshrl.u32 v13, $0xA;
	v12 =	vld.idx.msk [tilespmem:v14+s19+$0x0], $0xffff  }
0x63a: {  	v14 =	vand.u32 $0x3FF, v7;
	v7 =	vld [tilespmem:s29+$0x810]  }
0x63b: {  	v8 =	vadd.f32 v8, v9;
	v15 =	vld.idx.msk [tilespmem:v15+s19+$0x0], $0xffff  }
0x63c: {  	v13 =	vshra.s32 v13, $0x14;
	v9 =	vld [tilespmem:s29+$0x800]  }
0x63d: {  	v8 =	vadd.f32 v10, v8;
	v10 =	vld.idx.msk [tilespmem:v11+s19+$0x0], $0xffff;
	v11, _, _ =	vpop (xrf2)  }
0x63e: {  	v17 =	vand.u32 $0x3FF, v16;
	v18 =	vld [tilespmem:s29+$0x440];
	(v2sf) =	vpush v11, $0xF  }
0x63f: {  	v8 =	vadd.f32 v12, v8;
	v12 =	vshrl.u32 v16, $0xA;
	v11 =	vld.idx.msk [tilespmem:v14+s19+$0x0], $0xffff  }
0x640: {  	v19 =	vand.u32 $0x3FF, v12;
	v12 =	vld [tilespmem:s29+$0x470]  }
0x641: {  	v8 =	vadd.f32 v15, v8;
	v13 =	vld.idx.msk [tilespmem:v13+s19+$0x0], $0xffff  }
0x642: {  	v15 =	vshra.s32 v16, $0x14;
	v14 =	vld [tilespmem:s29+$0x460]  }
0x643: {  	v8 =	vadd.f32 v10, v8;
	v16 =	vld.idx.msk [tilespmem:v17+s19+$0x0], $0xffff  }
0x644: {  	v17 =	vand.u32 $0x3FF, v18;
	v22 =	vld [tilespmem:s29+$0x450]  }
0x645: {  	v10 =	vadd.f32 v11, v8;
	v11 =	vshrl.u32 v18, $0xA;
	s29 =	sadd.s32 $0x80, s29;
	v19 =	vld.idx.msk [tilespmem:v19+s19+$0x0], $0xffff  }
0x646: {  	v20 =	vand.u32 $0x3FF, v11;
	v8 =	vld [tilespmem:s29+$0x400]  }
0x647: {  	v11 =	vadd.f32 v13, v10;
	v21 =	vld.idx.msk [tilespmem:v15+s19+$0x0], $0xffff  }
0x648: {  	v18 =	vshra.s32 v18, $0x14;
	v10 =	vld [tilespmem:s29+$0x70]  }
0x649: {  	v13 =	vadd.f32 v16, v11;
	v17 =	vld.idx.msk [tilespmem:v17+s19+$0x0], $0xffff  }
0x64a: {  	v23 =	vand.u32 $0x3FF, v22;
	v11 =	vld [tilespmem:s29+$0x60]  }
.Ltmp4:
0x64b: {  	v16 =	vadd.f32 v19, v13;
	v19 =	vshrl.u32 v22, $0xA;
	v15 =	vld.idx.msk [tilespmem:v20+s19+$0x0], $0xffff;
	(pc) =	sbr.rel @p0 .LBB2_10-.Ltmp4, $4  }
0x64c: {  	v20 =	vand.u32 $0x3FF, v19;
	v13 =	vld [tilespmem:s29+$0x50]  }
0x64d: {  	v24 =	vadd.f32 v21, v16;
	v16 =	vld.idx.msk [tilespmem:v18+s19+$0x0], $0xffff;
	s28 =	spop (v2sf)  }
0x64e: {  	v19 =	vshra.s32 v22, $0x14;
	v22 =	vmov s25;
	s25 =	smov.u32 s26;
	s26 =	smov.u32 s30;
	v21 =	vld [tilespmem:s29+$0x0];
	s28 =	smul.f32 $1.464843810e-04, s28  }
0x64f: {  	s30 =	sadd.s32 $0x1, s30;
	vm0 =	veq.s32 v22, v0;
	v18 =	vadd.f32 v17, v24;
	v17 =	vld.idx.msk [tilespmem:v23+s19+$0x0], $0xffff  }
0x650: {  	_ =	sdelay $0x2  }
0x651: {  	v22 =	vand.u32 $0x3FF, v21  }
0x652: {  	v23 =	vld [tilespmem:s29+$0x10];
	v24 =	vshrl.u32 v21, $0xA  }
0x653: {  	v24 =	vand.u32 $0x3FF, v24;
	_ =	sdelay $0x1  }
0x654: {  	v46 =	vshra.s32 v21, $0x14  }
0x655: {  	v22 =	vld.idx.msk [tilespmem:v22+s19+$0x0], $0xffff  }
0x656: {  	v25 =	vld [tilespmem:s29+$0x20];
	v26 =	vand.u32 $0x3FF, v23  }
0x657: {  	v27 =	vshrl.u32 v23, $0xA;
	v24 =	vld.idx.msk [tilespmem:v24+s19+$0x0], $0xffff  }
0x658: {  	v27 =	vand.u32 $0x3FF, v27  }
0x659: {  	v21 =	vld.idx.msk [tilespmem:v46+s19+$0x0], $0xffff  }
0x65a: {  	v23 =	vshra.s32 v23, $0x14;
	v22 =	vadd.f32 $0.0e+00, v22  }
0x65b: {  	v26 =	vld.idx.msk [tilespmem:v26+s19+$0x0], $0xffff  }
0x65c: {  	v28 =	vld [tilespmem:s29+$0x30];
	v29 =	vand.u32 $0x3FF, v25;
	v22 =	vadd.f32 v24, v22  }
0x65d: {  	v48 =	vshrl.u32 v25, $0xA;
	v47 =	vld.idx.msk [tilespmem:v27+s19+$0x0], $0xffff  }
0x65e: {  	v27 =	vand.u32 $0x3FF, v48;
	v21 =	vadd.f32 v21, v22  }
0x65f: {  	v49 =	vld.idx.msk [tilespmem:v23+s19+$0x0], $0xffff  }
0x660: {  	v50 =	vshra.s32 v25, $0x14;
	v21 =	vadd.f32 v26, v21  }
0x661: {  	v51 =	vld.idx.msk [tilespmem:v29+s19+$0x0], $0xffff  }
0x662: {  	v52 =	vld [tilespmem:s29+$0x40];
	v53 =	vand.u32 $0x3FF, v28;
	v21 =	vadd.f32 v47, v21  }
0x663: {  	v55 =	vshrl.u32 v28, $0xA;
	v54 =	vld.idx.msk [tilespmem:v27+s19+$0x0], $0xffff  }
0x664: {  	v27 =	vand.u32 $0x3FF, v55;
	v21 =	vadd.f32 v49, v21  }
0x665: {  	v56 =	vld.idx.msk [tilespmem:v50+s19+$0x0], $0xffff  }
0x666: {  	v57 =	vshra.s32 v28, $0x14;
	v21 =	vadd.f32 v51, v21  }
0x667: {  	v58 =	vld.idx.msk [tilespmem:v53+s19+$0x0], $0xffff  }
0x668: {  	v59 =	vand.u32 $0x3FF, v52;
	v21 =	vadd.f32 v54, v21  }
0x669: {  	v61 =	vshrl.u32 v52, $0xA;
	v60 =	vld.idx.msk [tilespmem:v27+s19+$0x0], $0xffff  }
0x66a: {  	v27 =	vand.u32 $0x3FF, v61;
	v21 =	vadd.f32 v56, v21  }
0x66b: {  	v62 =	vld.idx.msk [tilespmem:v57+s19+$0x0], $0xffff  }
0x66c: {  	v63 =	vshra.s32 v52, $0x14;
	v21 =	vadd.f32 v58, v21  }
0x66d: {  	v30 =	vld.idx.msk [tilespmem:v59+s19+$0x0], $0xffff  }
0x66e: {  	v31 =	vand.u32 $0x3FF, v13;
	v21 =	vadd.f32 v60, v21  }
0x66f: {  	v33 =	vshrl.u32 v13, $0xA;
	v32 =	vld.idx.msk [tilespmem:v27+s19+$0x0], $0xffff  }
0x670: {  	v27 =	vand.u32 $0x3FF, v33;
	v21 =	vadd.f32 v62, v21  }
0x671: {  	v34 =	vld.idx.msk [tilespmem:v63+s19+$0x0], $0xffff  }
0x672: {  	v35 =	vshra.s32 v13, $0x14;
	v21 =	vadd.f32 v30, v21  }
0x673: {  	v36 =	vld.idx.msk [tilespmem:v31+s19+$0x0], $0xffff  }
0x674: {  	v37 =	vand.u32 $0x3FF, v11;
	v21 =	vadd.f32 v32, v21  }
0x675: {  	v39 =	vshrl.u32 v11, $0xA;
	v38 =	vld.idx.msk [tilespmem:v27+s19+$0x0], $0xffff  }
0x676: {  	v26 =	vand.u32 $0x3FF, v39;
	v21 =	vadd.f32 v34, v21  }
0x677: {  	v13 =	vld.idx.msk [tilespmem:v35+s19+$0x0], $0xffff  }
0x678: {  	v40 =	vshra.s32 v11, $0x14;
	v21 =	vadd.f32 v36, v21  }
0x679: {  	v41 =	vld.idx.msk [tilespmem:v37+s19+$0x0], $0xffff  }
0x67a: {  	v42 =	vand.u32 $0x3FF, v10;
	v21 =	vadd.f32 v38, v21  }
0x67b: {  	v44 =	vshrl.u32 v10, $0xA;
	v43 =	vld.idx.msk [tilespmem:v26+s19+$0x0], $0xffff  }
0x67c: {  	v25 =	vand.u32 $0x3FF, v44;
	v13 =	vadd.f32 v13, v21  }
0x67d: {  	v11 =	vld.idx.msk [tilespmem:v40+s19+$0x0], $0xffff  }
0x67e: {  	v45 =	vshra.s32 v10, $0x14;
	v13 =	vadd.f32 v41, v13  }
0x67f: {  	v46 =	vld.idx.msk [tilespmem:v42+s19+$0x0], $0xffff  }
0x680: {  	v48 =	vld [tilespmem:s29+$0x410];
	v47 =	vand.u32 $0x3FF, v8;
	v13 =	vadd.f32 v43, v13  }
0x681: {  	v50 =	vshrl.u32 v8, $0xA;
	v49 =	vld.idx.msk [tilespmem:v25+s19+$0x0], $0xffff  }
0x682: {  	v25 =	vand.u32 $0x3FF, v50;
	v11 =	vadd.f32 v11, v13  }
0x683: {  	v10 =	vld.idx.msk [tilespmem:v45+s19+$0x0], $0xffff  }
0x684: {  	v51 =	vshra.s32 v8, $0x14;
	v11 =	vadd.f32 v46, v11  }
0x685: {  	v52 =	vld.idx.msk [tilespmem:v47+s19+$0x0], $0xffff  }
0x686: {  	v53 =	vand.u32 $0x3FF, v48;
	v54 =	vld [tilespmem:s29+$0x420];
	v11 =	vadd.f32 v49, v11  }
0x687: {  	v55 =	vld.idx.msk [tilespmem:v25+s19+$0x0], $0xffff;
	v56 =	vshrl.u32 v48, $0xA  }
0x688: {  	v25 =	vand.u32 $0x3FF, v56;
	v10 =	vadd.f32 v10, v11  }
0x689: {  	v8 =	vld.idx.msk [tilespmem:v51+s19+$0x0], $0xffff  }
0x68a: {  	v57 =	vshra.s32 v48, $0x14;
	v10 =	vadd.f32 v52, v10  }
0x68b: {  	v58 =	vld.idx.msk [tilespmem:v53+s19+$0x0], $0xffff  }
0x68c: {  	v59 =	vand.u32 $0x3FF, v54;
	v60 =	vld [tilespmem:s29+$0x430];
	v10 =	vadd.f32 v55, v10  }
0x68d: {  	v61 =	vld.idx.msk [tilespmem:v25+s19+$0x0], $0xffff;
	v62 =	vshrl.u32 v54, $0xA  }
0x68e: {  	v25 =	vand.u32 $0x3FF, v62;
	v8 =	vadd.f32 v8, v10  }
0x68f: {  	v63 =	vld.idx.msk [tilespmem:v57+s19+$0x0], $0xffff  }
0x690: {  	v19 =	vld.idx.msk [tilespmem:v19+s19+$0x0], $0xffff;
	v30 =	vshra.s32 v54, $0x14;
	v8 =	vadd.f32 v58, v8  }
0x691: {  	v21 =	vld.idx.msk [tilespmem:v59+s19+$0x0], $0xffff  }
0x692: {  	v33 =	vld [tilespmem:s29+$0x440];
	v35 =	vshrl.u32 v60, $0xA;
	v32 =	vand.u32 $0x3FF, v60;
	v8 =	vadd.f32 v61, v8  }
0x693: {  	v34 =	vld.idx.msk [tilespmem:v25+s19+$0x0], $0xffff;
	v25 =	vand.u32 $0x3FF, v35  }
0x694: {  	v11 =	vld.idx.msk [tilespmem:v20+s19+$0x0], $0xffff;
	v8 =	vadd.f32 v63, v8  }
0x695: {  	v20 =	vld.idx.msk [tilespmem:v30+s19+$0x0], $0xffff  }
0x696: {  	v57 =	vld [tilespmem:s29+$0x470];
	v23 =	vshra.s32 v60, $0x14;
	v8 =	vadd.f32 v21, v8  }
0x697: {  	v39 =	vld.idx.msk [tilespmem:v32+s19+$0x0], $0xffff  }
0x698: {  	v40 =	vand.u32 $0x3FF, v33;
	v42 =	vld.idx.msk [tilespmem:v25+s19+$0x0], $0xffff;
	v8 =	vadd.f32 v34, v8  }
0x699: {  	v26 =	vshra.s32 v33, $0x14;
	v41 =	vld [tilespmem:s29+$0x450];
	v43 =	vshrl.u32 v33, $0xA  }
0x69a: {  	v47 =	vld [tilespmem:s29+$0x460];
	v25 =	vand.u32 $0x3FF, v43;
	v8 =	vadd.f32 v20, v8  }
0x69b: {  	v23 =	vld.idx.msk [tilespmem:v23+s19+$0x0], $0xffff;
	v38 =	vshra.s32 v14, $0x14  }
0x69c: {  	v31 =	vand.u32 $0x3FF, v14;
	v32 =	vld [tilespmem:s29+$0x800];
	v8 =	vadd.f32 v39, v8  }
0x69d: {  	v22 =	vld.idx.msk [tilespmem:v40+s19+$0x0], $0xffff;
	v33 =	vand.u32 $0x3FF, v57  }
0x69e: {  	v53 =	vld.idx.msk [tilespmem:v26+s19+$0x0], $0xffff;
	v48 =	vand.u32 $0x3FF, v41;
	v8 =	vadd.f32 v42, v8  }
0x69f: {  	v24 =	vand.u32 $0x3FF, v5;
	v50 =	vshrl.u32 v41, $0xA;
	v49 =	vld.idx.msk [tilespmem:v25+s19+$0x0], $0xffff  }
0x6a0: {  	v36 =	vshrl.u32 v14, $0xA;
	v14 =	vld.idx.msk [tilespmem:v38+s19+$0x0], $0xffff;
	v51 =	vand.u32 $0x3FF, v50;
	v8 =	vadd.f32 v23, v8  }
0x6a1: {  	v43 =	vand.u32 $0x3FF, v32;
	v13 =	vld.idx.msk [tilespmem:v31+s19+$0x0], $0xffff  }
0x6a2: {  	v54 =	vshra.s32 v41, $0x14;
	v41 =	vld.idx.msk [tilespmem:v33+s19+$0x0], $0xffff;
	v8 =	vadd.f32 v22, v8  }
0x6a3: {  	v15 =	vadd.f32 v15, v18;
	v56 =	vld.idx.msk [tilespmem:v48+s19+$0x0], $0xffff  }
0x6a4: {  	v33 =	vld.idx.msk [tilespmem:v24+s19+$0x0], $0xffff;
	v58 =	vand.u32 $0x3FF, v47;
	v8 =	vadd.f32 v49, v8  }
0x6a5: {  	v15 =	vadd.f32 v16, v15;
	v60 =	vshrl.u32 v47, $0xA;
	v37 =	vand.u32 $0x3FF, v36;
	v59 =	vld.idx.msk [tilespmem:v51+s19+$0x0], $0xffff  }
0x6a6: {  	v50 =	vld.idx.msk [tilespmem:v43+s19+$0x0], $0xffff;
	v23 =	vand.u32 $0x3FF, v60;
	v8 =	vadd.f32 v53, v8  }
0x6a7: {  	v15 =	vadd.f32 v17, v15;
	v29 =	vshra.s32 v47, $0x14;
	v63 =	vld.idx.msk [tilespmem:v54+s19+$0x0], $0xffff  }
0x6a8: {  	v51 =	vld [tilespmem:s29+$0x820];
	v52 =	vshra.s32 v12, $0x14;
	v8 =	vadd.f32 v56, v8  }
0x6a9: {  	v44 =	vand.u32 $0x3FF, v12;
	v45 =	vshrl.u32 v12, $0xA;
	v11 =	vadd.f32 v11, v15;
	v31 =	vld.idx.msk [tilespmem:v58+s19+$0x0], $0xffff  }
0x6aa: {  	v35 =	vshrl.u32 v57, $0xA;
	v46 =	vand.u32 $0x3FF, v45;
	v10 =	vld.idx.msk [tilespmem:v37+s19+$0x0], $0xffff;
	v8 =	vadd.f32 v59, v8  }
0x6ab: {  	v11 =	vadd.f32 v19, v11;
	v19 =	vand.u32 $0x3FF, v35;
	v34 =	vld.idx.msk [tilespmem:v23+s19+$0x0], $0xffff  }
0x6ac: {  	v37 =	vld.idx.msk [tilespmem:v29+s19+$0x0], $0xffff;
	v8 =	vadd.f32 v63, v8  }
0x6ad: {  	v55 =	vand.u32 $0x3FF, v9;
	v12 =	vld.idx.msk [tilespmem:v52+s19+$0x0], $0xffff;
	v11 =	vadd.f32 v13, v11  }
0x6ae: {  	v20 =	vld.idx.msk [tilespmem:v44+s19+$0x0], $0xffff;
	v39 =	vshra.s32 v57, $0x14;
	v8 =	vadd.f32 v31, v8  }
0x6af: {  	v36 =	vand.u32 $0x3FF, v7;
	v10 =	vadd.f32 v10, v11;
	v21 =	vld.idx.msk [tilespmem:v46+s19+$0x0], $0xffff  }
0x6b0: {  	v30 =	vshra.s32 v9, $0x14;
	v61 =	vshrl.u32 v9, $0xA;
	v44 =	vld.idx.msk [tilespmem:v19+s19+$0x0], $0xffff;
	v8 =	vadd.f32 v34, v8  }
0x6b1: {  	v45 =	vshrl.u32 v32, $0xA;
	v62 =	vand.u32 $0x3FF, v61;
	v10 =	vadd.f32 v14, v10;
	v42 =	vld [tilespmem:s29+$0x810]  }
0x6b2: {  	v16 =	vand.u32 $0x3FF, v45;
	v18 =	vld.idx.msk [tilespmem:v55+s19+$0x0], $0xffff;
	v8 =	vadd.f32 v37, v8  }
0x6b3: {  	v10 =	vadd.f32 v20, v10;
	v47 =	vld.idx.msk [tilespmem:v39+s19+$0x0], $0xffff  }
0x6b4: {  	v38 =	vshrl.u32 v7, $0xA;
	v48 =	vshra.s32 v32, $0x14;
	v13 =	vld.idx.msk [tilespmem:v36+s19+$0x0], $0xffff;
	v8 =	vadd.f32 v41, v8  }
0x6b5: {  	v40 =	vand.u32 $0x3FF, v38;
	v9 =	vld.idx.msk [tilespmem:v30+s19+$0x0], $0xffff;
	v10 =	vadd.f32 v21, v10  }
0x6b6: {  	v17 =	vld.idx.msk [tilespmem:v62+s19+$0x0], $0xffff;
	v52 =	vand.u32 $0x3FF, v42;
	v8 =	vadd.f32 v44, v8  }
0x6b7: {  	v54 =	vld.idx.msk [tilespmem:v16+s19+$0x0], $0xffff;
	v10 =	vadd.f32 v12, v10;
	v53 =	vshrl.u32 v42, $0xA  }
0x6b8: {  	v30 =	vld [tilespmem:s29+$0x840];
	v12 =	vand.u32 $0x3FF, v53;
	v8 =	vadd.f32 v47, v8  }
0x6b9: {  	v46 =	vshra.s32 v7, $0x14;
	v10 =	vadd.f32 v18, v10;
	v56 =	vld.idx.msk [tilespmem:v48+s19+$0x0], $0xffff  }
0x6ba: {  	v11 =	vld.idx.msk [tilespmem:v40+s19+$0x0], $0xffff;
	v57 =	vshra.s32 v42, $0x14;
	v8 =	vadd.f32 v50, v8  }
0x6bb: {  	v49 =	vand.u32 $0x3FF, v6;
	v10 =	vadd.f32 v17, v10;
	v59 =	vld.idx.msk [tilespmem:v52+s19+$0x0], $0xffff  }
0x6bc: {  	v55 =	vshrl.u32 v6, $0xA;
	v61 =	vand.u32 $0x3FF, v51;
	v60 =	vld [tilespmem:s29+$0x830];
	v8 =	vadd.f32 v54, v8  }
0x6bd: {  	v16 =	vand.u32 $0x3FF, v55;
	v62 =	vshrl.u32 v51, $0xA;
	v9 =	vadd.f32 v9, v10;
	v12 =	vld.idx.msk [tilespmem:v12+s19+$0x0], $0xffff  }
0x6be: {  	v7 =	vld.idx.msk [tilespmem:v46+s19+$0x0], $0xffff;
	v10 =	vand.u32 $0x3FF, v62;
	v8 =	vadd.f32 v56, v8  }
0x6bf: {  	v58 =	vshra.s32 v6, $0x14;
	v25 =	vld.idx.msk [tilespmem:v57+s19+$0x0], $0xffff;
	v9 =	vadd.f32 v13, v9  }
0x6c0: {  	v27 =	vshra.s32 v51, $0x14;
	v15 =	vld.idx.msk [tilespmem:v49+s19+$0x0], $0xffff;
	v8 =	vadd.f32 v59, v8  }
0x6c1: {  	v29 =	vld.idx.msk [tilespmem:v61+s19+$0x0], $0xffff;
	v9 =	vadd.f32 v11, v9  }
0x6c2: {  	v26 =	vshrl.u32 v5, $0xA;
	v63 =	vld.idx.msk [tilespmem:v16+s19+$0x0], $0xffff;
	v31 =	vand.u32 $0x3FF, v60;
	v8 =	vadd.f32 v12, v8  }
0x6c3: {  	v28 =	vand.u32 $0x3FF, v26;
	v32 =	vshrl.u32 v60, $0xA;
	v10 =	vld.idx.msk [tilespmem:v10+s19+$0x0], $0xffff;
	v7 =	vadd.f32 v7, v9  }
0x6c4: {  	v6 =	vld.idx.msk [tilespmem:v58+s19+$0x0], $0xffff;
	v9 =	vand.u32 $0x3FF, v32;
	v8 =	vadd.f32 v25, v8  }
0x6c5: {  	v35 =	vld.idx.msk [tilespmem:v27+s19+$0x0], $0xffff;
	v34 =	vshra.s32 v5, $0x14;
	v7 =	vadd.f32 v15, v7  }
0x6c6: {  	v40 =	vld [tilespmem:s29+$0x850];
	v36 =	vshra.s32 v60, $0x14;
	v8 =	vadd.f32 v29, v8  }
0x6c7: {  	v37 =	vand.u32 $0x3FF, v4;
	v7 =	vadd.f32 v63, v7;
	v38 =	vld.idx.msk [tilespmem:v31+s19+$0x0], $0xffff  }
0x6c8: {  	v39 =	vshrl.u32 v4, $0xA;
	v11 =	vld.idx.msk [tilespmem:v28+s19+$0x0], $0xffff;
	v41 =	vand.u32 $0x3FF, v30;
	v8 =	vadd.f32 v10, v8  }
0x6c9: {  	v43 =	vshrl.u32 v30, $0xA;
	v42 =	vand.u32 $0x3FF, v39;
	v9 =	vld.idx.msk [tilespmem:v9+s19+$0x0], $0xffff;
	v6 =	vadd.f32 v6, v7  }
0x6ca: {  	v5 =	vld.idx.msk [tilespmem:v34+s19+$0x0], $0xffff;
	v7 =	vand.u32 $0x3FF, v43;
	v8 =	vadd.f32 v35, v8  }
0x6cb: {  	v45 =	vld.idx.msk [tilespmem:v36+s19+$0x0], $0xffff;
	v44 =	vshra.s32 v4, $0x14;
	v6 =	vadd.f32 v33, v6  }
0x6cc: {  	v46 =	vld.idx.msk [tilespmem:v37+s19+$0x0], $0xffff;
	v47 =	vshra.s32 v30, $0x14;
	v8 =	vadd.f32 v38, v8  }
0x6cd: {  	v48 =	vand.u32 $0x3FF, v3;
	v6 =	vadd.f32 v11, v6;
	v49 =	vld.idx.msk [tilespmem:v41+s19+$0x0], $0xffff  }
0x6ce: {  	v51 =	vand.u32 $0x3FF, v40;
	v50 =	vshrl.u32 v3, $0xA;
	v10 =	vld.idx.msk [tilespmem:v42+s19+$0x0], $0xffff;
	v8 =	vadd.f32 v9, v8  }
0x6cf: {  	v53 =	vshrl.u32 v40, $0xA;
	v7 =	vld.idx.msk [tilespmem:v7+s19+$0x0], $0xffff;
	v52 =	vand.u32 $0x3FF, v50;
	v5 =	vadd.f32 v5, v6  }
0x6d0: {  	v4 =	vld.idx.msk [tilespmem:v44+s19+$0x0], $0xffff;
	v6 =	vand.u32 $0x3FF, v53;
	v8 =	vadd.f32 v45, v8  }
0x6d1: {  	v3 =	vshra.s32 v3, $0x14;
	v5 =	vadd.f32 v46, v5;
	v54 =	vld.idx.msk [tilespmem:v47+s19+$0x0], $0xffff  }
0x6d2: {  	v55 =	vld.idx.msk [tilespmem:v48+s19+$0x0], $0xffff;
	v56 =	vshra.s32 v40, $0x14;
	v8 =	vadd.f32 v49, v8  }
0x6d3: {  	v57 =	vld.idx.msk [tilespmem:v51+s19+$0x0], $0xffff;
	v5 =	vadd.f32 v10, v5  }
0x6d4: {  	v9 =	vld.idx.msk [tilespmem:v52+s19+$0x0], $0xffff;
	v7 =	vadd.f32 v7, v8  }
0x6d5: {  	v58 =	vld.idx.msk [tilespmem:v6+s19+$0x0], $0xffff;
	v4 =	vadd.f32 v4, v5  }
0x6d6: {  	v3 =	vld.idx.msk [tilespmem:v3+s19+$0x0], $0xffff;
	v59 =	vadd.f32 v54, v7  }
0x6d7: {  	v60 =	vld.idx.msk [tilespmem:v56+s19+$0x0], $0xffff;
	v4 =	vadd.f32 v55, v4  }
0x6d8: {  	v6 =	vadd.f32 v57, v59  }
0x6d9: {  	v4 =	vadd.f32 v9, v4  }
0x6da: {  	v5 =	vadd.f32 v58, v6  }
0x6db: {  	v3 =	vadd.f32 v3, v4  }
0x6dc: {  	v61 =	vadd.f32 v60, v5  }
0x6dd: {  	(xrf2) =	vadd.scan.msk.f32 $0xffff, v3  }
0x6de: {  	(xrf2) =	vadd.scan.msk.f32 $0xffff, v61;
	_ =	sdelay $0x8  }
0x6df: {  	v3, _, _ =	vpop (xrf2)  }
0x6e0: {  	(v2sf) =	vpush v3, $0xF;
	v3, _, _ =	vpop (xrf2)  }
0x6e1: {  	(v2sf) =	vpush v3, $0xF;
	_ =	sdelay $0xd  }
0x6e2: {  	v3 =	vld [tilespmem:$0x3490];
	s30 =	spop (v2sf)  }
0x6e3: {  	v62 =	vmov s25;
	s29 =	smul.f32 $1.464843810e-04, s30;
	s31 =	spop (v2sf)  }
0x6e4: {  	v2 =	vsel vm0, s28, v2;
	vm14 =	veq.s32 v62, v0;
	v63 =	vmov s26;
	s25 =	smul.f32 $1.464843810e-04, s31  }
0x6e5: {  	vm15 =	veq.s32 v63, v0;
	v2 =	vsel vm14, s29, v2  }
0x6e6: {  	v2 =	vsel vm15, s25, v2  }
0x6e7: {  	s24 =	sadd.s32 $0x1, s24;
	v2 =	vadd.f32 v3, v2  }
0x6e8: {  	p0 =	sne.s32 s24, s10  }
.Ltmp5:
0x6e9: {  	[tilespmem:$0x3510] =	vst v2;
	(pc) =	sbr.rel @p0 .LBB2_1-.Ltmp5, $4  }
0x6ea: {  	[hbm4b:s9+s2] =	stream.linear.scatter [tilespmem:s23], [sflag:$0x6], $0x20, $0x38;
	[tilespmem:$0x3580] =	vst v63  }
0x6eb: {  	_ =	swait.ge [sflag:s11], $0x20  }
0x6ec: {  	[sflag:s11] =	ssyncset.done $0x0  }
0x6ed: {  	[sflag:s11] =	ssyncadd.s32 $0xFFFFFFE0  }
0x6ee: {  	_ =	sfence.sel $0x180000  }
0x6ef: {  	[bflag:$0x0] =	sbarrier.arrive $0xFFFF  }
0x6f0: {  	p0 =	sne.s32 s1, $0x0;
	_ =	strace $0x90000047  }
0x6f1: {  	s0 =	sadd.s32 @!p0 $0x100000, s0;
	[bflag:$0x2] =	sbarrier.arrive $0xFFFF  }
0x6f2: {  	[sflag:s0] =	ssyncadd.tile.s32 @!p0 $0x1;
	_ =	shalt  }
.Lfunc_end2:
_tile_overlayer_lowered:
.L_overlay_start_2:
0x6f3: {  	(tag) =	ssettag $0x2  }
0x6f4: {  	s0 =	rddreg [dreg:$0x0];
	s2 =	stileid.u32  }
0x6f5: {  	s1 =	rddreg [dreg:$0x1];
	p0 =	sne.s32 s2, $0x0  }
0x6f6: {  	s3 =	rddreg [dreg:$0x2];
	[bflag:$0x3] =	sbarrier.arrive $0xFFFF;
	s2 =	simm.s32 @!p0 $0x1C06  }
0x6f7: {  	[timem:s3], [sflag:s2] =	dma.local @!p0 [hbm:s0], s1  }
0x6f8: {  	s0 =	simm.s32 @!p0 $0x6  }
0x6f9: {  	_ =	swait.ge @!p0 [sflag:s0], s1  }
0x6fa: {  	s1 =	ssub.s32 @!p0 $0x0, s1;
	[sflag:s0] =	ssyncset.done @!p0 $0x0  }
0x6fb: {  	[sflag:s0] =	ssyncadd.s32 @!p0 s1  }
0x6fc: {  	[bflag:$0x3] =	sbarrier.arrive $0xFFFF  }
0x6fd: {  	_ =	shalt  }

</sc_bundles>
